<compile_context>
chip_gen: v7x
topology: tpu7x:2x2x1
jax: 0.10.2.dev20260603
libtpu: 0.0.44.dev20260713+nightly
codegen_flags: <defaults>
</compile_context>

<pallas_src>
import functools

import jax
import jax.numpy as jnp
from jax import lax
from jax.experimental import pallas as pl
from jax.experimental.pallas import tpu as pltpu
from jax.experimental.pallas import tpu_sc as plsc

N = 10000
E = 320000
D = 128
H = 128
G = 64
OUT = 12
NUM_LAYERS = 3

NC = 2
NS = 16
EDGES_PER_CORE = E // NC
EDGES_PER_TILE = EDGES_PER_CORE // NS
CH = 104
NCHUNK = 96
TAIL = EDGES_PER_TILE - NCHUNK * CH
ROWS_PER_TILE = 632

BN = 1000
NB = N // BN


_sc_mesh = plsc.VectorSubcoreMesh(core_axis_name="c", subcore_axis_name="s")


NROT = 3
NITER = NCHUNK // (2 * NROT)


@functools.partial(
    pl.kernel,
    mesh=_sc_mesh,
    out_type=(
        jax.ShapeDtypeStruct((N, D), jnp.float32),
        jax.ShapeDtypeStruct((N, D), jnp.float32),
    ),
    scratch_types=[
        [pltpu.VMEM((CH, D), jnp.float32) for _ in range(NROT)],
        [[pltpu.VMEM((CH,), jnp.int32) for _ in range(NROT)] for _ in range(2)],
        [[pltpu.VMEM((CH,), jnp.int32) for _ in range(NROT)] for _ in range(2)],
        pltpu.VMEM((TAIL,), jnp.int32),
        pltpu.VMEM((TAIL,), jnp.int32),
        pltpu.VMEM_SHARED((N, D), jnp.float32),
        [pltpu.SemaphoreType.DMA for _ in range(NROT)],
        [pltpu.SemaphoreType.DMA for _ in range(NROT)],
        [[pltpu.SemaphoreType.DMA for _ in range(NROT)] for _ in range(2)],
    ],
)
def _sc_agg(h_hbm, src_hbm, dst_hbm, zeros_hbm, out0, out1, rows, si, di,
            st_v, dt_v, acc_sh, sg, ss, sidx):
    c = lax.axis_index("c")
    s = lax.axis_index("s")

    base = c * EDGES_PER_CORE + s * EDGES_PER_TILE

    def load_idx(p, b, off):
        pltpu.async_copy(src_hbm.at[pl.ds(off, CH)], si[p][b], sidx[p][b])
        pltpu.async_copy(dst_hbm.at[pl.ds(off, CH)], di[p][b], sidx[p][b])

    def wait_idx(p, b, off):
        pltpu.make_async_copy(src_hbm.at[pl.ds(off, CH)], si[p][b],
                              sidx[p][b]).wait()
        pltpu.make_async_copy(dst_hbm.at[pl.ds(off, CH)], di[p][b],
                              sidx[p][b]).wait()

    def wait_scatter(p, b):
        pltpu.make_async_copy(rows[b], acc_sh.at[di[p][b]], ss[b]).wait()

    for b in range(NROT):
        load_idx(0, b, base + b * CH)

    r0 = jnp.minimum(s * ROWS_PER_TILE, N - ROWS_PER_TILE)
    pltpu.sync_copy(zeros_hbm.at[pl.ds(r0, ROWS_PER_TILE)],
                    acc_sh.at[pl.ds(r0, ROWS_PER_TILE)])
    plsc.subcore_barrier()

    def body(k, _):
        for p in range(2):
            rot = 2 * k + p
            rbase = base + rot * (NROT * CH)
            gs = []
            for b in range(NROT):
                if p == 0:
                    @pl.when(k > 0)
                    def _(b=b):
                        wait_scatter(1, b)
                else:
                    wait_scatter(0, b)
                wait_idx(p, b, rbase + b * CH)
                gs.append(pltpu.async_copy(h_hbm.at[si[p][b]], rows[b],
                                           sg[b]))
            if p == 0:
                for b in range(NROT):
                    load_idx(1, b, rbase + (NROT + b) * CH)
            else:
                @pl.when(k < NITER - 1)
                def _():
                    for b in range(NROT):
                        load_idx(0, b, rbase + (NROT + b) * CH)
            for b in range(NROT):
                gs[b].wait()
                pltpu.async_copy(rows[b], acc_sh.at[di[p][b]], ss[b],
                                 add=True)
        return 0

    lax.fori_loop(0, NITER, body, 0)
    for b in range(NROT):
        wait_scatter(1, b)

    ot = base + NCHUNK * CH
    pltpu.sync_copy(src_hbm.at[pl.ds(ot, TAIL)], st_v)
    pltpu.sync_copy(dst_hbm.at[pl.ds(ot, TAIL)], dt_v)
    pltpu.async_copy(h_hbm.at[st_v], rows[0].at[pl.ds(0, TAIL)], sg[0]).wait()
    pltpu.sync_copy(rows[0].at[pl.ds(0, TAIL)], acc_sh.at[dt_v], add=True)
    plsc.subcore_barrier()

    @pl.when(c == 0)
    def _():
        pltpu.sync_copy(acc_sh.at[pl.ds(r0, ROWS_PER_TILE)],
                        out0.at[pl.ds(r0, ROWS_PER_TILE)])

    @pl.when(c == 1)
    def _():
        pltpu.sync_copy(acc_sh.at[pl.ds(r0, ROWS_PER_TILE)],
                        out1.at[pl.ds(r0, ROWS_PER_TILE)])


def _gin_layer_body(h_ref, a0_ref, a1_ref, w1_ref, b1_ref, w2_ref, b2_ref,
                    g_ref, be_ref, h_out_ref, z_ref, st_ref):
    ph = pl.program_id(0)
    j = pl.program_id(1)

    @pl.when(ph == 0)
    def _():
        h2 = h_ref[...] + a0_ref[...] + a1_ref[...]
        t = jnp.dot(h2, w1_ref[...], preferred_element_type=jnp.float32)
        t = jnp.maximum(t + b1_ref[...], 0.0)
        z = jnp.dot(t, w2_ref[...], preferred_element_type=jnp.float32)
        z = z + b2_ref[...]
        z_ref[pl.ds(j * BN, BN), :] = z
        st = jnp.concatenate(
            [jnp.sum(z, axis=0, keepdims=True),
             jnp.sum(z * z, axis=0, keepdims=True)], axis=0)

        @pl.when(j == 0)
        def _():
            st_ref[...] = st

        @pl.when(j > 0)
        def _():
            st_ref[...] = st_ref[...] + st

    @pl.when(ph == 1)
    def _():
        mean = st_ref[0:1] * (1.0 / N)
        var = st_ref[1:2] * (1.0 / N) - mean * mean
        inv = lax.rsqrt(var + 1e-5)
        z = z_ref[pl.ds(j * BN, BN), :]
        h_out_ref[...] = jnp.maximum(
            (z - mean) * (inv * g_ref[...]) + be_ref[...], 0.0)


_gin_layer = pl.pallas_call(
    _gin_layer_body,
    grid=(2, NB),
    in_specs=[
        pl.BlockSpec((BN, D), lambda ph, j: (j * (1 - ph), 0)),
        pl.BlockSpec((BN, D), lambda ph, j: (j * (1 - ph), 0)),
        pl.BlockSpec((BN, D), lambda ph, j: (j * (1 - ph), 0)),
        pl.BlockSpec((D, H), lambda ph, j: (0, 0)),
        pl.BlockSpec((1, H), lambda ph, j: (0, 0)),
        pl.BlockSpec((H, H), lambda ph, j: (0, 0)),
        pl.BlockSpec((1, H), lambda ph, j: (0, 0)),
        pl.BlockSpec((1, H), lambda ph, j: (0, 0)),
        pl.BlockSpec((1, H), lambda ph, j: (0, 0)),
    ],
    out_specs=pl.BlockSpec((BN, H), lambda ph, j: (j, 0)),
    out_shape=jax.ShapeDtypeStruct((N, H), jnp.float32),
    scratch_shapes=[
        pltpu.VMEM((N, H), jnp.float32),
        pltpu.VMEM((2, H), jnp.float32),
    ],
)


def _final_layer_body(h_ref, a0_ref, a1_ref, w1_ref, b1_ref, w2_ref, b2_ref,
                      g_ref, be_ref, b_ref, hw1_ref, hb1_ref, hw2_ref,
                      hb2_ref, o_ref, z_ref, st_ref, acc_ref):
    ph = pl.program_id(0)
    j = pl.program_id(1)

    @pl.when(ph == 0)
    def _():
        h2 = h_ref[...] + a0_ref[...] + a1_ref[...]
        t = jnp.dot(h2, w1_ref[...], preferred_element_type=jnp.float32)
        t = jnp.maximum(t + b1_ref[...], 0.0)
        z = jnp.dot(t, w2_ref[...], preferred_element_type=jnp.float32)
        z = z + b2_ref[...]
        z_ref[pl.ds(j * BN, BN), :] = z
        st = jnp.concatenate(
            [jnp.sum(z, axis=0, keepdims=True),
             jnp.sum(z * z, axis=0, keepdims=True)], axis=0)

        @pl.when(j == 0)
        def _():
            st_ref[...] = st

        @pl.when(j > 0)
        def _():
            st_ref[...] = st_ref[...] + st

    @pl.when(ph == 1)
    def _():
        mean = st_ref[0:1] * (1.0 / N)
        var = st_ref[1:2] * (1.0 / N) - mean * mean
        inv = lax.rsqrt(var + 1e-5)
        z = z_ref[pl.ds(j * BN, BN), :]
        h = jnp.maximum((z - mean) * (inv * g_ref[...]) + be_ref[...], 0.0)
        bvals = jnp.broadcast_to(b_ref[0], (G, BN))
        oh = (bvals == lax.broadcasted_iota(jnp.int32, (G, BN), 0)
              ).astype(jnp.float32)
        part = jnp.dot(oh, h, preferred_element_type=jnp.float32)

        @pl.when(j == 0)
        def _():
            acc_ref[...] = part

        @pl.when(j > 0)
        def _():
            acc_ref[...] = acc_ref[...] + part

        @pl.when(j == NB - 1)
        def _():
            gpool = acc_ref[...]
            a = jnp.dot(gpool, hw1_ref[...],
                        preferred_element_type=jnp.float32)
            a = jnp.maximum(a + hb1_ref[...], 0.0)
            o = jnp.dot(a, hw2_ref[...], preferred_element_type=jnp.float32)
            o_ref[...] = jax.nn.sigmoid(o + hb2_ref[...])


_final_layer = pl.pallas_call(
    _final_layer_body,
    grid=(2, NB),
    in_specs=[
        pl.BlockSpec((BN, D), lambda ph, j: (j * (1 - ph), 0)),
        pl.BlockSpec((BN, D), lambda ph, j: (j * (1 - ph), 0)),
        pl.BlockSpec((BN, D), lambda ph, j: (j * (1 - ph), 0)),
        pl.BlockSpec((D, H), lambda ph, j: (0, 0)),
        pl.BlockSpec((1, H), lambda ph, j: (0, 0)),
        pl.BlockSpec((H, H), lambda ph, j: (0, 0)),
        pl.BlockSpec((1, H), lambda ph, j: (0, 0)),
        pl.BlockSpec((1, H), lambda ph, j: (0, 0)),
        pl.BlockSpec((1, H), lambda ph, j: (0, 0)),
        pl.BlockSpec((1, 1, BN), lambda ph, j: (j * ph, 0, 0)),
        pl.BlockSpec((H, H), lambda ph, j: (0, 0)),
        pl.BlockSpec((1, H), lambda ph, j: (0, 0)),
        pl.BlockSpec((H, H), lambda ph, j: (0, 0)),
        pl.BlockSpec((1, H), lambda ph, j: (0, 0)),
    ],
    out_specs=pl.BlockSpec((G, H), lambda ph, j: (0, 0)),
    out_shape=jax.ShapeDtypeStruct((G, H), jnp.float32),
    scratch_shapes=[
        pltpu.VMEM((N, H), jnp.float32),
        pltpu.VMEM((2, H), jnp.float32),
        pltpu.VMEM((G, H), jnp.float32),
    ],
)


def kernel(x, params, edge_index, batch):
    src = edge_index[0]
    dst = edge_index[1]
    zeros = jnp.zeros((N, D), jnp.float32)
    batch3 = batch.reshape(NB, 1, BN)

    hw1p = jnp.zeros((H, H), jnp.float32).at[:, :H // 2].set(params["hw1"])
    hb1p = jnp.zeros((1, H), jnp.float32).at[0, :H // 2].set(params["hb1"])
    hw2p = jnp.zeros((H, H), jnp.float32).at[:H // 2, :OUT].set(params["hw2"])
    hb2p = jnp.zeros((1, H), jnp.float32).at[0, :OUT].set(params["hb2"])

    h = x
    for i in range(NUM_LAYERS - 1):
        a0, a1 = _sc_agg(h, src, dst, zeros)
        h = _gin_layer(h, a0, a1,
                       params[f"w1_{i}"], params[f"b1_{i}"].reshape(1, H),
                       params[f"w2_{i}"], params[f"b2_{i}"].reshape(1, H),
                       params[f"gamma_{i}"].reshape(1, H),
                       params[f"beta_{i}"].reshape(1, H))

    i = NUM_LAYERS - 1
    a0, a1 = _sc_agg(h, src, dst, zeros)
    out = _final_layer(h, a0, a1,
                       params[f"w1_{i}"], params[f"b1_{i}"].reshape(1, H),
                       params[f"w2_{i}"], params[f"b2_{i}"].reshape(1, H),
                       params[f"gamma_{i}"].reshape(1, H),
                       params[f"beta_{i}"].reshape(1, H),
                       batch3, hw1p, hb1p, hw2p, hb2p)
    return out[:, :OUT]

# --- scband reference (transcript-rebuilt; emitter-appended) ---
"""Pipeline reference for scband-ginmodel-91053306675270 (READ-ONLY COPY).

The authoritative reference and input builder live on the scoring server;
editing this copy changes nothing except your own understanding.
"""

import jax, jax.numpy as jnp
import numpy as np

N = 10000
E = 320000
D = 128
H = 128
G = 64
OUT = 12
NUM_LAYERS = 3


def setup_inputs(seed: int = 0) -> dict:
    key = jax.random.key(seed)
    ks = jax.random.split(key, 32)
    x = jax.random.normal(ks[0], (N, D), dtype=jnp.float32)
    edge_index = jax.random.randint(ks[1], (2, E), 0, N, dtype=jnp.int32)
    batch = jnp.sort(jax.random.randint(ks[2], (N,), 0, G, dtype=jnp.int32))
    params = {}
    kidx = 3
    for i in range(NUM_LAYERS):
        din = D if i == 0 else H
        params[f"w1_{i}"] = jax.random.normal(ks[kidx], (din, H), dtype=jnp.float32) * (1.0 / np.sqrt(din)); kidx += 1
        params[f"b1_{i}"] = jnp.zeros((H,), dtype=jnp.float32)
        params[f"w2_{i}"] = jax.random.normal(ks[kidx], (H, H), dtype=jnp.float32) * (1.0 / np.sqrt(H)); kidx += 1
        params[f"b2_{i}"] = jnp.zeros((H,), dtype=jnp.float32)
        params[f"gamma_{i}"] = jnp.ones((H,), dtype=jnp.float32)
        params[f"beta_{i}"] = jnp.zeros((H,), dtype=jnp.float32)
    params["hw1"] = jax.random.normal(ks[kidx], (H, H // 2), dtype=jnp.float32) * (1.0 / np.sqrt(H)); kidx += 1
    params["hb1"] = jnp.zeros((H // 2,), dtype=jnp.float32)
    params["hw2"] = jax.random.normal(ks[kidx], (H // 2, OUT), dtype=jnp.float32) * (1.0 / np.sqrt(H // 2)); kidx += 1
    params["hb2"] = jnp.zeros((OUT,), dtype=jnp.float32)
    return {"x": x, "params": params, "edge_index": edge_index, "batch": batch}


def reference(x, params, edge_index, batch):
    # GINConv with eps=0 (default, train_eps=False): h' = MLP((1+eps)*h + sum_{j->i} h_j)
    src = edge_index[0]
    dst = edge_index[1]
    h = x
    for i in range(NUM_LAYERS):
        agg = jax.ops.segment_sum(h[src], dst, num_segments=N)
        h2 = h + agg
        h2 = h2 @ params[f"w1_{i}"] + params[f"b1_{i}"]
        h2 = jax.nn.relu(h2)
        h2 = h2 @ params[f"w2_{i}"] + params[f"b2_{i}"]
        # BatchNorm1d (training-mode batch statistics); dropout omitted (deterministic/eval)
        mean = jnp.mean(h2, axis=0)
        var = jnp.var(h2, axis=0)
        h2 = (h2 - mean) / jnp.sqrt(var + 1e-5) * params[f"gamma_{i}"] + params[f"beta_{i}"]
        h = jax.nn.relu(h2)
    g = jax.ops.segment_sum(h, batch, num_segments=G)
    out = jax.nn.relu(g @ params["hw1"] + params["hb1"]) @ params["hw2"] + params["hb2"]
    return jax.nn.sigmoid(out)

if __name__ == "__main__":
    import jax
    _d = setup_inputs()
    print(jax.jit(kernel)(*tuple(_d.values())))

</pallas_src>

<mosaic_0001>
#map = affine_map<(d0, d1) -> (0, 0)>
#map1 = affine_map<(d0, d1) -> (0)>
module attributes {stable_mosaic.version = 14 : i64} {
  func.func @_sc_agg(%arg0: i32, %arg1: i32, %arg2: memref<10000x128xf32, #tpu.memory_space<hbm>>, %arg3: memref<320000xi32, #tpu.memory_space<hbm>>, %arg4: memref<320000xi32, #tpu.memory_space<hbm>>, %arg5: memref<10000x128xf32, #tpu.memory_space<hbm>>, %arg6: memref<10000x128xf32, #tpu.memory_space<hbm>>, %arg7: memref<10000x128xf32, #tpu.memory_space<hbm>>, %arg8: memref<104x128xf32, #tpu.memory_space<vmem>>, %arg9: memref<104x128xf32, #tpu.memory_space<vmem>>, %arg10: memref<104x128xf32, #tpu.memory_space<vmem>>, %arg11: memref<104xi32, #tpu.memory_space<vmem>>, %arg12: memref<104xi32, #tpu.memory_space<vmem>>, %arg13: memref<104xi32, #tpu.memory_space<vmem>>, %arg14: memref<104xi32, #tpu.memory_space<vmem>>, %arg15: memref<104xi32, #tpu.memory_space<vmem>>, %arg16: memref<104xi32, #tpu.memory_space<vmem>>, %arg17: memref<104xi32, #tpu.memory_space<vmem>>, %arg18: memref<104xi32, #tpu.memory_space<vmem>>, %arg19: memref<104xi32, #tpu.memory_space<vmem>>, %arg20: memref<104xi32, #tpu.memory_space<vmem>>, %arg21: memref<104xi32, #tpu.memory_space<vmem>>, %arg22: memref<104xi32, #tpu.memory_space<vmem>>, %arg23: memref<16xi32, #tpu.memory_space<vmem>>, %arg24: memref<16xi32, #tpu.memory_space<vmem>>, %arg25: memref<10000x128xf32, #tpu.memory_space<vmem_shared>>, %arg26: memref<!tpu.dma_semaphore, #tpu.memory_space<semaphore_mem>>, %arg27: memref<!tpu.dma_semaphore, #tpu.memory_space<semaphore_mem>>, %arg28: memref<!tpu.dma_semaphore, #tpu.memory_space<semaphore_mem>>, %arg29: memref<!tpu.dma_semaphore, #tpu.memory_space<semaphore_mem>>, %arg30: memref<!tpu.dma_semaphore, #tpu.memory_space<semaphore_mem>>, %arg31: memref<!tpu.dma_semaphore, #tpu.memory_space<semaphore_mem>>, %arg32: memref<!tpu.dma_semaphore, #tpu.memory_space<semaphore_mem>>, %arg33: memref<!tpu.dma_semaphore, #tpu.memory_space<semaphore_mem>>, %arg34: memref<!tpu.dma_semaphore, #tpu.memory_space<semaphore_mem>>, %arg35: memref<!tpu.dma_semaphore, #tpu.memory_space<semaphore_mem>>, %arg36: memref<!tpu.dma_semaphore, #tpu.memory_space<semaphore_mem>>, %arg37: memref<!tpu.dma_semaphore, #tpu.memory_space<semaphore_mem>>) attributes {dimension_semantics = [#tpu.dimension_semantics<core_parallel>, #tpu.dimension_semantics<subcore_parallel>], iteration_bounds = array<i64: 2, 16>, scalar_prefetch = 0 : i64, scratch_operands = 30 : i64, tpu.core_type = #tpu.core_type<sc_vector_subcore>, window_params = [{transform_indices = #map}, {transform_indices = #map1}, {transform_indices = #map1}, {transform_indices = #map}, {transform_indices = #map}, {transform_indices = #map}]} {
    %mul3A = arith.constant 160000 : i32
    %mul3A_0 = arith.muli %arg0, %mul3A : i32
    %mul3A_1 = arith.constant 10000 : i32
    %mul3A_2 = arith.muli %arg1, %mul3A_1 : i32
    %add3A = arith.addi %mul3A_0, %mul3A_2 : i32
    %add3A_3 = arith.constant 0 : i32
    %add3A_4 = arith.addi %add3A, %add3A_3 : i32
    %dma_start3A = tpu.memref_slice %arg3[%add3A_4] : memref<320000xi32, #tpu.memory_space<hbm>> -> memref<104xi32, #tpu.memory_space<hbm>>
    %dma_start3A_5 = tpu.memref_slice %arg3[%add3A_4] : memref<320000xi32, #tpu.memory_space<hbm>> -> memref<104xi32, #tpu.memory_space<hbm>>
    tpu.enqueue_dma source(%dma_start3A_5 : memref<104xi32, #tpu.memory_space<hbm>>) target(%arg11 : memref<104xi32, #tpu.memory_space<vmem>>) target_semaphore(%arg32 : memref<!tpu.dma_semaphore, #tpu.memory_space<semaphore_mem>>)
    %dma_start3A_6 = tpu.memref_slice %arg4[%add3A_4] : memref<320000xi32, #tpu.memory_space<hbm>> -> memref<104xi32, #tpu.memory_space<hbm>>
    %dma_start3A_7 = tpu.memref_slice %arg4[%add3A_4] : memref<320000xi32, #tpu.memory_space<hbm>> -> memref<104xi32, #tpu.memory_space<hbm>>
    tpu.enqueue_dma source(%dma_start3A_7 : memref<104xi32, #tpu.memory_space<hbm>>) target(%arg17 : memref<104xi32, #tpu.memory_space<vmem>>) target_semaphore(%arg32 : memref<!tpu.dma_semaphore, #tpu.memory_space<semaphore_mem>>)
    %add3A_8 = arith.constant 104 : i32
    %add3A_9 = arith.addi %add3A, %add3A_8 : i32
    %dma_start3A_10 = tpu.memref_slice %arg3[%add3A_9] : memref<320000xi32, #tpu.memory_space<hbm>> -> memref<104xi32, #tpu.memory_space<hbm>>
    %dma_start3A_11 = tpu.memref_slice %arg3[%add3A_9] : memref<320000xi32, #tpu.memory_space<hbm>> -> memref<104xi32, #tpu.memory_space<hbm>>
    tpu.enqueue_dma source(%dma_start3A_11 : memref<104xi32, #tpu.memory_space<hbm>>) target(%arg12 : memref<104xi32, #tpu.memory_space<vmem>>) target_semaphore(%arg33 : memref<!tpu.dma_semaphore, #tpu.memory_space<semaphore_mem>>)
    %dma_start3A_12 = tpu.memref_slice %arg4[%add3A_9] : memref<320000xi32, #tpu.memory_space<hbm>> -> memref<104xi32, #tpu.memory_space<hbm>>
    %dma_start3A_13 = tpu.memref_slice %arg4[%add3A_9] : memref<320000xi32, #tpu.memory_space<hbm>> -> memref<104xi32, #tpu.memory_space<hbm>>
    tpu.enqueue_dma source(%dma_start3A_13 : memref<104xi32, #tpu.memory_space<hbm>>) target(%arg18 : memref<104xi32, #tpu.memory_space<vmem>>) target_semaphore(%arg33 : memref<!tpu.dma_semaphore, #tpu.memory_space<semaphore_mem>>)
    %add3A_14 = arith.constant 208 : i32
    %add3A_15 = arith.addi %add3A, %add3A_14 : i32
    %dma_start3A_16 = tpu.memref_slice %arg3[%add3A_15] : memref<320000xi32, #tpu.memory_space<hbm>> -> memref<104xi32, #tpu.memory_space<hbm>>
    %dma_start3A_17 = tpu.memref_slice %arg3[%add3A_15] : memref<320000xi32, #tpu.memory_space<hbm>> -> memref<104xi32, #tpu.memory_space<hbm>>
    tpu.enqueue_dma source(%dma_start3A_17 : memref<104xi32, #tpu.memory_space<hbm>>) target(%arg13 : memref<104xi32, #tpu.memory_space<vmem>>) target_semaphore(%arg34 : memref<!tpu.dma_semaphore, #tpu.memory_space<semaphore_mem>>)
    %dma_start3A_18 = tpu.memref_slice %arg4[%add3A_15] : memref<320000xi32, #tpu.memory_space<hbm>> -> memref<104xi32, #tpu.memory_space<hbm>>
    %dma_start3A_19 = tpu.memref_slice %arg4[%add3A_15] : memref<320000xi32, #tpu.memory_space<hbm>> -> memref<104xi32, #tpu.memory_space<hbm>>
    tpu.enqueue_dma source(%dma_start3A_19 : memref<104xi32, #tpu.memory_space<hbm>>) target(%arg19 : memref<104xi32, #tpu.memory_space<vmem>>) target_semaphore(%arg34 : memref<!tpu.dma_semaphore, #tpu.memory_space<semaphore_mem>>)
    %mul3A_20 = arith.constant 632 : i32
    %mul3A_21 = arith.muli %arg1, %mul3A_20 : i32
    %min3A = arith.constant 9368 : i32
    %min3A_22 = arith.minsi %mul3A_21, %min3A : i32
    "tpu.region"() ({
      %run_scoped3A = tpu.sem_alloc : memref<!tpu.dma_semaphore, #tpu.memory_space<semaphore_mem>>
      %dma_start3A_59 = arith.constant 0 : i32
      %dma_start3A_60 = tpu.memref_slice %arg25[%min3A_22, %dma_start3A_59] : memref<10000x128xf32, #tpu.memory_space<vmem_shared>> -> memref<632x128xf32, #tpu.memory_space<vmem_shared>>
      %dma_start3A_61 = arith.constant 0 : i32
      %dma_start3A_62 = tpu.memref_slice %arg5[%min3A_22, %dma_start3A_61] : memref<10000x128xf32, #tpu.memory_space<hbm>> -> memref<632x128xf32, #tpu.memory_space<hbm>>
      tpu.enqueue_dma source(%dma_start3A_62 : memref<632x128xf32, #tpu.memory_space<hbm>>) target(%dma_start3A_60 : memref<632x128xf32, #tpu.memory_space<vmem_shared>>) target_semaphore(%run_scoped3A : memref<!tpu.dma_semaphore, #tpu.memory_space<semaphore_mem>>)
      %dma_wait3A_63 = arith.constant 0 : i32
      %dma_wait3A_64 = tpu.memref_slice %arg25[%min3A_22, %dma_wait3A_63] : memref<10000x128xf32, #tpu.memory_space<vmem_shared>> -> memref<632x128xf32, #tpu.memory_space<vmem_shared>>
      %dma_wait3A_65 = arith.constant 0 : i32
      %dma_wait3A_66 = tpu.memref_slice %arg5[%min3A_22, %dma_wait3A_65] : memref<10000x128xf32, #tpu.memory_space<hbm>> -> memref<632x128xf32, #tpu.memory_space<hbm>>
      tpu.wait_dma2 semaphore(%run_scoped3A : memref<!tpu.dma_semaphore, #tpu.memory_space<semaphore_mem>>) src(%dma_wait3A_66 : memref<632x128xf32, #tpu.memory_space<hbm>>) dst(%dma_wait3A_64 : memref<632x128xf32, #tpu.memory_space<vmem_shared>>)
      tpu.yield
    }) : () -> ()
    %barrier3A = arith.constant 0 : index
    tpu.barrier barrier_id(%barrier3A)
    %scan3A = arith.constant 0 : i32
    %scan3A_23 = arith.constant 0 : i32
    %scan3A_24 = arith.constant 16 : i32
    %scan3A_25 = arith.addi %scan3A_23, %scan3A_24 : i32
    %scan3A_26 = arith.constant 1 : i32
    %scan3A_27 = scf.for %scan3A_59 = %scan3A_23 to %scan3A_25 step %scan3A_26 iter_args(%scan3A_60 = %scan3A) -> (i32)  : i32 {
      %mul3A_61 = arith.constant 2 : i32
      %mul3A_62 = arith.muli %mul3A_61, %scan3A_59 : i32
      %add3A_63 = arith.constant 0 : i32
      %add3A_64 = arith.addi %mul3A_62, %add3A_63 : i32
      %mul3A_65 = arith.constant 312 : i32
      %mul3A_66 = arith.muli %add3A_64, %mul3A_65 : i32
      %add3A_67 = arith.addi %add3A, %mul3A_66 : i32
      %gt3A = arith.constant 0 : i32
      %gt3A_68 = arith.cmpi sgt, %scan3A_59, %gt3A : i32
      %convert_element_type3A_69 = arith.extui %gt3A_68 : i1 to i32
      %cond3A_70 = arith.constant 0 : i32
      %cond3A_71 = arith.cmpi ne, %convert_element_type3A_69, %cond3A_70 : i32
      scf.if %cond3A_71 {
        %dma_wait3A_211 = arith.constant 0 : i32
        %dma_wait3A_212 = arith.constant 0 : i32
        %dma_wait3A_213 = tpu.memref_slice %arg25[%dma_wait3A_211, %dma_wait3A_212] : memref<10000x128xf32, #tpu.memory_space<vmem_shared>> -> memref<10000x128xf32, #tpu.memory_space<vmem_shared>>
        tpu.wait_indirect_dma semaphore(%arg29 : memref<!tpu.dma_semaphore, #tpu.memory_space<semaphore_mem>>) src(%arg8 : memref<104x128xf32, #tpu.memory_space<vmem>>) dst(%dma_wait3A_213 : memref<10000x128xf32, #tpu.memory_space<vmem_shared>>)
      } else {
      }
      %add3A_72 = arith.constant 0 : i32
      %add3A_73 = arith.addi %add3A_67, %add3A_72 : i32
      %dma_wait3A_74 = tpu.memref_slice %arg3[%add3A_73] : memref<320000xi32, #tpu.memory_space<hbm>> -> memref<104xi32, #tpu.memory_space<hbm>>
      %dma_wait3A_75 = tpu.memref_slice %arg3[%add3A_73] : memref<320000xi32, #tpu.memory_space<hbm>> -> memref<104xi32, #tpu.memory_space<hbm>>
      tpu.wait_dma2 semaphore(%arg32 : memref<!tpu.dma_semaphore, #tpu.memory_space<semaphore_mem>>) src(%dma_wait3A_75 : memref<104xi32, #tpu.memory_space<hbm>>) dst(%arg11 : memref<104xi32, #tpu.memory_space<vmem>>)
      %dma_wait3A_76 = tpu.memref_slice %arg4[%add3A_73] : memref<320000xi32, #tpu.memory_space<hbm>> -> memref<104xi32, #tpu.memory_space<hbm>>
      %dma_wait3A_77 = tpu.memref_slice %arg4[%add3A_73] : memref<320000xi32, #tpu.memory_space<hbm>> -> memref<104xi32, #tpu.memory_space<hbm>>
      tpu.wait_dma2 semaphore(%arg32 : memref<!tpu.dma_semaphore, #tpu.memory_space<semaphore_mem>>) src(%dma_wait3A_77 : memref<104xi32, #tpu.memory_space<hbm>>) dst(%arg17 : memref<104xi32, #tpu.memory_space<vmem>>)
      %dma_start3A_78 = arith.constant 0 : i32
      %dma_start3A_79 = arith.constant 0 : i32
      %dma_start3A_80 = tpu.memref_slice %arg2[%dma_start3A_78, %dma_start3A_79] : memref<10000x128xf32, #tpu.memory_space<hbm>> -> memref<10000x128xf32, #tpu.memory_space<hbm>>
      tpu.enqueue_indirect_dma source(%dma_start3A_80 : memref<10000x128xf32, #tpu.memory_space<hbm>>) target(%arg8 : memref<104x128xf32, #tpu.memory_space<vmem>>) offsets(%arg11 : memref<104xi32, #tpu.memory_space<vmem>>) semaphore(%arg26 : memref<!tpu.dma_semaphore, #tpu.memory_space<semaphore_mem>>)
      %gt3A_81 = arith.constant 0 : i32
      %gt3A_82 = arith.cmpi sgt, %scan3A_59, %gt3A_81 : i32
      %convert_element_type3A_83 = arith.extui %gt3A_82 : i1 to i32
      %cond3A_84 = arith.constant 0 : i32
      %cond3A_85 = arith.cmpi ne, %convert_element_type3A_83, %cond3A_84 : i32
      scf.if %cond3A_85 {
        %dma_wait3A_211 = arith.constant 0 : i32
        %dma_wait3A_212 = arith.constant 0 : i32
        %dma_wait3A_213 = tpu.memref_slice %arg25[%dma_wait3A_211, %dma_wait3A_212] : memref<10000x128xf32, #tpu.memory_space<vmem_shared>> -> memref<10000x128xf32, #tpu.memory_space<vmem_shared>>
        tpu.wait_indirect_dma semaphore(%arg30 : memref<!tpu.dma_semaphore, #tpu.memory_space<semaphore_mem>>) src(%arg9 : memref<104x128xf32, #tpu.memory_space<vmem>>) dst(%dma_wait3A_213 : memref<10000x128xf32, #tpu.memory_space<vmem_shared>>)
      } else {
      }
      %add3A_86 = arith.constant 104 : i32
      %add3A_87 = arith.addi %add3A_67, %add3A_86 : i32
      %dma_wait3A_88 = tpu.memref_slice %arg3[%add3A_87] : memref<320000xi32, #tpu.memory_space<hbm>> -> memref<104xi32, #tpu.memory_space<hbm>>
      %dma_wait3A_89 = tpu.memref_slice %arg3[%add3A_87] : memref<320000xi32, #tpu.memory_space<hbm>> -> memref<104xi32, #tpu.memory_space<hbm>>
      tpu.wait_dma2 semaphore(%arg33 : memref<!tpu.dma_semaphore, #tpu.memory_space<semaphore_mem>>) src(%dma_wait3A_89 : memref<104xi32, #tpu.memory_space<hbm>>) dst(%arg12 : memref<104xi32, #tpu.memory_space<vmem>>)
      %dma_wait3A_90 = tpu.memref_slice %arg4[%add3A_87] : memref<320000xi32, #tpu.memory_space<hbm>> -> memref<104xi32, #tpu.memory_space<hbm>>
      %dma_wait3A_91 = tpu.memref_slice %arg4[%add3A_87] : memref<320000xi32, #tpu.memory_space<hbm>> -> memref<104xi32, #tpu.memory_space<hbm>>
      tpu.wait_dma2 semaphore(%arg33 : memref<!tpu.dma_semaphore, #tpu.memory_space<semaphore_mem>>) src(%dma_wait3A_91 : memref<104xi32, #tpu.memory_space<hbm>>) dst(%arg18 : memref<104xi32, #tpu.memory_space<vmem>>)
      %dma_start3A_92 = arith.constant 0 : i32
      %dma_start3A_93 = arith.constant 0 : i32
      %dma_start3A_94 = tpu.memref_slice %arg2[%dma_start3A_92, %dma_start3A_93] : memref<10000x128xf32, #tpu.memory_space<hbm>> -> memref<10000x128xf32, #tpu.memory_space<hbm>>
      tpu.enqueue_indirect_dma source(%dma_start3A_94 : memref<10000x128xf32, #tpu.memory_space<hbm>>) target(%arg9 : memref<104x128xf32, #tpu.memory_space<vmem>>) offsets(%arg12 : memref<104xi32, #tpu.memory_space<vmem>>) semaphore(%arg27 : memref<!tpu.dma_semaphore, #tpu.memory_space<semaphore_mem>>)
      %gt3A_95 = arith.constant 0 : i32
      %gt3A_96 = arith.cmpi sgt, %scan3A_59, %gt3A_95 : i32
      %convert_element_type3A_97 = arith.extui %gt3A_96 : i1 to i32
      %cond3A_98 = arith.constant 0 : i32
      %cond3A_99 = arith.cmpi ne, %convert_element_type3A_97, %cond3A_98 : i32
      scf.if %cond3A_99 {
        %dma_wait3A_211 = arith.constant 0 : i32
        %dma_wait3A_212 = arith.constant 0 : i32
        %dma_wait3A_213 = tpu.memref_slice %arg25[%dma_wait3A_211, %dma_wait3A_212] : memref<10000x128xf32, #tpu.memory_space<vmem_shared>> -> memref<10000x128xf32, #tpu.memory_space<vmem_shared>>
        tpu.wait_indirect_dma semaphore(%arg31 : memref<!tpu.dma_semaphore, #tpu.memory_space<semaphore_mem>>) src(%arg10 : memref<104x128xf32, #tpu.memory_space<vmem>>) dst(%dma_wait3A_213 : memref<10000x128xf32, #tpu.memory_space<vmem_shared>>)
      } else {
      }
      %add3A_100 = arith.constant 208 : i32
      %add3A_101 = arith.addi %add3A_67, %add3A_100 : i32
      %dma_wait3A_102 = tpu.memref_slice %arg3[%add3A_101] : memref<320000xi32, #tpu.memory_space<hbm>> -> memref<104xi32, #tpu.memory_space<hbm>>
      %dma_wait3A_103 = tpu.memref_slice %arg3[%add3A_101] : memref<320000xi32, #tpu.memory_space<hbm>> -> memref<104xi32, #tpu.memory_space<hbm>>
      tpu.wait_dma2 semaphore(%arg34 : memref<!tpu.dma_semaphore, #tpu.memory_space<semaphore_mem>>) src(%dma_wait3A_103 : memref<104xi32, #tpu.memory_space<hbm>>) dst(%arg13 : memref<104xi32, #tpu.memory_space<vmem>>)
      %dma_wait3A_104 = tpu.memref_slice %arg4[%add3A_101] : memref<320000xi32, #tpu.memory_space<hbm>> -> memref<104xi32, #tpu.memory_space<hbm>>
      %dma_wait3A_105 = tpu.memref_slice %arg4[%add3A_101] : memref<320000xi32, #tpu.memory_space<hbm>> -> memref<104xi32, #tpu.memory_space<hbm>>
      tpu.wait_dma2 semaphore(%arg34 : memref<!tpu.dma_semaphore, #tpu.memory_space<semaphore_mem>>) src(%dma_wait3A_105 : memref<104xi32, #tpu.memory_space<hbm>>) dst(%arg19 : memref<104xi32, #tpu.memory_space<vmem>>)
      %dma_start3A_106 = arith.constant 0 : i32
      %dma_start3A_107 = arith.constant 0 : i32
      %dma_start3A_108 = tpu.memref_slice %arg2[%dma_start3A_106, %dma_start3A_107] : memref<10000x128xf32, #tpu.memory_space<hbm>> -> memref<10000x128xf32, #tpu.memory_space<hbm>>
      tpu.enqueue_indirect_dma source(%dma_start3A_108 : memref<10000x128xf32, #tpu.memory_space<hbm>>) target(%arg10 : memref<104x128xf32, #tpu.memory_space<vmem>>) offsets(%arg13 : memref<104xi32, #tpu.memory_space<vmem>>) semaphore(%arg28 : memref<!tpu.dma_semaphore, #tpu.memory_space<semaphore_mem>>)
      %add3A_109 = arith.constant 312 : i32
      %add3A_110 = arith.addi %add3A_67, %add3A_109 : i32
      %dma_start3A_111 = tpu.memref_slice %arg3[%add3A_110] : memref<320000xi32, #tpu.memory_space<hbm>> -> memref<104xi32, #tpu.memory_space<hbm>>
      %dma_start3A_112 = tpu.memref_slice %arg3[%add3A_110] : memref<320000xi32, #tpu.memory_space<hbm>> -> memref<104xi32, #tpu.memory_space<hbm>>
      tpu.enqueue_dma source(%dma_start3A_112 : memref<104xi32, #tpu.memory_space<hbm>>) target(%arg14 : memref<104xi32, #tpu.memory_space<vmem>>) target_semaphore(%arg35 : memref<!tpu.dma_semaphore, #tpu.memory_space<semaphore_mem>>)
      %dma_start3A_113 = tpu.memref_slice %arg4[%add3A_110] : memref<320000xi32, #tpu.memory_space<hbm>> -> memref<104xi32, #tpu.memory_space<hbm>>
      %dma_start3A_114 = tpu.memref_slice %arg4[%add3A_110] : memref<320000xi32, #tpu.memory_space<hbm>> -> memref<104xi32, #tpu.memory_space<hbm>>
      tpu.enqueue_dma source(%dma_start3A_114 : memref<104xi32, #tpu.memory_space<hbm>>) target(%arg20 : memref<104xi32, #tpu.memory_space<vmem>>) target_semaphore(%arg35 : memref<!tpu.dma_semaphore, #tpu.memory_space<semaphore_mem>>)
      %add3A_115 = arith.constant 416 : i32
      %add3A_116 = arith.addi %add3A_67, %add3A_115 : i32
      %dma_start3A_117 = tpu.memref_slice %arg3[%add3A_116] : memref<320000xi32, #tpu.memory_space<hbm>> -> memref<104xi32, #tpu.memory_space<hbm>>
      %dma_start3A_118 = tpu.memref_slice %arg3[%add3A_116] : memref<320000xi32, #tpu.memory_space<hbm>> -> memref<104xi32, #tpu.memory_space<hbm>>
      tpu.enqueue_dma source(%dma_start3A_118 : memref<104xi32, #tpu.memory_space<hbm>>) target(%arg15 : memref<104xi32, #tpu.memory_space<vmem>>) target_semaphore(%arg36 : memref<!tpu.dma_semaphore, #tpu.memory_space<semaphore_mem>>)
      %dma_start3A_119 = tpu.memref_slice %arg4[%add3A_116] : memref<320000xi32, #tpu.memory_space<hbm>> -> memref<104xi32, #tpu.memory_space<hbm>>
      %dma_start3A_120 = tpu.memref_slice %arg4[%add3A_116] : memref<320000xi32, #tpu.memory_space<hbm>> -> memref<104xi32, #tpu.memory_space<hbm>>
      tpu.enqueue_dma source(%dma_start3A_120 : memref<104xi32, #tpu.memory_space<hbm>>) target(%arg21 : memref<104xi32, #tpu.memory_space<vmem>>) target_semaphore(%arg36 : memref<!tpu.dma_semaphore, #tpu.memory_space<semaphore_mem>>)
      %add3A_121 = arith.constant 520 : i32
      %add3A_122 = arith.addi %add3A_67, %add3A_121 : i32
      %dma_start3A_123 = tpu.memref_slice %arg3[%add3A_122] : memref<320000xi32, #tpu.memory_space<hbm>> -> memref<104xi32, #tpu.memory_space<hbm>>
      %dma_start3A_124 = tpu.memref_slice %arg3[%add3A_122] : memref<320000xi32, #tpu.memory_space<hbm>> -> memref<104xi32, #tpu.memory_space<hbm>>
      tpu.enqueue_dma source(%dma_start3A_124 : memref<104xi32, #tpu.memory_space<hbm>>) target(%arg16 : memref<104xi32, #tpu.memory_space<vmem>>) target_semaphore(%arg37 : memref<!tpu.dma_semaphore, #tpu.memory_space<semaphore_mem>>)
      %dma_start3A_125 = tpu.memref_slice %arg4[%add3A_122] : memref<320000xi32, #tpu.memory_space<hbm>> -> memref<104xi32, #tpu.memory_space<hbm>>
      %dma_start3A_126 = tpu.memref_slice %arg4[%add3A_122] : memref<320000xi32, #tpu.memory_space<hbm>> -> memref<104xi32, #tpu.memory_space<hbm>>
      tpu.enqueue_dma source(%dma_start3A_126 : memref<104xi32, #tpu.memory_space<hbm>>) target(%arg22 : memref<104xi32, #tpu.memory_space<vmem>>) target_semaphore(%arg37 : memref<!tpu.dma_semaphore, #tpu.memory_space<semaphore_mem>>)
      %dma_wait3A_127 = arith.constant 0 : i32
      %dma_wait3A_128 = arith.constant 0 : i32
      %dma_wait3A_129 = tpu.memref_slice %arg2[%dma_wait3A_127, %dma_wait3A_128] : memref<10000x128xf32, #tpu.memory_space<hbm>> -> memref<10000x128xf32, #tpu.memory_space<hbm>>
      tpu.wait_indirect_dma semaphore(%arg26 : memref<!tpu.dma_semaphore, #tpu.memory_space<semaphore_mem>>) src(%dma_wait3A_129 : memref<10000x128xf32, #tpu.memory_space<hbm>>) dst(%arg8 : memref<104x128xf32, #tpu.memory_space<vmem>>)
      %dma_start3A_130 = arith.constant 0 : i32
      %dma_start3A_131 = arith.constant 0 : i32
      %dma_start3A_132 = tpu.memref_slice %arg25[%dma_start3A_130, %dma_start3A_131] : memref<10000x128xf32, #tpu.memory_space<vmem_shared>> -> memref<10000x128xf32, #tpu.memory_space<vmem_shared>>
      tpu.enqueue_indirect_dma source(%arg8 : memref<104x128xf32, #tpu.memory_space<vmem>>) target(%dma_start3A_132 : memref<10000x128xf32, #tpu.memory_space<vmem_shared>>) offsets(%arg17 : memref<104xi32, #tpu.memory_space<vmem>>) semaphore(%arg29 : memref<!tpu.dma_semaphore, #tpu.memory_space<semaphore_mem>>) {add = true}
      %dma_wait3A_133 = arith.constant 0 : i32
      %dma_wait3A_134 = arith.constant 0 : i32
      %dma_wait3A_135 = tpu.memref_slice %arg2[%dma_wait3A_133, %dma_wait3A_134] : memref<10000x128xf32, #tpu.memory_space<hbm>> -> memref<10000x128xf32, #tpu.memory_space<hbm>>
      tpu.wait_indirect_dma semaphore(%arg27 : memref<!tpu.dma_semaphore, #tpu.memory_space<semaphore_mem>>) src(%dma_wait3A_135 : memref<10000x128xf32, #tpu.memory_space<hbm>>) dst(%arg9 : memref<104x128xf32, #tpu.memory_space<vmem>>)
      %dma_start3A_136 = arith.constant 0 : i32
      %dma_start3A_137 = arith.constant 0 : i32
      %dma_start3A_138 = tpu.memref_slice %arg25[%dma_start3A_136, %dma_start3A_137] : memref<10000x128xf32, #tpu.memory_space<vmem_shared>> -> memref<10000x128xf32, #tpu.memory_space<vmem_shared>>
      tpu.enqueue_indirect_dma source(%arg9 : memref<104x128xf32, #tpu.memory_space<vmem>>) target(%dma_start3A_138 : memref<10000x128xf32, #tpu.memory_space<vmem_shared>>) offsets(%arg18 : memref<104xi32, #tpu.memory_space<vmem>>) semaphore(%arg30 : memref<!tpu.dma_semaphore, #tpu.memory_space<semaphore_mem>>) {add = true}
      %dma_wait3A_139 = arith.constant 0 : i32
      %dma_wait3A_140 = arith.constant 0 : i32
      %dma_wait3A_141 = tpu.memref_slice %arg2[%dma_wait3A_139, %dma_wait3A_140] : memref<10000x128xf32, #tpu.memory_space<hbm>> -> memref<10000x128xf32, #tpu.memory_space<hbm>>
      tpu.wait_indirect_dma semaphore(%arg28 : memref<!tpu.dma_semaphore, #tpu.memory_space<semaphore_mem>>) src(%dma_wait3A_141 : memref<10000x128xf32, #tpu.memory_space<hbm>>) dst(%arg10 : memref<104x128xf32, #tpu.memory_space<vmem>>)
      %dma_start3A_142 = arith.constant 0 : i32
      %dma_start3A_143 = arith.constant 0 : i32
      %dma_start3A_144 = tpu.memref_slice %arg25[%dma_start3A_142, %dma_start3A_143] : memref<10000x128xf32, #tpu.memory_space<vmem_shared>> -> memref<10000x128xf32, #tpu.memory_space<vmem_shared>>
      tpu.enqueue_indirect_dma source(%arg10 : memref<104x128xf32, #tpu.memory_space<vmem>>) target(%dma_start3A_144 : memref<10000x128xf32, #tpu.memory_space<vmem_shared>>) offsets(%arg19 : memref<104xi32, #tpu.memory_space<vmem>>) semaphore(%arg31 : memref<!tpu.dma_semaphore, #tpu.memory_space<semaphore_mem>>) {add = true}
      %mul3A_145 = arith.constant 2 : i32
      %mul3A_146 = arith.muli %mul3A_145, %scan3A_59 : i32
      %add3A_147 = arith.constant 1 : i32
      %add3A_148 = arith.addi %mul3A_146, %add3A_147 : i32
      %mul3A_149 = arith.constant 312 : i32
      %mul3A_150 = arith.muli %add3A_148, %mul3A_149 : i32
      %add3A_151 = arith.addi %add3A, %mul3A_150 : i32
      %dma_wait3A_152 = arith.constant 0 : i32
      %dma_wait3A_153 = arith.constant 0 : i32
      %dma_wait3A_154 = tpu.memref_slice %arg25[%dma_wait3A_152, %dma_wait3A_153] : memref<10000x128xf32, #tpu.memory_space<vmem_shared>> -> memref<10000x128xf32, #tpu.memory_space<vmem_shared>>
      tpu.wait_indirect_dma semaphore(%arg29 : memref<!tpu.dma_semaphore, #tpu.memory_space<semaphore_mem>>) src(%arg8 : memref<104x128xf32, #tpu.memory_space<vmem>>) dst(%dma_wait3A_154 : memref<10000x128xf32, #tpu.memory_space<vmem_shared>>)
      %add3A_155 = arith.constant 0 : i32
      %add3A_156 = arith.addi %add3A_151, %add3A_155 : i32
      %dma_wait3A_157 = tpu.memref_slice %arg3[%add3A_156] : memref<320000xi32, #tpu.memory_space<hbm>> -> memref<104xi32, #tpu.memory_space<hbm>>
      %dma_wait3A_158 = tpu.memref_slice %arg3[%add3A_156] : memref<320000xi32, #tpu.memory_space<hbm>> -> memref<104xi32, #tpu.memory_space<hbm>>
      tpu.wait_dma2 semaphore(%arg35 : memref<!tpu.dma_semaphore, #tpu.memory_space<semaphore_mem>>) src(%dma_wait3A_158 : memref<104xi32, #tpu.memory_space<hbm>>) dst(%arg14 : memref<104xi32, #tpu.memory_space<vmem>>)
      %dma_wait3A_159 = tpu.memref_slice %arg4[%add3A_156] : memref<320000xi32, #tpu.memory_space<hbm>> -> memref<104xi32, #tpu.memory_space<hbm>>
      %dma_wait3A_160 = tpu.memref_slice %arg4[%add3A_156] : memref<320000xi32, #tpu.memory_space<hbm>> -> memref<104xi32, #tpu.memory_space<hbm>>
      tpu.wait_dma2 semaphore(%arg35 : memref<!tpu.dma_semaphore, #tpu.memory_space<semaphore_mem>>) src(%dma_wait3A_160 : memref<104xi32, #tpu.memory_space<hbm>>) dst(%arg20 : memref<104xi32, #tpu.memory_space<vmem>>)
      %dma_start3A_161 = arith.constant 0 : i32
      %dma_start3A_162 = arith.constant 0 : i32
      %dma_start3A_163 = tpu.memref_slice %arg2[%dma_start3A_161, %dma_start3A_162] : memref<10000x128xf32, #tpu.memory_space<hbm>> -> memref<10000x128xf32, #tpu.memory_space<hbm>>
      tpu.enqueue_indirect_dma source(%dma_start3A_163 : memref<10000x128xf32, #tpu.memory_space<hbm>>) target(%arg8 : memref<104x128xf32, #tpu.memory_space<vmem>>) offsets(%arg14 : memref<104xi32, #tpu.memory_space<vmem>>) semaphore(%arg26 : memref<!tpu.dma_semaphore, #tpu.memory_space<semaphore_mem>>)
      %dma_wait3A_164 = arith.constant 0 : i32
      %dma_wait3A_165 = arith.constant 0 : i32
      %dma_wait3A_166 = tpu.memref_slice %arg25[%dma_wait3A_164, %dma_wait3A_165] : memref<10000x128xf32, #tpu.memory_space<vmem_shared>> -> memref<10000x128xf32, #tpu.memory_space<vmem_shared>>
      tpu.wait_indirect_dma semaphore(%arg30 : memref<!tpu.dma_semaphore, #tpu.memory_space<semaphore_mem>>) src(%arg9 : memref<104x128xf32, #tpu.memory_space<vmem>>) dst(%dma_wait3A_166 : memref<10000x128xf32, #tpu.memory_space<vmem_shared>>)
      %add3A_167 = arith.constant 104 : i32
      %add3A_168 = arith.addi %add3A_151, %add3A_167 : i32
      %dma_wait3A_169 = tpu.memref_slice %arg3[%add3A_168] : memref<320000xi32, #tpu.memory_space<hbm>> -> memref<104xi32, #tpu.memory_space<hbm>>
      %dma_wait3A_170 = tpu.memref_slice %arg3[%add3A_168] : memref<320000xi32, #tpu.memory_space<hbm>> -> memref<104xi32, #tpu.memory_space<hbm>>
      tpu.wait_dma2 semaphore(%arg36 : memref<!tpu.dma_semaphore, #tpu.memory_space<semaphore_mem>>) src(%dma_wait3A_170 : memref<104xi32, #tpu.memory_space<hbm>>) dst(%arg15 : memref<104xi32, #tpu.memory_space<vmem>>)
      %dma_wait3A_171 = tpu.memref_slice %arg4[%add3A_168] : memref<320000xi32, #tpu.memory_space<hbm>> -> memref<104xi32, #tpu.memory_space<hbm>>
      %dma_wait3A_172 = tpu.memref_slice %arg4[%add3A_168] : memref<320000xi32, #tpu.memory_space<hbm>> -> memref<104xi32, #tpu.memory_space<hbm>>
      tpu.wait_dma2 semaphore(%arg36 : memref<!tpu.dma_semaphore, #tpu.memory_space<semaphore_mem>>) src(%dma_wait3A_172 : memref<104xi32, #tpu.memory_space<hbm>>) dst(%arg21 : memref<104xi32, #tpu.memory_space<vmem>>)
      %dma_start3A_173 = arith.constant 0 : i32
      %dma_start3A_174 = arith.constant 0 : i32
      %dma_start3A_175 = tpu.memref_slice %arg2[%dma_start3A_173, %dma_start3A_174] : memref<10000x128xf32, #tpu.memory_space<hbm>> -> memref<10000x128xf32, #tpu.memory_space<hbm>>
      tpu.enqueue_indirect_dma source(%dma_start3A_175 : memref<10000x128xf32, #tpu.memory_space<hbm>>) target(%arg9 : memref<104x128xf32, #tpu.memory_space<vmem>>) offsets(%arg15 : memref<104xi32, #tpu.memory_space<vmem>>) semaphore(%arg27 : memref<!tpu.dma_semaphore, #tpu.memory_space<semaphore_mem>>)
      %dma_wait3A_176 = arith.constant 0 : i32
      %dma_wait3A_177 = arith.constant 0 : i32
      %dma_wait3A_178 = tpu.memref_slice %arg25[%dma_wait3A_176, %dma_wait3A_177] : memref<10000x128xf32, #tpu.memory_space<vmem_shared>> -> memref<10000x128xf32, #tpu.memory_space<vmem_shared>>
      tpu.wait_indirect_dma semaphore(%arg31 : memref<!tpu.dma_semaphore, #tpu.memory_space<semaphore_mem>>) src(%arg10 : memref<104x128xf32, #tpu.memory_space<vmem>>) dst(%dma_wait3A_178 : memref<10000x128xf32, #tpu.memory_space<vmem_shared>>)
      %add3A_179 = arith.constant 208 : i32
      %add3A_180 = arith.addi %add3A_151, %add3A_179 : i32
      %dma_wait3A_181 = tpu.memref_slice %arg3[%add3A_180] : memref<320000xi32, #tpu.memory_space<hbm>> -> memref<104xi32, #tpu.memory_space<hbm>>
      %dma_wait3A_182 = tpu.memref_slice %arg3[%add3A_180] : memref<320000xi32, #tpu.memory_space<hbm>> -> memref<104xi32, #tpu.memory_space<hbm>>
      tpu.wait_dma2 semaphore(%arg37 : memref<!tpu.dma_semaphore, #tpu.memory_space<semaphore_mem>>) src(%dma_wait3A_182 : memref<104xi32, #tpu.memory_space<hbm>>) dst(%arg16 : memref<104xi32, #tpu.memory_space<vmem>>)
      %dma_wait3A_183 = tpu.memref_slice %arg4[%add3A_180] : memref<320000xi32, #tpu.memory_space<hbm>> -> memref<104xi32, #tpu.memory_space<hbm>>
      %dma_wait3A_184 = tpu.memref_slice %arg4[%add3A_180] : memref<320000xi32, #tpu.memory_space<hbm>> -> memref<104xi32, #tpu.memory_space<hbm>>
      tpu.wait_dma2 semaphore(%arg37 : memref<!tpu.dma_semaphore, #tpu.memory_space<semaphore_mem>>) src(%dma_wait3A_184 : memref<104xi32, #tpu.memory_space<hbm>>) dst(%arg22 : memref<104xi32, #tpu.memory_space<vmem>>)
      %dma_start3A_185 = arith.constant 0 : i32
      %dma_start3A_186 = arith.constant 0 : i32
      %dma_start3A_187 = tpu.memref_slice %arg2[%dma_start3A_185, %dma_start3A_186] : memref<10000x128xf32, #tpu.memory_space<hbm>> -> memref<10000x128xf32, #tpu.memory_space<hbm>>
      tpu.enqueue_indirect_dma source(%dma_start3A_187 : memref<10000x128xf32, #tpu.memory_space<hbm>>) target(%arg10 : memref<104x128xf32, #tpu.memory_space<vmem>>) offsets(%arg16 : memref<104xi32, #tpu.memory_space<vmem>>) semaphore(%arg28 : memref<!tpu.dma_semaphore, #tpu.memory_space<semaphore_mem>>)
      %lt3A = arith.constant 15 : i32
      %lt3A_188 = arith.cmpi slt, %scan3A_59, %lt3A : i32
      %convert_element_type3A_189 = arith.extui %lt3A_188 : i1 to i32
      %cond3A_190 = arith.constant 0 : i32
      %cond3A_191 = arith.cmpi ne, %convert_element_type3A_189, %cond3A_190 : i32
      scf.if %cond3A_191 {
        %add3A_211 = arith.constant 312 : i32
        %add3A_212 = arith.addi %add3A_151, %add3A_211 : i32
        %dma_start3A_213 = tpu.memref_slice %arg3[%add3A_212] : memref<320000xi32, #tpu.memory_space<hbm>> -> memref<104xi32, #tpu.memory_space<hbm>>
        %dma_start3A_214 = tpu.memref_slice %arg3[%add3A_212] : memref<320000xi32, #tpu.memory_space<hbm>> -> memref<104xi32, #tpu.memory_space<hbm>>
        tpu.enqueue_dma source(%dma_start3A_214 : memref<104xi32, #tpu.memory_space<hbm>>) target(%arg11 : memref<104xi32, #tpu.memory_space<vmem>>) target_semaphore(%arg32 : memref<!tpu.dma_semaphore, #tpu.memory_space<semaphore_mem>>)
        %dma_start3A_215 = tpu.memref_slice %arg4[%add3A_212] : memref<320000xi32, #tpu.memory_space<hbm>> -> memref<104xi32, #tpu.memory_space<hbm>>
        %dma_start3A_216 = tpu.memref_slice %arg4[%add3A_212] : memref<320000xi32, #tpu.memory_space<hbm>> -> memref<104xi32, #tpu.memory_space<hbm>>
        tpu.enqueue_dma source(%dma_start3A_216 : memref<104xi32, #tpu.memory_space<hbm>>) target(%arg17 : memref<104xi32, #tpu.memory_space<vmem>>) target_semaphore(%arg32 : memref<!tpu.dma_semaphore, #tpu.memory_space<semaphore_mem>>)
        %add3A_217 = arith.constant 416 : i32
        %add3A_218 = arith.addi %add3A_151, %add3A_217 : i32
        %dma_start3A_219 = tpu.memref_slice %arg3[%add3A_218] : memref<320000xi32, #tpu.memory_space<hbm>> -> memref<104xi32, #tpu.memory_space<hbm>>
        %dma_start3A_220 = tpu.memref_slice %arg3[%add3A_218] : memref<320000xi32, #tpu.memory_space<hbm>> -> memref<104xi32, #tpu.memory_space<hbm>>
        tpu.enqueue_dma source(%dma_start3A_220 : memref<104xi32, #tpu.memory_space<hbm>>) target(%arg12 : memref<104xi32, #tpu.memory_space<vmem>>) target_semaphore(%arg33 : memref<!tpu.dma_semaphore, #tpu.memory_space<semaphore_mem>>)
        %dma_start3A_221 = tpu.memref_slice %arg4[%add3A_218] : memref<320000xi32, #tpu.memory_space<hbm>> -> memref<104xi32, #tpu.memory_space<hbm>>
        %dma_start3A_222 = tpu.memref_slice %arg4[%add3A_218] : memref<320000xi32, #tpu.memory_space<hbm>> -> memref<104xi32, #tpu.memory_space<hbm>>
        tpu.enqueue_dma source(%dma_start3A_222 : memref<104xi32, #tpu.memory_space<hbm>>) target(%arg18 : memref<104xi32, #tpu.memory_space<vmem>>) target_semaphore(%arg33 : memref<!tpu.dma_semaphore, #tpu.memory_space<semaphore_mem>>)
        %add3A_223 = arith.constant 520 : i32
        %add3A_224 = arith.addi %add3A_151, %add3A_223 : i32
        %dma_start3A_225 = tpu.memref_slice %arg3[%add3A_224] : memref<320000xi32, #tpu.memory_space<hbm>> -> memref<104xi32, #tpu.memory_space<hbm>>
        %dma_start3A_226 = tpu.memref_slice %arg3[%add3A_224] : memref<320000xi32, #tpu.memory_space<hbm>> -> memref<104xi32, #tpu.memory_space<hbm>>
        tpu.enqueue_dma source(%dma_start3A_226 : memref<104xi32, #tpu.memory_space<hbm>>) target(%arg13 : memref<104xi32, #tpu.memory_space<vmem>>) target_semaphore(%arg34 : memref<!tpu.dma_semaphore, #tpu.memory_space<semaphore_mem>>)
        %dma_start3A_227 = tpu.memref_slice %arg4[%add3A_224] : memref<320000xi32, #tpu.memory_space<hbm>> -> memref<104xi32, #tpu.memory_space<hbm>>
        %dma_start3A_228 = tpu.memref_slice %arg4[%add3A_224] : memref<320000xi32, #tpu.memory_space<hbm>> -> memref<104xi32, #tpu.memory_space<hbm>>
        tpu.enqueue_dma source(%dma_start3A_228 : memref<104xi32, #tpu.memory_space<hbm>>) target(%arg19 : memref<104xi32, #tpu.memory_space<vmem>>) target_semaphore(%arg34 : memref<!tpu.dma_semaphore, #tpu.memory_space<semaphore_mem>>)
      } else {
      }
      %dma_wait3A_192 = arith.constant 0 : i32
      %dma_wait3A_193 = arith.constant 0 : i32
      %dma_wait3A_194 = tpu.memref_slice %arg2[%dma_wait3A_192, %dma_wait3A_193] : memref<10000x128xf32, #tpu.memory_space<hbm>> -> memref<10000x128xf32, #tpu.memory_space<hbm>>
      tpu.wait_indirect_dma semaphore(%arg26 : memref<!tpu.dma_semaphore, #tpu.memory_space<semaphore_mem>>) src(%dma_wait3A_194 : memref<10000x128xf32, #tpu.memory_space<hbm>>) dst(%arg8 : memref<104x128xf32, #tpu.memory_space<vmem>>)
      %dma_start3A_195 = arith.constant 0 : i32
      %dma_start3A_196 = arith.constant 0 : i32
      %dma_start3A_197 = tpu.memref_slice %arg25[%dma_start3A_195, %dma_start3A_196] : memref<10000x128xf32, #tpu.memory_space<vmem_shared>> -> memref<10000x128xf32, #tpu.memory_space<vmem_shared>>
      tpu.enqueue_indirect_dma source(%arg8 : memref<104x128xf32, #tpu.memory_space<vmem>>) target(%dma_start3A_197 : memref<10000x128xf32, #tpu.memory_space<vmem_shared>>) offsets(%arg20 : memref<104xi32, #tpu.memory_space<vmem>>) semaphore(%arg29 : memref<!tpu.dma_semaphore, #tpu.memory_space<semaphore_mem>>) {add = true}
      %dma_wait3A_198 = arith.constant 0 : i32
      %dma_wait3A_199 = arith.constant 0 : i32
      %dma_wait3A_200 = tpu.memref_slice %arg2[%dma_wait3A_198, %dma_wait3A_199] : memref<10000x128xf32, #tpu.memory_space<hbm>> -> memref<10000x128xf32, #tpu.memory_space<hbm>>
      tpu.wait_indirect_dma semaphore(%arg27 : memref<!tpu.dma_semaphore, #tpu.memory_space<semaphore_mem>>) src(%dma_wait3A_200 : memref<10000x128xf32, #tpu.memory_space<hbm>>) dst(%arg9 : memref<104x128xf32, #tpu.memory_space<vmem>>)
      %dma_start3A_201 = arith.constant 0 : i32
      %dma_start3A_202 = arith.constant 0 : i32
      %dma_start3A_203 = tpu.memref_slice %arg25[%dma_start3A_201, %dma_start3A_202] : memref<10000x128xf32, #tpu.memory_space<vmem_shared>> -> memref<10000x128xf32, #tpu.memory_space<vmem_shared>>
      tpu.enqueue_indirect_dma source(%arg9 : memref<104x128xf32, #tpu.memory_space<vmem>>) target(%dma_start3A_203 : memref<10000x128xf32, #tpu.memory_space<vmem_shared>>) offsets(%arg21 : memref<104xi32, #tpu.memory_space<vmem>>) semaphore(%arg30 : memref<!tpu.dma_semaphore, #tpu.memory_space<semaphore_mem>>) {add = true}
      %dma_wait3A_204 = arith.constant 0 : i32
      %dma_wait3A_205 = arith.constant 0 : i32
      %dma_wait3A_206 = tpu.memref_slice %arg2[%dma_wait3A_204, %dma_wait3A_205] : memref<10000x128xf32, #tpu.memory_space<hbm>> -> memref<10000x128xf32, #tpu.memory_space<hbm>>
      tpu.wait_indirect_dma semaphore(%arg28 : memref<!tpu.dma_semaphore, #tpu.memory_space<semaphore_mem>>) src(%dma_wait3A_206 : memref<10000x128xf32, #tpu.memory_space<hbm>>) dst(%arg10 : memref<104x128xf32, #tpu.memory_space<vmem>>)
      %dma_start3A_207 = arith.constant 0 : i32
      %dma_start3A_208 = arith.constant 0 : i32
      %dma_start3A_209 = tpu.memref_slice %arg25[%dma_start3A_207, %dma_start3A_208] : memref<10000x128xf32, #tpu.memory_space<vmem_shared>> -> memref<10000x128xf32, #tpu.memory_space<vmem_shared>>
      tpu.enqueue_indirect_dma source(%arg10 : memref<104x128xf32, #tpu.memory_space<vmem>>) target(%dma_start3A_209 : memref<10000x128xf32, #tpu.memory_space<vmem_shared>>) offsets(%arg22 : memref<104xi32, #tpu.memory_space<vmem>>) semaphore(%arg31 : memref<!tpu.dma_semaphore, #tpu.memory_space<semaphore_mem>>) {add = true}
      %scan3A_210 = arith.constant 0 : i32
      scf.yield %scan3A_210 : i32
    }
    %scan3A_28 = arith.constant 16 : i32
    %dma_wait3A = arith.constant 0 : i32
    %dma_wait3A_29 = arith.constant 0 : i32
    %dma_wait3A_30 = tpu.memref_slice %arg25[%dma_wait3A, %dma_wait3A_29] : memref<10000x128xf32, #tpu.memory_space<vmem_shared>> -> memref<10000x128xf32, #tpu.memory_space<vmem_shared>>
    tpu.wait_indirect_dma semaphore(%arg29 : memref<!tpu.dma_semaphore, #tpu.memory_space<semaphore_mem>>) src(%arg8 : memref<104x128xf32, #tpu.memory_space<vmem>>) dst(%dma_wait3A_30 : memref<10000x128xf32, #tpu.memory_space<vmem_shared>>)
    %dma_wait3A_31 = arith.constant 0 : i32
    %dma_wait3A_32 = arith.constant 0 : i32
    %dma_wait3A_33 = tpu.memref_slice %arg25[%dma_wait3A_31, %dma_wait3A_32] : memref<10000x128xf32, #tpu.memory_space<vmem_shared>> -> memref<10000x128xf32, #tpu.memory_space<vmem_shared>>
    tpu.wait_indirect_dma semaphore(%arg30 : memref<!tpu.dma_semaphore, #tpu.memory_space<semaphore_mem>>) src(%arg9 : memref<104x128xf32, #tpu.memory_space<vmem>>) dst(%dma_wait3A_33 : memref<10000x128xf32, #tpu.memory_space<vmem_shared>>)
    %dma_wait3A_34 = arith.constant 0 : i32
    %dma_wait3A_35 = arith.constant 0 : i32
    %dma_wait3A_36 = tpu.memref_slice %arg25[%dma_wait3A_34, %dma_wait3A_35] : memref<10000x128xf32, #tpu.memory_space<vmem_shared>> -> memref<10000x128xf32, #tpu.memory_space<vmem_shared>>
    tpu.wait_indirect_dma semaphore(%arg31 : memref<!tpu.dma_semaphore, #tpu.memory_space<semaphore_mem>>) src(%arg10 : memref<104x128xf32, #tpu.memory_space<vmem>>) dst(%dma_wait3A_36 : memref<10000x128xf32, #tpu.memory_space<vmem_shared>>)
    %add3A_37 = arith.constant 9984 : i32
    %add3A_38 = arith.addi %add3A, %add3A_37 : i32
    "tpu.region"() ({
      %run_scoped3A = tpu.sem_alloc : memref<!tpu.dma_semaphore, #tpu.memory_space<semaphore_mem>>
      %dma_start3A_59 = tpu.memref_slice %arg3[%add3A_38] : memref<320000xi32, #tpu.memory_space<hbm>> -> memref<16xi32, #tpu.memory_space<hbm>>
      %dma_start3A_60 = tpu.memref_slice %arg3[%add3A_38] : memref<320000xi32, #tpu.memory_space<hbm>> -> memref<16xi32, #tpu.memory_space<hbm>>
      tpu.enqueue_dma source(%dma_start3A_60 : memref<16xi32, #tpu.memory_space<hbm>>) target(%arg23 : memref<16xi32, #tpu.memory_space<vmem>>) target_semaphore(%run_scoped3A : memref<!tpu.dma_semaphore, #tpu.memory_space<semaphore_mem>>)
      %dma_wait3A_61 = tpu.memref_slice %arg3[%add3A_38] : memref<320000xi32, #tpu.memory_space<hbm>> -> memref<16xi32, #tpu.memory_space<hbm>>
      %dma_wait3A_62 = tpu.memref_slice %arg3[%add3A_38] : memref<320000xi32, #tpu.memory_space<hbm>> -> memref<16xi32, #tpu.memory_space<hbm>>
      tpu.wait_dma2 semaphore(%run_scoped3A : memref<!tpu.dma_semaphore, #tpu.memory_space<semaphore_mem>>) src(%dma_wait3A_62 : memref<16xi32, #tpu.memory_space<hbm>>) dst(%arg23 : memref<16xi32, #tpu.memory_space<vmem>>)
      tpu.yield
    }) : () -> ()
    "tpu.region"() ({
      %run_scoped3A = tpu.sem_alloc : memref<!tpu.dma_semaphore, #tpu.memory_space<semaphore_mem>>
      %dma_start3A_59 = tpu.memref_slice %arg4[%add3A_38] : memref<320000xi32, #tpu.memory_space<hbm>> -> memref<16xi32, #tpu.memory_space<hbm>>
      %dma_start3A_60 = tpu.memref_slice %arg4[%add3A_38] : memref<320000xi32, #tpu.memory_space<hbm>> -> memref<16xi32, #tpu.memory_space<hbm>>
      tpu.enqueue_dma source(%dma_start3A_60 : memref<16xi32, #tpu.memory_space<hbm>>) target(%arg24 : memref<16xi32, #tpu.memory_space<vmem>>) target_semaphore(%run_scoped3A : memref<!tpu.dma_semaphore, #tpu.memory_space<semaphore_mem>>)
      %dma_wait3A_61 = tpu.memref_slice %arg4[%add3A_38] : memref<320000xi32, #tpu.memory_space<hbm>> -> memref<16xi32, #tpu.memory_space<hbm>>
      %dma_wait3A_62 = tpu.memref_slice %arg4[%add3A_38] : memref<320000xi32, #tpu.memory_space<hbm>> -> memref<16xi32, #tpu.memory_space<hbm>>
      tpu.wait_dma2 semaphore(%run_scoped3A : memref<!tpu.dma_semaphore, #tpu.memory_space<semaphore_mem>>) src(%dma_wait3A_62 : memref<16xi32, #tpu.memory_space<hbm>>) dst(%arg24 : memref<16xi32, #tpu.memory_space<vmem>>)
      tpu.yield
    }) : () -> ()
    %dma_start3A_39 = arith.constant 0 : i32
    %dma_start3A_40 = arith.constant 0 : i32
    %dma_start3A_41 = tpu.memref_slice %arg8[%dma_start3A_39, %dma_start3A_40] : memref<104x128xf32, #tpu.memory_space<vmem>> -> memref<16x128xf32, #tpu.memory_space<vmem>>
    %dma_start3A_42 = arith.constant 0 : i32
    %dma_start3A_43 = arith.constant 0 : i32
    %dma_start3A_44 = tpu.memref_slice %arg2[%dma_start3A_42, %dma_start3A_43] : memref<10000x128xf32, #tpu.memory_space<hbm>> -> memref<10000x128xf32, #tpu.memory_space<hbm>>
    tpu.enqueue_indirect_dma source(%dma_start3A_44 : memref<10000x128xf32, #tpu.memory_space<hbm>>) target(%dma_start3A_41 : memref<16x128xf32, #tpu.memory_space<vmem>>) offsets(%arg23 : memref<16xi32, #tpu.memory_space<vmem>>) semaphore(%arg26 : memref<!tpu.dma_semaphore, #tpu.memory_space<semaphore_mem>>)
    %dma_wait3A_45 = arith.constant 0 : i32
    %dma_wait3A_46 = arith.constant 0 : i32
    %dma_wait3A_47 = tpu.memref_slice %arg8[%dma_wait3A_45, %dma_wait3A_46] : memref<104x128xf32, #tpu.memory_space<vmem>> -> memref<16x128xf32, #tpu.memory_space<vmem>>
    %dma_wait3A_48 = arith.constant 0 : i32
    %dma_wait3A_49 = arith.constant 0 : i32
    %dma_wait3A_50 = tpu.memref_slice %arg2[%dma_wait3A_48, %dma_wait3A_49] : memref<10000x128xf32, #tpu.memory_space<hbm>> -> memref<10000x128xf32, #tpu.memory_space<hbm>>
    tpu.wait_indirect_dma semaphore(%arg26 : memref<!tpu.dma_semaphore, #tpu.memory_space<semaphore_mem>>) src(%dma_wait3A_50 : memref<10000x128xf32, #tpu.memory_space<hbm>>) dst(%dma_wait3A_47 : memref<16x128xf32, #tpu.memory_space<vmem>>)
    "tpu.region"() ({
      %run_scoped3A = tpu.sem_alloc : memref<!tpu.dma_semaphore, #tpu.memory_space<semaphore_mem>>
      %dma_start3A_59 = arith.constant 0 : i32
      %dma_start3A_60 = arith.constant 0 : i32
      %dma_start3A_61 = tpu.memref_slice %arg8[%dma_start3A_59, %dma_start3A_60] : memref<104x128xf32, #tpu.memory_space<vmem>> -> memref<16x128xf32, #tpu.memory_space<vmem>>
      %dma_start3A_62 = arith.constant 0 : i32
      %dma_start3A_63 = arith.constant 0 : i32
      %dma_start3A_64 = tpu.memref_slice %arg25[%dma_start3A_62, %dma_start3A_63] : memref<10000x128xf32, #tpu.memory_space<vmem_shared>> -> memref<10000x128xf32, #tpu.memory_space<vmem_shared>>
      tpu.enqueue_indirect_dma source(%dma_start3A_61 : memref<16x128xf32, #tpu.memory_space<vmem>>) target(%dma_start3A_64 : memref<10000x128xf32, #tpu.memory_space<vmem_shared>>) offsets(%arg24 : memref<16xi32, #tpu.memory_space<vmem>>) semaphore(%run_scoped3A : memref<!tpu.dma_semaphore, #tpu.memory_space<semaphore_mem>>) {add = true}
      %dma_wait3A_65 = arith.constant 0 : i32
      %dma_wait3A_66 = arith.constant 0 : i32
      %dma_wait3A_67 = tpu.memref_slice %arg8[%dma_wait3A_65, %dma_wait3A_66] : memref<104x128xf32, #tpu.memory_space<vmem>> -> memref<16x128xf32, #tpu.memory_space<vmem>>
      %dma_wait3A_68 = arith.constant 0 : i32
      %dma_wait3A_69 = arith.constant 0 : i32
      %dma_wait3A_70 = tpu.memref_slice %arg25[%dma_wait3A_68, %dma_wait3A_69] : memref<10000x128xf32, #tpu.memory_space<vmem_shared>> -> memref<10000x128xf32, #tpu.memory_space<vmem_shared>>
      tpu.wait_indirect_dma semaphore(%run_scoped3A : memref<!tpu.dma_semaphore, #tpu.memory_space<semaphore_mem>>) src(%dma_wait3A_67 : memref<16x128xf32, #tpu.memory_space<vmem>>) dst(%dma_wait3A_70 : memref<10000x128xf32, #tpu.memory_space<vmem_shared>>)
      tpu.yield
    }) : () -> ()
    %barrier3A_51 = arith.constant 0 : index
    tpu.barrier barrier_id(%barrier3A_51)
    %eq3A = arith.constant 0 : i32
    %eq3A_52 = arith.cmpi eq, %arg0, %eq3A : i32
    %convert_element_type3A = arith.extui %eq3A_52 : i1 to i32
    %cond3A = arith.constant 0 : i32
    %cond3A_53 = arith.cmpi ne, %convert_element_type3A, %cond3A : i32
    scf.if %cond3A_53 {
      "tpu.region"() ({
        %run_scoped3A = tpu.sem_alloc : memref<!tpu.dma_semaphore, #tpu.memory_space<semaphore_mem>>
        %dma_start3A_59 = arith.constant 0 : i32
        %dma_start3A_60 = tpu.memref_slice %arg6[%min3A_22, %dma_start3A_59] : memref<10000x128xf32, #tpu.memory_space<hbm>> -> memref<632x128xf32, #tpu.memory_space<hbm>>
        %dma_start3A_61 = arith.constant 0 : i32
        %dma_start3A_62 = tpu.memref_slice %arg25[%min3A_22, %dma_start3A_61] : memref<10000x128xf32, #tpu.memory_space<vmem_shared>> -> memref<632x128xf32, #tpu.memory_space<vmem_shared>>
        tpu.enqueue_dma source(%dma_start3A_62 : memref<632x128xf32, #tpu.memory_space<vmem_shared>>) target(%dma_start3A_60 : memref<632x128xf32, #tpu.memory_space<hbm>>) target_semaphore(%run_scoped3A : memref<!tpu.dma_semaphore, #tpu.memory_space<semaphore_mem>>)
        %dma_wait3A_63 = arith.constant 0 : i32
        %dma_wait3A_64 = tpu.memref_slice %arg6[%min3A_22, %dma_wait3A_63] : memref<10000x128xf32, #tpu.memory_space<hbm>> -> memref<632x128xf32, #tpu.memory_space<hbm>>
        %dma_wait3A_65 = arith.constant 0 : i32
        %dma_wait3A_66 = tpu.memref_slice %arg25[%min3A_22, %dma_wait3A_65] : memref<10000x128xf32, #tpu.memory_space<vmem_shared>> -> memref<632x128xf32, #tpu.memory_space<vmem_shared>>
        tpu.wait_dma2 semaphore(%run_scoped3A : memref<!tpu.dma_semaphore, #tpu.memory_space<semaphore_mem>>) src(%dma_wait3A_66 : memref<632x128xf32, #tpu.memory_space<vmem_shared>>) dst(%dma_wait3A_64 : memref<632x128xf32, #tpu.memory_space<hbm>>)
        tpu.yield
      }) : () -> ()
    } else {
    }
    %eq3A_54 = arith.constant 1 : i32
    %eq3A_55 = arith.cmpi eq, %arg0, %eq3A_54 : i32
    %convert_element_type3A_56 = arith.extui %eq3A_55 : i1 to i32
    %cond3A_57 = arith.constant 0 : i32
    %cond3A_58 = arith.cmpi ne, %convert_element_type3A_56, %cond3A_57 : i32
    scf.if %cond3A_58 {
      "tpu.region"() ({
        %run_scoped3A = tpu.sem_alloc : memref<!tpu.dma_semaphore, #tpu.memory_space<semaphore_mem>>
        %dma_start3A_59 = arith.constant 0 : i32
        %dma_start3A_60 = tpu.memref_slice %arg7[%min3A_22, %dma_start3A_59] : memref<10000x128xf32, #tpu.memory_space<hbm>> -> memref<632x128xf32, #tpu.memory_space<hbm>>
        %dma_start3A_61 = arith.constant 0 : i32
        %dma_start3A_62 = tpu.memref_slice %arg25[%min3A_22, %dma_start3A_61] : memref<10000x128xf32, #tpu.memory_space<vmem_shared>> -> memref<632x128xf32, #tpu.memory_space<vmem_shared>>
        tpu.enqueue_dma source(%dma_start3A_62 : memref<632x128xf32, #tpu.memory_space<vmem_shared>>) target(%dma_start3A_60 : memref<632x128xf32, #tpu.memory_space<hbm>>) target_semaphore(%run_scoped3A : memref<!tpu.dma_semaphore, #tpu.memory_space<semaphore_mem>>)
        %dma_wait3A_63 = arith.constant 0 : i32
        %dma_wait3A_64 = tpu.memref_slice %arg7[%min3A_22, %dma_wait3A_63] : memref<10000x128xf32, #tpu.memory_space<hbm>> -> memref<632x128xf32, #tpu.memory_space<hbm>>
        %dma_wait3A_65 = arith.constant 0 : i32
        %dma_wait3A_66 = tpu.memref_slice %arg25[%min3A_22, %dma_wait3A_65] : memref<10000x128xf32, #tpu.memory_space<vmem_shared>> -> memref<632x128xf32, #tpu.memory_space<vmem_shared>>
        tpu.wait_dma2 semaphore(%run_scoped3A : memref<!tpu.dma_semaphore, #tpu.memory_space<semaphore_mem>>) src(%dma_wait3A_66 : memref<632x128xf32, #tpu.memory_space<vmem_shared>>) dst(%dma_wait3A_64 : memref<632x128xf32, #tpu.memory_space<hbm>>)
        tpu.yield
      }) : () -> ()
    } else {
    }
    return
  }
}

#map = affine_map<(d0, d1) -> (0, 0)>
#map1 = affine_map<(d0, d1) -> (0)>
module attributes {stable_mosaic.version = 14 : i64} {
  func.func @_sc_agg(%arg0: i32, %arg1: i32, %arg2: memref<10000x128xf32, #tpu.memory_space<hbm>>, %arg3: memref<320000xi32, #tpu.memory_space<hbm>>, %arg4: memref<320000xi32, #tpu.memory_space<hbm>>, %arg5: memref<10000x128xf32, #tpu.memory_space<hbm>>, %arg6: memref<10000x128xf32, #tpu.memory_space<hbm>>, %arg7: memref<10000x128xf32, #tpu.memory_space<hbm>>, %arg8: memref<104x128xf32, #tpu.memory_space<vmem>>, %arg9: memref<104x128xf32, #tpu.memory_space<vmem>>, %arg10: memref<104x128xf32, #tpu.memory_space<vmem>>, %arg11: memref<104xi32, #tpu.memory_space<vmem>>, %arg12: memref<104xi32, #tpu.memory_space<vmem>>, %arg13: memref<104xi32, #tpu.memory_space<vmem>>, %arg14: memref<104xi32, #tpu.memory_space<vmem>>, %arg15: memref<104xi32, #tpu.memory_space<vmem>>, %arg16: memref<104xi32, #tpu.memory_space<vmem>>, %arg17: memref<104xi32, #tpu.memory_space<vmem>>, %arg18: memref<104xi32, #tpu.memory_space<vmem>>, %arg19: memref<104xi32, #tpu.memory_space<vmem>>, %arg20: memref<104xi32, #tpu.memory_space<vmem>>, %arg21: memref<104xi32, #tpu.memory_space<vmem>>, %arg22: memref<104xi32, #tpu.memory_space<vmem>>, %arg23: memref<16xi32, #tpu.memory_space<vmem>>, %arg24: memref<16xi32, #tpu.memory_space<vmem>>, %arg25: memref<10000x128xf32, #tpu.memory_space<vmem_shared>>, %arg26: memref<!tpu.dma_semaphore, #tpu.memory_space<semaphore_mem>>, %arg27: memref<!tpu.dma_semaphore, #tpu.memory_space<semaphore_mem>>, %arg28: memref<!tpu.dma_semaphore, #tpu.memory_space<semaphore_mem>>, %arg29: memref<!tpu.dma_semaphore, #tpu.memory_space<semaphore_mem>>, %arg30: memref<!tpu.dma_semaphore, #tpu.memory_space<semaphore_mem>>, %arg31: memref<!tpu.dma_semaphore, #tpu.memory_space<semaphore_mem>>, %arg32: memref<!tpu.dma_semaphore, #tpu.memory_space<semaphore_mem>>, %arg33: memref<!tpu.dma_semaphore, #tpu.memory_space<semaphore_mem>>, %arg34: memref<!tpu.dma_semaphore, #tpu.memory_space<semaphore_mem>>, %arg35: memref<!tpu.dma_semaphore, #tpu.memory_space<semaphore_mem>>, %arg36: memref<!tpu.dma_semaphore, #tpu.memory_space<semaphore_mem>>, %arg37: memref<!tpu.dma_semaphore, #tpu.memory_space<semaphore_mem>>) attributes {dimension_semantics = [#tpu.dimension_semantics<core_parallel>, #tpu.dimension_semantics<subcore_parallel>], iteration_bounds = array<i64: 2, 16>, scalar_prefetch = 0 : i64, scratch_operands = 30 : i64, tpu.core_type = #tpu.core_type<sc_vector_subcore>, window_params = [{transform_indices = #map}, {transform_indices = #map1}, {transform_indices = #map1}, {transform_indices = #map}, {transform_indices = #map}, {transform_indices = #map}]} {
    %mul3A = arith.constant 160000 : i32
    %mul3A_0 = arith.muli %arg0, %mul3A : i32
    %mul3A_1 = arith.constant 10000 : i32
    %mul3A_2 = arith.muli %arg1, %mul3A_1 : i32
    %add3A = arith.addi %mul3A_0, %mul3A_2 : i32
    %add3A_3 = arith.constant 0 : i32
    %add3A_4 = arith.addi %add3A, %add3A_3 : i32
    %dma_start3A = tpu.memref_slice %arg3[%add3A_4] : memref<320000xi32, #tpu.memory_space<hbm>> -> memref<104xi32, #tpu.memory_space<hbm>>
    %dma_start3A_5 = tpu.memref_slice %arg3[%add3A_4] : memref<320000xi32, #tpu.memory_space<hbm>> -> memref<104xi32, #tpu.memory_space<hbm>>
    tpu.enqueue_dma source(%dma_start3A_5 : memref<104xi32, #tpu.memory_space<hbm>>) target(%arg11 : memref<104xi32, #tpu.memory_space<vmem>>) target_semaphore(%arg32 : memref<!tpu.dma_semaphore, #tpu.memory_space<semaphore_mem>>)
    %dma_start3A_6 = tpu.memref_slice %arg4[%add3A_4] : memref<320000xi32, #tpu.memory_space<hbm>> -> memref<104xi32, #tpu.memory_space<hbm>>
    %dma_start3A_7 = tpu.memref_slice %arg4[%add3A_4] : memref<320000xi32, #tpu.memory_space<hbm>> -> memref<104xi32, #tpu.memory_space<hbm>>
    tpu.enqueue_dma source(%dma_start3A_7 : memref<104xi32, #tpu.memory_space<hbm>>) target(%arg17 : memref<104xi32, #tpu.memory_space<vmem>>) target_semaphore(%arg32 : memref<!tpu.dma_semaphore, #tpu.memory_space<semaphore_mem>>)
    %add3A_8 = arith.constant 104 : i32
    %add3A_9 = arith.addi %add3A, %add3A_8 : i32
    %dma_start3A_10 = tpu.memref_slice %arg3[%add3A_9] : memref<320000xi32, #tpu.memory_space<hbm>> -> memref<104xi32, #tpu.memory_space<hbm>>
    %dma_start3A_11 = tpu.memref_slice %arg3[%add3A_9] : memref<320000xi32, #tpu.memory_space<hbm>> -> memref<104xi32, #tpu.memory_space<hbm>>
    tpu.enqueue_dma source(%dma_start3A_11 : memref<104xi32, #tpu.memory_space<hbm>>) target(%arg12 : memref<104xi32, #tpu.memory_space<vmem>>) target_semaphore(%arg33 : memref<!tpu.dma_semaphore, #tpu.memory_space<semaphore_mem>>)
    %dma_start3A_12 = tpu.memref_slice %arg4[%add3A_9] : memref<320000xi32, #tpu.memory_space<hbm>> -> memref<104xi32, #tpu.memory_space<hbm>>
    %dma_start3A_13 = tpu.memref_slice %arg4[%add3A_9] : memref<320000xi32, #tpu.memory_space<hbm>> -> memref<104xi32, #tpu.memory_space<hbm>>
    tpu.enqueue_dma source(%dma_start3A_13 : memref<104xi32, #tpu.memory_space<hbm>>) target(%arg18 : memref<104xi32, #tpu.memory_space<vmem>>) target_semaphore(%arg33 : memref<!tpu.dma_semaphore, #tpu.memory_space<semaphore_mem>>)
    %add3A_14 = arith.constant 208 : i32
    %add3A_15 = arith.addi %add3A, %add3A_14 : i32
    %dma_start3A_16 = tpu.memref_slice %arg3[%add3A_15] : memref<320000xi32, #tpu.memory_space<hbm>> -> memref<104xi32, #tpu.memory_space<hbm>>
    %dma_start3A_17 = tpu.memref_slice %arg3[%add3A_15] : memref<320000xi32, #tpu.memory_space<hbm>> -> memref<104xi32, #tpu.memory_space<hbm>>
    tpu.enqueue_dma source(%dma_start3A_17 : memref<104xi32, #tpu.memory_space<hbm>>) target(%arg13 : memref<104xi32, #tpu.memory_space<vmem>>) target_semaphore(%arg34 : memref<!tpu.dma_semaphore, #tpu.memory_space<semaphore_mem>>)
    %dma_start3A_18 = tpu.memref_slice %arg4[%add3A_15] : memref<320000xi32, #tpu.memory_space<hbm>> -> memref<104xi32, #tpu.memory_space<hbm>>
    %dma_start3A_19 = tpu.memref_slice %arg4[%add3A_15] : memref<320000xi32, #tpu.memory_space<hbm>> -> memref<104xi32, #tpu.memory_space<hbm>>
    tpu.enqueue_dma source(%dma_start3A_19 : memref<104xi32, #tpu.memory_space<hbm>>) target(%arg19 : memref<104xi32, #tpu.memory_space<vmem>>) target_semaphore(%arg34 : memref<!tpu.dma_semaphore, #tpu.memory_space<semaphore_mem>>)
    %mul3A_20 = arith.constant 632 : i32
    %mul3A_21 = arith.muli %arg1, %mul3A_20 : i32
    %min3A = arith.constant 9368 : i32
    %min3A_22 = arith.minsi %mul3A_21, %min3A : i32
    "tpu.region"() ({
      %run_scoped3A = tpu.sem_alloc : memref<!tpu.dma_semaphore, #tpu.memory_space<semaphore_mem>>
      %dma_start3A_59 = arith.constant 0 : i32
      %dma_start3A_60 = tpu.memref_slice %arg25[%min3A_22, %dma_start3A_59] : memref<10000x128xf32, #tpu.memory_space<vmem_shared>> -> memref<632x128xf32, #tpu.memory_space<vmem_shared>>
      %dma_start3A_61 = arith.constant 0 : i32
      %dma_start3A_62 = tpu.memref_slice %arg5[%min3A_22, %dma_start3A_61] : memref<10000x128xf32, #tpu.memory_space<hbm>> -> memref<632x128xf32, #tpu.memory_space<hbm>>
      tpu.enqueue_dma source(%dma_start3A_62 : memref<632x128xf32, #tpu.memory_space<hbm>>) target(%dma_start3A_60 : memref<632x128xf32, #tpu.memory_space<vmem_shared>>) target_semaphore(%run_scoped3A : memref<!tpu.dma_semaphore, #tpu.memory_space<semaphore_mem>>)
      %dma_wait3A_63 = arith.constant 0 : i32
      %dma_wait3A_64 = tpu.memref_slice %arg25[%min3A_22, %dma_wait3A_63] : memref<10000x128xf32, #tpu.memory_space<vmem_shared>> -> memref<632x128xf32, #tpu.memory_space<vmem_shared>>
      %dma_wait3A_65 = arith.constant 0 : i32
      %dma_wait3A_66 = tpu.memref_slice %arg5[%min3A_22, %dma_wait3A_65] : memref<10000x128xf32, #tpu.memory_space<hbm>> -> memref<632x128xf32, #tpu.memory_space<hbm>>
      tpu.wait_dma2 semaphore(%run_scoped3A : memref<!tpu.dma_semaphore, #tpu.memory_space<semaphore_mem>>) src(%dma_wait3A_66 : memref<632x128xf32, #tpu.memory_space<hbm>>) dst(%dma_wait3A_64 : memref<632x128xf32, #tpu.memory_space<vmem_shared>>)
      tpu.yield
    }) : () -> ()
    %barrier3A = arith.constant 0 : index
    tpu.barrier barrier_id(%barrier3A)
    %scan3A = arith.constant 0 : i32
    %scan3A_23 = arith.constant 0 : i32
    %scan3A_24 = arith.constant 16 : i32
    %scan3A_25 = arith.addi %scan3A_23, %scan3A_24 : i32
    %scan3A_26 = arith.constant 1 : i32
    %scan3A_27 = scf.for %scan3A_59 = %scan3A_23 to %scan3A_25 step %scan3A_26 iter_args(%scan3A_60 = %scan3A) -> (i32)  : i32 {
      %mul3A_61 = arith.constant 2 : i32
      %mul3A_62 = arith.muli %mul3A_61, %scan3A_59 : i32
      %add3A_63 = arith.constant 0 : i32
      %add3A_64 = arith.addi %mul3A_62, %add3A_63 : i32
      %mul3A_65 = arith.constant 312 : i32
      %mul3A_66 = arith.muli %add3A_64, %mul3A_65 : i32
      %add3A_67 = arith.addi %add3A, %mul3A_66 : i32
      %gt3A = arith.constant 0 : i32
      %gt3A_68 = arith.cmpi sgt, %scan3A_59, %gt3A : i32
      %convert_element_type3A_69 = arith.extui %gt3A_68 : i1 to i32
      %cond3A_70 = arith.constant 0 : i32
      %cond3A_71 = arith.cmpi ne, %convert_element_type3A_69, %cond3A_70 : i32
      scf.if %cond3A_71 {
        %dma_wait3A_211 = arith.constant 0 : i32
        %dma_wait3A_212 = arith.constant 0 : i32
        %dma_wait3A_213 = tpu.memref_slice %arg25[%dma_wait3A_211, %dma_wait3A_212] : memref<10000x128xf32, #tpu.memory_space<vmem_shared>> -> memref<10000x128xf32, #tpu.memory_space<vmem_shared>>
        tpu.wait_indirect_dma semaphore(%arg29 : memref<!tpu.dma_semaphore, #tpu.memory_space<semaphore_mem>>) src(%arg8 : memref<104x128xf32, #tpu.memory_space<vmem>>) dst(%dma_wait3A_213 : memref<10000x128xf32, #tpu.memory_space<vmem_shared>>)
      } else {
      }
      %add3A_72 = arith.constant 0 : i32
      %add3A_73 = arith.addi %add3A_67, %add3A_72 : i32
      %dma_wait3A_74 = tpu.memref_slice %arg3[%add3A_73] : memref<320000xi32, #tpu.memory_space<hbm>> -> memref<104xi32, #tpu.memory_space<hbm>>
      %dma_wait3A_75 = tpu.memref_slice %arg3[%add3A_73] : memref<320000xi32, #tpu.memory_space<hbm>> -> memref<104xi32, #tpu.memory_space<hbm>>
      tpu.wait_dma2 semaphore(%arg32 : memref<!tpu.dma_semaphore, #tpu.memory_space<semaphore_mem>>) src(%dma_wait3A_75 : memref<104xi32, #tpu.memory_space<hbm>>) dst(%arg11 : memref<104xi32, #tpu.memory_space<vmem>>)
      %dma_wait3A_76 = tpu.memref_slice %arg4[%add3A_73] : memref<320000xi32, #tpu.memory_space<hbm>> -> memref<104xi32, #tpu.memory_space<hbm>>
      %dma_wait3A_77 = tpu.memref_slice %arg4[%add3A_73] : memref<320000xi32, #tpu.memory_space<hbm>> -> memref<104xi32, #tpu.memory_space<hbm>>
      tpu.wait_dma2 semaphore(%arg32 : memref<!tpu.dma_semaphore, #tpu.memory_space<semaphore_mem>>) src(%dma_wait3A_77 : memref<104xi32, #tpu.memory_space<hbm>>) dst(%arg17 : memref<104xi32, #tpu.memory_space<vmem>>)
      %dma_start3A_78 = arith.constant 0 : i32
      %dma_start3A_79 = arith.constant 0 : i32
      %dma_start3A_80 = tpu.memref_slice %arg2[%dma_start3A_78, %dma_start3A_79] : memref<10000x128xf32, #tpu.memory_space<hbm>> -> memref<10000x128xf32, #tpu.memory_space<hbm>>
      tpu.enqueue_indirect_dma source(%dma_start3A_80 : memref<10000x128xf32, #tpu.memory_space<hbm>>) target(%arg8 : memref<104x128xf32, #tpu.memory_space<vmem>>) offsets(%arg11 : memref<104xi32, #tpu.memory_space<vmem>>) semaphore(%arg26 : memref<!tpu.dma_semaphore, #tpu.memory_space<semaphore_mem>>)
      %gt3A_81 = arith.constant 0 : i32
      %gt3A_82 = arith.cmpi sgt, %scan3A_59, %gt3A_81 : i32
      %convert_element_type3A_83 = arith.extui %gt3A_82 : i1 to i32
      %cond3A_84 = arith.constant 0 : i32
      %cond3A_85 = arith.cmpi ne, %convert_element_type3A_83, %cond3A_84 : i32
      scf.if %cond3A_85 {
        %dma_wait3A_211 = arith.constant 0 : i32
        %dma_wait3A_212 = arith.constant 0 : i32
        %dma_wait3A_213 = tpu.memref_slice %arg25[%dma_wait3A_211, %dma_wait3A_212] : memref<10000x128xf32, #tpu.memory_space<vmem_shared>> -> memref<10000x128xf32, #tpu.memory_space<vmem_shared>>
        tpu.wait_indirect_dma semaphore(%arg30 : memref<!tpu.dma_semaphore, #tpu.memory_space<semaphore_mem>>) src(%arg9 : memref<104x128xf32, #tpu.memory_space<vmem>>) dst(%dma_wait3A_213 : memref<10000x128xf32, #tpu.memory_space<vmem_shared>>)
      } else {
      }
      %add3A_86 = arith.constant 104 : i32
      %add3A_87 = arith.addi %add3A_67, %add3A_86 : i32
      %dma_wait3A_88 = tpu.memref_slice %arg3[%add3A_87] : memref<320000xi32, #tpu.memory_space<hbm>> -> memref<104xi32, #tpu.memory_space<hbm>>
      %dma_wait3A_89 = tpu.memref_slice %arg3[%add3A_87] : memref<320000xi32, #tpu.memory_space<hbm>> -> memref<104xi32, #tpu.memory_space<hbm>>
      tpu.wait_dma2 semaphore(%arg33 : memref<!tpu.dma_semaphore, #tpu.memory_space<semaphore_mem>>) src(%dma_wait3A_89 : memref<104xi32, #tpu.memory_space<hbm>>) dst(%arg12 : memref<104xi32, #tpu.memory_space<vmem>>)
      %dma_wait3A_90 = tpu.memref_slice %arg4[%add3A_87] : memref<320000xi32, #tpu.memory_space<hbm>> -> memref<104xi32, #tpu.memory_space<hbm>>
      %dma_wait3A_91 = tpu.memref_slice %arg4[%add3A_87] : memref<320000xi32, #tpu.memory_space<hbm>> -> memref<104xi32, #tpu.memory_space<hbm>>
      tpu.wait_dma2 semaphore(%arg33 : memref<!tpu.dma_semaphore, #tpu.memory_space<semaphore_mem>>) src(%dma_wait3A_91 : memref<104xi32, #tpu.memory_space<hbm>>) dst(%arg18 : memref<104xi32, #tpu.memory_space<vmem>>)
      %dma_start3A_92 = arith.constant 0 : i32
      %dma_start3A_93 = arith.constant 0 : i32
      %dma_start3A_94 = tpu.memref_slice %arg2[%dma_start3A_92, %dma_start3A_93] : memref<10000x128xf32, #tpu.memory_space<hbm>> -> memref<10000x128xf32, #tpu.memory_space<hbm>>
      tpu.enqueue_indirect_dma source(%dma_start3A_94 : memref<10000x128xf32, #tpu.memory_space<hbm>>) target(%arg9 : memref<104x128xf32, #tpu.memory_space<vmem>>) offsets(%arg12 : memref<104xi32, #tpu.memory_space<vmem>>) semaphore(%arg27 : memref<!tpu.dma_semaphore, #tpu.memory_space<semaphore_mem>>)
      %gt3A_95 = arith.constant 0 : i32
      %gt3A_96 = arith.cmpi sgt, %scan3A_59, %gt3A_95 : i32
      %convert_element_type3A_97 = arith.extui %gt3A_96 : i1 to i32
      %cond3A_98 = arith.constant 0 : i32
      %cond3A_99 = arith.cmpi ne, %convert_element_type3A_97, %cond3A_98 : i32
      scf.if %cond3A_99 {
        %dma_wait3A_211 = arith.constant 0 : i32
        %dma_wait3A_212 = arith.constant 0 : i32
        %dma_wait3A_213 = tpu.memref_slice %arg25[%dma_wait3A_211, %dma_wait3A_212] : memref<10000x128xf32, #tpu.memory_space<vmem_shared>> -> memref<10000x128xf32, #tpu.memory_space<vmem_shared>>
        tpu.wait_indirect_dma semaphore(%arg31 : memref<!tpu.dma_semaphore, #tpu.memory_space<semaphore_mem>>) src(%arg10 : memref<104x128xf32, #tpu.memory_space<vmem>>) dst(%dma_wait3A_213 : memref<10000x128xf32, #tpu.memory_space<vmem_shared>>)
      } else {
      }
      %add3A_100 = arith.constant 208 : i32
      %add3A_101 = arith.addi %add3A_67, %add3A_100 : i32
      %dma_wait3A_102 = tpu.memref_slice %arg3[%add3A_101] : memref<320000xi32, #tpu.memory_space<hbm>> -> memref<104xi32, #tpu.memory_space<hbm>>
      %dma_wait3A_103 = tpu.memref_slice %arg3[%add3A_101] : memref<320000xi32, #tpu.memory_space<hbm>> -> memref<104xi32, #tpu.memory_space<hbm>>
      tpu.wait_dma2 semaphore(%arg34 : memref<!tpu.dma_semaphore, #tpu.memory_space<semaphore_mem>>) src(%dma_wait3A_103 : memref<104xi32, #tpu.memory_space<hbm>>) dst(%arg13 : memref<104xi32, #tpu.memory_space<vmem>>)
      %dma_wait3A_104 = tpu.memref_slice %arg4[%add3A_101] : memref<320000xi32, #tpu.memory_space<hbm>> -> memref<104xi32, #tpu.memory_space<hbm>>
      %dma_wait3A_105 = tpu.memref_slice %arg4[%add3A_101] : memref<320000xi32, #tpu.memory_space<hbm>> -> memref<104xi32, #tpu.memory_space<hbm>>
      tpu.wait_dma2 semaphore(%arg34 : memref<!tpu.dma_semaphore, #tpu.memory_space<semaphore_mem>>) src(%dma_wait3A_105 : memref<104xi32, #tpu.memory_space<hbm>>) dst(%arg19 : memref<104xi32, #tpu.memory_space<vmem>>)
      %dma_start3A_106 = arith.constant 0 : i32
      %dma_start3A_107 = arith.constant 0 : i32
      %dma_start3A_108 = tpu.memref_slice %arg2[%dma_start3A_106, %dma_start3A_107] : memref<10000x128xf32, #tpu.memory_space<hbm>> -> memref<10000x128xf32, #tpu.memory_space<hbm>>
      tpu.enqueue_indirect_dma source(%dma_start3A_108 : memref<10000x128xf32, #tpu.memory_space<hbm>>) target(%arg10 : memref<104x128xf32, #tpu.memory_space<vmem>>) offsets(%arg13 : memref<104xi32, #tpu.memory_space<vmem>>) semaphore(%arg28 : memref<!tpu.dma_semaphore, #tpu.memory_space<semaphore_mem>>)
      %add3A_109 = arith.constant 312 : i32
      %add3A_110 = arith.addi %add3A_67, %add3A_109 : i32
      %dma_start3A_111 = tpu.memref_slice %arg3[%add3A_110] : memref<320000xi32, #tpu.memory_space<hbm>> -> memref<104xi32, #tpu.memory_space<hbm>>
      %dma_start3A_112 = tpu.memref_slice %arg3[%add3A_110] : memref<320000xi32, #tpu.memory_space<hbm>> -> memref<104xi32, #tpu.memory_space<hbm>>
      tpu.enqueue_dma source(%dma_start3A_112 : memref<104xi32, #tpu.memory_space<hbm>>) target(%arg14 : memref<104xi32, #tpu.memory_space<vmem>>) target_semaphore(%arg35 : memref<!tpu.dma_semaphore, #tpu.memory_space<semaphore_mem>>)
      %dma_start3A_113 = tpu.memref_slice %arg4[%add3A_110] : memref<320000xi32, #tpu.memory_space<hbm>> -> memref<104xi32, #tpu.memory_space<hbm>>
      %dma_start3A_114 = tpu.memref_slice %arg4[%add3A_110] : memref<320000xi32, #tpu.memory_space<hbm>> -> memref<104xi32, #tpu.memory_space<hbm>>
      tpu.enqueue_dma source(%dma_start3A_114 : memref<104xi32, #tpu.memory_space<hbm>>) target(%arg20 : memref<104xi32, #tpu.memory_space<vmem>>) target_semaphore(%arg35 : memref<!tpu.dma_semaphore, #tpu.memory_space<semaphore_mem>>)
      %add3A_115 = arith.constant 416 : i32
      %add3A_116 = arith.addi %add3A_67, %add3A_115 : i32
      %dma_start3A_117 = tpu.memref_slice %arg3[%add3A_116] : memref<320000xi32, #tpu.memory_space<hbm>> -> memref<104xi32, #tpu.memory_space<hbm>>
      %dma_start3A_118 = tpu.memref_slice %arg3[%add3A_116] : memref<320000xi32, #tpu.memory_space<hbm>> -> memref<104xi32, #tpu.memory_space<hbm>>
      tpu.enqueue_dma source(%dma_start3A_118 : memref<104xi32, #tpu.memory_space<hbm>>) target(%arg15 : memref<104xi32, #tpu.memory_space<vmem>>) target_semaphore(%arg36 : memref<!tpu.dma_semaphore, #tpu.memory_space<semaphore_mem>>)
      %dma_start3A_119 = tpu.memref_slice %arg4[%add3A_116] : memref<320000xi32, #tpu.memory_space<hbm>> -> memref<104xi32, #tpu.memory_space<hbm>>
      %dma_start3A_120 = tpu.memref_slice %arg4[%add3A_116] : memref<320000xi32, #tpu.memory_space<hbm>> -> memref<104xi32, #tpu.memory_space<hbm>>
      tpu.enqueue_dma source(%dma_start3A_120 : memref<104xi32, #tpu.memory_space<hbm>>) target(%arg21 : memref<104xi32, #tpu.memory_space<vmem>>) target_semaphore(%arg36 : memref<!tpu.dma_semaphore, #tpu.memory_space<semaphore_mem>>)
      %add3A_121 = arith.constant 520 : i32
      %add3A_122 = arith.addi %add3A_67, %add3A_121 : i32
      %dma_start3A_123 = tpu.memref_slice %arg3[%add3A_122] : memref<320000xi32, #tpu.memory_space<hbm>> -> memref<104xi32, #tpu.memory_space<hbm>>
      %dma_start3A_124 = tpu.memref_slice %arg3[%add3A_122] : memref<320000xi32, #tpu.memory_space<hbm>> -> memref<104xi32, #tpu.memory_space<hbm>>
      tpu.enqueue_dma source(%dma_start3A_124 : memref<104xi32, #tpu.memory_space<hbm>>) target(%arg16 : memref<104xi32, #tpu.memory_space<vmem>>) target_semaphore(%arg37 : memref<!tpu.dma_semaphore, #tpu.memory_space<semaphore_mem>>)
      %dma_start3A_125 = tpu.memref_slice %arg4[%add3A_122] : memref<320000xi32, #tpu.memory_space<hbm>> -> memref<104xi32, #tpu.memory_space<hbm>>
      %dma_start3A_126 = tpu.memref_slice %arg4[%add3A_122] : memref<320000xi32, #tpu.memory_space<hbm>> -> memref<104xi32, #tpu.memory_space<hbm>>
      tpu.enqueue_dma source(%dma_start3A_126 : memref<104xi32, #tpu.memory_space<hbm>>) target(%arg22 : memref<104xi32, #tpu.memory_space<vmem>>) target_semaphore(%arg37 : memref<!tpu.dma_semaphore, #tpu.memory_space<semaphore_mem>>)
      %dma_wait3A_127 = arith.constant 0 : i32
      %dma_wait3A_128 = arith.constant 0 : i32
      %dma_wait3A_129 = tpu.memref_slice %arg2[%dma_wait3A_127, %dma_wait3A_128] : memref<10000x128xf32, #tpu.memory_space<hbm>> -> memref<10000x128xf32, #tpu.memory_space<hbm>>
      tpu.wait_indirect_dma semaphore(%arg26 : memref<!tpu.dma_semaphore, #tpu.memory_space<semaphore_mem>>) src(%dma_wait3A_129 : memref<10000x128xf32, #tpu.memory_space<hbm>>) dst(%arg8 : memref<104x128xf32, #tpu.memory_space<vmem>>)
      %dma_start3A_130 = arith.constant 0 : i32
      %dma_start3A_131 = arith.constant 0 : i32
      %dma_start3A_132 = tpu.memref_slice %arg25[%dma_start3A_130, %dma_start3A_131] : memref<10000x128xf32, #tpu.memory_space<vmem_shared>> -> memref<10000x128xf32, #tpu.memory_space<vmem_shared>>
      tpu.enqueue_indirect_dma source(%arg8 : memref<104x128xf32, #tpu.memory_space<vmem>>) target(%dma_start3A_132 : memref<10000x128xf32, #tpu.memory_space<vmem_shared>>) offsets(%arg17 : memref<104xi32, #tpu.memory_space<vmem>>) semaphore(%arg29 : memref<!tpu.dma_semaphore, #tpu.memory_space<semaphore_mem>>) {add = true}
      %dma_wait3A_133 = arith.constant 0 : i32
      %dma_wait3A_134 = arith.constant 0 : i32
      %dma_wait3A_135 = tpu.memref_slice %arg2[%dma_wait3A_133, %dma_wait3A_134] : memref<10000x128xf32, #tpu.memory_space<hbm>> -> memref<10000x128xf32, #tpu.memory_space<hbm>>
      tpu.wait_indirect_dma semaphore(%arg27 : memref<!tpu.dma_semaphore, #tpu.memory_space<semaphore_mem>>) src(%dma_wait3A_135 : memref<10000x128xf32, #tpu.memory_space<hbm>>) dst(%arg9 : memref<104x128xf32, #tpu.memory_space<vmem>>)
      %dma_start3A_136 = arith.constant 0 : i32
      %dma_start3A_137 = arith.constant 0 : i32
      %dma_start3A_138 = tpu.memref_slice %arg25[%dma_start3A_136, %dma_start3A_137] : memref<10000x128xf32, #tpu.memory_space<vmem_shared>> -> memref<10000x128xf32, #tpu.memory_space<vmem_shared>>
      tpu.enqueue_indirect_dma source(%arg9 : memref<104x128xf32, #tpu.memory_space<vmem>>) target(%dma_start3A_138 : memref<10000x128xf32, #tpu.memory_space<vmem_shared>>) offsets(%arg18 : memref<104xi32, #tpu.memory_space<vmem>>) semaphore(%arg30 : memref<!tpu.dma_semaphore, #tpu.memory_space<semaphore_mem>>) {add = true}
      %dma_wait3A_139 = arith.constant 0 : i32
      %dma_wait3A_140 = arith.constant 0 : i32
      %dma_wait3A_141 = tpu.memref_slice %arg2[%dma_wait3A_139, %dma_wait3A_140] : memref<10000x128xf32, #tpu.memory_space<hbm>> -> memref<10000x128xf32, #tpu.memory_space<hbm>>
      tpu.wait_indirect_dma semaphore(%arg28 : memref<!tpu.dma_semaphore, #tpu.memory_space<semaphore_mem>>) src(%dma_wait3A_141 : memref<10000x128xf32, #tpu.memory_space<hbm>>) dst(%arg10 : memref<104x128xf32, #tpu.memory_space<vmem>>)
      %dma_start3A_142 = arith.constant 0 : i32
      %dma_start3A_143 = arith.constant 0 : i32
      %dma_start3A_144 = tpu.memref_slice %arg25[%dma_start3A_142, %dma_start3A_143] : memref<10000x128xf32, #tpu.memory_space<vmem_shared>> -> memref<10000x128xf32, #tpu.memory_space<vmem_shared>>
      tpu.enqueue_indirect_dma source(%arg10 : memref<104x128xf32, #tpu.memory_space<vmem>>) target(%dma_start3A_144 : memref<10000x128xf32, #tpu.memory_space<vmem_shared>>) offsets(%arg19 : memref<104xi32, #tpu.memory_space<vmem>>) semaphore(%arg31 : memref<!tpu.dma_semaphore, #tpu.memory_space<semaphore_mem>>) {add = true}
      %mul3A_145 = arith.constant 2 : i32
      %mul3A_146 = arith.muli %mul3A_145, %scan3A_59 : i32
      %add3A_147 = arith.constant 1 : i32
      %add3A_148 = arith.addi %mul3A_146, %add3A_147 : i32
      %mul3A_149 = arith.constant 312 : i32
      %mul3A_150 = arith.muli %add3A_148, %mul3A_149 : i32
      %add3A_151 = arith.addi %add3A, %mul3A_150 : i32
      %dma_wait3A_152 = arith.constant 0 : i32
      %dma_wait3A_153 = arith.constant 0 : i32
      %dma_wait3A_154 = tpu.memref_slice %arg25[%dma_wait3A_152, %dma_wait3A_153] : memref<10000x128xf32, #tpu.memory_space<vmem_shared>> -> memref<10000x128xf32, #tpu.memory_space<vmem_shared>>
      tpu.wait_indirect_dma semaphore(%arg29 : memref<!tpu.dma_semaphore, #tpu.memory_space<semaphore_mem>>) src(%arg8 : memref<104x128xf32, #tpu.memory_space<vmem>>) dst(%dma_wait3A_154 : memref<10000x128xf32, #tpu.memory_space<vmem_shared>>)
      %add3A_155 = arith.constant 0 : i32
      %add3A_156 = arith.addi %add3A_151, %add3A_155 : i32
      %dma_wait3A_157 = tpu.memref_slice %arg3[%add3A_156] : memref<320000xi32, #tpu.memory_space<hbm>> -> memref<104xi32, #tpu.memory_space<hbm>>
      %dma_wait3A_158 = tpu.memref_slice %arg3[%add3A_156] : memref<320000xi32, #tpu.memory_space<hbm>> -> memref<104xi32, #tpu.memory_space<hbm>>
      tpu.wait_dma2 semaphore(%arg35 : memref<!tpu.dma_semaphore, #tpu.memory_space<semaphore_mem>>) src(%dma_wait3A_158 : memref<104xi32, #tpu.memory_space<hbm>>) dst(%arg14 : memref<104xi32, #tpu.memory_space<vmem>>)
      %dma_wait3A_159 = tpu.memref_slice %arg4[%add3A_156] : memref<320000xi32, #tpu.memory_space<hbm>> -> memref<104xi32, #tpu.memory_space<hbm>>
      %dma_wait3A_160 = tpu.memref_slice %arg4[%add3A_156] : memref<320000xi32, #tpu.memory_space<hbm>> -> memref<104xi32, #tpu.memory_space<hbm>>
      tpu.wait_dma2 semaphore(%arg35 : memref<!tpu.dma_semaphore, #tpu.memory_space<semaphore_mem>>) src(%dma_wait3A_160 : memref<104xi32, #tpu.memory_space<hbm>>) dst(%arg20 : memref<104xi32, #tpu.memory_space<vmem>>)
      %dma_start3A_161 = arith.constant 0 : i32
      %dma_start3A_162 = arith.constant 0 : i32
      %dma_start3A_163 = tpu.memref_slice %arg2[%dma_start3A_161, %dma_start3A_162] : memref<10000x128xf32, #tpu.memory_space<hbm>> -> memref<10000x128xf32, #tpu.memory_space<hbm>>
      tpu.enqueue_indirect_dma source(%dma_start3A_163 : memref<10000x128xf32, #tpu.memory_space<hbm>>) target(%arg8 : memref<104x128xf32, #tpu.memory_space<vmem>>) offsets(%arg14 : memref<104xi32, #tpu.memory_space<vmem>>) semaphore(%arg26 : memref<!tpu.dma_semaphore, #tpu.memory_space<semaphore_mem>>)
      %dma_wait3A_164 = arith.constant 0 : i32
      %dma_wait3A_165 = arith.constant 0 : i32
      %dma_wait3A_166 = tpu.memref_slice %arg25[%dma_wait3A_164, %dma_wait3A_165] : memref<10000x128xf32, #tpu.memory_space<vmem_shared>> -> memref<10000x128xf32, #tpu.memory_space<vmem_shared>>
      tpu.wait_indirect_dma semaphore(%arg30 : memref<!tpu.dma_semaphore, #tpu.memory_space<semaphore_mem>>) src(%arg9 : memref<104x128xf32, #tpu.memory_space<vmem>>) dst(%dma_wait3A_166 : memref<10000x128xf32, #tpu.memory_space<vmem_shared>>)
      %add3A_167 = arith.constant 104 : i32
      %add3A_168 = arith.addi %add3A_151, %add3A_167 : i32
      %dma_wait3A_169 = tpu.memref_slice %arg3[%add3A_168] : memref<320000xi32, #tpu.memory_space<hbm>> -> memref<104xi32, #tpu.memory_space<hbm>>
      %dma_wait3A_170 = tpu.memref_slice %arg3[%add3A_168] : memref<320000xi32, #tpu.memory_space<hbm>> -> memref<104xi32, #tpu.memory_space<hbm>>
      tpu.wait_dma2 semaphore(%arg36 : memref<!tpu.dma_semaphore, #tpu.memory_space<semaphore_mem>>) src(%dma_wait3A_170 : memref<104xi32, #tpu.memory_space<hbm>>) dst(%arg15 : memref<104xi32, #tpu.memory_space<vmem>>)
      %dma_wait3A_171 = tpu.memref_slice %arg4[%add3A_168] : memref<320000xi32, #tpu.memory_space<hbm>> -> memref<104xi32, #tpu.memory_space<hbm>>
      %dma_wait3A_172 = tpu.memref_slice %arg4[%add3A_168] : memref<320000xi32, #tpu.memory_space<hbm>> -> memref<104xi32, #tpu.memory_space<hbm>>
      tpu.wait_dma2 semaphore(%arg36 : memref<!tpu.dma_semaphore, #tpu.memory_space<semaphore_mem>>) src(%dma_wait3A_172 : memref<104xi32, #tpu.memory_space<hbm>>) dst(%arg21 : memref<104xi32, #tpu.memory_space<vmem>>)
      %dma_start3A_173 = arith.constant 0 : i32
      %dma_start3A_174 = arith.constant 0 : i32
      %dma_start3A_175 = tpu.memref_slice %arg2[%dma_start3A_173, %dma_start3A_174] : memref<10000x128xf32, #tpu.memory_space<hbm>> -> memref<10000x128xf32, #tpu.memory_space<hbm>>
      tpu.enqueue_indirect_dma source(%dma_start3A_175 : memref<10000x128xf32, #tpu.memory_space<hbm>>) target(%arg9 : memref<104x128xf32, #tpu.memory_space<vmem>>) offsets(%arg15 : memref<104xi32, #tpu.memory_space<vmem>>) semaphore(%arg27 : memref<!tpu.dma_semaphore, #tpu.memory_space<semaphore_mem>>)
      %dma_wait3A_176 = arith.constant 0 : i32
      %dma_wait3A_177 = arith.constant 0 : i32
      %dma_wait3A_178 = tpu.memref_slice %arg25[%dma_wait3A_176, %dma_wait3A_177] : memref<10000x128xf32, #tpu.memory_space<vmem_shared>> -> memref<10000x128xf32, #tpu.memory_space<vmem_shared>>
      tpu.wait_indirect_dma semaphore(%arg31 : memref<!tpu.dma_semaphore, #tpu.memory_space<semaphore_mem>>) src(%arg10 : memref<104x128xf32, #tpu.memory_space<vmem>>) dst(%dma_wait3A_178 : memref<10000x128xf32, #tpu.memory_space<vmem_shared>>)
      %add3A_179 = arith.constant 208 : i32
      %add3A_180 = arith.addi %add3A_151, %add3A_179 : i32
      %dma_wait3A_181 = tpu.memref_slice %arg3[%add3A_180] : memref<320000xi32, #tpu.memory_space<hbm>> -> memref<104xi32, #tpu.memory_space<hbm>>
      %dma_wait3A_182 = tpu.memref_slice %arg3[%add3A_180] : memref<320000xi32, #tpu.memory_space<hbm>> -> memref<104xi32, #tpu.memory_space<hbm>>
      tpu.wait_dma2 semaphore(%arg37 : memref<!tpu.dma_semaphore, #tpu.memory_space<semaphore_mem>>) src(%dma_wait3A_182 : memref<104xi32, #tpu.memory_space<hbm>>) dst(%arg16 : memref<104xi32, #tpu.memory_space<vmem>>)
      %dma_wait3A_183 = tpu.memref_slice %arg4[%add3A_180] : memref<320000xi32, #tpu.memory_space<hbm>> -> memref<104xi32, #tpu.memory_space<hbm>>
      %dma_wait3A_184 = tpu.memref_slice %arg4[%add3A_180] : memref<320000xi32, #tpu.memory_space<hbm>> -> memref<104xi32, #tpu.memory_space<hbm>>
      tpu.wait_dma2 semaphore(%arg37 : memref<!tpu.dma_semaphore, #tpu.memory_space<semaphore_mem>>) src(%dma_wait3A_184 : memref<104xi32, #tpu.memory_space<hbm>>) dst(%arg22 : memref<104xi32, #tpu.memory_space<vmem>>)
      %dma_start3A_185 = arith.constant 0 : i32
      %dma_start3A_186 = arith.constant 0 : i32
      %dma_start3A_187 = tpu.memref_slice %arg2[%dma_start3A_185, %dma_start3A_186] : memref<10000x128xf32, #tpu.memory_space<hbm>> -> memref<10000x128xf32, #tpu.memory_space<hbm>>
      tpu.enqueue_indirect_dma source(%dma_start3A_187 : memref<10000x128xf32, #tpu.memory_space<hbm>>) target(%arg10 : memref<104x128xf32, #tpu.memory_space<vmem>>) offsets(%arg16 : memref<104xi32, #tpu.memory_space<vmem>>) semaphore(%arg28 : memref<!tpu.dma_semaphore, #tpu.memory_space<semaphore_mem>>)
      %lt3A = arith.constant 15 : i32
      %lt3A_188 = arith.cmpi slt, %scan3A_59, %lt3A : i32
      %convert_element_type3A_189 = arith.extui %lt3A_188 : i1 to i32
      %cond3A_190 = arith.constant 0 : i32
      %cond3A_191 = arith.cmpi ne, %convert_element_type3A_189, %cond3A_190 : i32
      scf.if %cond3A_191 {
        %add3A_211 = arith.constant 312 : i32
        %add3A_212 = arith.addi %add3A_151, %add3A_211 : i32
        %dma_start3A_213 = tpu.memref_slice %arg3[%add3A_212] : memref<320000xi32, #tpu.memory_space<hbm>> -> memref<104xi32, #tpu.memory_space<hbm>>
        %dma_start3A_214 = tpu.memref_slice %arg3[%add3A_212] : memref<320000xi32, #tpu.memory_space<hbm>> -> memref<104xi32, #tpu.memory_space<hbm>>
        tpu.enqueue_dma source(%dma_start3A_214 : memref<104xi32, #tpu.memory_space<hbm>>) target(%arg11 : memref<104xi32, #tpu.memory_space<vmem>>) target_semaphore(%arg32 : memref<!tpu.dma_semaphore, #tpu.memory_space<semaphore_mem>>)
        %dma_start3A_215 = tpu.memref_slice %arg4[%add3A_212] : memref<320000xi32, #tpu.memory_space<hbm>> -> memref<104xi32, #tpu.memory_space<hbm>>
        %dma_start3A_216 = tpu.memref_slice %arg4[%add3A_212] : memref<320000xi32, #tpu.memory_space<hbm>> -> memref<104xi32, #tpu.memory_space<hbm>>
        tpu.enqueue_dma source(%dma_start3A_216 : memref<104xi32, #tpu.memory_space<hbm>>) target(%arg17 : memref<104xi32, #tpu.memory_space<vmem>>) target_semaphore(%arg32 : memref<!tpu.dma_semaphore, #tpu.memory_space<semaphore_mem>>)
        %add3A_217 = arith.constant 416 : i32
        %add3A_218 = arith.addi %add3A_151, %add3A_217 : i32
        %dma_start3A_219 = tpu.memref_slice %arg3[%add3A_218] : memref<320000xi32, #tpu.memory_space<hbm>> -> memref<104xi32, #tpu.memory_space<hbm>>
        %dma_start3A_220 = tpu.memref_slice %arg3[%add3A_218] : memref<320000xi32, #tpu.memory_space<hbm>> -> memref<104xi32, #tpu.memory_space<hbm>>
        tpu.enqueue_dma source(%dma_start3A_220 : memref<104xi32, #tpu.memory_space<hbm>>) target(%arg12 : memref<104xi32, #tpu.memory_space<vmem>>) target_semaphore(%arg33 : memref<!tpu.dma_semaphore, #tpu.memory_space<semaphore_mem>>)
        %dma_start3A_221 = tpu.memref_slice %arg4[%add3A_218] : memref<320000xi32, #tpu.memory_space<hbm>> -> memref<104xi32, #tpu.memory_space<hbm>>
        %dma_start3A_222 = tpu.memref_slice %arg4[%add3A_218] : memref<320000xi32, #tpu.memory_space<hbm>> -> memref<104xi32, #tpu.memory_space<hbm>>
        tpu.enqueue_dma source(%dma_start3A_222 : memref<104xi32, #tpu.memory_space<hbm>>) target(%arg18 : memref<104xi32, #tpu.memory_space<vmem>>) target_semaphore(%arg33 : memref<!tpu.dma_semaphore, #tpu.memory_space<semaphore_mem>>)
        %add3A_223 = arith.constant 520 : i32
        %add3A_224 = arith.addi %add3A_151, %add3A_223 : i32
        %dma_start3A_225 = tpu.memref_slice %arg3[%add3A_224] : memref<320000xi32, #tpu.memory_space<hbm>> -> memref<104xi32, #tpu.memory_space<hbm>>
        %dma_start3A_226 = tpu.memref_slice %arg3[%add3A_224] : memref<320000xi32, #tpu.memory_space<hbm>> -> memref<104xi32, #tpu.memory_space<hbm>>
        tpu.enqueue_dma source(%dma_start3A_226 : memref<104xi32, #tpu.memory_space<hbm>>) target(%arg13 : memref<104xi32, #tpu.memory_space<vmem>>) target_semaphore(%arg34 : memref<!tpu.dma_semaphore, #tpu.memory_space<semaphore_mem>>)
        %dma_start3A_227 = tpu.memref_slice %arg4[%add3A_224] : memref<320000xi32, #tpu.memory_space<hbm>> -> memref<104xi32, #tpu.memory_space<hbm>>
        %dma_start3A_228 = tpu.memref_slice %arg4[%add3A_224] : memref<320000xi32, #tpu.memory_space<hbm>> -> memref<104xi32, #tpu.memory_space<hbm>>
        tpu.enqueue_dma source(%dma_start3A_228 : memref<104xi32, #tpu.memory_space<hbm>>) target(%arg19 : memref<104xi32, #tpu.memory_space<vmem>>) target_semaphore(%arg34 : memref<!tpu.dma_semaphore, #tpu.memory_space<semaphore_mem>>)
      } else {
      }
      %dma_wait3A_192 = arith.constant 0 : i32
      %dma_wait3A_193 = arith.constant 0 : i32
      %dma_wait3A_194 = tpu.memref_slice %arg2[%dma_wait3A_192, %dma_wait3A_193] : memref<10000x128xf32, #tpu.memory_space<hbm>> -> memref<10000x128xf32, #tpu.memory_space<hbm>>
      tpu.wait_indirect_dma semaphore(%arg26 : memref<!tpu.dma_semaphore, #tpu.memory_space<semaphore_mem>>) src(%dma_wait3A_194 : memref<10000x128xf32, #tpu.memory_space<hbm>>) dst(%arg8 : memref<104x128xf32, #tpu.memory_space<vmem>>)
      %dma_start3A_195 = arith.constant 0 : i32
      %dma_start3A_196 = arith.constant 0 : i32
      %dma_start3A_197 = tpu.memref_slice %arg25[%dma_start3A_195, %dma_start3A_196] : memref<10000x128xf32, #tpu.memory_space<vmem_shared>> -> memref<10000x128xf32, #tpu.memory_space<vmem_shared>>
      tpu.enqueue_indirect_dma source(%arg8 : memref<104x128xf32, #tpu.memory_space<vmem>>) target(%dma_start3A_197 : memref<10000x128xf32, #tpu.memory_space<vmem_shared>>) offsets(%arg20 : memref<104xi32, #tpu.memory_space<vmem>>) semaphore(%arg29 : memref<!tpu.dma_semaphore, #tpu.memory_space<semaphore_mem>>) {add = true}
      %dma_wait3A_198 = arith.constant 0 : i32
      %dma_wait3A_199 = arith.constant 0 : i32
      %dma_wait3A_200 = tpu.memref_slice %arg2[%dma_wait3A_198, %dma_wait3A_199] : memref<10000x128xf32, #tpu.memory_space<hbm>> -> memref<10000x128xf32, #tpu.memory_space<hbm>>
      tpu.wait_indirect_dma semaphore(%arg27 : memref<!tpu.dma_semaphore, #tpu.memory_space<semaphore_mem>>) src(%dma_wait3A_200 : memref<10000x128xf32, #tpu.memory_space<hbm>>) dst(%arg9 : memref<104x128xf32, #tpu.memory_space<vmem>>)
      %dma_start3A_201 = arith.constant 0 : i32
      %dma_start3A_202 = arith.constant 0 : i32
      %dma_start3A_203 = tpu.memref_slice %arg25[%dma_start3A_201, %dma_start3A_202] : memref<10000x128xf32, #tpu.memory_space<vmem_shared>> -> memref<10000x128xf32, #tpu.memory_space<vmem_shared>>
      tpu.enqueue_indirect_dma source(%arg9 : memref<104x128xf32, #tpu.memory_space<vmem>>) target(%dma_start3A_203 : memref<10000x128xf32, #tpu.memory_space<vmem_shared>>) offsets(%arg21 : memref<104xi32, #tpu.memory_space<vmem>>) semaphore(%arg30 : memref<!tpu.dma_semaphore, #tpu.memory_space<semaphore_mem>>) {add = true}
      %dma_wait3A_204 = arith.constant 0 : i32
      %dma_wait3A_205 = arith.constant 0 : i32
      %dma_wait3A_206 = tpu.memref_slice %arg2[%dma_wait3A_204, %dma_wait3A_205] : memref<10000x128xf32, #tpu.memory_space<hbm>> -> memref<10000x128xf32, #tpu.memory_space<hbm>>
      tpu.wait_indirect_dma semaphore(%arg28 : memref<!tpu.dma_semaphore, #tpu.memory_space<semaphore_mem>>) src(%dma_wait3A_206 : memref<10000x128xf32, #tpu.memory_space<hbm>>) dst(%arg10 : memref<104x128xf32, #tpu.memory_space<vmem>>)
      %dma_start3A_207 = arith.constant 0 : i32
      %dma_start3A_208 = arith.constant 0 : i32
      %dma_start3A_209 = tpu.memref_slice %arg25[%dma_start3A_207, %dma_start3A_208] : memref<10000x128xf32, #tpu.memory_space<vmem_shared>> -> memref<10000x128xf32, #tpu.memory_space<vmem_shared>>
      tpu.enqueue_indirect_dma source(%arg10 : memref<104x128xf32, #tpu.memory_space<vmem>>) target(%dma_start3A_209 : memref<10000x128xf32, #tpu.memory_space<vmem_shared>>) offsets(%arg22 : memref<104xi32, #tpu.memory_space<vmem>>) semaphore(%arg31 : memref<!tpu.dma_semaphore, #tpu.memory_space<semaphore_mem>>) {add = true}
      %scan3A_210 = arith.constant 0 : i32
      scf.yield %scan3A_210 : i32
    }
    %scan3A_28 = arith.constant 16 : i32
    %dma_wait3A = arith.constant 0 : i32
    %dma_wait3A_29 = arith.constant 0 : i32
    %dma_wait3A_30 = tpu.memref_slice %arg25[%dma_wait3A, %dma_wait3A_29] : memref<10000x128xf32, #tpu.memory_space<vmem_shared>> -> memref<10000x128xf32, #tpu.memory_space<vmem_shared>>
    tpu.wait_indirect_dma semaphore(%arg29 : memref<!tpu.dma_semaphore, #tpu.memory_space<semaphore_mem>>) src(%arg8 : memref<104x128xf32, #tpu.memory_space<vmem>>) dst(%dma_wait3A_30 : memref<10000x128xf32, #tpu.memory_space<vmem_shared>>)
    %dma_wait3A_31 = arith.constant 0 : i32
    %dma_wait3A_32 = arith.constant 0 : i32
    %dma_wait3A_33 = tpu.memref_slice %arg25[%dma_wait3A_31, %dma_wait3A_32] : memref<10000x128xf32, #tpu.memory_space<vmem_shared>> -> memref<10000x128xf32, #tpu.memory_space<vmem_shared>>
    tpu.wait_indirect_dma semaphore(%arg30 : memref<!tpu.dma_semaphore, #tpu.memory_space<semaphore_mem>>) src(%arg9 : memref<104x128xf32, #tpu.memory_space<vmem>>) dst(%dma_wait3A_33 : memref<10000x128xf32, #tpu.memory_space<vmem_shared>>)
    %dma_wait3A_34 = arith.constant 0 : i32
    %dma_wait3A_35 = arith.constant 0 : i32
    %dma_wait3A_36 = tpu.memref_slice %arg25[%dma_wait3A_34, %dma_wait3A_35] : memref<10000x128xf32, #tpu.memory_space<vmem_shared>> -> memref<10000x128xf32, #tpu.memory_space<vmem_shared>>
    tpu.wait_indirect_dma semaphore(%arg31 : memref<!tpu.dma_semaphore, #tpu.memory_space<semaphore_mem>>) src(%arg10 : memref<104x128xf32, #tpu.memory_space<vmem>>) dst(%dma_wait3A_36 : memref<10000x128xf32, #tpu.memory_space<vmem_shared>>)
    %add3A_37 = arith.constant 9984 : i32
    %add3A_38 = arith.addi %add3A, %add3A_37 : i32
    "tpu.region"() ({
      %run_scoped3A = tpu.sem_alloc : memref<!tpu.dma_semaphore, #tpu.memory_space<semaphore_mem>>
      %dma_start3A_59 = tpu.memref_slice %arg3[%add3A_38] : memref<320000xi32, #tpu.memory_space<hbm>> -> memref<16xi32, #tpu.memory_space<hbm>>
      %dma_start3A_60 = tpu.memref_slice %arg3[%add3A_38] : memref<320000xi32, #tpu.memory_space<hbm>> -> memref<16xi32, #tpu.memory_space<hbm>>
      tpu.enqueue_dma source(%dma_start3A_60 : memref<16xi32, #tpu.memory_space<hbm>>) target(%arg23 : memref<16xi32, #tpu.memory_space<vmem>>) target_semaphore(%run_scoped3A : memref<!tpu.dma_semaphore, #tpu.memory_space<semaphore_mem>>)
      %dma_wait3A_61 = tpu.memref_slice %arg3[%add3A_38] : memref<320000xi32, #tpu.memory_space<hbm>> -> memref<16xi32, #tpu.memory_space<hbm>>
      %dma_wait3A_62 = tpu.memref_slice %arg3[%add3A_38] : memref<320000xi32, #tpu.memory_space<hbm>> -> memref<16xi32, #tpu.memory_space<hbm>>
      tpu.wait_dma2 semaphore(%run_scoped3A : memref<!tpu.dma_semaphore, #tpu.memory_space<semaphore_mem>>) src(%dma_wait3A_62 : memref<16xi32, #tpu.memory_space<hbm>>) dst(%arg23 : memref<16xi32, #tpu.memory_space<vmem>>)
      tpu.yield
    }) : () -> ()
    "tpu.region"() ({
      %run_scoped3A = tpu.sem_alloc : memref<!tpu.dma_semaphore, #tpu.memory_space<semaphore_mem>>
      %dma_start3A_59 = tpu.memref_slice %arg4[%add3A_38] : memref<320000xi32, #tpu.memory_space<hbm>> -> memref<16xi32, #tpu.memory_space<hbm>>
      %dma_start3A_60 = tpu.memref_slice %arg4[%add3A_38] : memref<320000xi32, #tpu.memory_space<hbm>> -> memref<16xi32, #tpu.memory_space<hbm>>
      tpu.enqueue_dma source(%dma_start3A_60 : memref<16xi32, #tpu.memory_space<hbm>>) target(%arg24 : memref<16xi32, #tpu.memory_space<vmem>>) target_semaphore(%run_scoped3A : memref<!tpu.dma_semaphore, #tpu.memory_space<semaphore_mem>>)
      %dma_wait3A_61 = tpu.memref_slice %arg4[%add3A_38] : memref<320000xi32, #tpu.memory_space<hbm>> -> memref<16xi32, #tpu.memory_space<hbm>>
      %dma_wait3A_62 = tpu.memref_slice %arg4[%add3A_38] : memref<320000xi32, #tpu.memory_space<hbm>> -> memref<16xi32, #tpu.memory_space<hbm>>
      tpu.wait_dma2 semaphore(%run_scoped3A : memref<!tpu.dma_semaphore, #tpu.memory_space<semaphore_mem>>) src(%dma_wait3A_62 : memref<16xi32, #tpu.memory_space<hbm>>) dst(%arg24 : memref<16xi32, #tpu.memory_space<vmem>>)
      tpu.yield
    }) : () -> ()
    %dma_start3A_39 = arith.constant 0 : i32
    %dma_start3A_40 = arith.constant 0 : i32
    %dma_start3A_41 = tpu.memref_slice %arg8[%dma_start3A_39, %dma_start3A_40] : memref<104x128xf32, #tpu.memory_space<vmem>> -> memref<16x128xf32, #tpu.memory_space<vmem>>
    %dma_start3A_42 = arith.constant 0 : i32
    %dma_start3A_43 = arith.constant 0 : i32
    %dma_start3A_44 = tpu.memref_slice %arg2[%dma_start3A_42, %dma_start3A_43] : memref<10000x128xf32, #tpu.memory_space<hbm>> -> memref<10000x128xf32, #tpu.memory_space<hbm>>
    tpu.enqueue_indirect_dma source(%dma_start3A_44 : memref<10000x128xf32, #tpu.memory_space<hbm>>) target(%dma_start3A_41 : memref<16x128xf32, #tpu.memory_space<vmem>>) offsets(%arg23 : memref<16xi32, #tpu.memory_space<vmem>>) semaphore(%arg26 : memref<!tpu.dma_semaphore, #tpu.memory_space<semaphore_mem>>)
    %dma_wait3A_45 = arith.constant 0 : i32
    %dma_wait3A_46 = arith.constant 0 : i32
    %dma_wait3A_47 = tpu.memref_slice %arg8[%dma_wait3A_45, %dma_wait3A_46] : memref<104x128xf32, #tpu.memory_space<vmem>> -> memref<16x128xf32, #tpu.memory_space<vmem>>
    %dma_wait3A_48 = arith.constant 0 : i32
    %dma_wait3A_49 = arith.constant 0 : i32
    %dma_wait3A_50 = tpu.memref_slice %arg2[%dma_wait3A_48, %dma_wait3A_49] : memref<10000x128xf32, #tpu.memory_space<hbm>> -> memref<10000x128xf32, #tpu.memory_space<hbm>>
    tpu.wait_indirect_dma semaphore(%arg26 : memref<!tpu.dma_semaphore, #tpu.memory_space<semaphore_mem>>) src(%dma_wait3A_50 : memref<10000x128xf32, #tpu.memory_space<hbm>>) dst(%dma_wait3A_47 : memref<16x128xf32, #tpu.memory_space<vmem>>)
    "tpu.region"() ({
      %run_scoped3A = tpu.sem_alloc : memref<!tpu.dma_semaphore, #tpu.memory_space<semaphore_mem>>
      %dma_start3A_59 = arith.constant 0 : i32
      %dma_start3A_60 = arith.constant 0 : i32
      %dma_start3A_61 = tpu.memref_slice %arg8[%dma_start3A_59, %dma_start3A_60] : memref<104x128xf32, #tpu.memory_space<vmem>> -> memref<16x128xf32, #tpu.memory_space<vmem>>
      %dma_start3A_62 = arith.constant 0 : i32
      %dma_start3A_63 = arith.constant 0 : i32
      %dma_start3A_64 = tpu.memref_slice %arg25[%dma_start3A_62, %dma_start3A_63] : memref<10000x128xf32, #tpu.memory_space<vmem_shared>> -> memref<10000x128xf32, #tpu.memory_space<vmem_shared>>
      tpu.enqueue_indirect_dma source(%dma_start3A_61 : memref<16x128xf32, #tpu.memory_space<vmem>>) target(%dma_start3A_64 : memref<10000x128xf32, #tpu.memory_space<vmem_shared>>) offsets(%arg24 : memref<16xi32, #tpu.memory_space<vmem>>) semaphore(%run_scoped3A : memref<!tpu.dma_semaphore, #tpu.memory_space<semaphore_mem>>) {add = true}
      %dma_wait3A_65 = arith.constant 0 : i32
      %dma_wait3A_66 = arith.constant 0 : i32
      %dma_wait3A_67 = tpu.memref_slice %arg8[%dma_wait3A_65, %dma_wait3A_66] : memref<104x128xf32, #tpu.memory_space<vmem>> -> memref<16x128xf32, #tpu.memory_space<vmem>>
      %dma_wait3A_68 = arith.constant 0 : i32
      %dma_wait3A_69 = arith.constant 0 : i32
      %dma_wait3A_70 = tpu.memref_slice %arg25[%dma_wait3A_68, %dma_wait3A_69] : memref<10000x128xf32, #tpu.memory_space<vmem_shared>> -> memref<10000x128xf32, #tpu.memory_space<vmem_shared>>
      tpu.wait_indirect_dma semaphore(%run_scoped3A : memref<!tpu.dma_semaphore, #tpu.memory_space<semaphore_mem>>) src(%dma_wait3A_67 : memref<16x128xf32, #tpu.memory_space<vmem>>) dst(%dma_wait3A_70 : memref<10000x128xf32, #tpu.memory_space<vmem_shared>>)
      tpu.yield
    }) : () -> ()
    %barrier3A_51 = arith.constant 0 : index
    tpu.barrier barrier_id(%barrier3A_51)
    %eq3A = arith.constant 0 : i32
    %eq3A_52 = arith.cmpi eq, %arg0, %eq3A : i32
    %convert_element_type3A = arith.extui %eq3A_52 : i1 to i32
    %cond3A = arith.constant 0 : i32
    %cond3A_53 = arith.cmpi ne, %convert_element_type3A, %cond3A : i32
    scf.if %cond3A_53 {
      "tpu.region"() ({
        %run_scoped3A = tpu.sem_alloc : memref<!tpu.dma_semaphore, #tpu.memory_space<semaphore_mem>>
        %dma_start3A_59 = arith.constant 0 : i32
        %dma_start3A_60 = tpu.memref_slice %arg6[%min3A_22, %dma_start3A_59] : memref<10000x128xf32, #tpu.memory_space<hbm>> -> memref<632x128xf32, #tpu.memory_space<hbm>>
        %dma_start3A_61 = arith.constant 0 : i32
        %dma_start3A_62 = tpu.memref_slice %arg25[%min3A_22, %dma_start3A_61] : memref<10000x128xf32, #tpu.memory_space<vmem_shared>> -> memref<632x128xf32, #tpu.memory_space<vmem_shared>>
        tpu.enqueue_dma source(%dma_start3A_62 : memref<632x128xf32, #tpu.memory_space<vmem_shared>>) target(%dma_start3A_60 : memref<632x128xf32, #tpu.memory_space<hbm>>) target_semaphore(%run_scoped3A : memref<!tpu.dma_semaphore, #tpu.memory_space<semaphore_mem>>)
        %dma_wait3A_63 = arith.constant 0 : i32
        %dma_wait3A_64 = tpu.memref_slice %arg6[%min3A_22, %dma_wait3A_63] : memref<10000x128xf32, #tpu.memory_space<hbm>> -> memref<632x128xf32, #tpu.memory_space<hbm>>
        %dma_wait3A_65 = arith.constant 0 : i32
        %dma_wait3A_66 = tpu.memref_slice %arg25[%min3A_22, %dma_wait3A_65] : memref<10000x128xf32, #tpu.memory_space<vmem_shared>> -> memref<632x128xf32, #tpu.memory_space<vmem_shared>>
        tpu.wait_dma2 semaphore(%run_scoped3A : memref<!tpu.dma_semaphore, #tpu.memory_space<semaphore_mem>>) src(%dma_wait3A_66 : memref<632x128xf32, #tpu.memory_space<vmem_shared>>) dst(%dma_wait3A_64 : memref<632x128xf32, #tpu.memory_space<hbm>>)
        tpu.yield
      }) : () -> ()
    } else {
    }
    %eq3A_54 = arith.constant 1 : i32
    %eq3A_55 = arith.cmpi eq, %arg0, %eq3A_54 : i32
    %convert_element_type3A_56 = arith.extui %eq3A_55 : i1 to i32
    %cond3A_57 = arith.constant 0 : i32
    %cond3A_58 = arith.cmpi ne, %convert_element_type3A_56, %cond3A_57 : i32
    scf.if %cond3A_58 {
      "tpu.region"() ({
        %run_scoped3A = tpu.sem_alloc : memref<!tpu.dma_semaphore, #tpu.memory_space<semaphore_mem>>
        %dma_start3A_59 = arith.constant 0 : i32
        %dma_start3A_60 = tpu.memref_slice %arg7[%min3A_22, %dma_start3A_59] : memref<10000x128xf32, #tpu.memory_space<hbm>> -> memref<632x128xf32, #tpu.memory_space<hbm>>
        %dma_start3A_61 = arith.constant 0 : i32
        %dma_start3A_62 = tpu.memref_slice %arg25[%min3A_22, %dma_start3A_61] : memref<10000x128xf32, #tpu.memory_space<vmem_shared>> -> memref<632x128xf32, #tpu.memory_space<vmem_shared>>
        tpu.enqueue_dma source(%dma_start3A_62 : memref<632x128xf32, #tpu.memory_space<vmem_shared>>) target(%dma_start3A_60 : memref<632x128xf32, #tpu.memory_space<hbm>>) target_semaphore(%run_scoped3A : memref<!tpu.dma_semaphore, #tpu.memory_space<semaphore_mem>>)
        %dma_wait3A_63 = arith.constant 0 : i32
        %dma_wait3A_64 = tpu.memref_slice %arg7[%min3A_22, %dma_wait3A_63] : memref<10000x128xf32, #tpu.memory_space<hbm>> -> memref<632x128xf32, #tpu.memory_space<hbm>>
        %dma_wait3A_65 = arith.constant 0 : i32
        %dma_wait3A_66 = tpu.memref_slice %arg25[%min3A_22, %dma_wait3A_65] : memref<10000x128xf32, #tpu.memory_space<vmem_shared>> -> memref<632x128xf32, #tpu.memory_space<vmem_shared>>
        tpu.wait_dma2 semaphore(%run_scoped3A : memref<!tpu.dma_semaphore, #tpu.memory_space<semaphore_mem>>) src(%dma_wait3A_66 : memref<632x128xf32, #tpu.memory_space<vmem_shared>>) dst(%dma_wait3A_64 : memref<632x128xf32, #tpu.memory_space<hbm>>)
        tpu.yield
      }) : () -> ()
    } else {
    }
    return
  }
}

#map = affine_map<(d0, d1) -> (0, 0)>
#map1 = affine_map<(d0, d1) -> (0)>
module attributes {stable_mosaic.version = 14 : i64} {
  func.func @_sc_agg(%arg0: i32, %arg1: i32, %arg2: memref<10000x128xf32, #tpu.memory_space<hbm>>, %arg3: memref<320000xi32, #tpu.memory_space<hbm>>, %arg4: memref<320000xi32, #tpu.memory_space<hbm>>, %arg5: memref<10000x128xf32, #tpu.memory_space<hbm>>, %arg6: memref<10000x128xf32, #tpu.memory_space<hbm>>, %arg7: memref<10000x128xf32, #tpu.memory_space<hbm>>, %arg8: memref<104x128xf32, #tpu.memory_space<vmem>>, %arg9: memref<104x128xf32, #tpu.memory_space<vmem>>, %arg10: memref<104x128xf32, #tpu.memory_space<vmem>>, %arg11: memref<104xi32, #tpu.memory_space<vmem>>, %arg12: memref<104xi32, #tpu.memory_space<vmem>>, %arg13: memref<104xi32, #tpu.memory_space<vmem>>, %arg14: memref<104xi32, #tpu.memory_space<vmem>>, %arg15: memref<104xi32, #tpu.memory_space<vmem>>, %arg16: memref<104xi32, #tpu.memory_space<vmem>>, %arg17: memref<104xi32, #tpu.memory_space<vmem>>, %arg18: memref<104xi32, #tpu.memory_space<vmem>>, %arg19: memref<104xi32, #tpu.memory_space<vmem>>, %arg20: memref<104xi32, #tpu.memory_space<vmem>>, %arg21: memref<104xi32, #tpu.memory_space<vmem>>, %arg22: memref<104xi32, #tpu.memory_space<vmem>>, %arg23: memref<16xi32, #tpu.memory_space<vmem>>, %arg24: memref<16xi32, #tpu.memory_space<vmem>>, %arg25: memref<10000x128xf32, #tpu.memory_space<vmem_shared>>, %arg26: memref<!tpu.dma_semaphore, #tpu.memory_space<semaphore_mem>>, %arg27: memref<!tpu.dma_semaphore, #tpu.memory_space<semaphore_mem>>, %arg28: memref<!tpu.dma_semaphore, #tpu.memory_space<semaphore_mem>>, %arg29: memref<!tpu.dma_semaphore, #tpu.memory_space<semaphore_mem>>, %arg30: memref<!tpu.dma_semaphore, #tpu.memory_space<semaphore_mem>>, %arg31: memref<!tpu.dma_semaphore, #tpu.memory_space<semaphore_mem>>, %arg32: memref<!tpu.dma_semaphore, #tpu.memory_space<semaphore_mem>>, %arg33: memref<!tpu.dma_semaphore, #tpu.memory_space<semaphore_mem>>, %arg34: memref<!tpu.dma_semaphore, #tpu.memory_space<semaphore_mem>>, %arg35: memref<!tpu.dma_semaphore, #tpu.memory_space<semaphore_mem>>, %arg36: memref<!tpu.dma_semaphore, #tpu.memory_space<semaphore_mem>>, %arg37: memref<!tpu.dma_semaphore, #tpu.memory_space<semaphore_mem>>) attributes {dimension_semantics = [#tpu.dimension_semantics<core_parallel>, #tpu.dimension_semantics<subcore_parallel>], iteration_bounds = array<i64: 2, 16>, scalar_prefetch = 0 : i64, scratch_operands = 30 : i64, tpu.core_type = #tpu.core_type<sc_vector_subcore>, window_params = [{transform_indices = #map}, {transform_indices = #map1}, {transform_indices = #map1}, {transform_indices = #map}, {transform_indices = #map}, {transform_indices = #map}]} {
    %mul3A = arith.constant 160000 : i32
    %mul3A_0 = arith.muli %arg0, %mul3A : i32
    %mul3A_1 = arith.constant 10000 : i32
    %mul3A_2 = arith.muli %arg1, %mul3A_1 : i32
    %add3A = arith.addi %mul3A_0, %mul3A_2 : i32
    %add3A_3 = arith.constant 0 : i32
    %add3A_4 = arith.addi %add3A, %add3A_3 : i32
    %dma_start3A = tpu.memref_slice %arg3[%add3A_4] : memref<320000xi32, #tpu.memory_space<hbm>> -> memref<104xi32, #tpu.memory_space<hbm>>
    %dma_start3A_5 = tpu.memref_slice %arg3[%add3A_4] : memref<320000xi32, #tpu.memory_space<hbm>> -> memref<104xi32, #tpu.memory_space<hbm>>
    tpu.enqueue_dma source(%dma_start3A_5 : memref<104xi32, #tpu.memory_space<hbm>>) target(%arg11 : memref<104xi32, #tpu.memory_space<vmem>>) target_semaphore(%arg32 : memref<!tpu.dma_semaphore, #tpu.memory_space<semaphore_mem>>)
    %dma_start3A_6 = tpu.memref_slice %arg4[%add3A_4] : memref<320000xi32, #tpu.memory_space<hbm>> -> memref<104xi32, #tpu.memory_space<hbm>>
    %dma_start3A_7 = tpu.memref_slice %arg4[%add3A_4] : memref<320000xi32, #tpu.memory_space<hbm>> -> memref<104xi32, #tpu.memory_space<hbm>>
    tpu.enqueue_dma source(%dma_start3A_7 : memref<104xi32, #tpu.memory_space<hbm>>) target(%arg17 : memref<104xi32, #tpu.memory_space<vmem>>) target_semaphore(%arg32 : memref<!tpu.dma_semaphore, #tpu.memory_space<semaphore_mem>>)
    %add3A_8 = arith.constant 104 : i32
    %add3A_9 = arith.addi %add3A, %add3A_8 : i32
    %dma_start3A_10 = tpu.memref_slice %arg3[%add3A_9] : memref<320000xi32, #tpu.memory_space<hbm>> -> memref<104xi32, #tpu.memory_space<hbm>>
    %dma_start3A_11 = tpu.memref_slice %arg3[%add3A_9] : memref<320000xi32, #tpu.memory_space<hbm>> -> memref<104xi32, #tpu.memory_space<hbm>>
    tpu.enqueue_dma source(%dma_start3A_11 : memref<104xi32, #tpu.memory_space<hbm>>) target(%arg12 : memref<104xi32, #tpu.memory_space<vmem>>) target_semaphore(%arg33 : memref<!tpu.dma_semaphore, #tpu.memory_space<semaphore_mem>>)
    %dma_start3A_12 = tpu.memref_slice %arg4[%add3A_9] : memref<320000xi32, #tpu.memory_space<hbm>> -> memref<104xi32, #tpu.memory_space<hbm>>
    %dma_start3A_13 = tpu.memref_slice %arg4[%add3A_9] : memref<320000xi32, #tpu.memory_space<hbm>> -> memref<104xi32, #tpu.memory_space<hbm>>
    tpu.enqueue_dma source(%dma_start3A_13 : memref<104xi32, #tpu.memory_space<hbm>>) target(%arg18 : memref<104xi32, #tpu.memory_space<vmem>>) target_semaphore(%arg33 : memref<!tpu.dma_semaphore, #tpu.memory_space<semaphore_mem>>)
    %add3A_14 = arith.constant 208 : i32
    %add3A_15 = arith.addi %add3A, %add3A_14 : i32
    %dma_start3A_16 = tpu.memref_slice %arg3[%add3A_15] : memref<320000xi32, #tpu.memory_space<hbm>> -> memref<104xi32, #tpu.memory_space<hbm>>
    %dma_start3A_17 = tpu.memref_slice %arg3[%add3A_15] : memref<320000xi32, #tpu.memory_space<hbm>> -> memref<104xi32, #tpu.memory_space<hbm>>
    tpu.enqueue_dma source(%dma_start3A_17 : memref<104xi32, #tpu.memory_space<hbm>>) target(%arg13 : memref<104xi32, #tpu.memory_space<vmem>>) target_semaphore(%arg34 : memref<!tpu.dma_semaphore, #tpu.memory_space<semaphore_mem>>)
    %dma_start3A_18 = tpu.memref_slice %arg4[%add3A_15] : memref<320000xi32, #tpu.memory_space<hbm>> -> memref<104xi32, #tpu.memory_space<hbm>>
    %dma_start3A_19 = tpu.memref_slice %arg4[%add3A_15] : memref<320000xi32, #tpu.memory_space<hbm>> -> memref<104xi32, #tpu.memory_space<hbm>>
    tpu.enqueue_dma source(%dma_start3A_19 : memref<104xi32, #tpu.memory_space<hbm>>) target(%arg19 : memref<104xi32, #tpu.memory_space<vmem>>) target_semaphore(%arg34 : memref<!tpu.dma_semaphore, #tpu.memory_space<semaphore_mem>>)
    %mul3A_20 = arith.constant 632 : i32
    %mul3A_21 = arith.muli %arg1, %mul3A_20 : i32
    %min3A = arith.constant 9368 : i32
    %min3A_22 = arith.minsi %mul3A_21, %min3A : i32
    "tpu.region"() ({
      %run_scoped3A = tpu.sem_alloc : memref<!tpu.dma_semaphore, #tpu.memory_space<semaphore_mem>>
      %dma_start3A_59 = arith.constant 0 : i32
      %dma_start3A_60 = tpu.memref_slice %arg25[%min3A_22, %dma_start3A_59] : memref<10000x128xf32, #tpu.memory_space<vmem_shared>> -> memref<632x128xf32, #tpu.memory_space<vmem_shared>>
      %dma_start3A_61 = arith.constant 0 : i32
      %dma_start3A_62 = tpu.memref_slice %arg5[%min3A_22, %dma_start3A_61] : memref<10000x128xf32, #tpu.memory_space<hbm>> -> memref<632x128xf32, #tpu.memory_space<hbm>>
      tpu.enqueue_dma source(%dma_start3A_62 : memref<632x128xf32, #tpu.memory_space<hbm>>) target(%dma_start3A_60 : memref<632x128xf32, #tpu.memory_space<vmem_shared>>) target_semaphore(%run_scoped3A : memref<!tpu.dma_semaphore, #tpu.memory_space<semaphore_mem>>)
      %dma_wait3A_63 = arith.constant 0 : i32
      %dma_wait3A_64 = tpu.memref_slice %arg25[%min3A_22, %dma_wait3A_63] : memref<10000x128xf32, #tpu.memory_space<vmem_shared>> -> memref<632x128xf32, #tpu.memory_space<vmem_shared>>
      %dma_wait3A_65 = arith.constant 0 : i32
      %dma_wait3A_66 = tpu.memref_slice %arg5[%min3A_22, %dma_wait3A_65] : memref<10000x128xf32, #tpu.memory_space<hbm>> -> memref<632x128xf32, #tpu.memory_space<hbm>>
      tpu.wait_dma2 semaphore(%run_scoped3A : memref<!tpu.dma_semaphore, #tpu.memory_space<semaphore_mem>>) src(%dma_wait3A_66 : memref<632x128xf32, #tpu.memory_space<hbm>>) dst(%dma_wait3A_64 : memref<632x128xf32, #tpu.memory_space<vmem_shared>>)
      tpu.yield
    }) : () -> ()
    %barrier3A = arith.constant 0 : index
    tpu.barrier barrier_id(%barrier3A)
    %scan3A = arith.constant 0 : i32
    %scan3A_23 = arith.constant 0 : i32
    %scan3A_24 = arith.constant 16 : i32
    %scan3A_25 = arith.addi %scan3A_23, %scan3A_24 : i32
    %scan3A_26 = arith.constant 1 : i32
    %scan3A_27 = scf.for %scan3A_59 = %scan3A_23 to %scan3A_25 step %scan3A_26 iter_args(%scan3A_60 = %scan3A) -> (i32)  : i32 {
      %mul3A_61 = arith.constant 2 : i32
      %mul3A_62 = arith.muli %mul3A_61, %scan3A_59 : i32
      %add3A_63 = arith.constant 0 : i32
      %add3A_64 = arith.addi %mul3A_62, %add3A_63 : i32
      %mul3A_65 = arith.constant 312 : i32
      %mul3A_66 = arith.muli %add3A_64, %mul3A_65 : i32
      %add3A_67 = arith.addi %add3A, %mul3A_66 : i32
      %gt3A = arith.constant 0 : i32
      %gt3A_68 = arith.cmpi sgt, %scan3A_59, %gt3A : i32
      %convert_element_type3A_69 = arith.extui %gt3A_68 : i1 to i32
      %cond3A_70 = arith.constant 0 : i32
      %cond3A_71 = arith.cmpi ne, %convert_element_type3A_69, %cond3A_70 : i32
      scf.if %cond3A_71 {
        %dma_wait3A_211 = arith.constant 0 : i32
        %dma_wait3A_212 = arith.constant 0 : i32
        %dma_wait3A_213 = tpu.memref_slice %arg25[%dma_wait3A_211, %dma_wait3A_212] : memref<10000x128xf32, #tpu.memory_space<vmem_shared>> -> memref<10000x128xf32, #tpu.memory_space<vmem_shared>>
        tpu.wait_indirect_dma semaphore(%arg29 : memref<!tpu.dma_semaphore, #tpu.memory_space<semaphore_mem>>) src(%arg8 : memref<104x128xf32, #tpu.memory_space<vmem>>) dst(%dma_wait3A_213 : memref<10000x128xf32, #tpu.memory_space<vmem_shared>>)
      } else {
      }
      %add3A_72 = arith.constant 0 : i32
      %add3A_73 = arith.addi %add3A_67, %add3A_72 : i32
      %dma_wait3A_74 = tpu.memref_slice %arg3[%add3A_73] : memref<320000xi32, #tpu.memory_space<hbm>> -> memref<104xi32, #tpu.memory_space<hbm>>
      %dma_wait3A_75 = tpu.memref_slice %arg3[%add3A_73] : memref<320000xi32, #tpu.memory_space<hbm>> -> memref<104xi32, #tpu.memory_space<hbm>>
      tpu.wait_dma2 semaphore(%arg32 : memref<!tpu.dma_semaphore, #tpu.memory_space<semaphore_mem>>) src(%dma_wait3A_75 : memref<104xi32, #tpu.memory_space<hbm>>) dst(%arg11 : memref<104xi32, #tpu.memory_space<vmem>>)
      %dma_wait3A_76 = tpu.memref_slice %arg4[%add3A_73] : memref<320000xi32, #tpu.memory_space<hbm>> -> memref<104xi32, #tpu.memory_space<hbm>>
      %dma_wait3A_77 = tpu.memref_slice %arg4[%add3A_73] : memref<320000xi32, #tpu.memory_space<hbm>> -> memref<104xi32, #tpu.memory_space<hbm>>
      tpu.wait_dma2 semaphore(%arg32 : memref<!tpu.dma_semaphore, #tpu.memory_space<semaphore_mem>>) src(%dma_wait3A_77 : memref<104xi32, #tpu.memory_space<hbm>>) dst(%arg17 : memref<104xi32, #tpu.memory_space<vmem>>)
      %dma_start3A_78 = arith.constant 0 : i32
      %dma_start3A_79 = arith.constant 0 : i32
      %dma_start3A_80 = tpu.memref_slice %arg2[%dma_start3A_78, %dma_start3A_79] : memref<10000x128xf32, #tpu.memory_space<hbm>> -> memref<10000x128xf32, #tpu.memory_space<hbm>>
      tpu.enqueue_indirect_dma source(%dma_start3A_80 : memref<10000x128xf32, #tpu.memory_space<hbm>>) target(%arg8 : memref<104x128xf32, #tpu.memory_space<vmem>>) offsets(%arg11 : memref<104xi32, #tpu.memory_space<vmem>>) semaphore(%arg26 : memref<!tpu.dma_semaphore, #tpu.memory_space<semaphore_mem>>)
      %gt3A_81 = arith.constant 0 : i32
      %gt3A_82 = arith.cmpi sgt, %scan3A_59, %gt3A_81 : i32
      %convert_element_type3A_83 = arith.extui %gt3A_82 : i1 to i32
      %cond3A_84 = arith.constant 0 : i32
      %cond3A_85 = arith.cmpi ne, %convert_element_type3A_83, %cond3A_84 : i32
      scf.if %cond3A_85 {
        %dma_wait3A_211 = arith.constant 0 : i32
        %dma_wait3A_212 = arith.constant 0 : i32
        %dma_wait3A_213 = tpu.memref_slice %arg25[%dma_wait3A_211, %dma_wait3A_212] : memref<10000x128xf32, #tpu.memory_space<vmem_shared>> -> memref<10000x128xf32, #tpu.memory_space<vmem_shared>>
        tpu.wait_indirect_dma semaphore(%arg30 : memref<!tpu.dma_semaphore, #tpu.memory_space<semaphore_mem>>) src(%arg9 : memref<104x128xf32, #tpu.memory_space<vmem>>) dst(%dma_wait3A_213 : memref<10000x128xf32, #tpu.memory_space<vmem_shared>>)
      } else {
      }
      %add3A_86 = arith.constant 104 : i32
      %add3A_87 = arith.addi %add3A_67, %add3A_86 : i32
      %dma_wait3A_88 = tpu.memref_slice %arg3[%add3A_87] : memref<320000xi32, #tpu.memory_space<hbm>> -> memref<104xi32, #tpu.memory_space<hbm>>
      %dma_wait3A_89 = tpu.memref_slice %arg3[%add3A_87] : memref<320000xi32, #tpu.memory_space<hbm>> -> memref<104xi32, #tpu.memory_space<hbm>>
      tpu.wait_dma2 semaphore(%arg33 : memref<!tpu.dma_semaphore, #tpu.memory_space<semaphore_mem>>) src(%dma_wait3A_89 : memref<104xi32, #tpu.memory_space<hbm>>) dst(%arg12 : memref<104xi32, #tpu.memory_space<vmem>>)
      %dma_wait3A_90 = tpu.memref_slice %arg4[%add3A_87] : memref<320000xi32, #tpu.memory_space<hbm>> -> memref<104xi32, #tpu.memory_space<hbm>>
      %dma_wait3A_91 = tpu.memref_slice %arg4[%add3A_87] : memref<320000xi32, #tpu.memory_space<hbm>> -> memref<104xi32, #tpu.memory_space<hbm>>
      tpu.wait_dma2 semaphore(%arg33 : memref<!tpu.dma_semaphore, #tpu.memory_space<semaphore_mem>>) src(%dma_wait3A_91 : memref<104xi32, #tpu.memory_space<hbm>>) dst(%arg18 : memref<104xi32, #tpu.memory_space<vmem>>)
      %dma_start3A_92 = arith.constant 0 : i32
      %dma_start3A_93 = arith.constant 0 : i32
      %dma_start3A_94 = tpu.memref_slice %arg2[%dma_start3A_92, %dma_start3A_93] : memref<10000x128xf32, #tpu.memory_space<hbm>> -> memref<10000x128xf32, #tpu.memory_space<hbm>>
      tpu.enqueue_indirect_dma source(%dma_start3A_94 : memref<10000x128xf32, #tpu.memory_space<hbm>>) target(%arg9 : memref<104x128xf32, #tpu.memory_space<vmem>>) offsets(%arg12 : memref<104xi32, #tpu.memory_space<vmem>>) semaphore(%arg27 : memref<!tpu.dma_semaphore, #tpu.memory_space<semaphore_mem>>)
      %gt3A_95 = arith.constant 0 : i32
      %gt3A_96 = arith.cmpi sgt, %scan3A_59, %gt3A_95 : i32
      %convert_element_type3A_97 = arith.extui %gt3A_96 : i1 to i32
      %cond3A_98 = arith.constant 0 : i32
      %cond3A_99 = arith.cmpi ne, %convert_element_type3A_97, %cond3A_98 : i32
      scf.if %cond3A_99 {
        %dma_wait3A_211 = arith.constant 0 : i32
        %dma_wait3A_212 = arith.constant 0 : i32
        %dma_wait3A_213 = tpu.memref_slice %arg25[%dma_wait3A_211, %dma_wait3A_212] : memref<10000x128xf32, #tpu.memory_space<vmem_shared>> -> memref<10000x128xf32, #tpu.memory_space<vmem_shared>>
        tpu.wait_indirect_dma semaphore(%arg31 : memref<!tpu.dma_semaphore, #tpu.memory_space<semaphore_mem>>) src(%arg10 : memref<104x128xf32, #tpu.memory_space<vmem>>) dst(%dma_wait3A_213 : memref<10000x128xf32, #tpu.memory_space<vmem_shared>>)
      } else {
      }
      %add3A_100 = arith.constant 208 : i32
      %add3A_101 = arith.addi %add3A_67, %add3A_100 : i32
      %dma_wait3A_102 = tpu.memref_slice %arg3[%add3A_101] : memref<320000xi32, #tpu.memory_space<hbm>> -> memref<104xi32, #tpu.memory_space<hbm>>
      %dma_wait3A_103 = tpu.memref_slice %arg3[%add3A_101] : memref<320000xi32, #tpu.memory_space<hbm>> -> memref<104xi32, #tpu.memory_space<hbm>>
      tpu.wait_dma2 semaphore(%arg34 : memref<!tpu.dma_semaphore, #tpu.memory_space<semaphore_mem>>) src(%dma_wait3A_103 : memref<104xi32, #tpu.memory_space<hbm>>) dst(%arg13 : memref<104xi32, #tpu.memory_space<vmem>>)
      %dma_wait3A_104 = tpu.memref_slice %arg4[%add3A_101] : memref<320000xi32, #tpu.memory_space<hbm>> -> memref<104xi32, #tpu.memory_space<hbm>>
      %dma_wait3A_105 = tpu.memref_slice %arg4[%add3A_101] : memref<320000xi32, #tpu.memory_space<hbm>> -> memref<104xi32, #tpu.memory_space<hbm>>
      tpu.wait_dma2 semaphore(%arg34 : memref<!tpu.dma_semaphore, #tpu.memory_space<semaphore_mem>>) src(%dma_wait3A_105 : memref<104xi32, #tpu.memory_space<hbm>>) dst(%arg19 : memref<104xi32, #tpu.memory_space<vmem>>)
      %dma_start3A_106 = arith.constant 0 : i32
      %dma_start3A_107 = arith.constant 0 : i32
      %dma_start3A_108 = tpu.memref_slice %arg2[%dma_start3A_106, %dma_start3A_107] : memref<10000x128xf32, #tpu.memory_space<hbm>> -> memref<10000x128xf32, #tpu.memory_space<hbm>>
      tpu.enqueue_indirect_dma source(%dma_start3A_108 : memref<10000x128xf32, #tpu.memory_space<hbm>>) target(%arg10 : memref<104x128xf32, #tpu.memory_space<vmem>>) offsets(%arg13 : memref<104xi32, #tpu.memory_space<vmem>>) semaphore(%arg28 : memref<!tpu.dma_semaphore, #tpu.memory_space<semaphore_mem>>)
      %add3A_109 = arith.constant 312 : i32
      %add3A_110 = arith.addi %add3A_67, %add3A_109 : i32
      %dma_start3A_111 = tpu.memref_slice %arg3[%add3A_110] : memref<320000xi32, #tpu.memory_space<hbm>> -> memref<104xi32, #tpu.memory_space<hbm>>
      %dma_start3A_112 = tpu.memref_slice %arg3[%add3A_110] : memref<320000xi32, #tpu.memory_space<hbm>> -> memref<104xi32, #tpu.memory_space<hbm>>
      tpu.enqueue_dma source(%dma_start3A_112 : memref<104xi32, #tpu.memory_space<hbm>>) target(%arg14 : memref<104xi32, #tpu.memory_space<vmem>>) target_semaphore(%arg35 : memref<!tpu.dma_semaphore, #tpu.memory_space<semaphore_mem>>)
      %dma_start3A_113 = tpu.memref_slice %arg4[%add3A_110] : memref<320000xi32, #tpu.memory_space<hbm>> -> memref<104xi32, #tpu.memory_space<hbm>>
      %dma_start3A_114 = tpu.memref_slice %arg4[%add3A_110] : memref<320000xi32, #tpu.memory_space<hbm>> -> memref<104xi32, #tpu.memory_space<hbm>>
      tpu.enqueue_dma source(%dma_start3A_114 : memref<104xi32, #tpu.memory_space<hbm>>) target(%arg20 : memref<104xi32, #tpu.memory_space<vmem>>) target_semaphore(%arg35 : memref<!tpu.dma_semaphore, #tpu.memory_space<semaphore_mem>>)
      %add3A_115 = arith.constant 416 : i32
      %add3A_116 = arith.addi %add3A_67, %add3A_115 : i32
      %dma_start3A_117 = tpu.memref_slice %arg3[%add3A_116] : memref<320000xi32, #tpu.memory_space<hbm>> -> memref<104xi32, #tpu.memory_space<hbm>>
      %dma_start3A_118 = tpu.memref_slice %arg3[%add3A_116] : memref<320000xi32, #tpu.memory_space<hbm>> -> memref<104xi32, #tpu.memory_space<hbm>>
      tpu.enqueue_dma source(%dma_start3A_118 : memref<104xi32, #tpu.memory_space<hbm>>) target(%arg15 : memref<104xi32, #tpu.memory_space<vmem>>) target_semaphore(%arg36 : memref<!tpu.dma_semaphore, #tpu.memory_space<semaphore_mem>>)
      %dma_start3A_119 = tpu.memref_slice %arg4[%add3A_116] : memref<320000xi32, #tpu.memory_space<hbm>> -> memref<104xi32, #tpu.memory_space<hbm>>
      %dma_start3A_120 = tpu.memref_slice %arg4[%add3A_116] : memref<320000xi32, #tpu.memory_space<hbm>> -> memref<104xi32, #tpu.memory_space<hbm>>
      tpu.enqueue_dma source(%dma_start3A_120 : memref<104xi32, #tpu.memory_space<hbm>>) target(%arg21 : memref<104xi32, #tpu.memory_space<vmem>>) target_semaphore(%arg36 : memref<!tpu.dma_semaphore, #tpu.memory_space<semaphore_mem>>)
      %add3A_121 = arith.constant 520 : i32
      %add3A_122 = arith.addi %add3A_67, %add3A_121 : i32
      %dma_start3A_123 = tpu.memref_slice %arg3[%add3A_122] : memref<320000xi32, #tpu.memory_space<hbm>> -> memref<104xi32, #tpu.memory_space<hbm>>
      %dma_start3A_124 = tpu.memref_slice %arg3[%add3A_122] : memref<320000xi32, #tpu.memory_space<hbm>> -> memref<104xi32, #tpu.memory_space<hbm>>
      tpu.enqueue_dma source(%dma_start3A_124 : memref<104xi32, #tpu.memory_space<hbm>>) target(%arg16 : memref<104xi32, #tpu.memory_space<vmem>>) target_semaphore(%arg37 : memref<!tpu.dma_semaphore, #tpu.memory_space<semaphore_mem>>)
      %dma_start3A_125 = tpu.memref_slice %arg4[%add3A_122] : memref<320000xi32, #tpu.memory_space<hbm>> -> memref<104xi32, #tpu.memory_space<hbm>>
      %dma_start3A_126 = tpu.memref_slice %arg4[%add3A_122] : memref<320000xi32, #tpu.memory_space<hbm>> -> memref<104xi32, #tpu.memory_space<hbm>>
      tpu.enqueue_dma source(%dma_start3A_126 : memref<104xi32, #tpu.memory_space<hbm>>) target(%arg22 : memref<104xi32, #tpu.memory_space<vmem>>) target_semaphore(%arg37 : memref<!tpu.dma_semaphore, #tpu.memory_space<semaphore_mem>>)
      %dma_wait3A_127 = arith.constant 0 : i32
      %dma_wait3A_128 = arith.constant 0 : i32
      %dma_wait3A_129 = tpu.memref_slice %arg2[%dma_wait3A_127, %dma_wait3A_128] : memref<10000x128xf32, #tpu.memory_space<hbm>> -> memref<10000x128xf32, #tpu.memory_space<hbm>>
      tpu.wait_indirect_dma semaphore(%arg26 : memref<!tpu.dma_semaphore, #tpu.memory_space<semaphore_mem>>) src(%dma_wait3A_129 : memref<10000x128xf32, #tpu.memory_space<hbm>>) dst(%arg8 : memref<104x128xf32, #tpu.memory_space<vmem>>)
      %dma_start3A_130 = arith.constant 0 : i32
      %dma_start3A_131 = arith.constant 0 : i32
      %dma_start3A_132 = tpu.memref_slice %arg25[%dma_start3A_130, %dma_start3A_131] : memref<10000x128xf32, #tpu.memory_space<vmem_shared>> -> memref<10000x128xf32, #tpu.memory_space<vmem_shared>>
      tpu.enqueue_indirect_dma source(%arg8 : memref<104x128xf32, #tpu.memory_space<vmem>>) target(%dma_start3A_132 : memref<10000x128xf32, #tpu.memory_space<vmem_shared>>) offsets(%arg17 : memref<104xi32, #tpu.memory_space<vmem>>) semaphore(%arg29 : memref<!tpu.dma_semaphore, #tpu.memory_space<semaphore_mem>>) {add = true}
      %dma_wait3A_133 = arith.constant 0 : i32
      %dma_wait3A_134 = arith.constant 0 : i32
      %dma_wait3A_135 = tpu.memref_slice %arg2[%dma_wait3A_133, %dma_wait3A_134] : memref<10000x128xf32, #tpu.memory_space<hbm>> -> memref<10000x128xf32, #tpu.memory_space<hbm>>
      tpu.wait_indirect_dma semaphore(%arg27 : memref<!tpu.dma_semaphore, #tpu.memory_space<semaphore_mem>>) src(%dma_wait3A_135 : memref<10000x128xf32, #tpu.memory_space<hbm>>) dst(%arg9 : memref<104x128xf32, #tpu.memory_space<vmem>>)
      %dma_start3A_136 = arith.constant 0 : i32
      %dma_start3A_137 = arith.constant 0 : i32
      %dma_start3A_138 = tpu.memref_slice %arg25[%dma_start3A_136, %dma_start3A_137] : memref<10000x128xf32, #tpu.memory_space<vmem_shared>> -> memref<10000x128xf32, #tpu.memory_space<vmem_shared>>
      tpu.enqueue_indirect_dma source(%arg9 : memref<104x128xf32, #tpu.memory_space<vmem>>) target(%dma_start3A_138 : memref<10000x128xf32, #tpu.memory_space<vmem_shared>>) offsets(%arg18 : memref<104xi32, #tpu.memory_space<vmem>>) semaphore(%arg30 : memref<!tpu.dma_semaphore, #tpu.memory_space<semaphore_mem>>) {add = true}
      %dma_wait3A_139 = arith.constant 0 : i32
      %dma_wait3A_140 = arith.constant 0 : i32
      %dma_wait3A_141 = tpu.memref_slice %arg2[%dma_wait3A_139, %dma_wait3A_140] : memref<10000x128xf32, #tpu.memory_space<hbm>> -> memref<10000x128xf32, #tpu.memory_space<hbm>>
      tpu.wait_indirect_dma semaphore(%arg28 : memref<!tpu.dma_semaphore, #tpu.memory_space<semaphore_mem>>) src(%dma_wait3A_141 : memref<10000x128xf32, #tpu.memory_space<hbm>>) dst(%arg10 : memref<104x128xf32, #tpu.memory_space<vmem>>)
      %dma_start3A_142 = arith.constant 0 : i32
      %dma_start3A_143 = arith.constant 0 : i32
      %dma_start3A_144 = tpu.memref_slice %arg25[%dma_start3A_142, %dma_start3A_143] : memref<10000x128xf32, #tpu.memory_space<vmem_shared>> -> memref<10000x128xf32, #tpu.memory_space<vmem_shared>>
      tpu.enqueue_indirect_dma source(%arg10 : memref<104x128xf32, #tpu.memory_space<vmem>>) target(%dma_start3A_144 : memref<10000x128xf32, #tpu.memory_space<vmem_shared>>) offsets(%arg19 : memref<104xi32, #tpu.memory_space<vmem>>) semaphore(%arg31 : memref<!tpu.dma_semaphore, #tpu.memory_space<semaphore_mem>>) {add = true}
      %mul3A_145 = arith.constant 2 : i32
      %mul3A_146 = arith.muli %mul3A_145, %scan3A_59 : i32
      %add3A_147 = arith.constant 1 : i32
      %add3A_148 = arith.addi %mul3A_146, %add3A_147 : i32
      %mul3A_149 = arith.constant 312 : i32
      %mul3A_150 = arith.muli %add3A_148, %mul3A_149 : i32
      %add3A_151 = arith.addi %add3A, %mul3A_150 : i32
      %dma_wait3A_152 = arith.constant 0 : i32
      %dma_wait3A_153 = arith.constant 0 : i32
      %dma_wait3A_154 = tpu.memref_slice %arg25[%dma_wait3A_152, %dma_wait3A_153] : memref<10000x128xf32, #tpu.memory_space<vmem_shared>> -> memref<10000x128xf32, #tpu.memory_space<vmem_shared>>
      tpu.wait_indirect_dma semaphore(%arg29 : memref<!tpu.dma_semaphore, #tpu.memory_space<semaphore_mem>>) src(%arg8 : memref<104x128xf32, #tpu.memory_space<vmem>>) dst(%dma_wait3A_154 : memref<10000x128xf32, #tpu.memory_space<vmem_shared>>)
      %add3A_155 = arith.constant 0 : i32
      %add3A_156 = arith.addi %add3A_151, %add3A_155 : i32
      %dma_wait3A_157 = tpu.memref_slice %arg3[%add3A_156] : memref<320000xi32, #tpu.memory_space<hbm>> -> memref<104xi32, #tpu.memory_space<hbm>>
      %dma_wait3A_158 = tpu.memref_slice %arg3[%add3A_156] : memref<320000xi32, #tpu.memory_space<hbm>> -> memref<104xi32, #tpu.memory_space<hbm>>
      tpu.wait_dma2 semaphore(%arg35 : memref<!tpu.dma_semaphore, #tpu.memory_space<semaphore_mem>>) src(%dma_wait3A_158 : memref<104xi32, #tpu.memory_space<hbm>>) dst(%arg14 : memref<104xi32, #tpu.memory_space<vmem>>)
      %dma_wait3A_159 = tpu.memref_slice %arg4[%add3A_156] : memref<320000xi32, #tpu.memory_space<hbm>> -> memref<104xi32, #tpu.memory_space<hbm>>
      %dma_wait3A_160 = tpu.memref_slice %arg4[%add3A_156] : memref<320000xi32, #tpu.memory_space<hbm>> -> memref<104xi32, #tpu.memory_space<hbm>>
      tpu.wait_dma2 semaphore(%arg35 : memref<!tpu.dma_semaphore, #tpu.memory_space<semaphore_mem>>) src(%dma_wait3A_160 : memref<104xi32, #tpu.memory_space<hbm>>) dst(%arg20 : memref<104xi32, #tpu.memory_space<vmem>>)
      %dma_start3A_161 = arith.constant 0 : i32
      %dma_start3A_162 = arith.constant 0 : i32
      %dma_start3A_163 = tpu.memref_slice %arg2[%dma_start3A_161, %dma_start3A_162] : memref<10000x128xf32, #tpu.memory_space<hbm>> -> memref<10000x128xf32, #tpu.memory_space<hbm>>
      tpu.enqueue_indirect_dma source(%dma_start3A_163 : memref<10000x128xf32, #tpu.memory_space<hbm>>) target(%arg8 : memref<104x128xf32, #tpu.memory_space<vmem>>) offsets(%arg14 : memref<104xi32, #tpu.memory_space<vmem>>) semaphore(%arg26 : memref<!tpu.dma_semaphore, #tpu.memory_space<semaphore_mem>>)
      %dma_wait3A_164 = arith.constant 0 : i32
      %dma_wait3A_165 = arith.constant 0 : i32
      %dma_wait3A_166 = tpu.memref_slice %arg25[%dma_wait3A_164, %dma_wait3A_165] : memref<10000x128xf32, #tpu.memory_space<vmem_shared>> -> memref<10000x128xf32, #tpu.memory_space<vmem_shared>>
      tpu.wait_indirect_dma semaphore(%arg30 : memref<!tpu.dma_semaphore, #tpu.memory_space<semaphore_mem>>) src(%arg9 : memref<104x128xf32, #tpu.memory_space<vmem>>) dst(%dma_wait3A_166 : memref<10000x128xf32, #tpu.memory_space<vmem_shared>>)
      %add3A_167 = arith.constant 104 : i32
      %add3A_168 = arith.addi %add3A_151, %add3A_167 : i32
      %dma_wait3A_169 = tpu.memref_slice %arg3[%add3A_168] : memref<320000xi32, #tpu.memory_space<hbm>> -> memref<104xi32, #tpu.memory_space<hbm>>
      %dma_wait3A_170 = tpu.memref_slice %arg3[%add3A_168] : memref<320000xi32, #tpu.memory_space<hbm>> -> memref<104xi32, #tpu.memory_space<hbm>>
      tpu.wait_dma2 semaphore(%arg36 : memref<!tpu.dma_semaphore, #tpu.memory_space<semaphore_mem>>) src(%dma_wait3A_170 : memref<104xi32, #tpu.memory_space<hbm>>) dst(%arg15 : memref<104xi32, #tpu.memory_space<vmem>>)
      %dma_wait3A_171 = tpu.memref_slice %arg4[%add3A_168] : memref<320000xi32, #tpu.memory_space<hbm>> -> memref<104xi32, #tpu.memory_space<hbm>>
      %dma_wait3A_172 = tpu.memref_slice %arg4[%add3A_168] : memref<320000xi32, #tpu.memory_space<hbm>> -> memref<104xi32, #tpu.memory_space<hbm>>
      tpu.wait_dma2 semaphore(%arg36 : memref<!tpu.dma_semaphore, #tpu.memory_space<semaphore_mem>>) src(%dma_wait3A_172 : memref<104xi32, #tpu.memory_space<hbm>>) dst(%arg21 : memref<104xi32, #tpu.memory_space<vmem>>)
      %dma_start3A_173 = arith.constant 0 : i32
      %dma_start3A_174 = arith.constant 0 : i32
      %dma_start3A_175 = tpu.memref_slice %arg2[%dma_start3A_173, %dma_start3A_174] : memref<10000x128xf32, #tpu.memory_space<hbm>> -> memref<10000x128xf32, #tpu.memory_space<hbm>>
      tpu.enqueue_indirect_dma source(%dma_start3A_175 : memref<10000x128xf32, #tpu.memory_space<hbm>>) target(%arg9 : memref<104x128xf32, #tpu.memory_space<vmem>>) offsets(%arg15 : memref<104xi32, #tpu.memory_space<vmem>>) semaphore(%arg27 : memref<!tpu.dma_semaphore, #tpu.memory_space<semaphore_mem>>)
      %dma_wait3A_176 = arith.constant 0 : i32
      %dma_wait3A_177 = arith.constant 0 : i32
      %dma_wait3A_178 = tpu.memref_slice %arg25[%dma_wait3A_176, %dma_wait3A_177] : memref<10000x128xf32, #tpu.memory_space<vmem_shared>> -> memref<10000x128xf32, #tpu.memory_space<vmem_shared>>
      tpu.wait_indirect_dma semaphore(%arg31 : memref<!tpu.dma_semaphore, #tpu.memory_space<semaphore_mem>>) src(%arg10 : memref<104x128xf32, #tpu.memory_space<vmem>>) dst(%dma_wait3A_178 : memref<10000x128xf32, #tpu.memory_space<vmem_shared>>)
      %add3A_179 = arith.constant 208 : i32
      %add3A_180 = arith.addi %add3A_151, %add3A_179 : i32
      %dma_wait3A_181 = tpu.memref_slice %arg3[%add3A_180] : memref<320000xi32, #tpu.memory_space<hbm>> -> memref<104xi32, #tpu.memory_space<hbm>>
      %dma_wait3A_182 = tpu.memref_slice %arg3[%add3A_180] : memref<320000xi32, #tpu.memory_space<hbm>> -> memref<104xi32, #tpu.memory_space<hbm>>
      tpu.wait_dma2 semaphore(%arg37 : memref<!tpu.dma_semaphore, #tpu.memory_space<semaphore_mem>>) src(%dma_wait3A_182 : memref<104xi32, #tpu.memory_space<hbm>>) dst(%arg16 : memref<104xi32, #tpu.memory_space<vmem>>)
      %dma_wait3A_183 = tpu.memref_slice %arg4[%add3A_180] : memref<320000xi32, #tpu.memory_space<hbm>> -> memref<104xi32, #tpu.memory_space<hbm>>
      %dma_wait3A_184 = tpu.memref_slice %arg4[%add3A_180] : memref<320000xi32, #tpu.memory_space<hbm>> -> memref<104xi32, #tpu.memory_space<hbm>>
      tpu.wait_dma2 semaphore(%arg37 : memref<!tpu.dma_semaphore, #tpu.memory_space<semaphore_mem>>) src(%dma_wait3A_184 : memref<104xi32, #tpu.memory_space<hbm>>) dst(%arg22 : memref<104xi32, #tpu.memory_space<vmem>>)
      %dma_start3A_185 = arith.constant 0 : i32
      %dma_start3A_186 = arith.constant 0 : i32
      %dma_start3A_187 = tpu.memref_slice %arg2[%dma_start3A_185, %dma_start3A_186] : memref<10000x128xf32, #tpu.memory_space<hbm>> -> memref<10000x128xf32, #tpu.memory_space<hbm>>
      tpu.enqueue_indirect_dma source(%dma_start3A_187 : memref<10000x128xf32, #tpu.memory_space<hbm>>) target(%arg10 : memref<104x128xf32, #tpu.memory_space<vmem>>) offsets(%arg16 : memref<104xi32, #tpu.memory_space<vmem>>) semaphore(%arg28 : memref<!tpu.dma_semaphore, #tpu.memory_space<semaphore_mem>>)
      %lt3A = arith.constant 15 : i32
      %lt3A_188 = arith.cmpi slt, %scan3A_59, %lt3A : i32
      %convert_element_type3A_189 = arith.extui %lt3A_188 : i1 to i32
      %cond3A_190 = arith.constant 0 : i32
      %cond3A_191 = arith.cmpi ne, %convert_element_type3A_189, %cond3A_190 : i32
      scf.if %cond3A_191 {
        %add3A_211 = arith.constant 312 : i32
        %add3A_212 = arith.addi %add3A_151, %add3A_211 : i32
        %dma_start3A_213 = tpu.memref_slice %arg3[%add3A_212] : memref<320000xi32, #tpu.memory_space<hbm>> -> memref<104xi32, #tpu.memory_space<hbm>>
        %dma_start3A_214 = tpu.memref_slice %arg3[%add3A_212] : memref<320000xi32, #tpu.memory_space<hbm>> -> memref<104xi32, #tpu.memory_space<hbm>>
        tpu.enqueue_dma source(%dma_start3A_214 : memref<104xi32, #tpu.memory_space<hbm>>) target(%arg11 : memref<104xi32, #tpu.memory_space<vmem>>) target_semaphore(%arg32 : memref<!tpu.dma_semaphore, #tpu.memory_space<semaphore_mem>>)
        %dma_start3A_215 = tpu.memref_slice %arg4[%add3A_212] : memref<320000xi32, #tpu.memory_space<hbm>> -> memref<104xi32, #tpu.memory_space<hbm>>
        %dma_start3A_216 = tpu.memref_slice %arg4[%add3A_212] : memref<320000xi32, #tpu.memory_space<hbm>> -> memref<104xi32, #tpu.memory_space<hbm>>
        tpu.enqueue_dma source(%dma_start3A_216 : memref<104xi32, #tpu.memory_space<hbm>>) target(%arg17 : memref<104xi32, #tpu.memory_space<vmem>>) target_semaphore(%arg32 : memref<!tpu.dma_semaphore, #tpu.memory_space<semaphore_mem>>)
        %add3A_217 = arith.constant 416 : i32
        %add3A_218 = arith.addi %add3A_151, %add3A_217 : i32
        %dma_start3A_219 = tpu.memref_slice %arg3[%add3A_218] : memref<320000xi32, #tpu.memory_space<hbm>> -> memref<104xi32, #tpu.memory_space<hbm>>
        %dma_start3A_220 = tpu.memref_slice %arg3[%add3A_218] : memref<320000xi32, #tpu.memory_space<hbm>> -> memref<104xi32, #tpu.memory_space<hbm>>
        tpu.enqueue_dma source(%dma_start3A_220 : memref<104xi32, #tpu.memory_space<hbm>>) target(%arg12 : memref<104xi32, #tpu.memory_space<vmem>>) target_semaphore(%arg33 : memref<!tpu.dma_semaphore, #tpu.memory_space<semaphore_mem>>)
        %dma_start3A_221 = tpu.memref_slice %arg4[%add3A_218] : memref<320000xi32, #tpu.memory_space<hbm>> -> memref<104xi32, #tpu.memory_space<hbm>>
        %dma_start3A_222 = tpu.memref_slice %arg4[%add3A_218] : memref<320000xi32, #tpu.memory_space<hbm>> -> memref<104xi32, #tpu.memory_space<hbm>>
        tpu.enqueue_dma source(%dma_start3A_222 : memref<104xi32, #tpu.memory_space<hbm>>) target(%arg18 : memref<104xi32, #tpu.memory_space<vmem>>) target_semaphore(%arg33 : memref<!tpu.dma_semaphore, #tpu.memory_space<semaphore_mem>>)
        %add3A_223 = arith.constant 520 : i32
        %add3A_224 = arith.addi %add3A_151, %add3A_223 : i32
        %dma_start3A_225 = tpu.memref_slice %arg3[%add3A_224] : memref<320000xi32, #tpu.memory_space<hbm>> -> memref<104xi32, #tpu.memory_space<hbm>>
        %dma_start3A_226 = tpu.memref_slice %arg3[%add3A_224] : memref<320000xi32, #tpu.memory_space<hbm>> -> memref<104xi32, #tpu.memory_space<hbm>>
        tpu.enqueue_dma source(%dma_start3A_226 : memref<104xi32, #tpu.memory_space<hbm>>) target(%arg13 : memref<104xi32, #tpu.memory_space<vmem>>) target_semaphore(%arg34 : memref<!tpu.dma_semaphore, #tpu.memory_space<semaphore_mem>>)
        %dma_start3A_227 = tpu.memref_slice %arg4[%add3A_224] : memref<320000xi32, #tpu.memory_space<hbm>> -> memref<104xi32, #tpu.memory_space<hbm>>
        %dma_start3A_228 = tpu.memref_slice %arg4[%add3A_224] : memref<320000xi32, #tpu.memory_space<hbm>> -> memref<104xi32, #tpu.memory_space<hbm>>
        tpu.enqueue_dma source(%dma_start3A_228 : memref<104xi32, #tpu.memory_space<hbm>>) target(%arg19 : memref<104xi32, #tpu.memory_space<vmem>>) target_semaphore(%arg34 : memref<!tpu.dma_semaphore, #tpu.memory_space<semaphore_mem>>)
      } else {
      }
      %dma_wait3A_192 = arith.constant 0 : i32
      %dma_wait3A_193 = arith.constant 0 : i32
      %dma_wait3A_194 = tpu.memref_slice %arg2[%dma_wait3A_192, %dma_wait3A_193] : memref<10000x128xf32, #tpu.memory_space<hbm>> -> memref<10000x128xf32, #tpu.memory_space<hbm>>
      tpu.wait_indirect_dma semaphore(%arg26 : memref<!tpu.dma_semaphore, #tpu.memory_space<semaphore_mem>>) src(%dma_wait3A_194 : memref<10000x128xf32, #tpu.memory_space<hbm>>) dst(%arg8 : memref<104x128xf32, #tpu.memory_space<vmem>>)
      %dma_start3A_195 = arith.constant 0 : i32
      %dma_start3A_196 = arith.constant 0 : i32
      %dma_start3A_197 = tpu.memref_slice %arg25[%dma_start3A_195, %dma_start3A_196] : memref<10000x128xf32, #tpu.memory_space<vmem_shared>> -> memref<10000x128xf32, #tpu.memory_space<vmem_shared>>
      tpu.enqueue_indirect_dma source(%arg8 : memref<104x128xf32, #tpu.memory_space<vmem>>) target(%dma_start3A_197 : memref<10000x128xf32, #tpu.memory_space<vmem_shared>>) offsets(%arg20 : memref<104xi32, #tpu.memory_space<vmem>>) semaphore(%arg29 : memref<!tpu.dma_semaphore, #tpu.memory_space<semaphore_mem>>) {add = true}
      %dma_wait3A_198 = arith.constant 0 : i32
      %dma_wait3A_199 = arith.constant 0 : i32
      %dma_wait3A_200 = tpu.memref_slice %arg2[%dma_wait3A_198, %dma_wait3A_199] : memref<10000x128xf32, #tpu.memory_space<hbm>> -> memref<10000x128xf32, #tpu.memory_space<hbm>>
      tpu.wait_indirect_dma semaphore(%arg27 : memref<!tpu.dma_semaphore, #tpu.memory_space<semaphore_mem>>) src(%dma_wait3A_200 : memref<10000x128xf32, #tpu.memory_space<hbm>>) dst(%arg9 : memref<104x128xf32, #tpu.memory_space<vmem>>)
      %dma_start3A_201 = arith.constant 0 : i32
      %dma_start3A_202 = arith.constant 0 : i32
      %dma_start3A_203 = tpu.memref_slice %arg25[%dma_start3A_201, %dma_start3A_202] : memref<10000x128xf32, #tpu.memory_space<vmem_shared>> -> memref<10000x128xf32, #tpu.memory_space<vmem_shared>>
      tpu.enqueue_indirect_dma source(%arg9 : memref<104x128xf32, #tpu.memory_space<vmem>>) target(%dma_start3A_203 : memref<10000x128xf32, #tpu.memory_space<vmem_shared>>) offsets(%arg21 : memref<104xi32, #tpu.memory_space<vmem>>) semaphore(%arg30 : memref<!tpu.dma_semaphore, #tpu.memory_space<semaphore_mem>>) {add = true}
      %dma_wait3A_204 = arith.constant 0 : i32
      %dma_wait3A_205 = arith.constant 0 : i32
      %dma_wait3A_206 = tpu.memref_slice %arg2[%dma_wait3A_204, %dma_wait3A_205] : memref<10000x128xf32, #tpu.memory_space<hbm>> -> memref<10000x128xf32, #tpu.memory_space<hbm>>
      tpu.wait_indirect_dma semaphore(%arg28 : memref<!tpu.dma_semaphore, #tpu.memory_space<semaphore_mem>>) src(%dma_wait3A_206 : memref<10000x128xf32, #tpu.memory_space<hbm>>) dst(%arg10 : memref<104x128xf32, #tpu.memory_space<vmem>>)
      %dma_start3A_207 = arith.constant 0 : i32
      %dma_start3A_208 = arith.constant 0 : i32
      %dma_start3A_209 = tpu.memref_slice %arg25[%dma_start3A_207, %dma_start3A_208] : memref<10000x128xf32, #tpu.memory_space<vmem_shared>> -> memref<10000x128xf32, #tpu.memory_space<vmem_shared>>
      tpu.enqueue_indirect_dma source(%arg10 : memref<104x128xf32, #tpu.memory_space<vmem>>) target(%dma_start3A_209 : memref<10000x128xf32, #tpu.memory_space<vmem_shared>>) offsets(%arg22 : memref<104xi32, #tpu.memory_space<vmem>>) semaphore(%arg31 : memref<!tpu.dma_semaphore, #tpu.memory_space<semaphore_mem>>) {add = true}
      %scan3A_210 = arith.constant 0 : i32
      scf.yield %scan3A_210 : i32
    }
    %scan3A_28 = arith.constant 16 : i32
    %dma_wait3A = arith.constant 0 : i32
    %dma_wait3A_29 = arith.constant 0 : i32
    %dma_wait3A_30 = tpu.memref_slice %arg25[%dma_wait3A, %dma_wait3A_29] : memref<10000x128xf32, #tpu.memory_space<vmem_shared>> -> memref<10000x128xf32, #tpu.memory_space<vmem_shared>>
    tpu.wait_indirect_dma semaphore(%arg29 : memref<!tpu.dma_semaphore, #tpu.memory_space<semaphore_mem>>) src(%arg8 : memref<104x128xf32, #tpu.memory_space<vmem>>) dst(%dma_wait3A_30 : memref<10000x128xf32, #tpu.memory_space<vmem_shared>>)
    %dma_wait3A_31 = arith.constant 0 : i32
    %dma_wait3A_32 = arith.constant 0 : i32
    %dma_wait3A_33 = tpu.memref_slice %arg25[%dma_wait3A_31, %dma_wait3A_32] : memref<10000x128xf32, #tpu.memory_space<vmem_shared>> -> memref<10000x128xf32, #tpu.memory_space<vmem_shared>>
    tpu.wait_indirect_dma semaphore(%arg30 : memref<!tpu.dma_semaphore, #tpu.memory_space<semaphore_mem>>) src(%arg9 : memref<104x128xf32, #tpu.memory_space<vmem>>) dst(%dma_wait3A_33 : memref<10000x128xf32, #tpu.memory_space<vmem_shared>>)
    %dma_wait3A_34 = arith.constant 0 : i32
    %dma_wait3A_35 = arith.constant 0 : i32
    %dma_wait3A_36 = tpu.memref_slice %arg25[%dma_wait3A_34, %dma_wait3A_35] : memref<10000x128xf32, #tpu.memory_space<vmem_shared>> -> memref<10000x128xf32, #tpu.memory_space<vmem_shared>>
    tpu.wait_indirect_dma semaphore(%arg31 : memref<!tpu.dma_semaphore, #tpu.memory_space<semaphore_mem>>) src(%arg10 : memref<104x128xf32, #tpu.memory_space<vmem>>) dst(%dma_wait3A_36 : memref<10000x128xf32, #tpu.memory_space<vmem_shared>>)
    %add3A_37 = arith.constant 9984 : i32
    %add3A_38 = arith.addi %add3A, %add3A_37 : i32
    "tpu.region"() ({
      %run_scoped3A = tpu.sem_alloc : memref<!tpu.dma_semaphore, #tpu.memory_space<semaphore_mem>>
      %dma_start3A_59 = tpu.memref_slice %arg3[%add3A_38] : memref<320000xi32, #tpu.memory_space<hbm>> -> memref<16xi32, #tpu.memory_space<hbm>>
      %dma_start3A_60 = tpu.memref_slice %arg3[%add3A_38] : memref<320000xi32, #tpu.memory_space<hbm>> -> memref<16xi32, #tpu.memory_space<hbm>>
      tpu.enqueue_dma source(%dma_start3A_60 : memref<16xi32, #tpu.memory_space<hbm>>) target(%arg23 : memref<16xi32, #tpu.memory_space<vmem>>) target_semaphore(%run_scoped3A : memref<!tpu.dma_semaphore, #tpu.memory_space<semaphore_mem>>)
      %dma_wait3A_61 = tpu.memref_slice %arg3[%add3A_38] : memref<320000xi32, #tpu.memory_space<hbm>> -> memref<16xi32, #tpu.memory_space<hbm>>
      %dma_wait3A_62 = tpu.memref_slice %arg3[%add3A_38] : memref<320000xi32, #tpu.memory_space<hbm>> -> memref<16xi32, #tpu.memory_space<hbm>>
      tpu.wait_dma2 semaphore(%run_scoped3A : memref<!tpu.dma_semaphore, #tpu.memory_space<semaphore_mem>>) src(%dma_wait3A_62 : memref<16xi32, #tpu.memory_space<hbm>>) dst(%arg23 : memref<16xi32, #tpu.memory_space<vmem>>)
      tpu.yield
    }) : () -> ()
    "tpu.region"() ({
      %run_scoped3A = tpu.sem_alloc : memref<!tpu.dma_semaphore, #tpu.memory_space<semaphore_mem>>
      %dma_start3A_59 = tpu.memref_slice %arg4[%add3A_38] : memref<320000xi32, #tpu.memory_space<hbm>> -> memref<16xi32, #tpu.memory_space<hbm>>
      %dma_start3A_60 = tpu.memref_slice %arg4[%add3A_38] : memref<320000xi32, #tpu.memory_space<hbm>> -> memref<16xi32, #tpu.memory_space<hbm>>
      tpu.enqueue_dma source(%dma_start3A_60 : memref<16xi32, #tpu.memory_space<hbm>>) target(%arg24 : memref<16xi32, #tpu.memory_space<vmem>>) target_semaphore(%run_scoped3A : memref<!tpu.dma_semaphore, #tpu.memory_space<semaphore_mem>>)
      %dma_wait3A_61 = tpu.memref_slice %arg4[%add3A_38] : memref<320000xi32, #tpu.memory_space<hbm>> -> memref<16xi32, #tpu.memory_space<hbm>>
      %dma_wait3A_62 = tpu.memref_slice %arg4[%add3A_38] : memref<320000xi32, #tpu.memory_space<hbm>> -> memref<16xi32, #tpu.memory_space<hbm>>
      tpu.wait_dma2 semaphore(%run_scoped3A : memref<!tpu.dma_semaphore, #tpu.memory_space<semaphore_mem>>) src(%dma_wait3A_62 : memref<16xi32, #tpu.memory_space<hbm>>) dst(%arg24 : memref<16xi32, #tpu.memory_space<vmem>>)
      tpu.yield
    }) : () -> ()
    %dma_start3A_39 = arith.constant 0 : i32
    %dma_start3A_40 = arith.constant 0 : i32
    %dma_start3A_41 = tpu.memref_slice %arg8[%dma_start3A_39, %dma_start3A_40] : memref<104x128xf32, #tpu.memory_space<vmem>> -> memref<16x128xf32, #tpu.memory_space<vmem>>
    %dma_start3A_42 = arith.constant 0 : i32
    %dma_start3A_43 = arith.constant 0 : i32
    %dma_start3A_44 = tpu.memref_slice %arg2[%dma_start3A_42, %dma_start3A_43] : memref<10000x128xf32, #tpu.memory_space<hbm>> -> memref<10000x128xf32, #tpu.memory_space<hbm>>
    tpu.enqueue_indirect_dma source(%dma_start3A_44 : memref<10000x128xf32, #tpu.memory_space<hbm>>) target(%dma_start3A_41 : memref<16x128xf32, #tpu.memory_space<vmem>>) offsets(%arg23 : memref<16xi32, #tpu.memory_space<vmem>>) semaphore(%arg26 : memref<!tpu.dma_semaphore, #tpu.memory_space<semaphore_mem>>)
    %dma_wait3A_45 = arith.constant 0 : i32
    %dma_wait3A_46 = arith.constant 0 : i32
    %dma_wait3A_47 = tpu.memref_slice %arg8[%dma_wait3A_45, %dma_wait3A_46] : memref<104x128xf32, #tpu.memory_space<vmem>> -> memref<16x128xf32, #tpu.memory_space<vmem>>
    %dma_wait3A_48 = arith.constant 0 : i32
    %dma_wait3A_49 = arith.constant 0 : i32
    %dma_wait3A_50 = tpu.memref_slice %arg2[%dma_wait3A_48, %dma_wait3A_49] : memref<10000x128xf32, #tpu.memory_space<hbm>> -> memref<10000x128xf32, #tpu.memory_space<hbm>>
    tpu.wait_indirect_dma semaphore(%arg26 : memref<!tpu.dma_semaphore, #tpu.memory_space<semaphore_mem>>) src(%dma_wait3A_50 : memref<10000x128xf32, #tpu.memory_space<hbm>>) dst(%dma_wait3A_47 : memref<16x128xf32, #tpu.memory_space<vmem>>)
    "tpu.region"() ({
      %run_scoped3A = tpu.sem_alloc : memref<!tpu.dma_semaphore, #tpu.memory_space<semaphore_mem>>
      %dma_start3A_59 = arith.constant 0 : i32
      %dma_start3A_60 = arith.constant 0 : i32
      %dma_start3A_61 = tpu.memref_slice %arg8[%dma_start3A_59, %dma_start3A_60] : memref<104x128xf32, #tpu.memory_space<vmem>> -> memref<16x128xf32, #tpu.memory_space<vmem>>
      %dma_start3A_62 = arith.constant 0 : i32
      %dma_start3A_63 = arith.constant 0 : i32
      %dma_start3A_64 = tpu.memref_slice %arg25[%dma_start3A_62, %dma_start3A_63] : memref<10000x128xf32, #tpu.memory_space<vmem_shared>> -> memref<10000x128xf32, #tpu.memory_space<vmem_shared>>
      tpu.enqueue_indirect_dma source(%dma_start3A_61 : memref<16x128xf32, #tpu.memory_space<vmem>>) target(%dma_start3A_64 : memref<10000x128xf32, #tpu.memory_space<vmem_shared>>) offsets(%arg24 : memref<16xi32, #tpu.memory_space<vmem>>) semaphore(%run_scoped3A : memref<!tpu.dma_semaphore, #tpu.memory_space<semaphore_mem>>) {add = true}
      %dma_wait3A_65 = arith.constant 0 : i32
      %dma_wait3A_66 = arith.constant 0 : i32
      %dma_wait3A_67 = tpu.memref_slice %arg8[%dma_wait3A_65, %dma_wait3A_66] : memref<104x128xf32, #tpu.memory_space<vmem>> -> memref<16x128xf32, #tpu.memory_space<vmem>>
      %dma_wait3A_68 = arith.constant 0 : i32
      %dma_wait3A_69 = arith.constant 0 : i32
      %dma_wait3A_70 = tpu.memref_slice %arg25[%dma_wait3A_68, %dma_wait3A_69] : memref<10000x128xf32, #tpu.memory_space<vmem_shared>> -> memref<10000x128xf32, #tpu.memory_space<vmem_shared>>
      tpu.wait_indirect_dma semaphore(%run_scoped3A : memref<!tpu.dma_semaphore, #tpu.memory_space<semaphore_mem>>) src(%dma_wait3A_67 : memref<16x128xf32, #tpu.memory_space<vmem>>) dst(%dma_wait3A_70 : memref<10000x128xf32, #tpu.memory_space<vmem_shared>>)
      tpu.yield
    }) : () -> ()
    %barrier3A_51 = arith.constant 0 : index
    tpu.barrier barrier_id(%barrier3A_51)
    %eq3A = arith.constant 0 : i32
    %eq3A_52 = arith.cmpi eq, %arg0, %eq3A : i32
    %convert_element_type3A = arith.extui %eq3A_52 : i1 to i32
    %cond3A = arith.constant 0 : i32
    %cond3A_53 = arith.cmpi ne, %convert_element_type3A, %cond3A : i32
    scf.if %cond3A_53 {
      "tpu.region"() ({
        %run_scoped3A = tpu.sem_alloc : memref<!tpu.dma_semaphore, #tpu.memory_space<semaphore_mem>>
        %dma_start3A_59 = arith.constant 0 : i32
        %dma_start3A_60 = tpu.memref_slice %arg6[%min3A_22, %dma_start3A_59] : memref<10000x128xf32, #tpu.memory_space<hbm>> -> memref<632x128xf32, #tpu.memory_space<hbm>>
        %dma_start3A_61 = arith.constant 0 : i32
        %dma_start3A_62 = tpu.memref_slice %arg25[%min3A_22, %dma_start3A_61] : memref<10000x128xf32, #tpu.memory_space<vmem_shared>> -> memref<632x128xf32, #tpu.memory_space<vmem_shared>>
        tpu.enqueue_dma source(%dma_start3A_62 : memref<632x128xf32, #tpu.memory_space<vmem_shared>>) target(%dma_start3A_60 : memref<632x128xf32, #tpu.memory_space<hbm>>) target_semaphore(%run_scoped3A : memref<!tpu.dma_semaphore, #tpu.memory_space<semaphore_mem>>)
        %dma_wait3A_63 = arith.constant 0 : i32
        %dma_wait3A_64 = tpu.memref_slice %arg6[%min3A_22, %dma_wait3A_63] : memref<10000x128xf32, #tpu.memory_space<hbm>> -> memref<632x128xf32, #tpu.memory_space<hbm>>
        %dma_wait3A_65 = arith.constant 0 : i32
        %dma_wait3A_66 = tpu.memref_slice %arg25[%min3A_22, %dma_wait3A_65] : memref<10000x128xf32, #tpu.memory_space<vmem_shared>> -> memref<632x128xf32, #tpu.memory_space<vmem_shared>>
        tpu.wait_dma2 semaphore(%run_scoped3A : memref<!tpu.dma_semaphore, #tpu.memory_space<semaphore_mem>>) src(%dma_wait3A_66 : memref<632x128xf32, #tpu.memory_space<vmem_shared>>) dst(%dma_wait3A_64 : memref<632x128xf32, #tpu.memory_space<hbm>>)
        tpu.yield
      }) : () -> ()
    } else {
    }
    %eq3A_54 = arith.constant 1 : i32
    %eq3A_55 = arith.cmpi eq, %arg0, %eq3A_54 : i32
    %convert_element_type3A_56 = arith.extui %eq3A_55 : i1 to i32
    %cond3A_57 = arith.constant 0 : i32
    %cond3A_58 = arith.cmpi ne, %convert_element_type3A_56, %cond3A_57 : i32
    scf.if %cond3A_58 {
      "tpu.region"() ({
        %run_scoped3A = tpu.sem_alloc : memref<!tpu.dma_semaphore, #tpu.memory_space<semaphore_mem>>
        %dma_start3A_59 = arith.constant 0 : i32
        %dma_start3A_60 = tpu.memref_slice %arg7[%min3A_22, %dma_start3A_59] : memref<10000x128xf32, #tpu.memory_space<hbm>> -> memref<632x128xf32, #tpu.memory_space<hbm>>
        %dma_start3A_61 = arith.constant 0 : i32
        %dma_start3A_62 = tpu.memref_slice %arg25[%min3A_22, %dma_start3A_61] : memref<10000x128xf32, #tpu.memory_space<vmem_shared>> -> memref<632x128xf32, #tpu.memory_space<vmem_shared>>
        tpu.enqueue_dma source(%dma_start3A_62 : memref<632x128xf32, #tpu.memory_space<vmem_shared>>) target(%dma_start3A_60 : memref<632x128xf32, #tpu.memory_space<hbm>>) target_semaphore(%run_scoped3A : memref<!tpu.dma_semaphore, #tpu.memory_space<semaphore_mem>>)
        %dma_wait3A_63 = arith.constant 0 : i32
        %dma_wait3A_64 = tpu.memref_slice %arg7[%min3A_22, %dma_wait3A_63] : memref<10000x128xf32, #tpu.memory_space<hbm>> -> memref<632x128xf32, #tpu.memory_space<hbm>>
        %dma_wait3A_65 = arith.constant 0 : i32
        %dma_wait3A_66 = tpu.memref_slice %arg25[%min3A_22, %dma_wait3A_65] : memref<10000x128xf32, #tpu.memory_space<vmem_shared>> -> memref<632x128xf32, #tpu.memory_space<vmem_shared>>
        tpu.wait_dma2 semaphore(%run_scoped3A : memref<!tpu.dma_semaphore, #tpu.memory_space<semaphore_mem>>) src(%dma_wait3A_66 : memref<632x128xf32, #tpu.memory_space<vmem_shared>>) dst(%dma_wait3A_64 : memref<632x128xf32, #tpu.memory_space<hbm>>)
        tpu.yield
      }) : () -> ()
    } else {
    }
    return
  }
}

module attributes {stable_mosaic.version = 14 : i64} {
  func.func @_gin_layer_body(%arg0: i32, %arg1: i32, %arg2: memref<1000x128xf32, #tpu.memory_space<vmem>>, %arg3: memref<1000x128xf32, #tpu.memory_space<vmem>>, %arg4: memref<1000x128xf32, #tpu.memory_space<vmem>>, %arg5: memref<128x128xf32, #tpu.memory_space<vmem>>, %arg6: memref<1x128xf32, #tpu.memory_space<vmem>>, %arg7: memref<128x128xf32, #tpu.memory_space<vmem>>, %arg8: memref<1x128xf32, #tpu.memory_space<vmem>>, %arg9: memref<1x128xf32, #tpu.memory_space<vmem>>, %arg10: memref<1x128xf32, #tpu.memory_space<vmem>>, %arg11: memref<1000x128xf32, #tpu.memory_space<vmem>>, %arg12: memref<10000x128xf32, #tpu.memory_space<vmem>>, %arg13: memref<2x128xf32, #tpu.memory_space<vmem>>) attributes {dimension_semantics = [#tpu.dimension_semantics<arbitrary>, #tpu.dimension_semantics<arbitrary>], iteration_bounds = array<i64: 2, 10>, scalar_prefetch = 0 : i64, scratch_operands = 2 : i64, tpu.core_type = #tpu.core_type<tc>, window_params = [{transform_indices = @transform_0, window_bounds = array<i64: 1000, 128>}, {transform_indices = @transform_1, window_bounds = array<i64: 1000, 128>}, {transform_indices = @transform_2, window_bounds = array<i64: 1000, 128>}, {pipeline_mode = #tpu.pipeline_mode<synchronous>, transform_indices = @transform_3, window_bounds = array<i64: 128, 128>}, {pipeline_mode = #tpu.pipeline_mode<synchronous>, transform_indices = @transform_4, window_bounds = array<i64: 1, 128>}, {pipeline_mode = #tpu.pipeline_mode<synchronous>, transform_indices = @transform_5, window_bounds = array<i64: 128, 128>}, {pipeline_mode = #tpu.pipeline_mode<synchronous>, transform_indices = @transform_6, window_bounds = array<i64: 1, 128>}, {pipeline_mode = #tpu.pipeline_mode<synchronous>, transform_indices = @transform_7, window_bounds = array<i64: 1, 128>}, {pipeline_mode = #tpu.pipeline_mode<synchronous>, transform_indices = @transform_8, window_bounds = array<i64: 1, 128>}, {transform_indices = @transform_9, window_bounds = array<i64: 1000, 128>}]} {
    %eq3A = arith.constant 0 : i32
    %eq3A_0 = arith.cmpi eq, %arg0, %eq3A : i32
    %convert_element_type3A = arith.extui %eq3A_0 : i1 to i32
    %cond3A = arith.constant 0 : i32
    %cond3A_1 = arith.cmpi ne, %convert_element_type3A, %cond3A : i32
    scf.if %cond3A_1 {
      %get3A = arith.constant 0 : index
      %get3A_7 = arith.constant 0 : index
      %get3A_8 = vector.load %arg2[%get3A, %get3A_7] : memref<1000x128xf32, #tpu.memory_space<vmem>>, vector<1000x128xf32>
      %get3A_9 = arith.constant 0 : index
      %get3A_10 = arith.constant 0 : index
      %get3A_11 = vector.load %arg3[%get3A_9, %get3A_10] : memref<1000x128xf32, #tpu.memory_space<vmem>>, vector<1000x128xf32>
      %add3A = arith.addf %get3A_8, %get3A_11 : vector<1000x128xf32>
      %get3A_12 = arith.constant 0 : index
      %get3A_13 = arith.constant 0 : index
      %get3A_14 = vector.load %arg4[%get3A_12, %get3A_13] : memref<1000x128xf32, #tpu.memory_space<vmem>>, vector<1000x128xf32>
      %add3A_15 = arith.addf %add3A, %get3A_14 : vector<1000x128xf32>
      %get3A_16 = arith.constant 0 : index
      %get3A_17 = arith.constant 0 : index
      %get3A_18 = vector.load %arg5[%get3A_16, %get3A_17] : memref<128x128xf32, #tpu.memory_space<vmem>>, vector<128x128xf32>
      %dot_general3A = arith.constant dense<0.000000e+00> : vector<1000x128xf32>
      %dot_general3A_19 = tpu.matmul %add3A_15, %get3A_18, %dot_general3A {dimension_numbers = #tpu.dot_dimension_numbers<[1], [0], [0], [1], [0, 0, 1, 1], [], []>, transpose_lhs_hint = false} : vector<1000x128xf32>, vector<128x128xf32>, vector<1000x128xf32> -> vector<1000x128xf32>
      %get3A_20 = arith.constant 0 : index
      %get3A_21 = arith.constant 0 : index
      %get3A_22 = vector.load %arg6[%get3A_20, %get3A_21] : memref<1x128xf32, #tpu.memory_space<vmem>>, vector<1x128xf32>
      %add3A_23 = vector.broadcast %get3A_22 : vector<1x128xf32> to vector<1000x128xf32>
      %add3A_24 = arith.addf %dot_general3A_19, %add3A_23 : vector<1000x128xf32>
      %max3A = arith.constant 0.000000e+00 : f32
      %max3A_25 = vector.broadcast %max3A : f32 to vector<1000x128xf32>
      %max3A_26 = arith.maximumf %add3A_24, %max3A_25 : vector<1000x128xf32>
      %get3A_27 = arith.constant 0 : index
      %get3A_28 = arith.constant 0 : index
      %get3A_29 = vector.load %arg7[%get3A_27, %get3A_28] : memref<128x128xf32, #tpu.memory_space<vmem>>, vector<128x128xf32>
      %dot_general3A_30 = arith.constant dense<0.000000e+00> : vector<1000x128xf32>
      %dot_general3A_31 = tpu.matmul %max3A_26, %get3A_29, %dot_general3A_30 {dimension_numbers = #tpu.dot_dimension_numbers<[1], [0], [0], [1], [0, 0, 1, 1], [], []>, transpose_lhs_hint = false} : vector<1000x128xf32>, vector<128x128xf32>, vector<1000x128xf32> -> vector<1000x128xf32>
      %get3A_32 = arith.constant 0 : index
      %get3A_33 = arith.constant 0 : index
      %get3A_34 = vector.load %arg8[%get3A_32, %get3A_33] : memref<1x128xf32, #tpu.memory_space<vmem>>, vector<1x128xf32>
      %add3A_35 = vector.broadcast %get3A_34 : vector<1x128xf32> to vector<1000x128xf32>
      %add3A_36 = arith.addf %dot_general3A_31, %add3A_35 : vector<1000x128xf32>
      %mul3A = arith.constant 1000 : i32
      %mul3A_37 = arith.muli %arg1, %mul3A : i32
      %swap3A = arith.index_cast %mul3A_37 : i32 to index
      %swap3A_38 = arith.constant 0 : index
      %swap3A_39 = vector.load %arg12[%swap3A, %swap3A_38] : memref<10000x128xf32, #tpu.memory_space<vmem>>, vector<1000x128xf32>
      tpu.vector_store %arg12[%swap3A, %swap3A_38], %add3A_36 {strides = array<i32>} : memref<10000x128xf32, #tpu.memory_space<vmem>>, vector<1000x128xf32>,
      %reduce_sum3A = arith.constant dense<0.000000e+00> : vector<128xf32>
      %reduce_sum3A_40 = vector.multi_reduction <add>, %add3A_36, %reduce_sum3A [0] : vector<1000x128xf32> to vector<128xf32>
      %broadcast_in_dim3A = vector.shape_cast %reduce_sum3A_40 : vector<128xf32> to vector<1x128xf32>
      %mul3A_41 = arith.mulf %add3A_36, %add3A_36 : vector<1000x128xf32>
      %reduce_sum3A_42 = arith.constant dense<0.000000e+00> : vector<128xf32>
      %reduce_sum3A_43 = vector.multi_reduction <add>, %mul3A_41, %reduce_sum3A_42 [0] : vector<1000x128xf32> to vector<128xf32>
      %broadcast_in_dim3A_44 = vector.shape_cast %reduce_sum3A_43 : vector<128xf32> to vector<1x128xf32>
      %concatenate3A = tpu.concatenate %broadcast_in_dim3A, %broadcast_in_dim3A_44 in 0 : vector<1x128xf32>, vector<1x128xf32> -> vector<2x128xf32>
      %eq3A_45 = arith.constant 0 : i32
      %eq3A_46 = arith.cmpi eq, %arg1, %eq3A_45 : i32
      %convert_element_type3A_47 = arith.extui %eq3A_46 : i1 to i32
      %cond3A_48 = arith.constant 0 : i32
      %cond3A_49 = arith.cmpi ne, %convert_element_type3A_47, %cond3A_48 : i32
      scf.if %cond3A_49 {
        %swap3A_54 = arith.constant 0 : index
        %swap3A_55 = arith.constant 0 : index
        %swap3A_56 = vector.load %arg13[%swap3A_54, %swap3A_55] : memref<2x128xf32, #tpu.memory_space<vmem>>, vector<2x128xf32>
        tpu.vector_store %arg13[%swap3A_54, %swap3A_55], %concatenate3A {strides = array<i32>} : memref<2x128xf32, #tpu.memory_space<vmem>>, vector<2x128xf32>,
      } else {
      }
      %gt3A = arith.constant 0 : i32
      %gt3A_50 = arith.cmpi sgt, %arg1, %gt3A : i32
      %convert_element_type3A_51 = arith.extui %gt3A_50 : i1 to i32
      %cond3A_52 = arith.constant 0 : i32
      %cond3A_53 = arith.cmpi ne, %convert_element_type3A_51, %cond3A_52 : i32
      scf.if %cond3A_53 {
        %get3A_54 = arith.constant 0 : index
        %get3A_55 = arith.constant 0 : index
        %get3A_56 = vector.load %arg13[%get3A_54, %get3A_55] : memref<2x128xf32, #tpu.memory_space<vmem>>, vector<2x128xf32>
        %add3A_57 = arith.addf %get3A_56, %concatenate3A : vector<2x128xf32>
        %swap3A_58 = arith.constant 0 : index
        %swap3A_59 = arith.constant 0 : index
        %swap3A_60 = vector.load %arg13[%swap3A_58, %swap3A_59] : memref<2x128xf32, #tpu.memory_space<vmem>>, vector<2x128xf32>
        tpu.vector_store %arg13[%swap3A_58, %swap3A_59], %add3A_57 {strides = array<i32>} : memref<2x128xf32, #tpu.memory_space<vmem>>, vector<2x128xf32>,
      } else {
      }
    } else {
    }
    %eq3A_2 = arith.constant 1 : i32
    %eq3A_3 = arith.cmpi eq, %arg0, %eq3A_2 : i32
    %convert_element_type3A_4 = arith.extui %eq3A_3 : i1 to i32
    %cond3A_5 = arith.constant 0 : i32
    %cond3A_6 = arith.cmpi ne, %convert_element_type3A_4, %cond3A_5 : i32
    scf.if %cond3A_6 {
      %get3A = arith.constant 0 : index
      %get3A_7 = arith.constant 0 : index
      %get3A_8 = vector.load %arg13[%get3A, %get3A_7] : memref<2x128xf32, #tpu.memory_space<vmem>>, vector<1x128xf32>
      %mul3A = arith.constant 9.99999974E-5 : f32
      %mul3A_9 = vector.broadcast %mul3A : f32 to vector<1x128xf32>
      %mul3A_10 = arith.mulf %get3A_8, %mul3A_9 : vector<1x128xf32>
      %get3A_11 = arith.constant 1 : index
      %get3A_12 = arith.constant 0 : index
      %get3A_13 = vector.load %arg13[%get3A_11, %get3A_12] : memref<2x128xf32, #tpu.memory_space<vmem>>, vector<1x128xf32>
      %mul3A_14 = arith.constant 9.99999974E-5 : f32
      %mul3A_15 = vector.broadcast %mul3A_14 : f32 to vector<1x128xf32>
      %mul3A_16 = arith.mulf %get3A_13, %mul3A_15 : vector<1x128xf32>
      %mul3A_17 = arith.mulf %mul3A_10, %mul3A_10 : vector<1x128xf32>
      %sub3A = arith.subf %mul3A_16, %mul3A_17 : vector<1x128xf32>
      %add3A = arith.constant 9.99999974E-6 : f32
      %add3A_18 = vector.broadcast %add3A : f32 to vector<1x128xf32>
      %add3A_19 = arith.addf %sub3A, %add3A_18 : vector<1x128xf32>
      %rsqrt3A = math.rsqrt %add3A_19 : vector<1x128xf32>
      %mul3A_20 = arith.constant 1000 : i32
      %mul3A_21 = arith.muli %arg1, %mul3A_20 : i32
      %get3A_22 = arith.index_cast %mul3A_21 : i32 to index
      %get3A_23 = arith.constant 0 : index
      %get3A_24 = vector.load %arg12[%get3A_22, %get3A_23] : memref<10000x128xf32, #tpu.memory_space<vmem>>, vector<1000x128xf32>
      %sub3A_25 = vector.broadcast %mul3A_10 : vector<1x128xf32> to vector<1000x128xf32>
      %sub3A_26 = arith.subf %get3A_24, %sub3A_25 : vector<1000x128xf32>
      %get3A_27 = arith.constant 0 : index
      %get3A_28 = arith.constant 0 : index
      %get3A_29 = vector.load %arg9[%get3A_27, %get3A_28] : memref<1x128xf32, #tpu.memory_space<vmem>>, vector<1x128xf32>
      %mul3A_30 = arith.mulf %rsqrt3A, %get3A_29 : vector<1x128xf32>
      %mul3A_31 = vector.broadcast %mul3A_30 : vector<1x128xf32> to vector<1000x128xf32>
      %mul3A_32 = arith.mulf %sub3A_26, %mul3A_31 : vector<1000x128xf32>
      %get3A_33 = arith.constant 0 : index
      %get3A_34 = arith.constant 0 : index
      %get3A_35 = vector.load %arg10[%get3A_33, %get3A_34] : memref<1x128xf32, #tpu.memory_space<vmem>>, vector<1x128xf32>
      %add3A_36 = vector.broadcast %get3A_35 : vector<1x128xf32> to vector<1000x128xf32>
      %add3A_37 = arith.addf %mul3A_32, %add3A_36 : vector<1000x128xf32>
      %max3A = arith.constant 0.000000e+00 : f32
      %max3A_38 = vector.broadcast %max3A : f32 to vector<1000x128xf32>
      %max3A_39 = arith.maximumf %add3A_37, %max3A_38 : vector<1000x128xf32>
      %swap3A = arith.constant 0 : index
      %swap3A_40 = arith.constant 0 : index
      %swap3A_41 = vector.load %arg11[%swap3A, %swap3A_40] : memref<1000x128xf32, #tpu.memory_space<vmem>>, vector<1000x128xf32>
      tpu.vector_store %arg11[%swap3A, %swap3A_40], %max3A_39 {strides = array<i32>} : memref<1000x128xf32, #tpu.memory_space<vmem>>, vector<1000x128xf32>,
    } else {
    }
    return
  }
  func.func @transform_0(%arg0: i32, %arg1: i32) -> (i32, i32) {
    %sub3A = arith.constant 1 : i32
    %sub3A_0 = arith.subi %sub3A, %arg0 : i32
    %mul3A = arith.muli %arg1, %sub3A_0 : i32
    %c0_i32 = arith.constant 0 : i32
    %c0_i32_1 = arith.constant 0 : i32
    return %mul3A, %c0_i32 : i32, i32
  }
  func.func @transform_1(%arg0: i32, %arg1: i32) -> (i32, i32) {
    %sub3A = arith.constant 1 : i32
    %sub3A_0 = arith.subi %sub3A, %arg0 : i32
    %mul3A = arith.muli %arg1, %sub3A_0 : i32
    %c0_i32 = arith.constant 0 : i32
    %c0_i32_1 = arith.constant 0 : i32
    return %mul3A, %c0_i32 : i32, i32
  }
  func.func @transform_2(%arg0: i32, %arg1: i32) -> (i32, i32) {
    %sub3A = arith.constant 1 : i32
    %sub3A_0 = arith.subi %sub3A, %arg0 : i32
    %mul3A = arith.muli %arg1, %sub3A_0 : i32
    %c0_i32 = arith.constant 0 : i32
    %c0_i32_1 = arith.constant 0 : i32
    return %mul3A, %c0_i32 : i32, i32
  }
  func.func @transform_3(%arg0: i32, %arg1: i32) -> (i32, i32) {
    %c0_i32 = arith.constant 0 : i32
    %c0_i32_0 = arith.constant 0 : i32
    %c0_i32_1 = arith.constant 0 : i32
    return %c0_i32, %c0_i32_0 : i32, i32
  }
  func.func @transform_4(%arg0: i32, %arg1: i32) -> (i32, i32) {
    %c0_i32 = arith.constant 0 : i32
    %c0_i32_0 = arith.constant 0 : i32
    %c0_i32_1 = arith.constant 0 : i32
    return %c0_i32, %c0_i32_0 : i32, i32
  }
  func.func @transform_5(%arg0: i32, %arg1: i32) -> (i32, i32) {
    %c0_i32 = arith.constant 0 : i32
    %c0_i32_0 = arith.constant 0 : i32
    %c0_i32_1 = arith.constant 0 : i32
    return %c0_i32, %c0_i32_0 : i32, i32
  }
  func.func @transform_6(%arg0: i32, %arg1: i32) -> (i32, i32) {
    %c0_i32 = arith.constant 0 : i32
    %c0_i32_0 = arith.constant 0 : i32
    %c0_i32_1 = arith.constant 0 : i32
    return %c0_i32, %c0_i32_0 : i32, i32
  }
  func.func @transform_7(%arg0: i32, %arg1: i32) -> (i32, i32) {
    %c0_i32 = arith.constant 0 : i32
    %c0_i32_0 = arith.constant 0 : i32
    %c0_i32_1 = arith.constant 0 : i32
    return %c0_i32, %c0_i32_0 : i32, i32
  }
  func.func @transform_8(%arg0: i32, %arg1: i32) -> (i32, i32) {
    %c0_i32 = arith.constant 0 : i32
    %c0_i32_0 = arith.constant 0 : i32
    %c0_i32_1 = arith.constant 0 : i32
    return %c0_i32, %c0_i32_0 : i32, i32
  }
  func.func @transform_9(%arg0: i32, %arg1: i32) -> (i32, i32) {
    %c0_i32 = arith.constant 0 : i32
    %c0_i32_0 = arith.constant 0 : i32
    return %arg1, %c0_i32 : i32, i32
  }
}

module attributes {stable_mosaic.version = 14 : i64} {
  func.func @_final_layer_body(%arg0: i32, %arg1: i32, %arg2: memref<1000x128xf32, #tpu.memory_space<vmem>>, %arg3: memref<1000x128xf32, #tpu.memory_space<vmem>>, %arg4: memref<1000x128xf32, #tpu.memory_space<vmem>>, %arg5: memref<128x128xf32, #tpu.memory_space<vmem>>, %arg6: memref<1x128xf32, #tpu.memory_space<vmem>>, %arg7: memref<128x128xf32, #tpu.memory_space<vmem>>, %arg8: memref<1x128xf32, #tpu.memory_space<vmem>>, %arg9: memref<1x128xf32, #tpu.memory_space<vmem>>, %arg10: memref<1x128xf32, #tpu.memory_space<vmem>>, %arg11: memref<1x1x1000xi32, #tpu.memory_space<vmem>>, %arg12: memref<128x128xf32, #tpu.memory_space<vmem>>, %arg13: memref<1x128xf32, #tpu.memory_space<vmem>>, %arg14: memref<128x128xf32, #tpu.memory_space<vmem>>, %arg15: memref<1x128xf32, #tpu.memory_space<vmem>>, %arg16: memref<64x128xf32, #tpu.memory_space<vmem>>, %arg17: memref<10000x128xf32, #tpu.memory_space<vmem>>, %arg18: memref<2x128xf32, #tpu.memory_space<vmem>>, %arg19: memref<64x128xf32, #tpu.memory_space<vmem>>) attributes {dimension_semantics = [#tpu.dimension_semantics<arbitrary>, #tpu.dimension_semantics<arbitrary>], iteration_bounds = array<i64: 2, 10>, scalar_prefetch = 0 : i64, scratch_operands = 3 : i64, tpu.core_type = #tpu.core_type<tc>, window_params = [{transform_indices = @transform_0, window_bounds = array<i64: 1000, 128>}, {transform_indices = @transform_1, window_bounds = array<i64: 1000, 128>}, {transform_indices = @transform_2, window_bounds = array<i64: 1000, 128>}, {pipeline_mode = #tpu.pipeline_mode<synchronous>, transform_indices = @transform_3, window_bounds = array<i64: 128, 128>}, {pipeline_mode = #tpu.pipeline_mode<synchronous>, transform_indices = @transform_4, window_bounds = array<i64: 1, 128>}, {pipeline_mode = #tpu.pipeline_mode<synchronous>, transform_indices = @transform_5, window_bounds = array<i64: 128, 128>}, {pipeline_mode = #tpu.pipeline_mode<synchronous>, transform_indices = @transform_6, window_bounds = array<i64: 1, 128>}, {pipeline_mode = #tpu.pipeline_mode<synchronous>, transform_indices = @transform_7, window_bounds = array<i64: 1, 128>}, {pipeline_mode = #tpu.pipeline_mode<synchronous>, transform_indices = @transform_8, window_bounds = array<i64: 1, 128>}, {transform_indices = @transform_9, window_bounds = array<i64: 1, 1, 1000>}, {pipeline_mode = #tpu.pipeline_mode<synchronous>, transform_indices = @transform_10, window_bounds = array<i64: 128, 128>}, {pipeline_mode = #tpu.pipeline_mode<synchronous>, transform_indices = @transform_11, window_bounds = array<i64: 1, 128>}, {pipeline_mode = #tpu.pipeline_mode<synchronous>, transform_indices = @transform_12, window_bounds = array<i64: 128, 128>}, {pipeline_mode = #tpu.pipeline_mode<synchronous>, transform_indices = @transform_13, window_bounds = array<i64: 1, 128>}, {pipeline_mode = #tpu.pipeline_mode<synchronous>, transform_indices = @transform_14, window_bounds = array<i64: 64, 128>}]} {
    %eq3A = arith.constant 0 : i32
    %eq3A_0 = arith.cmpi eq, %arg0, %eq3A : i32
    %convert_element_type3A = arith.extui %eq3A_0 : i1 to i32
    %cond3A = arith.constant 0 : i32
    %cond3A_1 = arith.cmpi ne, %convert_element_type3A, %cond3A : i32
    scf.if %cond3A_1 {
      %get3A = arith.constant 0 : index
      %get3A_7 = arith.constant 0 : index
      %get3A_8 = vector.load %arg2[%get3A, %get3A_7] : memref<1000x128xf32, #tpu.memory_space<vmem>>, vector<1000x128xf32>
      %get3A_9 = arith.constant 0 : index
      %get3A_10 = arith.constant 0 : index
      %get3A_11 = vector.load %arg3[%get3A_9, %get3A_10] : memref<1000x128xf32, #tpu.memory_space<vmem>>, vector<1000x128xf32>
      %add3A = arith.addf %get3A_8, %get3A_11 : vector<1000x128xf32>
      %get3A_12 = arith.constant 0 : index
      %get3A_13 = arith.constant 0 : index
      %get3A_14 = vector.load %arg4[%get3A_12, %get3A_13] : memref<1000x128xf32, #tpu.memory_space<vmem>>, vector<1000x128xf32>
      %add3A_15 = arith.addf %add3A, %get3A_14 : vector<1000x128xf32>
      %get3A_16 = arith.constant 0 : index
      %get3A_17 = arith.constant 0 : index
      %get3A_18 = vector.load %arg5[%get3A_16, %get3A_17] : memref<128x128xf32, #tpu.memory_space<vmem>>, vector<128x128xf32>
      %dot_general3A = arith.constant dense<0.000000e+00> : vector<1000x128xf32>
      %dot_general3A_19 = tpu.matmul %add3A_15, %get3A_18, %dot_general3A {dimension_numbers = #tpu.dot_dimension_numbers<[1], [0], [0], [1], [0, 0, 1, 1], [], []>, transpose_lhs_hint = false} : vector<1000x128xf32>, vector<128x128xf32>, vector<1000x128xf32> -> vector<1000x128xf32>
      %get3A_20 = arith.constant 0 : index
      %get3A_21 = arith.constant 0 : index
      %get3A_22 = vector.load %arg6[%get3A_20, %get3A_21] : memref<1x128xf32, #tpu.memory_space<vmem>>, vector<1x128xf32>
      %add3A_23 = vector.broadcast %get3A_22 : vector<1x128xf32> to vector<1000x128xf32>
      %add3A_24 = arith.addf %dot_general3A_19, %add3A_23 : vector<1000x128xf32>
      %max3A = arith.constant 0.000000e+00 : f32
      %max3A_25 = vector.broadcast %max3A : f32 to vector<1000x128xf32>
      %max3A_26 = arith.maximumf %add3A_24, %max3A_25 : vector<1000x128xf32>
      %get3A_27 = arith.constant 0 : index
      %get3A_28 = arith.constant 0 : index
      %get3A_29 = vector.load %arg7[%get3A_27, %get3A_28] : memref<128x128xf32, #tpu.memory_space<vmem>>, vector<128x128xf32>
      %dot_general3A_30 = arith.constant dense<0.000000e+00> : vector<1000x128xf32>
      %dot_general3A_31 = tpu.matmul %max3A_26, %get3A_29, %dot_general3A_30 {dimension_numbers = #tpu.dot_dimension_numbers<[1], [0], [0], [1], [0, 0, 1, 1], [], []>, transpose_lhs_hint = false} : vector<1000x128xf32>, vector<128x128xf32>, vector<1000x128xf32> -> vector<1000x128xf32>
      %get3A_32 = arith.constant 0 : index
      %get3A_33 = arith.constant 0 : index
      %get3A_34 = vector.load %arg8[%get3A_32, %get3A_33] : memref<1x128xf32, #tpu.memory_space<vmem>>, vector<1x128xf32>
      %add3A_35 = vector.broadcast %get3A_34 : vector<1x128xf32> to vector<1000x128xf32>
      %add3A_36 = arith.addf %dot_general3A_31, %add3A_35 : vector<1000x128xf32>
      %mul3A = arith.constant 1000 : i32
      %mul3A_37 = arith.muli %arg1, %mul3A : i32
      %swap3A = arith.index_cast %mul3A_37 : i32 to index
      %swap3A_38 = arith.constant 0 : index
      %swap3A_39 = vector.load %arg17[%swap3A, %swap3A_38] : memref<10000x128xf32, #tpu.memory_space<vmem>>, vector<1000x128xf32>
      tpu.vector_store %arg17[%swap3A, %swap3A_38], %add3A_36 {strides = array<i32>} : memref<10000x128xf32, #tpu.memory_space<vmem>>, vector<1000x128xf32>,
      %reduce_sum3A = arith.constant dense<0.000000e+00> : vector<128xf32>
      %reduce_sum3A_40 = vector.multi_reduction <add>, %add3A_36, %reduce_sum3A [0] : vector<1000x128xf32> to vector<128xf32>
      %broadcast_in_dim3A = vector.shape_cast %reduce_sum3A_40 : vector<128xf32> to vector<1x128xf32>
      %mul3A_41 = arith.mulf %add3A_36, %add3A_36 : vector<1000x128xf32>
      %reduce_sum3A_42 = arith.constant dense<0.000000e+00> : vector<128xf32>
      %reduce_sum3A_43 = vector.multi_reduction <add>, %mul3A_41, %reduce_sum3A_42 [0] : vector<1000x128xf32> to vector<128xf32>
      %broadcast_in_dim3A_44 = vector.shape_cast %reduce_sum3A_43 : vector<128xf32> to vector<1x128xf32>
      %concatenate3A = tpu.concatenate %broadcast_in_dim3A, %broadcast_in_dim3A_44 in 0 : vector<1x128xf32>, vector<1x128xf32> -> vector<2x128xf32>
      %eq3A_45 = arith.constant 0 : i32
      %eq3A_46 = arith.cmpi eq, %arg1, %eq3A_45 : i32
      %convert_element_type3A_47 = arith.extui %eq3A_46 : i1 to i32
      %cond3A_48 = arith.constant 0 : i32
      %cond3A_49 = arith.cmpi ne, %convert_element_type3A_47, %cond3A_48 : i32
      scf.if %cond3A_49 {
        %swap3A_54 = arith.constant 0 : index
        %swap3A_55 = arith.constant 0 : index
        %swap3A_56 = vector.load %arg18[%swap3A_54, %swap3A_55] : memref<2x128xf32, #tpu.memory_space<vmem>>, vector<2x128xf32>
        tpu.vector_store %arg18[%swap3A_54, %swap3A_55], %concatenate3A {strides = array<i32>} : memref<2x128xf32, #tpu.memory_space<vmem>>, vector<2x128xf32>,
      } else {
      }
      %gt3A = arith.constant 0 : i32
      %gt3A_50 = arith.cmpi sgt, %arg1, %gt3A : i32
      %convert_element_type3A_51 = arith.extui %gt3A_50 : i1 to i32
      %cond3A_52 = arith.constant 0 : i32
      %cond3A_53 = arith.cmpi ne, %convert_element_type3A_51, %cond3A_52 : i32
      scf.if %cond3A_53 {
        %get3A_54 = arith.constant 0 : index
        %get3A_55 = arith.constant 0 : index
        %get3A_56 = vector.load %arg18[%get3A_54, %get3A_55] : memref<2x128xf32, #tpu.memory_space<vmem>>, vector<2x128xf32>
        %add3A_57 = arith.addf %get3A_56, %concatenate3A : vector<2x128xf32>
        %swap3A_58 = arith.constant 0 : index
        %swap3A_59 = arith.constant 0 : index
        %swap3A_60 = vector.load %arg18[%swap3A_58, %swap3A_59] : memref<2x128xf32, #tpu.memory_space<vmem>>, vector<2x128xf32>
        tpu.vector_store %arg18[%swap3A_58, %swap3A_59], %add3A_57 {strides = array<i32>} : memref<2x128xf32, #tpu.memory_space<vmem>>, vector<2x128xf32>,
      } else {
      }
    } else {
    }
    %eq3A_2 = arith.constant 1 : i32
    %eq3A_3 = arith.cmpi eq, %arg0, %eq3A_2 : i32
    %convert_element_type3A_4 = arith.extui %eq3A_3 : i1 to i32
    %cond3A_5 = arith.constant 0 : i32
    %cond3A_6 = arith.cmpi ne, %convert_element_type3A_4, %cond3A_5 : i32
    scf.if %cond3A_6 {
      %get3A = arith.constant 0 : index
      %get3A_7 = arith.constant 0 : index
      %get3A_8 = vector.load %arg18[%get3A, %get3A_7] : memref<2x128xf32, #tpu.memory_space<vmem>>, vector<1x128xf32>
      %mul3A = arith.constant 9.99999974E-5 : f32
      %mul3A_9 = vector.broadcast %mul3A : f32 to vector<1x128xf32>
      %mul3A_10 = arith.mulf %get3A_8, %mul3A_9 : vector<1x128xf32>
      %get3A_11 = arith.constant 1 : index
      %get3A_12 = arith.constant 0 : index
      %get3A_13 = vector.load %arg18[%get3A_11, %get3A_12] : memref<2x128xf32, #tpu.memory_space<vmem>>, vector<1x128xf32>
      %mul3A_14 = arith.constant 9.99999974E-5 : f32
      %mul3A_15 = vector.broadcast %mul3A_14 : f32 to vector<1x128xf32>
      %mul3A_16 = arith.mulf %get3A_13, %mul3A_15 : vector<1x128xf32>
      %mul3A_17 = arith.mulf %mul3A_10, %mul3A_10 : vector<1x128xf32>
      %sub3A = arith.subf %mul3A_16, %mul3A_17 : vector<1x128xf32>
      %add3A = arith.constant 9.99999974E-6 : f32
      %add3A_18 = vector.broadcast %add3A : f32 to vector<1x128xf32>
      %add3A_19 = arith.addf %sub3A, %add3A_18 : vector<1x128xf32>
      %rsqrt3A = math.rsqrt %add3A_19 : vector<1x128xf32>
      %mul3A_20 = arith.constant 1000 : i32
      %mul3A_21 = arith.muli %arg1, %mul3A_20 : i32
      %get3A_22 = arith.index_cast %mul3A_21 : i32 to index
      %get3A_23 = arith.constant 0 : index
      %get3A_24 = vector.load %arg17[%get3A_22, %get3A_23] : memref<10000x128xf32, #tpu.memory_space<vmem>>, vector<1000x128xf32>
      %sub3A_25 = vector.broadcast %mul3A_10 : vector<1x128xf32> to vector<1000x128xf32>
      %sub3A_26 = arith.subf %get3A_24, %sub3A_25 : vector<1000x128xf32>
      %get3A_27 = arith.constant 0 : index
      %get3A_28 = arith.constant 0 : index
      %get3A_29 = vector.load %arg9[%get3A_27, %get3A_28] : memref<1x128xf32, #tpu.memory_space<vmem>>, vector<1x128xf32>
      %mul3A_30 = arith.mulf %rsqrt3A, %get3A_29 : vector<1x128xf32>
      %mul3A_31 = vector.broadcast %mul3A_30 : vector<1x128xf32> to vector<1000x128xf32>
      %mul3A_32 = arith.mulf %sub3A_26, %mul3A_31 : vector<1000x128xf32>
      %get3A_33 = arith.constant 0 : index
      %get3A_34 = arith.constant 0 : index
      %get3A_35 = vector.load %arg10[%get3A_33, %get3A_34] : memref<1x128xf32, #tpu.memory_space<vmem>>, vector<1x128xf32>
      %add3A_36 = vector.broadcast %get3A_35 : vector<1x128xf32> to vector<1000x128xf32>
      %add3A_37 = arith.addf %mul3A_32, %add3A_36 : vector<1000x128xf32>
      %max3A = arith.constant 0.000000e+00 : f32
      %max3A_38 = vector.broadcast %max3A : f32 to vector<1000x128xf32>
      %max3A_39 = arith.maximumf %add3A_37, %max3A_38 : vector<1000x128xf32>
      %get3A_40 = arith.constant 0 : index
      %get3A_41 = arith.constant 0 : index
      %get3A_42 = arith.constant 0 : index
      %get3A_43 = vector.load %arg11[%get3A_40, %get3A_41, %get3A_42] : memref<1x1x1000xi32, #tpu.memory_space<vmem>>, vector<1x1x1000xi32>
      %get3A_44 = vector.shape_cast %get3A_43 : vector<1x1x1000xi32> to vector<1x1000xi32>
      %broadcast_in_dim3A = vector.shape_cast %get3A_44 : vector<1x1000xi32> to vector<1x1000xi32>
      %broadcast_in_dim3A_45 = vector.broadcast %broadcast_in_dim3A : vector<1x1000xi32> to vector<64x1000xi32>
      %iota3A = tpu.iota {dimensions = array<i32: 0>} : vector<64x1000xi32>
      %eq3A_46 = arith.cmpi eq, %broadcast_in_dim3A_45, %iota3A : vector<64x1000xi32>
      %convert_element_type3A_47 = arith.extui %eq3A_46 : vector<64x1000xi1> to vector<64x1000xi32>
      %convert_element_type3A_48 = arith.sitofp %convert_element_type3A_47 : vector<64x1000xi32> to vector<64x1000xf32>
      %dot_general3A = arith.constant dense<0.000000e+00> : vector<64x128xf32>
      %dot_general3A_49 = tpu.matmul %convert_element_type3A_48, %max3A_39, %dot_general3A {dimension_numbers = #tpu.dot_dimension_numbers<[1], [0], [0], [1], [0, 0, 1, 1], [], []>, transpose_lhs_hint = false} : vector<64x1000xf32>, vector<1000x128xf32>, vector<64x128xf32> -> vector<64x128xf32>
      %eq3A_50 = arith.constant 0 : i32
      %eq3A_51 = arith.cmpi eq, %arg1, %eq3A_50 : i32
      %convert_element_type3A_52 = arith.extui %eq3A_51 : i1 to i32
      %cond3A_53 = arith.constant 0 : i32
      %cond3A_54 = arith.cmpi ne, %convert_element_type3A_52, %cond3A_53 : i32
      scf.if %cond3A_54 {
        %swap3A = arith.constant 0 : index
        %swap3A_64 = arith.constant 0 : index
        %swap3A_65 = vector.load %arg19[%swap3A, %swap3A_64] : memref<64x128xf32, #tpu.memory_space<vmem>>, vector<64x128xf32>
        tpu.vector_store %arg19[%swap3A, %swap3A_64], %dot_general3A_49 {strides = array<i32>} : memref<64x128xf32, #tpu.memory_space<vmem>>, vector<64x128xf32>,
      } else {
      }
      %gt3A = arith.constant 0 : i32
      %gt3A_55 = arith.cmpi sgt, %arg1, %gt3A : i32
      %convert_element_type3A_56 = arith.extui %gt3A_55 : i1 to i32
      %cond3A_57 = arith.constant 0 : i32
      %cond3A_58 = arith.cmpi ne, %convert_element_type3A_56, %cond3A_57 : i32
      scf.if %cond3A_58 {
        %get3A_64 = arith.constant 0 : index
        %get3A_65 = arith.constant 0 : index
        %get3A_66 = vector.load %arg19[%get3A_64, %get3A_65] : memref<64x128xf32, #tpu.memory_space<vmem>>, vector<64x128xf32>
        %add3A_67 = arith.addf %get3A_66, %dot_general3A_49 : vector<64x128xf32>
        %swap3A = arith.constant 0 : index
        %swap3A_68 = arith.constant 0 : index
        %swap3A_69 = vector.load %arg19[%swap3A, %swap3A_68] : memref<64x128xf32, #tpu.memory_space<vmem>>, vector<64x128xf32>
        tpu.vector_store %arg19[%swap3A, %swap3A_68], %add3A_67 {strides = array<i32>} : memref<64x128xf32, #tpu.memory_space<vmem>>, vector<64x128xf32>,
      } else {
      }
      %eq3A_59 = arith.constant 9 : i32
      %eq3A_60 = arith.cmpi eq, %arg1, %eq3A_59 : i32
      %convert_element_type3A_61 = arith.extui %eq3A_60 : i1 to i32
      %cond3A_62 = arith.constant 0 : i32
      %cond3A_63 = arith.cmpi ne, %convert_element_type3A_61, %cond3A_62 : i32
      scf.if %cond3A_63 {
        %get3A_64 = arith.constant 0 : index
        %get3A_65 = arith.constant 0 : index
        %get3A_66 = vector.load %arg19[%get3A_64, %get3A_65] : memref<64x128xf32, #tpu.memory_space<vmem>>, vector<64x128xf32>
        %get3A_67 = arith.constant 0 : index
        %get3A_68 = arith.constant 0 : index
        %get3A_69 = vector.load %arg12[%get3A_67, %get3A_68] : memref<128x128xf32, #tpu.memory_space<vmem>>, vector<128x128xf32>
        %dot_general3A_70 = arith.constant dense<0.000000e+00> : vector<64x128xf32>
        %dot_general3A_71 = tpu.matmul %get3A_66, %get3A_69, %dot_general3A_70 {dimension_numbers = #tpu.dot_dimension_numbers<[1], [0], [0], [1], [0, 0, 1, 1], [], []>, transpose_lhs_hint = false} : vector<64x128xf32>, vector<128x128xf32>, vector<64x128xf32> -> vector<64x128xf32>
        %get3A_72 = arith.constant 0 : index
        %get3A_73 = arith.constant 0 : index
        %get3A_74 = vector.load %arg13[%get3A_72, %get3A_73] : memref<1x128xf32, #tpu.memory_space<vmem>>, vector<1x128xf32>
        %add3A_75 = vector.broadcast %get3A_74 : vector<1x128xf32> to vector<64x128xf32>
        %add3A_76 = arith.addf %dot_general3A_71, %add3A_75 : vector<64x128xf32>
        %max3A_77 = arith.constant 0.000000e+00 : f32
        %max3A_78 = vector.broadcast %max3A_77 : f32 to vector<64x128xf32>
        %max3A_79 = arith.maximumf %add3A_76, %max3A_78 : vector<64x128xf32>
        %get3A_80 = arith.constant 0 : index
        %get3A_81 = arith.constant 0 : index
        %get3A_82 = vector.load %arg14[%get3A_80, %get3A_81] : memref<128x128xf32, #tpu.memory_space<vmem>>, vector<128x128xf32>
        %dot_general3A_83 = arith.constant dense<0.000000e+00> : vector<64x128xf32>
        %dot_general3A_84 = tpu.matmul %max3A_79, %get3A_82, %dot_general3A_83 {dimension_numbers = #tpu.dot_dimension_numbers<[1], [0], [0], [1], [0, 0, 1, 1], [], []>, transpose_lhs_hint = false} : vector<64x128xf32>, vector<128x128xf32>, vector<64x128xf32> -> vector<64x128xf32>
        %get3A_85 = arith.constant 0 : index
        %get3A_86 = arith.constant 0 : index
        %get3A_87 = vector.load %arg15[%get3A_85, %get3A_86] : memref<1x128xf32, #tpu.memory_space<vmem>>, vector<1x128xf32>
        %add3A_88 = vector.broadcast %get3A_87 : vector<1x128xf32> to vector<64x128xf32>
        %add3A_89 = arith.addf %dot_general3A_84, %add3A_88 : vector<64x128xf32>
        %logistic3A = arith.negf %add3A_89 : vector<64x128xf32>
        %logistic3A_90 = math.exp %logistic3A : vector<64x128xf32>
        %logistic3A_91 = arith.constant 1.000000e+00 : f32
        %logistic3A_92 = vector.broadcast %logistic3A_91 : f32 to vector<64x128xf32>
        %logistic3A_93 = arith.addf %logistic3A_92, %logistic3A_90 : vector<64x128xf32>
        %logistic3A_94 = arith.divf %logistic3A_92, %logistic3A_93 : vector<64x128xf32>
        %swap3A = arith.constant 0 : index
        %swap3A_95 = arith.constant 0 : index
        %swap3A_96 = vector.load %arg16[%swap3A, %swap3A_95] : memref<64x128xf32, #tpu.memory_space<vmem>>, vector<64x128xf32>
        tpu.vector_store %arg16[%swap3A, %swap3A_95], %logistic3A_94 {strides = array<i32>} : memref<64x128xf32, #tpu.memory_space<vmem>>, vector<64x128xf32>,
      } else {
      }
    } else {
    }
    return
  }
  func.func @transform_0(%arg0: i32, %arg1: i32) -> (i32, i32) {
    %sub3A = arith.constant 1 : i32
    %sub3A_0 = arith.subi %sub3A, %arg0 : i32
    %mul3A = arith.muli %arg1, %sub3A_0 : i32
    %c0_i32 = arith.constant 0 : i32
    %c0_i32_1 = arith.constant 0 : i32
    return %mul3A, %c0_i32 : i32, i32
  }
  func.func @transform_1(%arg0: i32, %arg1: i32) -> (i32, i32) {
    %sub3A = arith.constant 1 : i32
    %sub3A_0 = arith.subi %sub3A, %arg0 : i32
    %mul3A = arith.muli %arg1, %sub3A_0 : i32
    %c0_i32 = arith.constant 0 : i32
    %c0_i32_1 = arith.constant 0 : i32
    return %mul3A, %c0_i32 : i32, i32
  }
  func.func @transform_2(%arg0: i32, %arg1: i32) -> (i32, i32) {
    %sub3A = arith.constant 1 : i32
    %sub3A_0 = arith.subi %sub3A, %arg0 : i32
    %mul3A = arith.muli %arg1, %sub3A_0 : i32
    %c0_i32 = arith.constant 0 : i32
    %c0_i32_1 = arith.constant 0 : i32
    return %mul3A, %c0_i32 : i32, i32
  }
  func.func @transform_3(%arg0: i32, %arg1: i32) -> (i32, i32) {
    %c0_i32 = arith.constant 0 : i32
    %c0_i32_0 = arith.constant 0 : i32
    %c0_i32_1 = arith.constant 0 : i32
    return %c0_i32, %c0_i32_0 : i32, i32
  }
  func.func @transform_4(%arg0: i32, %arg1: i32) -> (i32, i32) {
    %c0_i32 = arith.constant 0 : i32
    %c0_i32_0 = arith.constant 0 : i32
    %c0_i32_1 = arith.constant 0 : i32
    return %c0_i32, %c0_i32_0 : i32, i32
  }
  func.func @transform_5(%arg0: i32, %arg1: i32) -> (i32, i32) {
    %c0_i32 = arith.constant 0 : i32
    %c0_i32_0 = arith.constant 0 : i32
    %c0_i32_1 = arith.constant 0 : i32
    return %c0_i32, %c0_i32_0 : i32, i32
  }
  func.func @transform_6(%arg0: i32, %arg1: i32) -> (i32, i32) {
    %c0_i32 = arith.constant 0 : i32
    %c0_i32_0 = arith.constant 0 : i32
    %c0_i32_1 = arith.constant 0 : i32
    return %c0_i32, %c0_i32_0 : i32, i32
  }
  func.func @transform_7(%arg0: i32, %arg1: i32) -> (i32, i32) {
    %c0_i32 = arith.constant 0 : i32
    %c0_i32_0 = arith.constant 0 : i32
    %c0_i32_1 = arith.constant 0 : i32
    return %c0_i32, %c0_i32_0 : i32, i32
  }
  func.func @transform_8(%arg0: i32, %arg1: i32) -> (i32, i32) {
    %c0_i32 = arith.constant 0 : i32
    %c0_i32_0 = arith.constant 0 : i32
    %c0_i32_1 = arith.constant 0 : i32
    return %c0_i32, %c0_i32_0 : i32, i32
  }
  func.func @transform_9(%arg0: i32, %arg1: i32) -> (i32, i32, i32) {
    %mul3A = arith.muli %arg1, %arg0 : i32
    %c0_i32 = arith.constant 0 : i32
    %c0_i32_0 = arith.constant 0 : i32
    %c0_i32_1 = arith.constant 0 : i32
    return %mul3A, %c0_i32, %c0_i32_0 : i32, i32, i32
  }
  func.func @transform_10(%arg0: i32, %arg1: i32) -> (i32, i32) {
    %c0_i32 = arith.constant 0 : i32
    %c0_i32_0 = arith.constant 0 : i32
    %c0_i32_1 = arith.constant 0 : i32
    return %c0_i32, %c0_i32_0 : i32, i32
  }
  func.func @transform_11(%arg0: i32, %arg1: i32) -> (i32, i32) {
    %c0_i32 = arith.constant 0 : i32
    %c0_i32_0 = arith.constant 0 : i32
    %c0_i32_1 = arith.constant 0 : i32
    return %c0_i32, %c0_i32_0 : i32, i32
  }
  func.func @transform_12(%arg0: i32, %arg1: i32) -> (i32, i32) {
    %c0_i32 = arith.constant 0 : i32
    %c0_i32_0 = arith.constant 0 : i32
    %c0_i32_1 = arith.constant 0 : i32
    return %c0_i32, %c0_i32_0 : i32, i32
  }
  func.func @transform_13(%arg0: i32, %arg1: i32) -> (i32, i32) {
    %c0_i32 = arith.constant 0 : i32
    %c0_i32_0 = arith.constant 0 : i32
    %c0_i32_1 = arith.constant 0 : i32
    return %c0_i32, %c0_i32_0 : i32, i32
  }
  func.func @transform_14(%arg0: i32, %arg1: i32) -> (i32, i32) {
    %c0_i32 = arith.constant 0 : i32
    %c0_i32_0 = arith.constant 0 : i32
    %c0_i32_1 = arith.constant 0 : i32
    return %c0_i32, %c0_i32_0 : i32, i32
  }
}

</mosaic_0001>

<sc_bundles>
// kernel: kernel.11.cloned.1.call-start
scs
__scs_entry_jumppad:
0x0: {  	(pc) =	sbr.rel $0x88, $3  }
0x1: {  	(tag) =	ssettag $0x0;
	lr =	simm.s32 $0x1  }
0x2: {  	[smem:$0x3F88] =	sst lr;
	_ =	strace $0xD0000000  }
0x3: {  	_ = 	snop  }
0x4: {  	_ = 	snop  }
0x5: {  	_ = 	snop  }
0x6: {  	_ = 	snop  }
0x7: {  	_ = 	snop  }
__scs_overlays_trampoline_lowered:
0x8: {  	[smem:$0x3F97] =	sst s0  }
0x9: {  	[smem:$0x3F98] =	sst s1  }
0xa: {  	[smem:$0x3F99] =	sst s2  }
0xb: {  	[smem:$0x3F9A] =	sst s3  }
0xc: {  	[smem:$0x3F9B] =	sst s4  }
0xd: {  	[smem:$0x3F9C] =	sst s5  }
0xe: {  	[smem:$0x3F9D] =	sst s6  }
0xf: {  	[smem:$0x3F9E] =	sst s7  }
0x10: {  	[smem:$0x3F9F] =	sst s8  }
0x11: {  	[smem:$0x3FA0] =	sst s9;
	s0 =	simm.s32 @!p0 $0x0  }
0x12: {  	s1 =	sld [smem:$0x3F86];
	s0 =	simm.s32 @p0 $0x1  }
0x13: {  	[smem:$0x3FA1] =	sst s0;
	s0 =	simm.s32 @!p1 $0x0  }
0x14: {  	s2 =	sld [smem:$0x3F85];
	s0 =	simm.s32 @p1 $0x1  }
0x15: {  	[smem:$0x3FA2] =	sst s0;
	s0 =	simm.s32 @!p2 $0x0  }
0x16: {  	s3 =	sld [smem:$0x3FDB];
	s0 =	simm.s32 @p2 $0x1  }
0x17: {  	s4 =	simm.s32 $0x1BF5;
	[smem:$0x3FA4] =	sst s0  }
0x18: {  	s0 =	sld [smem:$0x3F87];
	_ =	swait.ge [sflag:s4], $0x0  }
0x19: {  	s7 =	sld [smem:$0x3F88]  }
0x1a: {  	s8 =	sadd.s32 $0xFFFFE003, lr  }
0x1b: {  	s9 =	sadd.s32 $0xFFFFFEF7, lr;
	s5 =	simm.s32 $0xFFFFFFFF;
	p2 =	slt.u32 s8, $0xFFFFF086  }
0x1c: {  	p1 =	slt.u32 s9, $0xF7A;
	s5 =	simm.s32 @!p2 $0x0  }
0x1d: {  	s5 =	simm.s32 @p1 $0x1;
	p0 =	seq.s32 s7, s2  }
0x1e: {  	s7 =	smul.u32 @!p0 $0xF7A, s2;
	p2 =	seq.s32 @!p0 s5, $0x0  }
0x1f: {  	s9 =	smul.u32 $0xF7A, s1;
	s8 =	simm.s32 @!p0 $0x1BF5;
	p2 =	por !p2, p0  }
0x20: {  	[sflag:s8] =	ssyncset.s32 @!p0 $0xFFFFF086;
	s6 =	sadd.s32 @!p0 s3, s7;
	s7 =	simm.s32 @!p0 $0x108  }
0x21: {  	s3 =	sadd.s32 s3, s9;
	s6 =	sadd.s32 @!p0 $0x88, s6;
	s7 =	simm.s32 @p2 $0x1082  }
0x22: {  	[simem:s7], [sflag:s8] =	dma.local @!p0 [hbm:s6], $0xF7A  }
0x23: {  	s9 =	sor.u32 $0xD0000000, s2;
	s6 =	simm.s32 $0x108;
	_ =	swait.ge @!p0 [sflag:s8], $0x0  }
0x24: {  	s3 =	sadd.s32 $0x88, s3;
	s6 =	simm.s32 @!p1 $0x1082;
	[sflag:s4] =	ssyncset.s32 $0xFFFFF086  }
0x25: {  	[simem:s6], [sflag:s4] =	dma.local [hbm:s3], $0xF7A  }
0x26: {  	[smem:$0x3F88] =	sst s1;
	(tag) =	ssettag s2;
	_ =	strace s9  }
0x27: {  	s1 =	sld [smem:$0x3F98]  }
0x28: {  	s2 =	sld [smem:$0x3F99]  }
0x29: {  	s4 =	sld [smem:$0x3F9B]  }
0x2a: {  	p0 =	seq.s32 s5, $0x0;
	s5 =	sld [smem:$0x3F9C]  }
0x2b: {  	s6 =	sld [smem:$0x3F9D]  }
0x2c: {  	s7 =	sld [smem:$0x3F9E]  }
0x2d: {  	s3 =	simm.s32 $0x108;
	s8 =	sld [smem:$0x3F9F]  }
0x2e: {  	s3 =	simm.s32 @!p0 $0x1082;
	s9 =	sld [smem:$0x3FA0]  }
0x2f: {  	lr =	sadd.s32 s0, s3;
	s0 =	sld [smem:$0x3F97]  }
0x30: {  	s3 =	sld [smem:$0x3F9A]  }
0x31: {  	[smem:$0x3FA3] =	sst s10  }
0x32: {  	s10 =	sld [smem:$0x3FA1];
	_ =	sdelay $0x3  }
0x33: {  	p0 =	seq.s32 s10, $0x1;
	s10 =	sld [smem:$0x3FA3];
	_ =	sdelay $0x3  }
0x34: {  	[smem:$0x3FA3] =	sst s10  }
0x35: {  	s10 =	sld [smem:$0x3FA2];
	_ =	sdelay $0x3  }
0x36: {  	p1 =	seq.s32 s10, $0x1;
	s10 =	sld [smem:$0x3FA3];
	_ =	sdelay $0x3  }
0x37: {  	[smem:$0x3FA3] =	sst s10  }
0x38: {  	s10 =	sld [smem:$0x3FA4]  }
0x39: {  	_ = 	snop;
	(pc) =	sbr.ind lr, $3  }
0x3a: {  	_ = 	snop  }
0x3b: {  	_ = 	snop  }
0x3c: {  	p2 =	seq.s32 s10, $0x1;
	s10 =	sld [smem:$0x3FA3]  }
0x3d: {  	_ =	shalt  }
0x3e: {  	_ =	shalt  }
0x3f: {  	_ =	shalt  }
0x40: {  	_ =	shalt  }
0x41: {  	_ =	shalt  }
0x42: {  	_ =	shalt  }
0x43: {  	_ =	shalt  }
0x44: {  	_ =	shalt  }
0x45: {  	_ =	shalt  }
0x46: {  	_ =	shalt  }
0x47: {  	_ =	shalt  }
0x48: {  	_ =	shalt  }
0x49: {  	_ =	shalt  }
0x4a: {  	_ =	shalt  }
0x4b: {  	_ =	shalt  }
0x4c: {  	_ =	shalt  }
0x4d: {  	_ =	shalt  }
0x4e: {  	_ =	shalt  }
0x4f: {  	_ =	shalt  }
0x50: {  	_ =	shalt  }
0x51: {  	_ =	shalt  }
0x52: {  	_ =	shalt  }
0x53: {  	_ =	shalt  }
0x54: {  	_ =	shalt  }
0x55: {  	_ =	shalt  }
0x56: {  	_ =	shalt  }
0x57: {  	_ =	shalt  }
0x58: {  	_ =	shalt  }
0x59: {  	_ =	shalt  }
0x5a: {  	_ =	shalt  }
0x5b: {  	_ =	shalt  }
0x5c: {  	_ =	shalt  }
0x5d: {  	_ =	shalt  }
0x5e: {  	_ =	shalt  }
0x5f: {  	_ =	shalt  }
0x60: {  	_ =	shalt  }
0x61: {  	_ =	shalt  }
0x62: {  	_ =	shalt  }
0x63: {  	_ =	shalt  }
0x64: {  	_ =	shalt  }
0x65: {  	_ =	shalt  }
0x66: {  	_ =	shalt  }
0x67: {  	_ =	shalt  }
0x68: {  	_ =	shalt  }
0x69: {  	_ =	shalt  }
0x6a: {  	_ =	shalt  }
0x6b: {  	_ =	shalt  }
0x6c: {  	_ =	shalt  }
0x6d: {  	_ =	shalt  }
0x6e: {  	_ =	shalt  }
0x6f: {  	_ =	shalt  }
0x70: {  	_ =	shalt  }
0x71: {  	_ =	shalt  }
0x72: {  	_ =	shalt  }
0x73: {  	_ =	shalt  }
0x74: {  	_ =	shalt  }
0x75: {  	_ =	shalt  }
0x76: {  	_ =	shalt  }
0x77: {  	_ =	shalt  }
0x78: {  	_ =	shalt  }
0x79: {  	_ =	shalt  }
0x7a: {  	_ =	shalt  }
0x7b: {  	_ =	shalt  }
0x7c: {  	_ =	shalt  }
0x7d: {  	_ =	shalt  }
0x7e: {  	_ =	shalt  }
0x7f: {  	_ =	shalt  }
0x80: {  	_ =	shalt  }
0x81: {  	_ =	shalt  }
0x82: {  	_ =	shalt  }
0x83: {  	_ =	shalt  }
0x84: {  	_ =	shalt  }
0x85: {  	_ =	shalt  }
0x86: {  	_ =	shalt  }
0x87: {  	_ =	shalt  }
.Lfunc_end0:
.L_simem_size_0:
called_computation.1_lowered:
.L_overlay_start_0:
0x88: {  	s2 =	sld [smem:$0x3FD9]  }
0x89: {  	s3 =	sld [smem:$0x3FFE];
	_ =	sdelay $0x1  }
0x8a: {  	s1 =	srdreg.scid  }
0x8b: {  	s0 =	sand.u32 $0x1, s1  }
0x8c: {  	s16 =	sshll.u32 s0, $0xA;
	s2 =	sadd.s32 s3, s2  }
0x8d: {  	s2 =	sadd.s32 s2, s16  }
0x8e: {  	[smem:$0x3FAF] =	sst s2  }
0x8f: {  	_ = 	snop  }
0x90: {  	(tm) =	ssettm $0x1  }
0x91: {  	s17 =	sld [smem:$0x3FFB];
	_ =	sdelay $0x3  }
0x92: {  	_ =	strace s17  }
0x93: {  	s2 =	sld [smem:$0x3FFC];
	_ =	sdelay $0x3  }
0x94: {  	_ =	strace s2  }
0x95: {  	s2 =	sld [smem:$0x3FFD];
	_ =	sdelay $0x3  }
0x96: {  	_ =	strace s2  }
0x97: {  	_ =	strace $0x8FFFFFFF  }
0x98: {  	s18 =	sld [smem:$0x3FDB];
	_ =	sdelay $0x1  }
0x99: {  	s19 =	simm.s32 $_scs_section_size  }
0x9a: {  	s4 =	simm.s32 $_size__tile_overlayer_lowered;
	s5 =	simm.s32 $_tile_overlayer_lowered  }
0x9b: {  	s22 =	simm.s32 $0x1BFF;
	s21 =	sshll.u32 s5, $0x1;
	s2 =	sadd.s32 s19, s18  }
0x9c: {  	s6 =	simm.s32 $0x0;
	s20 =	sshll.u32 s4, $0x1;
	s4 =	sadd.s32 s21, s2  }
0x9d: {  	[timem:s6], [sflag:s22] =	dma.local [hbm:s4], s20  }
0x9e: {  	_ =	swait.ge [sflag:s22], s20  }
0x9f: {  	s3 =	ssub.s32 $0x0, s20;
	[sflag:s22] =	ssyncset.done $0x0  }
0xa0: {  	[sflag:s22] =	ssyncadd.s32 s3;
	_ =	sdelay $0x1  }
0xa1: {  	s23 =	simm.s32 $0x1B8B  }
0xa2: {  	_ =	swait.ge [sflag:s23], $0x1  }
0xa3: {  	[sflag:s23] =	ssyncset.done $0x0  }
0xa4: {  	s25 =	simm.s32 $0x1B8E;
	s24 =	sld [smem:$0x3FFE];
	[sflag:s23] =	ssyncadd.s32 $0xFFFFFFFF  }
0xa5: {  	s26 =	simm.s32 $execute0_lowered;
	[smem:$0x3FD2] =	sst s25  }
0xa6: {  	s4 =	sshll.u32 s26, $0x1;
	_ =	strace $0x80000049;
	[dreg:$0x1] =	wrdreg $0xFFFFFFFF  }
0xa7: {  	s28 =	simm.s32 $_size_execute0_lowered;
	s2 =	sadd.s32 s2, s4;
	[dreg:$0x0] =	wrdreg $0x0  }
0xa8: {  	s4 =	sshll.u32 s28, $0x1;
	[dreg:$0x2] =	wrdreg s2  }
0xa9: {  	[dreg:$0x3] =	wrdreg s4  }
0xaa: {  	[dreg:$0x4] =	wrdreg $0xC0  }
0xab: {  	_ =	task [dreg:s6], $0x5FFFF  }
0xac: {  	[dreg:$0x1] =	wrdreg $0xFFFFFFFF  }
0xad: {  	[dreg:$0x0] =	wrdreg $0x60  }
0xae: {  	[dreg:$0x2] =	wrdreg s24  }
0xaf: {  	[dreg:$0x3] =	wrdreg $0xA3000  }
0xb0: {  	[dreg:$0x4] =	wrdreg $0x9  }
0xb1: {  	_ =	task.clear_ibuf [dreg:s6], $0x5FFFF;
	_ =	strace $0x90000049  }
0xb2: {  	s29 =	simm.s32 $0x9;
	_ =	strace $0x8000004B  }
0xb3: {  	_ =	swait.ge [sflag:s29], $0x1  }
0xb4: {  	[sflag:s29] =	ssyncadd.s32 $0xFFFFFFFF  }
0xb5: {  	_ =	strace $0x9000004B  }
0xb6: {  	_ =	sfence  }
0xb7: {  	s30 =	sld [smem:$0x0];
	_ =	sdelay $0x2  }
0xb8: {  	s31 =	sshll.u32 s1, $0xD;
	s1 =	sshrl.u32 s1, $0x2  }
0xb9: {  	s3 =	sand.u32 $0x4000, s31;
	s1 =	sadd.s32 s1, s30  }
0xba: {  	s0 =	sor.u32 s3, s0;
	s1 =	sshll.u32 s1, $0x11  }
0xbb: {  	s0 =	sor.u32 s1, s0  }
0xbc: {  	s0 =	sadd.s32 $0x8F2B, s0  }
0xbd: {  	[sflag:s0] =	ssyncadd.remote.s32 $0x1  }
0xbe: {  	_ =	sfence.sel $0xFFFF  }
0xbf: {  	[dreg:$0x0] =	wrdreg $0xFFFFFFFF;
	(pc) =	sbr.abs _section_cstart, $3  }
0xc0: {  	[dreg:$0x1] =	wrdreg $0xFFFFFFFF  }
0xc1: {  	_ =	task.clear_ibuf [dreg:s6], $0x2FFFF;
	_ =	strace $0x9FFFFFFF  }
0xc2: {  	(tm) =	ssettm $0x7FFFFFFF  }
0xc3: {  	_ =	shalt  }
tec
execute0_lowered:
.L_overlay_start_1:
0x0: {  	(tag) =	ssettag $0x1  }
0x1: {  	s0 =	rddreg [dreg:$0x0]  }
0x2: {  	s2 =	rddreg [dreg:$0x1];
	s3 =	simm.s32 $0x0  }
0x3: {  	s6 =	stileid.u32;
	s1 =	srdreg.scid;
	s29 =	simm.s32 $0x8  }
0x4: {  	s30 =	simm.s32 $0x68;
	s31 =	simm.s32 $0x3400;
	[smem:$0x7FF] =	sst s3  }
0x5: {  	s5 =	smul.u32 $0x278, s6;
	s1 =	sand.u32 $0x1, s1;
	s4 =	sadd.s32 $0x3FC00, s0  }
0x6: {  	s9 =	smul.u32 $0x2710, s6;
	s13 =	sadd.s32 $0x4E00, s0;
	s19 =	sshll.u32 s6, $0x6  }
0x7: {  	_ =	strace $0x8000004A;
	s7 =	smul.u32 $0x27100, s1;
	s24 =	ssub.s32 $0x2, s1  }
0x8: {  	s6 =	sor.u32 $0x1C0D, s19;
	[dreg:$0xe] =	wrdreg s13;
	s8 =	smin.u32 s5, $0x2498  }
0x9: {  	s5 =	sadd.s32 $0xEC00, s0;
	s25 =	sshrl.u32 s24, $0x1;
	[dreg:$0x17] =	wrdreg s6  }
0xa: {  	s10 =	sshll.u32 s8, $0x4;
	s7 =	sadd.s32 s9, s7;
	s8 =	sshll.u32 s8, $0x7  }
0xb: {  	s9 =	ssub.s32 s24, s25;
	[dreg:$0xd] =	wrdreg s5;
	s8 =	sadd.s32 s8, s2  }
0xc: {  	s11 =	sshrl.u32 s7, $0x3;
	s24 =	smax.u32 s9, $0x1;
	[dreg:$0x15] =	wrdreg s8  }
0xd: {  	s0 =	sadd.s32 s10, s0;
	s26 =	sadd.s32 s5, s11;
	[dreg:$0x1a] =	wrdreg s24  }
0xe: {  	s12 =	sadd.s32 $0x68, s7;
	s14 =	sadd.s32 s13, s11;
	[dreg:$0xf] =	wrdreg s26  }
0xf: {  	s28 =	sshrl.u32 s12, $0x3;
	s20 =	sadd.s32 $0x18A00, s0;
	[dreg:$0x10] =	wrdreg s14  }
0x10: {  	p0 =	seq.s32 s1, $0x1;
	s15 =	sadd.s32 s5, s28;
	[dreg:$0x16] =	wrdreg s20  }
0x11: {  	s16 =	sadd.s32 $0x1A, s11;
	s10 =	sadd.s32 s13, s28;
	[dreg:$0x11] =	wrdreg s15  }
0x12: {  	s23 =	sadd.s32 $0x340, s7;
	s17 =	sadd.s32 s5, s16;
	[dreg:$0x12] =	wrdreg s10  }
0x13: {  	s21 =	sadd.s32 $0x4E0, s11;
	s18 =	sadd.s32 s13, s16;
	[dreg:$0x13] =	wrdreg s17  }
0x14: {  	s25 =	sshrl.u32 s23, $0x3;
	s22 =	sadd.s32 s5, s21;
	[dreg:$0x14] =	wrdreg s18  }
0x15: {  	s8 =	sadd.s32 s13, s21;
	s26 =	sadd.s32 s25, s13;
	[dreg:$0x18] =	wrdreg s22  }
0x16: {  	s28 =	sadd.s32 $0x2D8, s7;
	s1 =	sadd.s32 s25, s5;
	[dreg:$0x19] =	wrdreg s8  }
0x17: {  	s14 =	sadd.s32 $0x208, s7;
	s8 =	simm.s32 $0x8E000;
	[dreg:$0x3] =	wrdreg s26  }
0x18: {  	s11 =	sshrl.u32 s28, $0x3;
	[dreg:$0x4] =	wrdreg s1;
	s16 =	sshrl.u32 s14, $0x3  }
0x19: {  	s18 =	sadd.s32 $0x1A0, s7;
	s22 =	sadd.s32 $0x138, s7;
	s28 =	sadd.s32 $0x270, s7  }
0x1a: {  	s1 =	simm.s32 $0x6800;
	s14 =	simm.s32 $0x3;
	s7 =	simm.s32 $0x0  }
0x1b: {  	s12 =	sadd.s32 s11, s13;
	s15 =	sadd.s32 s11, s5;
	[dreg:$0x1c] =	wrdreg s28  }
0x1c: {  	s17 =	sadd.s32 s16, s13;
	s19 =	sadd.s32 s16, s5;
	[dreg:$0x5] =	wrdreg s12  }
0x1d: {  	s20 =	sshrl.u32 s18, $0x3;
	s24 =	sshrl.u32 s22, $0x3;
	[dreg:$0x6] =	wrdreg s15  }
0x1e: {  	s8 =	simm.s32 @!p0 $0x66E00;
	s22 =	simm.s32 $0xD;
	[dreg:$0x7] =	wrdreg s17  }
0x1f: {  	s16 =	simm.s32 $0x4;
	s18 =	simm.s32 $0x5;
	[dreg:$0x8] =	wrdreg s19  }
0x20: {  	s21 =	sadd.s32 s20, s13;
	s23 =	sadd.s32 s20, s5;
	s25 =	sadd.s32 s24, s13  }
0x21: {  	s0 =	sadd.s32 s8, s0;
	s26 =	sadd.s32 s24, s5;
	[dreg:$0x9] =	wrdreg s21  }
0x22: {  	s12 =	simm.s32 $0x1;
	s13 =	simm.s32 $0x2;
	[dreg:$0xa] =	wrdreg s23  }
0x23: {  	s17 =	simm.s32 $0xA;
	s19 =	simm.s32 $0xB;
	[dreg:$0x1b] =	wrdreg s0  }
0x24: {  	s15 =	simm.s32 $0x6;
	s20 =	simm.s32 $0xC;
	[dreg:$0xb] =	wrdreg s25  }
0x25: {  	[dreg:$0xc] =	wrdreg s26;
	s0 =	simm.s32 $0x9;
	s26 =	simm.s32 $0xA180  }
.LBB2_1:
0x26: {  	[dreg:$0x1d] =	wrdreg s7  }
0x27: {  	s5 =	rddreg [dreg:$0xf]  }
0x28: {  	s23 =	rddreg [dreg:$0x10]  }
0x29: {  	s21 =	simm.s32 $0x9C00;
	s24 =	rddreg [dreg:$0x11]  }
0x2a: {  	[tilespmem:s21], [sflag:$0x7] =	stream.linear.gather [hbm4b:s5+s3], $0x68, $0x38;
	[tilespmem:$0x1DB80] =	vst v63  }
0x2b: {  	s7 =	simm.s32 $0x9F00;
	s25 =	rddreg [dreg:$0x12]  }
0x2c: {  	[tilespmem:s7], [sflag:$0x7] =	stream.linear.gather [hbm4b:s23+s3], $0x68, $0x38;
	[tilespmem:$0x1DB80] =	vst v63  }
0x2d: {  	s8 =	simm.s32 $0x9C80;
	s10 =	rddreg [dreg:$0x13]  }
0x2e: {  	[tilespmem:s8], [sflag:$0x8] =	stream.linear.gather [hbm4b:s24+s3], $0x68, $0x38;
	[tilespmem:$0x1DB80] =	vst v63  }
0x2f: {  	s9 =	simm.s32 $0x9F80;
	s11 =	rddreg [dreg:$0x14]  }
0x30: {  	[tilespmem:s9], [sflag:$0x8] =	stream.linear.gather [hbm4b:s25+s3], $0x68, $0x38;
	[tilespmem:$0x1DB80] =	vst v63  }
0x31: {  	s21 =	simm.s32 $0x9D00;
	s23 =	rddreg [dreg:$0x15]  }
0x32: {  	[tilespmem:s21], [sflag:$0x9] =	stream.linear.gather [hbm4b:s10+s3], $0x68, $0x38;
	[tilespmem:$0x1DB80] =	vst v63  }
0x33: {  	s24 =	rddreg [dreg:$0x16];
	s10 =	sshrl.u32 s23, $0x3  }
0x34: {  	s25 =	simm.s32 $0xA000;
	[dreg:$0x1e] =	wrdreg s10  }
0x35: {  	[tilespmem:s25], [sflag:$0x9] =	stream.linear.gather [hbm4b:s11+s3], $0x68, $0x38;
	[tilespmem:$0x1DB80] =	vst v63  }
0x36: {  	[spmem:s10], [sflag:s6] =	dma.local [hbm:s24], $0x2780  }
0x37: {  	_ =	swait.ge [sflag:s22], $0x2780  }
0x38: {  	p0 =	por $0x1, $0x1;
	[sflag:s22] =	ssyncset.done $0x0  }
0x39: {  	p0 =	por p0, p0;
	[sflag:s22] =	ssyncadd.s32 $0xFFFFD880  }
0x3a: {  	s22 =	simm.s32 @p0 $0x7;
	[bflag:$0x0] =	sbarrier.arrive $0xFFFF  }
0x3b: {  	_ =	swait.ge @p0 [sflag:s22], $0x68  }
0x3c: {  	[sflag:s22] =	ssyncset.done @p0 $0x0  }
0x3d: {  	[sflag:s22] =	ssyncadd.s32 @p0 $0xFFFFFF98  }
0x3e: {  	_ =	swait.ge @p0 [sflag:s22], $0x68  }
0x3f: {  	s28 =	simm.s32 @p0 $0x9C00;
	s23 =	simm.s32 @p0 $0x0;
	[sflag:s22] =	ssyncset.done @p0 $0x0  }
0x40: {  	s24 =	simm.s32 @!p0 $0x4;
	[sflag:s22] =	ssyncadd.s32 @p0 $0xFFFFFF98;
	s22 =	simm.s32 @p0 $0x68  }
0x41: {  	[tilespmem:s23], [sflag:$0x1] =	stream.indirect.gather @p0 [hbm4b:s4+s22], $0x80, s28, s22, $0xb8;
	[tilespmem:$0x1DB80] =	vst v63  }
0x42: {  	_ =	swait.ge @!p0 [sflag:s24], $0x3400  }
0x43: {  	[sflag:s24] =	ssyncset.done @!p0 $0x0  }
0x44: {  	s22 =	simm.s32 @!p0 $0x7;
	[sflag:s24] =	ssyncadd.s32 @!p0 $0xFFFFCC00  }
0x45: {  	_ =	swait.ge @!p0 [sflag:s22], $0x68  }
0x46: {  	[sflag:s22] =	ssyncset.done @!p0 $0x0  }
0x47: {  	[sflag:s22] =	ssyncadd.s32 @!p0 $0xFFFFFF98  }
0x48: {  	_ =	swait.ge @!p0 [sflag:s22], $0x68  }
0x49: {  	s23 =	simm.s32 @!p0 $0x0;
	s28 =	simm.s32 @!p0 $0x9C00;
	[sflag:s22] =	ssyncset.done @!p0 $0x0  }
0x4a: {  	s24 =	simm.s32 @!p0 $0x5;
	[sflag:s22] =	ssyncadd.s32 @!p0 $0xFFFFFF98;
	s22 =	simm.s32 @!p0 $0x68  }
0x4b: {  	[tilespmem:s23], [sflag:$0x1] =	stream.indirect.gather @!p0 [hbm4b:s4+s22], $0x80, s28, s22, $0xb8;
	[tilespmem:$0x1DB80] =	vst v63  }
0x4c: {  	_ =	swait.ge @!p0 [sflag:s24], $0x3400  }
0x4d: {  	[sflag:s24] =	ssyncset.done @!p0 $0x0  }
0x4e: {  	[sflag:s24] =	ssyncadd.s32 @!p0 $0xFFFFCC00  }
0x4f: {  	_ =	swait.ge [sflag:s29], $0x68  }
0x50: {  	[sflag:s29] =	ssyncset.done $0x0  }
0x51: {  	[sflag:s29] =	ssyncadd.s32 $0xFFFFFF98  }
0x52: {  	_ =	swait.ge [sflag:s29], $0x68  }
0x53: {  	[sflag:s29] =	ssyncset.done $0x0  }
0x54: {  	s22 =	simm.s32 @!p0 $0x6;
	[sflag:s29] =	ssyncadd.s32 $0xFFFFFF98  }
0x55: {  	[tilespmem:s31], [sflag:$0x2] =	stream.indirect.gather [hbm4b:s4+s30], $0x80, s8, s30, $0xb8;
	[tilespmem:$0x1DB80] =	vst v63  }
0x56: {  	_ =	swait.ge @!p0 [sflag:s22], $0x3400  }
0x57: {  	[sflag:s22] =	ssyncset.done @!p0 $0x0  }
0x58: {  	[sflag:s22] =	ssyncadd.s32 @!p0 $0xFFFFCC00  }
0x59: {  	_ =	swait.ge [sflag:s0], $0x68  }
0x5a: {  	[sflag:s0] =	ssyncset.done $0x0  }
0x5b: {  	[sflag:s0] =	ssyncadd.s32 $0xFFFFFF98  }
0x5c: {  	_ =	swait.ge [sflag:s0], $0x68  }
0x5d: {  	[sflag:s0] =	ssyncset.done $0x0  }
0x5e: {  	s10 =	rddreg [dreg:$0xc];
	[sflag:s0] =	ssyncadd.s32 $0xFFFFFF98  }
0x5f: {  	[tilespmem:s1], [sflag:$0x3] =	stream.indirect.gather [hbm4b:s4+s30], $0x80, s21, s30, $0xb8;
	[tilespmem:$0x1DB80] =	vst v63  }
0x60: {  	s5 =	simm.s32 $0x9D80;
	s11 =	rddreg [dreg:$0xb];
	s22 =	sadd.s32 $0x0, s10  }
0x61: {  	[tilespmem:s5], [sflag:$0xA] =	stream.linear.gather [hbm4b:s22+s3], $0x68, $0x38;
	[tilespmem:$0x1DB80] =	vst v63  }
0x62: {  	s8 =	simm.s32 $0xA080;
	s6 =	sadd.s32 $0x0, s11;
	s21 =	rddreg [dreg:$0xa]  }
0x63: {  	[tilespmem:s8], [sflag:$0xA] =	stream.linear.gather [hbm4b:s6+s3], $0x68, $0x38;
	[tilespmem:$0x1DB80] =	vst v63  }
0x64: {  	s10 =	rddreg [dreg:$0x9];
	s11 =	sadd.s32 $0x0, s21;
	s6 =	simm.s32 $0x9E00  }
0x65: {  	[tilespmem:s6], [sflag:$0xB] =	stream.linear.gather [hbm4b:s11+s3], $0x68, $0x38;
	[tilespmem:$0x1DB80] =	vst v63  }
0x66: {  	s21 =	rddreg [dreg:$0x8];
	s11 =	sadd.s32 $0x0, s10;
	s10 =	simm.s32 $0xA100  }
0x67: {  	[tilespmem:s10], [sflag:$0xB] =	stream.linear.gather [hbm4b:s11+s3], $0x68, $0x38;
	[tilespmem:$0x1DB80] =	vst v63  }
0x68: {  	s23 =	rddreg [dreg:$0x7];
	s21 =	sadd.s32 $0x0, s21;
	s11 =	simm.s32 $0x9E80  }
0x69: {  	[tilespmem:s11], [sflag:$0xC] =	stream.linear.gather [hbm4b:s21+s3], $0x68, $0x38;
	[tilespmem:$0x1DB80] =	vst v63  }
0x6a: {  	s24 =	sadd.s32 $0x0, s23  }
0x6b: {  	[tilespmem:s26], [sflag:$0xC] =	stream.linear.gather [hbm4b:s24+s3], $0x68, $0x38;
	[tilespmem:$0x1DB80] =	vst v63  }
0x6c: {  	_ =	swait.ge [sflag:s12], $0x3400  }
0x6d: {  	[sflag:s12] =	ssyncset.done $0x0  }
0x6e: {  	[sflag:s12] =	ssyncadd.s32 $0xFFFFCC00  }
0x6f: {  	[spmem:s2] =	stream.indirect.scatter.add.f32 [tilespmem:s3], [sflag:$0x4], $0x80, s7, s30, $0xb8;
	[tilespmem:$0x1DB80] =	vst v63  }
0x70: {  	_ =	swait.ge [sflag:s13], $0x3400  }
0x71: {  	[sflag:s13] =	ssyncset.done $0x0  }
0x72: {  	[sflag:s13] =	ssyncadd.s32 $0xFFFFCC00  }
0x73: {  	[spmem:s2] =	stream.indirect.scatter.add.f32 [tilespmem:s31], [sflag:$0x5], $0x80, s9, s30, $0xb8;
	[tilespmem:$0x1DB80] =	vst v63  }
0x74: {  	_ =	swait.ge [sflag:s14], $0x3400  }
0x75: {  	[sflag:s14] =	ssyncset.done $0x0  }
0x76: {  	[sflag:s14] =	ssyncadd.s32 $0xFFFFCC00  }
0x77: {  	[spmem:s2] =	stream.indirect.scatter.add.f32 [tilespmem:s1], [sflag:$0x6], $0x80, s25, s30, $0xb8;
	[tilespmem:$0x1DB80] =	vst v63  }
0x78: {  	_ =	swait.ge [sflag:s16], $0x3400  }
0x79: {  	[sflag:s16] =	ssyncset.done $0x0  }
0x7a: {  	[sflag:s16] =	ssyncadd.s32 $0xFFFFCC00  }
0x7b: {  	_ =	swait.ge [sflag:s17], $0x68  }
0x7c: {  	[sflag:s17] =	ssyncset.done $0x0  }
0x7d: {  	[sflag:s17] =	ssyncadd.s32 $0xFFFFFF98  }
0x7e: {  	_ =	swait.ge [sflag:s17], $0x68  }
0x7f: {  	[sflag:s17] =	ssyncset.done $0x0  }
0x80: {  	[sflag:s17] =	ssyncadd.s32 $0xFFFFFF98  }
0x81: {  	[tilespmem:s3], [sflag:$0x1] =	stream.indirect.gather [hbm4b:s4+s30], $0x80, s5, s30, $0xb8;
	[tilespmem:$0x1DB80] =	vst v63  }
0x82: {  	_ =	swait.ge [sflag:s18], $0x3400  }
0x83: {  	[sflag:s18] =	ssyncset.done $0x0  }
0x84: {  	[sflag:s18] =	ssyncadd.s32 $0xFFFFCC00  }
0x85: {  	_ =	swait.ge [sflag:s19], $0x68  }
0x86: {  	[sflag:s19] =	ssyncset.done $0x0  }
0x87: {  	[sflag:s19] =	ssyncadd.s32 $0xFFFFFF98  }
0x88: {  	_ =	swait.ge [sflag:s19], $0x68  }
0x89: {  	[sflag:s19] =	ssyncset.done $0x0  }
0x8a: {  	[sflag:s19] =	ssyncadd.s32 $0xFFFFFF98  }
0x8b: {  	[tilespmem:s31], [sflag:$0x2] =	stream.indirect.gather [hbm4b:s4+s30], $0x80, s6, s30, $0xb8;
	[tilespmem:$0x1DB80] =	vst v63  }
0x8c: {  	_ =	swait.ge [sflag:s15], $0x3400  }
0x8d: {  	[sflag:s15] =	ssyncset.done $0x0  }
0x8e: {  	[sflag:s15] =	ssyncadd.s32 $0xFFFFCC00  }
0x8f: {  	_ =	swait.ge [sflag:s20], $0x68  }
0x90: {  	[sflag:s20] =	ssyncset.done $0x0  }
0x91: {  	[sflag:s20] =	ssyncadd.s32 $0xFFFFFF98  }
0x92: {  	p0 =	por $0x0, $0x0;
	_ =	swait.ge [sflag:s20], $0x68  }
0x93: {  	s28 =	simm.s32 @!p0 $0x0;
	[sflag:s20] =	ssyncset.done $0x0;
	s6 =	rddreg [dreg:$0x1c]  }
0x94: {  	s5 =	rddreg [dreg:$0xd];
	[sflag:s20] =	ssyncadd.s32 $0xFFFFFF98;
	s22 =	sshrl.u32 @!p0 s6, $0x3  }
0x95: {  	[tilespmem:s1], [sflag:$0x3] =	stream.indirect.gather [hbm4b:s4+s30], $0x80, s11, s30, $0xb8;
	[tilespmem:$0x1DB80] =	vst v63  }
0x96: {  	s23 =	simm.s32 @!p0 $0x9C00;
	s24 =	sadd.s32 @!p0 s5, s22;
	s5 =	rddreg [dreg:$0xe]  }
0x97: {  	[tilespmem:s23], [sflag:$0x7] =	stream.linear.gather @!p0 [hbm4b:s24+s28], $0x68, $0x38;
	[tilespmem:$0x1DB80] =	vst v63  }
0x98: {  	s22 =	sadd.s32 @!p0 s5, s22;
	s23 =	rddreg [dreg:$0x6];
	s24 =	simm.s32 @!p0 $0x9F00  }
0x99: {  	[tilespmem:s24], [sflag:$0x7] =	stream.linear.gather @!p0 [hbm4b:s22+s28], $0x68, $0x38;
	[tilespmem:$0x1DB80] =	vst v63  }
0x9a: {  	s23 =	sadd.s32 @!p0 $0x0, s23;
	s22 =	rddreg [dreg:$0x5];
	s24 =	simm.s32 @!p0 $0x9C80  }
0x9b: {  	[tilespmem:s24], [sflag:$0x8] =	stream.linear.gather @!p0 [hbm4b:s23+s28], $0x68, $0x38;
	[tilespmem:$0x1DB80] =	vst v63  }
0x9c: {  	s22 =	sadd.s32 @!p0 $0x0, s22;
	s23 =	rddreg [dreg:$0x4];
	s24 =	simm.s32 @!p0 $0x9F80  }
0x9d: {  	[tilespmem:s24], [sflag:$0x8] =	stream.linear.gather @!p0 [hbm4b:s22+s28], $0x68, $0x38;
	[tilespmem:$0x1DB80] =	vst v63  }
0x9e: {  	s23 =	sadd.s32 @!p0 $0x0, s23;
	s22 =	rddreg [dreg:$0x3];
	s24 =	simm.s32 @!p0 $0x9D00  }
0x9f: {  	[tilespmem:s24], [sflag:$0x9] =	stream.linear.gather @!p0 [hbm4b:s23+s28], $0x68, $0x38;
	[tilespmem:$0x1DB80] =	vst v63  }
0xa0: {  	s22 =	sadd.s32 @!p0 $0x0, s22;
	s23 =	simm.s32 @!p0 $0xA000  }
0xa1: {  	[tilespmem:s23], [sflag:$0x9] =	stream.linear.gather @!p0 [hbm4b:s22+s28], $0x68, $0x38;
	[tilespmem:$0x1DB80] =	vst v63  }
0xa2: {  	_ =	swait.ge [sflag:s12], $0x3400  }
0xa3: {  	[sflag:s12] =	ssyncset.done $0x0  }
0xa4: {  	[sflag:s12] =	ssyncadd.s32 $0xFFFFCC00  }
0xa5: {  	[spmem:s2] =	stream.indirect.scatter.add.f32 [tilespmem:s3], [sflag:$0x4], $0x80, s8, s30, $0xb8;
	[tilespmem:$0x1DB80] =	vst v63  }
0xa6: {  	_ =	swait.ge [sflag:s13], $0x3400  }
0xa7: {  	[sflag:s13] =	ssyncset.done $0x0  }
0xa8: {  	p6 =	por $0x0, $0x0;
	[sflag:s13] =	ssyncadd.s32 $0xFFFFCC00  }
0xa9: {  	[spmem:s2] =	stream.indirect.scatter.add.f32 [tilespmem:s31], [sflag:$0x5], $0x80, s10, s30, $0xb8;
	[tilespmem:$0x1DB80] =	vst v63  }
0xaa: {  	s28 =	simm.s32 $0x4E;
	s23 =	simm.s32 $0x9C;
	_ =	swait.ge [sflag:s14], $0x3400  }
0xab: {  	p0 =	por p6, p6;
	s22 =	sadd.s32 $0x270, s6;
	[sflag:s14] =	ssyncset.done $0x0  }
.LBB2_2:
0xac: {  	s25 =	simm.s32 @p0 $0x7;
	[sflag:s14] =	ssyncadd.s32 $0xFFFFCC00;
	s21 =	simm.s32 $0xA180  }
0xad: {  	[spmem:s2] =	stream.indirect.scatter.add.f32 [tilespmem:s1], [sflag:$0x6], $0x80, s21, s30, $0xb8;
	[tilespmem:$0x1DB80] =	vst v63  }
0xae: {  	_ =	swait.ge @p0 [sflag:s25], $0x68  }
0xaf: {  	[sflag:s25] =	ssyncset.done @p0 $0x0  }
0xb0: {  	[sflag:s25] =	ssyncadd.s32 @p0 $0xFFFFFF98  }
0xb1: {  	_ =	swait.ge @p0 [sflag:s25], $0x68  }
0xb2: {  	s26 =	simm.s32 @p0 $0x0;
	s5 =	simm.s32 @!p0 $0x4;
	[sflag:s25] =	ssyncset.done @p0 $0x0  }
0xb3: {  	s6 =	simm.s32 @p0 $0x9C00;
	[sflag:s25] =	ssyncadd.s32 @p0 $0xFFFFFF98;
	s25 =	simm.s32 @p0 $0x68  }
0xb4: {  	[tilespmem:s26], [sflag:$0x1] =	stream.indirect.gather @p0 [hbm4b:s4+s25], $0x80, s6, s25, $0xb8;
	[tilespmem:$0x1DB80] =	vst v63  }
0xb5: {  	_ =	swait.ge @!p0 [sflag:s5], $0x3400  }
0xb6: {  	[sflag:s5] =	ssyncset.done @!p0 $0x0  }
0xb7: {  	[sflag:s5] =	ssyncadd.s32 @!p0 $0xFFFFCC00;
	s5 =	simm.s32 @!p0 $0x7  }
0xb8: {  	_ =	swait.ge @!p0 [sflag:s5], $0x68  }
0xb9: {  	[sflag:s5] =	ssyncset.done @!p0 $0x0  }
0xba: {  	[sflag:s5] =	ssyncadd.s32 @!p0 $0xFFFFFF98  }
0xbb: {  	_ =	swait.ge @!p0 [sflag:s5], $0x68  }
0xbc: {  	s6 =	simm.s32 @!p0 $0x0;
	s25 =	simm.s32 @!p0 $0x5;
	[sflag:s5] =	ssyncset.done @!p0 $0x0  }
0xbd: {  	s26 =	simm.s32 @!p0 $0x9C00;
	[sflag:s5] =	ssyncadd.s32 @!p0 $0xFFFFFF98;
	s5 =	simm.s32 @!p0 $0x68  }
0xbe: {  	[tilespmem:s6], [sflag:$0x1] =	stream.indirect.gather @!p0 [hbm4b:s4+s5], $0x80, s26, s5, $0xb8;
	[tilespmem:$0x1DB80] =	vst v63  }
0xbf: {  	_ =	swait.ge @!p0 [sflag:s25], $0x3400  }
0xc0: {  	[sflag:s25] =	ssyncset.done @!p0 $0x0  }
0xc1: {  	[sflag:s25] =	ssyncadd.s32 @!p0 $0xFFFFCC00  }
0xc2: {  	_ =	swait.ge [sflag:s29], $0x68  }
0xc3: {  	[sflag:s29] =	ssyncset.done $0x0  }
0xc4: {  	[sflag:s29] =	ssyncadd.s32 $0xFFFFFF98  }
0xc5: {  	_ =	swait.ge [sflag:s29], $0x68  }
0xc6: {  	[sflag:s29] =	ssyncset.done $0x0  }
0xc7: {  	s11 =	simm.s32 $0x9C80;
	s5 =	simm.s32 @!p0 $0x6;
	[sflag:s29] =	ssyncadd.s32 $0xFFFFFF98  }
0xc8: {  	[tilespmem:s31], [sflag:$0x2] =	stream.indirect.gather [hbm4b:s4+s30], $0x80, s11, s30, $0xb8;
	[tilespmem:$0x1DB80] =	vst v63  }
0xc9: {  	_ =	swait.ge @!p0 [sflag:s5], $0x3400  }
0xca: {  	[sflag:s5] =	ssyncset.done @!p0 $0x0  }
0xcb: {  	[sflag:s5] =	ssyncadd.s32 @!p0 $0xFFFFCC00  }
0xcc: {  	_ =	swait.ge [sflag:s0], $0x68  }
0xcd: {  	[sflag:s0] =	ssyncset.done $0x0  }
0xce: {  	[sflag:s0] =	ssyncadd.s32 $0xFFFFFF98  }
0xcf: {  	_ =	swait.ge [sflag:s0], $0x68  }
0xd0: {  	[sflag:s0] =	ssyncset.done $0x0  }
0xd1: {  	s7 =	simm.s32 $0x9D00;
	s25 =	rddreg [dreg:$0xc];
	[sflag:s0] =	ssyncadd.s32 $0xFFFFFF98  }
0xd2: {  	[tilespmem:s1], [sflag:$0x3] =	stream.indirect.gather [hbm4b:s4+s30], $0x80, s7, s30, $0xb8;
	[tilespmem:$0x1DB80] =	vst v63  }
0xd3: {  	s26 =	rddreg [dreg:$0xb];
	s5 =	sadd.s32 s28, s25;
	s7 =	simm.s32 $0x9D80  }
0xd4: {  	[tilespmem:s7], [sflag:$0xA] =	stream.linear.gather [hbm4b:s5+s3], $0x68, $0x38;
	[tilespmem:$0x1DB80] =	vst v63  }
0xd5: {  	s10 =	simm.s32 $0xA080;
	s8 =	rddreg [dreg:$0xa];
	s9 =	sadd.s32 s28, s26  }
0xd6: {  	[tilespmem:s10], [sflag:$0xA] =	stream.linear.gather [hbm4b:s9+s3], $0x68, $0x38;
	[tilespmem:$0x1DB80] =	vst v63  }
0xd7: {  	s11 =	rddreg [dreg:$0x9];
	s25 =	sadd.s32 s28, s8;
	s8 =	simm.s32 $0x9E00  }
0xd8: {  	[tilespmem:s8], [sflag:$0xB] =	stream.linear.gather [hbm4b:s25+s3], $0x68, $0x38;
	[tilespmem:$0x1DB80] =	vst v63  }
0xd9: {  	s26 =	rddreg [dreg:$0x8];
	s9 =	sadd.s32 s28, s11;
	s11 =	simm.s32 $0xA100  }
0xda: {  	[tilespmem:s11], [sflag:$0xB] =	stream.linear.gather [hbm4b:s9+s3], $0x68, $0x38;
	[tilespmem:$0x1DB80] =	vst v63  }
0xdb: {  	s6 =	rddreg [dreg:$0x7];
	s26 =	sadd.s32 s28, s26;
	s9 =	simm.s32 $0x9E80  }
0xdc: {  	[tilespmem:s9], [sflag:$0xC] =	stream.linear.gather [hbm4b:s26+s3], $0x68, $0x38;
	[tilespmem:$0x1DB80] =	vst v63  }
0xdd: {  	s6 =	sadd.s32 s28, s6  }
0xde: {  	[tilespmem:s21], [sflag:$0xC] =	stream.linear.gather [hbm4b:s6+s3], $0x68, $0x38;
	[tilespmem:$0x1DB80] =	vst v63  }
0xdf: {  	_ =	swait.ge [sflag:s12], $0x3400  }
0xe0: {  	[sflag:s12] =	ssyncset.done $0x0  }
0xe1: {  	s21 =	simm.s32 $0x9F00;
	[sflag:s12] =	ssyncadd.s32 $0xFFFFCC00  }
0xe2: {  	[spmem:s2] =	stream.indirect.scatter.add.f32 [tilespmem:s3], [sflag:$0x4], $0x80, s21, s30, $0xb8;
	[tilespmem:$0x1DB80] =	vst v63  }
0xe3: {  	_ =	swait.ge [sflag:s13], $0x3400  }
0xe4: {  	[sflag:s13] =	ssyncset.done $0x0  }
0xe5: {  	s25 =	simm.s32 $0x9F80;
	[sflag:s13] =	ssyncadd.s32 $0xFFFFCC00  }
0xe6: {  	[spmem:s2] =	stream.indirect.scatter.add.f32 [tilespmem:s31], [sflag:$0x5], $0x80, s25, s30, $0xb8;
	[tilespmem:$0x1DB80] =	vst v63  }
0xe7: {  	_ =	swait.ge [sflag:s14], $0x3400  }
0xe8: {  	[sflag:s14] =	ssyncset.done $0x0  }
0xe9: {  	s26 =	simm.s32 $0xA000;
	[sflag:s14] =	ssyncadd.s32 $0xFFFFCC00  }
0xea: {  	[spmem:s2] =	stream.indirect.scatter.add.f32 [tilespmem:s1], [sflag:$0x6], $0x80, s26, s30, $0xb8;
	[tilespmem:$0x1DB80] =	vst v63  }
0xeb: {  	_ =	swait.ge [sflag:s16], $0x3400  }
0xec: {  	[sflag:s16] =	ssyncset.done $0x0  }
0xed: {  	[sflag:s16] =	ssyncadd.s32 $0xFFFFCC00  }
0xee: {  	_ =	swait.ge [sflag:s17], $0x68  }
0xef: {  	[sflag:s17] =	ssyncset.done $0x0  }
0xf0: {  	[sflag:s17] =	ssyncadd.s32 $0xFFFFFF98  }
0xf1: {  	_ =	swait.ge [sflag:s17], $0x68  }
0xf2: {  	[sflag:s17] =	ssyncset.done $0x0  }
0xf3: {  	[sflag:s17] =	ssyncadd.s32 $0xFFFFFF98  }
0xf4: {  	[tilespmem:s3], [sflag:$0x1] =	stream.indirect.gather [hbm4b:s4+s30], $0x80, s7, s30, $0xb8;
	[tilespmem:$0x1DB80] =	vst v63  }
0xf5: {  	_ =	swait.ge [sflag:s18], $0x3400  }
0xf6: {  	[sflag:s18] =	ssyncset.done $0x0  }
0xf7: {  	[sflag:s18] =	ssyncadd.s32 $0xFFFFCC00  }
0xf8: {  	_ =	swait.ge [sflag:s19], $0x68  }
0xf9: {  	[sflag:s19] =	ssyncset.done $0x0  }
0xfa: {  	[sflag:s19] =	ssyncadd.s32 $0xFFFFFF98  }
0xfb: {  	_ =	swait.ge [sflag:s19], $0x68  }
0xfc: {  	[sflag:s19] =	ssyncset.done $0x0  }
0xfd: {  	[sflag:s19] =	ssyncadd.s32 $0xFFFFFF98  }
0xfe: {  	[tilespmem:s31], [sflag:$0x2] =	stream.indirect.gather [hbm4b:s4+s30], $0x80, s8, s30, $0xb8;
	[tilespmem:$0x1DB80] =	vst v63  }
0xff: {  	_ =	swait.ge [sflag:s15], $0x3400  }
0x100: {  	[sflag:s15] =	ssyncset.done $0x0  }
0x101: {  	[sflag:s15] =	ssyncadd.s32 $0xFFFFCC00  }
0x102: {  	_ =	swait.ge [sflag:s20], $0x68  }
0x103: {  	[sflag:s20] =	ssyncset.done $0x0  }
0x104: {  	p2 =	seq.s32 s23, $0x0;
	[sflag:s20] =	ssyncadd.s32 $0xFFFFFF98  }
0x105: {  	p0 =	por p2, p2;
	p2 =	seq.s32 s28, $0x492;
	_ =	swait.ge [sflag:s20], $0x68  }
0x106: {  	s25 =	sshrl.u32 @!p2 s22, $0x3;
	[sflag:s20] =	ssyncset.done $0x0  }
0x107: {  	s26 =	simm.s32 @!p2 $0x9C00;
	s7 =	rddreg [dreg:$0xd];
	[sflag:s20] =	ssyncadd.s32 $0xFFFFFF98  }
0x108: {  	[tilespmem:s1], [sflag:$0x3] =	stream.indirect.gather [hbm4b:s4+s30], $0x80, s9, s30, $0xb8;
	[tilespmem:$0x1DB80] =	vst v63  }
0x109: {  	s8 =	simm.s32 @!p2 $0x0;
	s7 =	sadd.s32 @!p2 s7, s25;
	s9 =	rddreg [dreg:$0xe]  }
0x10a: {  	[tilespmem:s26], [sflag:$0x7] =	stream.linear.gather @!p2 [hbm4b:s7+s8], $0x68, $0x38;
	[tilespmem:$0x1DB80] =	vst v63  }
0x10b: {  	s21 =	simm.s32 @!p2 $0x9F00;
	s6 =	rddreg [dreg:$0x6];
	s25 =	sadd.s32 @!p2 s9, s25  }
0x10c: {  	[tilespmem:s21], [sflag:$0x7] =	stream.linear.gather @!p2 [hbm4b:s25+s8], $0x68, $0x38;
	[tilespmem:$0x1DB80] =	vst v63  }
0x10d: {  	s5 =	rddreg [dreg:$0x5];
	s6 =	sadd.s32 @!p2 s28, s6;
	s7 =	simm.s32 @!p2 $0x9C80  }
0x10e: {  	[tilespmem:s7], [sflag:$0x8] =	stream.linear.gather @!p2 [hbm4b:s6+s8], $0x68, $0x38;
	[tilespmem:$0x1DB80] =	vst v63  }
0x10f: {  	s5 =	sadd.s32 @!p2 s28, s5;
	s26 =	rddreg [dreg:$0x4];
	s21 =	simm.s32 @!p2 $0x9F80  }
0x110: {  	[tilespmem:s21], [sflag:$0x8] =	stream.linear.gather @!p2 [hbm4b:s5+s8], $0x68, $0x38;
	[tilespmem:$0x1DB80] =	vst v63  }
0x111: {  	s25 =	rddreg [dreg:$0x3];
	s6 =	sadd.s32 @!p2 s28, s26;
	s7 =	simm.s32 @!p2 $0x9D00  }
0x112: {  	[tilespmem:s7], [sflag:$0x9] =	stream.linear.gather @!p2 [hbm4b:s6+s8], $0x68, $0x38;
	[tilespmem:$0x1DB80] =	vst v63  }
0x113: {  	s5 =	sadd.s32 @!p2 s28, s25;
	s21 =	simm.s32 @!p2 $0xA000  }
0x114: {  	[tilespmem:s21], [sflag:$0x9] =	stream.linear.gather @!p2 [hbm4b:s5+s8], $0x68, $0x38;
	[tilespmem:$0x1DB80] =	vst v63  }
0x115: {  	_ =	swait.ge [sflag:s12], $0x3400  }
0x116: {  	[sflag:s12] =	ssyncset.done $0x0  }
0x117: {  	s24 =	smov.u32 s23;
	s23 =	sadd.s32 $0x4E, s23;
	[sflag:s12] =	ssyncadd.s32 $0xFFFFCC00  }
0x118: {  	[spmem:s2] =	stream.indirect.scatter.add.f32 [tilespmem:s3], [sflag:$0x4], $0x80, s10, s30, $0xb8;
	[tilespmem:$0x1DB80] =	vst v63  }
0x119: {  	p1 =	sne.s32 s23, $0x4E0;
	_ =	swait.ge [sflag:s13], $0x3400  }
.Ltmp0:
0x11a: {  	[sflag:s13] =	ssyncset.done $0x0;
	(pc) =	sbr.rel @p1 .LBB2_2-.Ltmp0, $4  }
0x11b: {  	[sflag:s13] =	ssyncadd.s32 $0xFFFFCC00  }
0x11c: {  	[spmem:s2] =	stream.indirect.scatter.add.f32 [tilespmem:s31], [sflag:$0x5], $0x80, s11, s30, $0xb8;
	[tilespmem:$0x1DB80] =	vst v63  }
0x11d: {  	_ =	swait.ge [sflag:s14], $0x3400  }
0x11e: {  	s22 =	sadd.s32 $0x270, s22;
	s28 =	smov.u32 s24;
	[sflag:s14] =	ssyncset.done $0x0  }
0x11f: {  	s5 =	simm.s32 @p0 $0x7;
	[sflag:s14] =	ssyncadd.s32 $0xFFFFCC00;
	s21 =	simm.s32 $0xA180  }
0x120: {  	[spmem:s2] =	stream.indirect.scatter.add.f32 [tilespmem:s1], [sflag:$0x6], $0x80, s21, s30, $0xb8;
	[tilespmem:$0x1DB80] =	vst v63  }
0x121: {  	_ =	swait.ge @p0 [sflag:s5], $0x68  }
0x122: {  	[sflag:s5] =	ssyncset.done @p0 $0x0  }
0x123: {  	[sflag:s5] =	ssyncadd.s32 @p0 $0xFFFFFF98  }
0x124: {  	_ =	swait.ge @p0 [sflag:s5], $0x68  }
0x125: {  	s6 =	simm.s32 @p0 $0x0;
	[sflag:s5] =	ssyncset.done @p0 $0x0  }
0x126: {  	s7 =	simm.s32 @p0 $0x9C00;
	[sflag:s5] =	ssyncadd.s32 @p0 $0xFFFFFF98;
	s5 =	simm.s32 @p0 $0x68  }
0x127: {  	[tilespmem:s6], [sflag:$0x1] =	stream.indirect.gather @p0 [hbm4b:s4+s5], $0x80, s7, s5, $0xb8;
	[tilespmem:$0x1DB80] =	vst v63  }
0x128: {  	s5 =	simm.s32 @!p0 $0x4  }
0x129: {  	_ =	swait.ge @!p0 [sflag:s5], $0x3400  }
0x12a: {  	[sflag:s5] =	ssyncset.done @!p0 $0x0  }
0x12b: {  	[sflag:s5] =	ssyncadd.s32 @!p0 $0xFFFFCC00;
	s5 =	simm.s32 @!p0 $0x7  }
0x12c: {  	_ =	swait.ge @!p0 [sflag:s5], $0x68  }
0x12d: {  	[sflag:s5] =	ssyncset.done @!p0 $0x0  }
0x12e: {  	[sflag:s5] =	ssyncadd.s32 @!p0 $0xFFFFFF98  }
0x12f: {  	_ =	swait.ge @!p0 [sflag:s5], $0x68  }
0x130: {  	s6 =	simm.s32 @!p0 $0x0;
	[sflag:s5] =	ssyncset.done @!p0 $0x0  }
0x131: {  	s7 =	simm.s32 @!p0 $0x9C00;
	[sflag:s5] =	ssyncadd.s32 @!p0 $0xFFFFFF98;
	s5 =	simm.s32 @!p0 $0x68  }
0x132: {  	[tilespmem:s6], [sflag:$0x1] =	stream.indirect.gather @!p0 [hbm4b:s4+s5], $0x80, s7, s5, $0xb8;
	[tilespmem:$0x1DB80] =	vst v63  }
0x133: {  	s5 =	simm.s32 @!p0 $0x5  }
0x134: {  	_ =	swait.ge @!p0 [sflag:s5], $0x3400  }
0x135: {  	[sflag:s5] =	ssyncset.done @!p0 $0x0  }
0x136: {  	[sflag:s5] =	ssyncadd.s32 @!p0 $0xFFFFCC00  }
0x137: {  	_ =	swait.ge [sflag:s29], $0x68  }
0x138: {  	[sflag:s29] =	ssyncset.done $0x0  }
0x139: {  	[sflag:s29] =	ssyncadd.s32 $0xFFFFFF98  }
0x13a: {  	_ =	swait.ge [sflag:s29], $0x68  }
0x13b: {  	[sflag:s29] =	ssyncset.done $0x0  }
0x13c: {  	s11 =	simm.s32 $0x9C80;
	s5 =	simm.s32 @!p0 $0x6;
	[sflag:s29] =	ssyncadd.s32 $0xFFFFFF98  }
0x13d: {  	[tilespmem:s31], [sflag:$0x2] =	stream.indirect.gather [hbm4b:s4+s30], $0x80, s11, s30, $0xb8;
	[tilespmem:$0x1DB80] =	vst v63  }
0x13e: {  	_ =	swait.ge @!p0 [sflag:s5], $0x3400  }
0x13f: {  	[sflag:s5] =	ssyncset.done @!p0 $0x0  }
0x140: {  	[sflag:s5] =	ssyncadd.s32 @!p0 $0xFFFFCC00  }
0x141: {  	_ =	swait.ge [sflag:s0], $0x68  }
0x142: {  	[sflag:s0] =	ssyncset.done $0x0  }
0x143: {  	[sflag:s0] =	ssyncadd.s32 $0xFFFFFF98  }
0x144: {  	_ =	swait.ge [sflag:s0], $0x68  }
0x145: {  	[sflag:s0] =	ssyncset.done $0x0  }
0x146: {  	s25 =	simm.s32 $0x9D00;
	s23 =	rddreg [dreg:$0xc];
	[sflag:s0] =	ssyncadd.s32 $0xFFFFFF98  }
0x147: {  	[tilespmem:s1], [sflag:$0x3] =	stream.indirect.gather [hbm4b:s4+s30], $0x80, s25, s30, $0xb8;
	[tilespmem:$0x1DB80] =	vst v63  }
0x148: {  	s8 =	simm.s32 $0x9D80;
	s24 =	rddreg [dreg:$0xb];
	s5 =	sadd.s32 s28, s23  }
0x149: {  	[tilespmem:s8], [sflag:$0xA] =	stream.linear.gather [hbm4b:s5+s3], $0x68, $0x38;
	[tilespmem:$0x1DB80] =	vst v63  }
0x14a: {  	s10 =	simm.s32 $0xA080;
	s26 =	rddreg [dreg:$0xa];
	s9 =	sadd.s32 s28, s24  }
0x14b: {  	[tilespmem:s10], [sflag:$0xA] =	stream.linear.gather [hbm4b:s9+s3], $0x68, $0x38;
	[tilespmem:$0x1DB80] =	vst v63  }
0x14c: {  	s11 =	rddreg [dreg:$0x9];
	s23 =	sadd.s32 s28, s26;
	s9 =	simm.s32 $0x9E00  }
0x14d: {  	[tilespmem:s9], [sflag:$0xB] =	stream.linear.gather [hbm4b:s23+s3], $0x68, $0x38;
	[tilespmem:$0x1DB80] =	vst v63  }
0x14e: {  	s24 =	rddreg [dreg:$0x8];
	s25 =	sadd.s32 s28, s11;
	s11 =	simm.s32 $0xA100  }
0x14f: {  	[tilespmem:s11], [sflag:$0xB] =	stream.linear.gather [hbm4b:s25+s3], $0x68, $0x38;
	[tilespmem:$0x1DB80] =	vst v63  }
0x150: {  	s26 =	rddreg [dreg:$0x7];
	s7 =	sadd.s32 s28, s24;
	s23 =	simm.s32 $0x9E80  }
0x151: {  	[tilespmem:s23], [sflag:$0xC] =	stream.linear.gather [hbm4b:s7+s3], $0x68, $0x38;
	[tilespmem:$0x1DB80] =	vst v63  }
0x152: {  	s24 =	sadd.s32 s28, s26  }
0x153: {  	[tilespmem:s21], [sflag:$0xC] =	stream.linear.gather [hbm4b:s24+s3], $0x68, $0x38;
	[tilespmem:$0x1DB80] =	vst v63  }
0x154: {  	_ =	swait.ge [sflag:s12], $0x3400  }
0x155: {  	[sflag:s12] =	ssyncset.done $0x0  }
0x156: {  	s25 =	simm.s32 $0x9F00;
	[sflag:s12] =	ssyncadd.s32 $0xFFFFCC00  }
0x157: {  	[spmem:s2] =	stream.indirect.scatter.add.f32 [tilespmem:s3], [sflag:$0x4], $0x80, s25, s30, $0xb8;
	[tilespmem:$0x1DB80] =	vst v63  }
0x158: {  	_ =	swait.ge [sflag:s13], $0x3400  }
0x159: {  	[sflag:s13] =	ssyncset.done $0x0  }
0x15a: {  	s26 =	simm.s32 $0x9F80;
	[sflag:s13] =	ssyncadd.s32 $0xFFFFCC00  }
0x15b: {  	[spmem:s2] =	stream.indirect.scatter.add.f32 [tilespmem:s31], [sflag:$0x5], $0x80, s26, s30, $0xb8;
	[tilespmem:$0x1DB80] =	vst v63  }
0x15c: {  	_ =	swait.ge [sflag:s14], $0x3400  }
0x15d: {  	[sflag:s14] =	ssyncset.done $0x0  }
0x15e: {  	s6 =	simm.s32 $0xA000;
	[sflag:s14] =	ssyncadd.s32 $0xFFFFCC00  }
0x15f: {  	[spmem:s2] =	stream.indirect.scatter.add.f32 [tilespmem:s1], [sflag:$0x6], $0x80, s6, s30, $0xb8;
	[tilespmem:$0x1DB80] =	vst v63  }
0x160: {  	_ =	swait.ge [sflag:s16], $0x3400  }
0x161: {  	[sflag:s16] =	ssyncset.done $0x0  }
0x162: {  	[sflag:s16] =	ssyncadd.s32 $0xFFFFCC00  }
0x163: {  	_ =	swait.ge [sflag:s17], $0x68  }
0x164: {  	[sflag:s17] =	ssyncset.done $0x0  }
0x165: {  	[sflag:s17] =	ssyncadd.s32 $0xFFFFFF98  }
0x166: {  	_ =	swait.ge [sflag:s17], $0x68  }
0x167: {  	[sflag:s17] =	ssyncset.done $0x0  }
0x168: {  	[sflag:s17] =	ssyncadd.s32 $0xFFFFFF98  }
0x169: {  	[tilespmem:s3], [sflag:$0x1] =	stream.indirect.gather [hbm4b:s4+s30], $0x80, s8, s30, $0xb8;
	[tilespmem:$0x1DB80] =	vst v63  }
0x16a: {  	_ =	swait.ge [sflag:s18], $0x3400  }
0x16b: {  	[sflag:s18] =	ssyncset.done $0x0  }
0x16c: {  	[sflag:s18] =	ssyncadd.s32 $0xFFFFCC00  }
0x16d: {  	_ =	swait.ge [sflag:s19], $0x68  }
0x16e: {  	[sflag:s19] =	ssyncset.done $0x0  }
0x16f: {  	[sflag:s19] =	ssyncadd.s32 $0xFFFFFF98  }
0x170: {  	_ =	swait.ge [sflag:s19], $0x68  }
0x171: {  	[sflag:s19] =	ssyncset.done $0x0  }
0x172: {  	[sflag:s19] =	ssyncadd.s32 $0xFFFFFF98  }
0x173: {  	[tilespmem:s31], [sflag:$0x2] =	stream.indirect.gather [hbm4b:s4+s30], $0x80, s9, s30, $0xb8;
	[tilespmem:$0x1DB80] =	vst v63  }
0x174: {  	_ =	swait.ge [sflag:s15], $0x3400  }
0x175: {  	[sflag:s15] =	ssyncset.done $0x0  }
0x176: {  	[sflag:s15] =	ssyncadd.s32 $0xFFFFCC00  }
0x177: {  	_ =	swait.ge [sflag:s20], $0x68  }
0x178: {  	[sflag:s20] =	ssyncset.done $0x0  }
0x179: {  	[sflag:s20] =	ssyncadd.s32 $0xFFFFFF98  }
0x17a: {  	p0 =	seq.s32 s28, $0x492;
	_ =	swait.ge [sflag:s20], $0x68  }
0x17b: {  	s5 =	sshrl.u32 @!p0 s22, $0x3;
	[sflag:s20] =	ssyncset.done $0x0  }
0x17c: {  	s6 =	simm.s32 @!p0 $0x9C00;
	s7 =	rddreg [dreg:$0xd];
	[sflag:s20] =	ssyncadd.s32 $0xFFFFFF98  }
0x17d: {  	[tilespmem:s1], [sflag:$0x3] =	stream.indirect.gather [hbm4b:s4+s30], $0x80, s23, s30, $0xb8;
	[tilespmem:$0x1DB80] =	vst v63  }
0x17e: {  	s8 =	simm.s32 @!p0 $0x0;
	s9 =	rddreg [dreg:$0xe];
	s7 =	sadd.s32 @!p0 s7, s5  }
0x17f: {  	[tilespmem:s6], [sflag:$0x7] =	stream.linear.gather @!p0 [hbm4b:s7+s8], $0x68, $0x38;
	[tilespmem:$0x1DB80] =	vst v63  }
0x180: {  	s5 =	sadd.s32 @!p0 s9, s5;
	s6 =	rddreg [dreg:$0x6];
	s7 =	simm.s32 @!p0 $0x9F00  }
0x181: {  	[tilespmem:s7], [sflag:$0x7] =	stream.linear.gather @!p0 [hbm4b:s5+s8], $0x68, $0x38;
	[tilespmem:$0x1DB80] =	vst v63  }
0x182: {  	s6 =	sadd.s32 @!p0 s28, s6;
	s5 =	rddreg [dreg:$0x5];
	s7 =	simm.s32 @!p0 $0x9C80  }
0x183: {  	[tilespmem:s7], [sflag:$0x8] =	stream.linear.gather @!p0 [hbm4b:s6+s8], $0x68, $0x38;
	[tilespmem:$0x1DB80] =	vst v63  }
0x184: {  	s5 =	sadd.s32 @!p0 s28, s5;
	s6 =	rddreg [dreg:$0x4];
	s7 =	simm.s32 @!p0 $0x9F80  }
0x185: {  	[tilespmem:s7], [sflag:$0x8] =	stream.linear.gather @!p0 [hbm4b:s5+s8], $0x68, $0x38;
	[tilespmem:$0x1DB80] =	vst v63  }
0x186: {  	s6 =	sadd.s32 @!p0 s28, s6;
	s5 =	rddreg [dreg:$0x3];
	s7 =	simm.s32 @!p0 $0x9D00  }
0x187: {  	[tilespmem:s7], [sflag:$0x9] =	stream.linear.gather @!p0 [hbm4b:s6+s8], $0x68, $0x38;
	[tilespmem:$0x1DB80] =	vst v63  }
0x188: {  	s5 =	sadd.s32 @!p0 s28, s5;
	s6 =	simm.s32 @!p0 $0xA000  }
0x189: {  	[tilespmem:s6], [sflag:$0x9] =	stream.linear.gather @!p0 [hbm4b:s5+s8], $0x68, $0x38;
	[tilespmem:$0x1DB80] =	vst v63  }
0x18a: {  	_ =	swait.ge [sflag:s12], $0x3400  }
0x18b: {  	[sflag:s12] =	ssyncset.done $0x0  }
0x18c: {  	[sflag:s12] =	ssyncadd.s32 $0xFFFFCC00  }
0x18d: {  	[spmem:s2] =	stream.indirect.scatter.add.f32 [tilespmem:s3], [sflag:$0x4], $0x80, s10, s30, $0xb8;
	[tilespmem:$0x1DB80] =	vst v63  }
0x18e: {  	_ =	swait.ge [sflag:s13], $0x3400  }
0x18f: {  	[sflag:s13] =	ssyncset.done $0x0  }
0x190: {  	[sflag:s13] =	ssyncadd.s32 $0xFFFFCC00  }
0x191: {  	[spmem:s2] =	stream.indirect.scatter.add.f32 [tilespmem:s31], [sflag:$0x5], $0x80, s11, s30, $0xb8;
	[tilespmem:$0x1DB80] =	vst v63  }
0x192: {  	_ =	swait.ge [sflag:s14], $0x3400  }
0x193: {  	[sflag:s14] =	ssyncset.done $0x0  }
0x194: {  	[sflag:s14] =	ssyncadd.s32 $0xFFFFCC00  }
0x195: {  	[spmem:s2] =	stream.indirect.scatter.add.f32 [tilespmem:s1], [sflag:$0x6], $0x80, s21, s30, $0xb8;
	[tilespmem:$0x1DB80] =	vst v63  }
0x196: {  	_ =	swait.ge [sflag:s16], $0x3400  }
0x197: {  	[sflag:s16] =	ssyncset.done $0x0  }
0x198: {  	[sflag:s16] =	ssyncadd.s32 $0xFFFFCC00  }
0x199: {  	_ =	swait.ge [sflag:s18], $0x3400  }
0x19a: {  	[sflag:s18] =	ssyncset.done $0x0  }
0x19b: {  	[sflag:s18] =	ssyncadd.s32 $0xFFFFCC00  }
0x19c: {  	_ =	swait.ge [sflag:s15], $0x3400  }
0x19d: {  	s22 =	simm.s32 $0xD;
	[sflag:s15] =	ssyncset.done $0x0  }
0x19e: {  	s9 =	simm.s32 $0xA200;
	s8 =	rddreg [dreg:$0x18];
	[sflag:s15] =	ssyncadd.s32 $0xFFFFCC00  }
0x19f: {  	[tilespmem:s9], [sflag:$0xD] =	stream.linear.gather [hbm4b:s8+s3], $0x10, $0x38;
	[tilespmem:$0x1DB80] =	vst v63  }
0x1a0: {  	_ =	swait.ge [sflag:s22], $0x10  }
0x1a1: {  	[sflag:s22] =	ssyncset.done $0x0  }
0x1a2: {  	s11 =	simm.s32 $0xA280;
	s10 =	rddreg [dreg:$0x19];
	[sflag:s22] =	ssyncadd.s32 $0xFFFFFFF0  }
0x1a3: {  	[tilespmem:s11], [sflag:$0xD] =	stream.linear.gather [hbm4b:s10+s3], $0x10, $0x38;
	[tilespmem:$0x1DB80] =	vst v63  }
0x1a4: {  	_ =	swait.ge [sflag:s22], $0x10  }
0x1a5: {  	[sflag:s22] =	ssyncset.done $0x0  }
0x1a6: {  	s21 =	simm.s32 $0x10;
	[sflag:s22] =	ssyncadd.s32 $0xFFFFFFF0  }
0x1a7: {  	[tilespmem:s3], [sflag:$0x1] =	stream.indirect.gather [hbm4b:s4+s21], $0x80, s9, s21, $0xb8;
	[tilespmem:$0x1DB80] =	vst v63  }
0x1a8: {  	_ =	swait.ge [sflag:s12], $0x800  }
0x1a9: {  	[sflag:s12] =	ssyncset.done $0x0  }
0x1aa: {  	[sflag:s12] =	ssyncadd.s32 $0xFFFFF800  }
0x1ab: {  	[spmem:s2] =	stream.indirect.scatter.add.f32 [tilespmem:s3], [sflag:$0xD], $0x80, s11, s21, $0xb8;
	[tilespmem:$0x1DB80] =	vst v63  }
0x1ac: {  	_ =	swait.ge [sflag:s22], $0x800  }
0x1ad: {  	[sflag:s22] =	ssyncset.done $0x0  }
0x1ae: {  	[sflag:s22] =	ssyncadd.s32 $0xFFFFF800  }
0x1af: {  	[bflag:$0x0] =	sbarrier.arrive $0xFFFF  }
0x1b0: {  	s6 =	rddreg [dreg:$0x17]  }
0x1b1: {  	s23 =	rddreg [dreg:$0x1b]  }
0x1b2: {  	s24 =	rddreg [dreg:$0x1e]  }
0x1b3: {  	[hbm:s23], [sflag:s6] =	dma.local [spmem:s24], $0x2780  }
0x1b4: {  	_ =	swait.ge [sflag:s22], $0x2780  }
0x1b5: {  	s25 =	rddreg [dreg:$0x1d]  }
0x1b6: {  	s28 =	rddreg [dreg:$0x1a];
	s7 =	sadd.s32 $0x1, s25  }
0x1b7: {  	p0 =	sne.s32 s7, s28  }
.Ltmp1:
0x1b8: {  	_ = 	snop;
	(pc) =	sbr.rel @p0 .LBB2_1-.Ltmp1, $3  }
0x1b9: {  	_ =	sdelay $0x1  }
0x1ba: {  	[sflag:s22] =	ssyncset.done $0x0  }
0x1bb: {  	s26 =	simm.s32 $0xA180;
	[sflag:s22] =	ssyncadd.s32 $0xFFFFD880  }
0x1bc: {  	_ =	sfence.sel $0x180000  }
0x1bd: {  	[bflag:$0x0] =	sbarrier.arrive $0xFFFF  }
0x1be: {  	_ =	strace $0x9000004A  }
0x1bf: {  	s0 =	stileid.u32;
	[bflag:$0x2] =	sbarrier.arrive $0xFFFF  }
0x1c0: {  	p0 =	sne.s32 s0, $0x0;
	s0 =	rddreg [dreg:$0x2]  }
0x1c1: {  	s0 =	sadd.s32 @!p0 $0x100000, s0  }
0x1c2: {  	[sflag:s0] =	ssyncadd.tile.s32 @!p0 $0x1;
	_ =	shalt  }
.Lfunc_end2:
_tile_overlayer_lowered:
.L_overlay_start_2:
0x1c3: {  	(tag) =	ssettag $0x2  }
0x1c4: {  	s0 =	rddreg [dreg:$0x0];
	s2 =	stileid.u32  }
0x1c5: {  	s1 =	rddreg [dreg:$0x1];
	p0 =	sne.s32 s2, $0x0  }
0x1c6: {  	s3 =	rddreg [dreg:$0x2];
	[bflag:$0x3] =	sbarrier.arrive $0xFFFF;
	s2 =	simm.s32 @!p0 $0x1C0D  }
0x1c7: {  	[timem:s3], [sflag:s2] =	dma.local @!p0 [hbm:s0], s1  }
0x1c8: {  	s0 =	simm.s32 @!p0 $0xD  }
0x1c9: {  	_ =	swait.ge @!p0 [sflag:s0], s1  }
0x1ca: {  	s1 =	ssub.s32 @!p0 $0x0, s1;
	[sflag:s0] =	ssyncset.done @!p0 $0x0  }
0x1cb: {  	[sflag:s0] =	ssyncadd.s32 @!p0 s1  }
0x1cc: {  	[bflag:$0x3] =	sbarrier.arrive $0xFFFF  }
0x1cd: {  	_ =	shalt  }

// kernel: kernel.14.cloned.1.call-start
scs
__scs_entry_jumppad:
0x0: {  	(pc) =	sbr.rel $0x88, $3  }
0x1: {  	(tag) =	ssettag $0x0;
	lr =	simm.s32 $0x1  }
0x2: {  	[smem:$0x3F88] =	sst lr;
	_ =	strace $0xD0000000  }
0x3: {  	_ = 	snop  }
0x4: {  	_ = 	snop  }
0x5: {  	_ = 	snop  }
0x6: {  	_ = 	snop  }
0x7: {  	_ = 	snop  }
__scs_overlays_trampoline_lowered:
0x8: {  	[smem:$0x3F97] =	sst s0  }
0x9: {  	[smem:$0x3F98] =	sst s1  }
0xa: {  	[smem:$0x3F99] =	sst s2  }
0xb: {  	[smem:$0x3F9A] =	sst s3  }
0xc: {  	[smem:$0x3F9B] =	sst s4  }
0xd: {  	[smem:$0x3F9C] =	sst s5  }
0xe: {  	[smem:$0x3F9D] =	sst s6  }
0xf: {  	[smem:$0x3F9E] =	sst s7  }
0x10: {  	[smem:$0x3F9F] =	sst s8  }
0x11: {  	[smem:$0x3FA0] =	sst s9;
	s0 =	simm.s32 @!p0 $0x0  }
0x12: {  	s1 =	sld [smem:$0x3F86];
	s0 =	simm.s32 @p0 $0x1  }
0x13: {  	[smem:$0x3FA1] =	sst s0;
	s0 =	simm.s32 @!p1 $0x0  }
0x14: {  	s2 =	sld [smem:$0x3F85];
	s0 =	simm.s32 @p1 $0x1  }
0x15: {  	[smem:$0x3FA2] =	sst s0;
	s0 =	simm.s32 @!p2 $0x0  }
0x16: {  	s3 =	sld [smem:$0x3FDB];
	s0 =	simm.s32 @p2 $0x1  }
0x17: {  	s4 =	simm.s32 $0x1BF5;
	[smem:$0x3FA4] =	sst s0  }
0x18: {  	s0 =	sld [smem:$0x3F87];
	_ =	swait.ge [sflag:s4], $0x0  }
0x19: {  	s7 =	sld [smem:$0x3F88]  }
0x1a: {  	s8 =	sadd.s32 $0xFFFFE003, lr  }
0x1b: {  	s9 =	sadd.s32 $0xFFFFFEF7, lr;
	s5 =	simm.s32 $0xFFFFFFFF;
	p2 =	slt.u32 s8, $0xFFFFF086  }
0x1c: {  	p1 =	slt.u32 s9, $0xF7A;
	s5 =	simm.s32 @!p2 $0x0  }
0x1d: {  	s5 =	simm.s32 @p1 $0x1;
	p0 =	seq.s32 s7, s2  }
0x1e: {  	s7 =	smul.u32 @!p0 $0xF7A, s2;
	p2 =	seq.s32 @!p0 s5, $0x0  }
0x1f: {  	s9 =	smul.u32 $0xF7A, s1;
	s8 =	simm.s32 @!p0 $0x1BF5;
	p2 =	por !p2, p0  }
0x20: {  	[sflag:s8] =	ssyncset.s32 @!p0 $0xFFFFF086;
	s6 =	sadd.s32 @!p0 s3, s7;
	s7 =	simm.s32 @!p0 $0x108  }
0x21: {  	s3 =	sadd.s32 s3, s9;
	s6 =	sadd.s32 @!p0 $0x88, s6;
	s7 =	simm.s32 @p2 $0x1082  }
0x22: {  	[simem:s7], [sflag:s8] =	dma.local @!p0 [hbm:s6], $0xF7A  }
0x23: {  	s9 =	sor.u32 $0xD0000000, s2;
	s6 =	simm.s32 $0x108;
	_ =	swait.ge @!p0 [sflag:s8], $0x0  }
0x24: {  	s3 =	sadd.s32 $0x88, s3;
	s6 =	simm.s32 @!p1 $0x1082;
	[sflag:s4] =	ssyncset.s32 $0xFFFFF086  }
0x25: {  	[simem:s6], [sflag:s4] =	dma.local [hbm:s3], $0xF7A  }
0x26: {  	[smem:$0x3F88] =	sst s1;
	(tag) =	ssettag s2;
	_ =	strace s9  }
0x27: {  	s1 =	sld [smem:$0x3F98]  }
0x28: {  	s2 =	sld [smem:$0x3F99]  }
0x29: {  	s4 =	sld [smem:$0x3F9B]  }
0x2a: {  	p0 =	seq.s32 s5, $0x0;
	s5 =	sld [smem:$0x3F9C]  }
0x2b: {  	s6 =	sld [smem:$0x3F9D]  }
0x2c: {  	s7 =	sld [smem:$0x3F9E]  }
0x2d: {  	s3 =	simm.s32 $0x108;
	s8 =	sld [smem:$0x3F9F]  }
0x2e: {  	s3 =	simm.s32 @!p0 $0x1082;
	s9 =	sld [smem:$0x3FA0]  }
0x2f: {  	lr =	sadd.s32 s0, s3;
	s0 =	sld [smem:$0x3F97]  }
0x30: {  	s3 =	sld [smem:$0x3F9A]  }
0x31: {  	[smem:$0x3FA3] =	sst s10  }
0x32: {  	s10 =	sld [smem:$0x3FA1];
	_ =	sdelay $0x3  }
0x33: {  	p0 =	seq.s32 s10, $0x1;
	s10 =	sld [smem:$0x3FA3];
	_ =	sdelay $0x3  }
0x34: {  	[smem:$0x3FA3] =	sst s10  }
0x35: {  	s10 =	sld [smem:$0x3FA2];
	_ =	sdelay $0x3  }
0x36: {  	p1 =	seq.s32 s10, $0x1;
	s10 =	sld [smem:$0x3FA3];
	_ =	sdelay $0x3  }
0x37: {  	[smem:$0x3FA3] =	sst s10  }
0x38: {  	s10 =	sld [smem:$0x3FA4]  }
0x39: {  	_ = 	snop;
	(pc) =	sbr.ind lr, $3  }
0x3a: {  	_ = 	snop  }
0x3b: {  	_ = 	snop  }
0x3c: {  	p2 =	seq.s32 s10, $0x1;
	s10 =	sld [smem:$0x3FA3]  }
0x3d: {  	_ =	shalt  }
0x3e: {  	_ =	shalt  }
0x3f: {  	_ =	shalt  }
0x40: {  	_ =	shalt  }
0x41: {  	_ =	shalt  }
0x42: {  	_ =	shalt  }
0x43: {  	_ =	shalt  }
0x44: {  	_ =	shalt  }
0x45: {  	_ =	shalt  }
0x46: {  	_ =	shalt  }
0x47: {  	_ =	shalt  }
0x48: {  	_ =	shalt  }
0x49: {  	_ =	shalt  }
0x4a: {  	_ =	shalt  }
0x4b: {  	_ =	shalt  }
0x4c: {  	_ =	shalt  }
0x4d: {  	_ =	shalt  }
0x4e: {  	_ =	shalt  }
0x4f: {  	_ =	shalt  }
0x50: {  	_ =	shalt  }
0x51: {  	_ =	shalt  }
0x52: {  	_ =	shalt  }
0x53: {  	_ =	shalt  }
0x54: {  	_ =	shalt  }
0x55: {  	_ =	shalt  }
0x56: {  	_ =	shalt  }
0x57: {  	_ =	shalt  }
0x58: {  	_ =	shalt  }
0x59: {  	_ =	shalt  }
0x5a: {  	_ =	shalt  }
0x5b: {  	_ =	shalt  }
0x5c: {  	_ =	shalt  }
0x5d: {  	_ =	shalt  }
0x5e: {  	_ =	shalt  }
0x5f: {  	_ =	shalt  }
0x60: {  	_ =	shalt  }
0x61: {  	_ =	shalt  }
0x62: {  	_ =	shalt  }
0x63: {  	_ =	shalt  }
0x64: {  	_ =	shalt  }
0x65: {  	_ =	shalt  }
0x66: {  	_ =	shalt  }
0x67: {  	_ =	shalt  }
0x68: {  	_ =	shalt  }
0x69: {  	_ =	shalt  }
0x6a: {  	_ =	shalt  }
0x6b: {  	_ =	shalt  }
0x6c: {  	_ =	shalt  }
0x6d: {  	_ =	shalt  }
0x6e: {  	_ =	shalt  }
0x6f: {  	_ =	shalt  }
0x70: {  	_ =	shalt  }
0x71: {  	_ =	shalt  }
0x72: {  	_ =	shalt  }
0x73: {  	_ =	shalt  }
0x74: {  	_ =	shalt  }
0x75: {  	_ =	shalt  }
0x76: {  	_ =	shalt  }
0x77: {  	_ =	shalt  }
0x78: {  	_ =	shalt  }
0x79: {  	_ =	shalt  }
0x7a: {  	_ =	shalt  }
0x7b: {  	_ =	shalt  }
0x7c: {  	_ =	shalt  }
0x7d: {  	_ =	shalt  }
0x7e: {  	_ =	shalt  }
0x7f: {  	_ =	shalt  }
0x80: {  	_ =	shalt  }
0x81: {  	_ =	shalt  }
0x82: {  	_ =	shalt  }
0x83: {  	_ =	shalt  }
0x84: {  	_ =	shalt  }
0x85: {  	_ =	shalt  }
0x86: {  	_ =	shalt  }
0x87: {  	_ =	shalt  }
.Lfunc_end0:
.L_simem_size_0:
called_computation.2_lowered:
.L_overlay_start_0:
0x88: {  	s2 =	sld [smem:$0x3FD9]  }
0x89: {  	s3 =	sld [smem:$0x3FFE];
	_ =	sdelay $0x1  }
0x8a: {  	s1 =	srdreg.scid  }
0x8b: {  	s0 =	sand.u32 $0x1, s1  }
0x8c: {  	s16 =	sshll.u32 s0, $0xA;
	s2 =	sadd.s32 s3, s2  }
0x8d: {  	s2 =	sadd.s32 s2, s16  }
0x8e: {  	[smem:$0x3FAF] =	sst s2  }
0x8f: {  	_ = 	snop  }
0x90: {  	(tm) =	ssettm $0x1  }
0x91: {  	s17 =	sld [smem:$0x3FFB];
	_ =	sdelay $0x3  }
0x92: {  	_ =	strace s17  }
0x93: {  	s2 =	sld [smem:$0x3FFC];
	_ =	sdelay $0x3  }
0x94: {  	_ =	strace s2  }
0x95: {  	s2 =	sld [smem:$0x3FFD];
	_ =	sdelay $0x3  }
0x96: {  	_ =	strace s2  }
0x97: {  	_ =	strace $0x8FFFFFFF  }
0x98: {  	s18 =	sld [smem:$0x3FDB];
	_ =	sdelay $0x1  }
0x99: {  	s19 =	simm.s32 $_scs_section_size  }
0x9a: {  	s4 =	simm.s32 $_size__tile_overlayer_lowered;
	s5 =	simm.s32 $_tile_overlayer_lowered  }
0x9b: {  	s22 =	simm.s32 $0x1BFF;
	s21 =	sshll.u32 s5, $0x1;
	s2 =	sadd.s32 s19, s18  }
0x9c: {  	s6 =	simm.s32 $0x0;
	s20 =	sshll.u32 s4, $0x1;
	s4 =	sadd.s32 s21, s2  }
0x9d: {  	[timem:s6], [sflag:s22] =	dma.local [hbm:s4], s20  }
0x9e: {  	_ =	swait.ge [sflag:s22], s20  }
0x9f: {  	s3 =	ssub.s32 $0x0, s20;
	[sflag:s22] =	ssyncset.done $0x0  }
0xa0: {  	[sflag:s22] =	ssyncadd.s32 s3;
	_ =	sdelay $0x1  }
0xa1: {  	s23 =	simm.s32 $0x1B8B  }
0xa2: {  	_ =	swait.ge [sflag:s23], $0x1  }
0xa3: {  	[sflag:s23] =	ssyncset.done $0x0  }
0xa4: {  	s25 =	simm.s32 $0x1B8E;
	s24 =	sld [smem:$0x3FFE];
	[sflag:s23] =	ssyncadd.s32 $0xFFFFFFFF  }
0xa5: {  	s26 =	simm.s32 $execute0_lowered;
	[smem:$0x3FD2] =	sst s25  }
0xa6: {  	s4 =	sshll.u32 s26, $0x1;
	_ =	strace $0x8000004C;
	[dreg:$0x1] =	wrdreg $0xFFFFFFFF  }
0xa7: {  	s28 =	simm.s32 $_size_execute0_lowered;
	s2 =	sadd.s32 s2, s4;
	[dreg:$0x0] =	wrdreg $0x0  }
0xa8: {  	s4 =	sshll.u32 s28, $0x1;
	[dreg:$0x2] =	wrdreg s2  }
0xa9: {  	[dreg:$0x3] =	wrdreg s4  }
0xaa: {  	[dreg:$0x4] =	wrdreg $0xC0  }
0xab: {  	_ =	task [dreg:s6], $0x5FFFF  }
0xac: {  	[dreg:$0x1] =	wrdreg $0xFFFFFFFF  }
0xad: {  	[dreg:$0x0] =	wrdreg $0x60  }
0xae: {  	[dreg:$0x2] =	wrdreg s24  }
0xaf: {  	[dreg:$0x3] =	wrdreg $0xA3000  }
0xb0: {  	[dreg:$0x4] =	wrdreg $0x9  }
0xb1: {  	_ =	task.clear_ibuf [dreg:s6], $0x5FFFF;
	_ =	strace $0x9000004C  }
0xb2: {  	s29 =	simm.s32 $0x9;
	_ =	strace $0x8000004E  }
0xb3: {  	_ =	swait.ge [sflag:s29], $0x1  }
0xb4: {  	[sflag:s29] =	ssyncadd.s32 $0xFFFFFFFF  }
0xb5: {  	_ =	strace $0x9000004E  }
0xb6: {  	_ =	sfence  }
0xb7: {  	s30 =	sld [smem:$0x0];
	_ =	sdelay $0x2  }
0xb8: {  	s31 =	sshll.u32 s1, $0xD;
	s1 =	sshrl.u32 s1, $0x2  }
0xb9: {  	s3 =	sand.u32 $0x4000, s31;
	s1 =	sadd.s32 s1, s30  }
0xba: {  	s0 =	sor.u32 s3, s0;
	s1 =	sshll.u32 s1, $0x11  }
0xbb: {  	s0 =	sor.u32 s1, s0  }
0xbc: {  	s0 =	sadd.s32 $0x8F2B, s0  }
0xbd: {  	[sflag:s0] =	ssyncadd.remote.s32 $0x1  }
0xbe: {  	_ =	sfence.sel $0xFFFF  }
0xbf: {  	[dreg:$0x0] =	wrdreg $0xFFFFFFFF;
	(pc) =	sbr.abs _section_cstart, $3  }
0xc0: {  	[dreg:$0x1] =	wrdreg $0xFFFFFFFF  }
0xc1: {  	_ =	task.clear_ibuf [dreg:s6], $0x2FFFF;
	_ =	strace $0x9FFFFFFF  }
0xc2: {  	(tm) =	ssettm $0x7FFFFFFF  }
0xc3: {  	_ =	shalt  }
tec
execute0_lowered:
.L_overlay_start_1:
0x0: {  	(tag) =	ssettag $0x1  }
0x1: {  	s0 =	rddreg [dreg:$0x0]  }
0x2: {  	s2 =	rddreg [dreg:$0x1];
	s3 =	simm.s32 $0x0  }
0x3: {  	s6 =	stileid.u32;
	s1 =	srdreg.scid;
	s29 =	simm.s32 $0x8  }
0x4: {  	s30 =	simm.s32 $0x68;
	s31 =	simm.s32 $0x3400;
	[smem:$0x7FF] =	sst s3  }
0x5: {  	s5 =	smul.u32 $0x278, s6;
	s1 =	sand.u32 $0x1, s1;
	s4 =	sadd.s32 $0x3FC00, s0  }
0x6: {  	s9 =	smul.u32 $0x2710, s6;
	s13 =	sadd.s32 $0x4E00, s0;
	s19 =	sshll.u32 s6, $0x6  }
0x7: {  	_ =	strace $0x8000004D;
	s7 =	smul.u32 $0x27100, s1;
	s24 =	ssub.s32 $0x2, s1  }
0x8: {  	s6 =	sor.u32 $0x1C0D, s19;
	[dreg:$0xe] =	wrdreg s13;
	s8 =	smin.u32 s5, $0x2498  }
0x9: {  	s5 =	sadd.s32 $0xEC00, s0;
	s25 =	sshrl.u32 s24, $0x1;
	[dreg:$0x17] =	wrdreg s6  }
0xa: {  	s10 =	sshll.u32 s8, $0x4;
	s7 =	sadd.s32 s9, s7;
	s8 =	sshll.u32 s8, $0x7  }
0xb: {  	s9 =	ssub.s32 s24, s25;
	[dreg:$0xd] =	wrdreg s5;
	s8 =	sadd.s32 s8, s2  }
0xc: {  	s11 =	sshrl.u32 s7, $0x3;
	s24 =	smax.u32 s9, $0x1;
	[dreg:$0x15] =	wrdreg s8  }
0xd: {  	s0 =	sadd.s32 s10, s0;
	s26 =	sadd.s32 s5, s11;
	[dreg:$0x1a] =	wrdreg s24  }
0xe: {  	s12 =	sadd.s32 $0x68, s7;
	s14 =	sadd.s32 s13, s11;
	[dreg:$0xf] =	wrdreg s26  }
0xf: {  	s28 =	sshrl.u32 s12, $0x3;
	s20 =	sadd.s32 $0x18A00, s0;
	[dreg:$0x10] =	wrdreg s14  }
0x10: {  	p0 =	seq.s32 s1, $0x1;
	s15 =	sadd.s32 s5, s28;
	[dreg:$0x16] =	wrdreg s20  }
0x11: {  	s16 =	sadd.s32 $0x1A, s11;
	s10 =	sadd.s32 s13, s28;
	[dreg:$0x11] =	wrdreg s15  }
0x12: {  	s23 =	sadd.s32 $0x340, s7;
	s17 =	sadd.s32 s5, s16;
	[dreg:$0x12] =	wrdreg s10  }
0x13: {  	s21 =	sadd.s32 $0x4E0, s11;
	s18 =	sadd.s32 s13, s16;
	[dreg:$0x13] =	wrdreg s17  }
0x14: {  	s25 =	sshrl.u32 s23, $0x3;
	s22 =	sadd.s32 s5, s21;
	[dreg:$0x14] =	wrdreg s18  }
0x15: {  	s8 =	sadd.s32 s13, s21;
	s26 =	sadd.s32 s25, s13;
	[dreg:$0x18] =	wrdreg s22  }
0x16: {  	s28 =	sadd.s32 $0x2D8, s7;
	s1 =	sadd.s32 s25, s5;
	[dreg:$0x19] =	wrdreg s8  }
0x17: {  	s14 =	sadd.s32 $0x208, s7;
	s8 =	simm.s32 $0x8E000;
	[dreg:$0x3] =	wrdreg s26  }
0x18: {  	s11 =	sshrl.u32 s28, $0x3;
	[dreg:$0x4] =	wrdreg s1;
	s16 =	sshrl.u32 s14, $0x3  }
0x19: {  	s18 =	sadd.s32 $0x1A0, s7;
	s22 =	sadd.s32 $0x138, s7;
	s28 =	sadd.s32 $0x270, s7  }
0x1a: {  	s1 =	simm.s32 $0x6800;
	s14 =	simm.s32 $0x3;
	s7 =	simm.s32 $0x0  }
0x1b: {  	s12 =	sadd.s32 s11, s13;
	s15 =	sadd.s32 s11, s5;
	[dreg:$0x1c] =	wrdreg s28  }
0x1c: {  	s17 =	sadd.s32 s16, s13;
	s19 =	sadd.s32 s16, s5;
	[dreg:$0x5] =	wrdreg s12  }
0x1d: {  	s20 =	sshrl.u32 s18, $0x3;
	s24 =	sshrl.u32 s22, $0x3;
	[dreg:$0x6] =	wrdreg s15  }
0x1e: {  	s8 =	simm.s32 @!p0 $0x66E00;
	s22 =	simm.s32 $0xD;
	[dreg:$0x7] =	wrdreg s17  }
0x1f: {  	s16 =	simm.s32 $0x4;
	s18 =	simm.s32 $0x5;
	[dreg:$0x8] =	wrdreg s19  }
0x20: {  	s21 =	sadd.s32 s20, s13;
	s23 =	sadd.s32 s20, s5;
	s25 =	sadd.s32 s24, s13  }
0x21: {  	s0 =	sadd.s32 s8, s0;
	s26 =	sadd.s32 s24, s5;
	[dreg:$0x9] =	wrdreg s21  }
0x22: {  	s12 =	simm.s32 $0x1;
	s13 =	simm.s32 $0x2;
	[dreg:$0xa] =	wrdreg s23  }
0x23: {  	s17 =	simm.s32 $0xA;
	s19 =	simm.s32 $0xB;
	[dreg:$0x1b] =	wrdreg s0  }
0x24: {  	s15 =	simm.s32 $0x6;
	s20 =	simm.s32 $0xC;
	[dreg:$0xb] =	wrdreg s25  }
0x25: {  	[dreg:$0xc] =	wrdreg s26;
	s0 =	simm.s32 $0x9;
	s26 =	simm.s32 $0xA180  }
.LBB2_1:
0x26: {  	[dreg:$0x1d] =	wrdreg s7  }
0x27: {  	s5 =	rddreg [dreg:$0xf]  }
0x28: {  	s23 =	rddreg [dreg:$0x10]  }
0x29: {  	s21 =	simm.s32 $0x9C00;
	s24 =	rddreg [dreg:$0x11]  }
0x2a: {  	[tilespmem:s21], [sflag:$0x7] =	stream.linear.gather [hbm4b:s5+s3], $0x68, $0x38;
	[tilespmem:$0x1DB80] =	vst v63  }
0x2b: {  	s7 =	simm.s32 $0x9F00;
	s25 =	rddreg [dreg:$0x12]  }
0x2c: {  	[tilespmem:s7], [sflag:$0x7] =	stream.linear.gather [hbm4b:s23+s3], $0x68, $0x38;
	[tilespmem:$0x1DB80] =	vst v63  }
0x2d: {  	s8 =	simm.s32 $0x9C80;
	s10 =	rddreg [dreg:$0x13]  }
0x2e: {  	[tilespmem:s8], [sflag:$0x8] =	stream.linear.gather [hbm4b:s24+s3], $0x68, $0x38;
	[tilespmem:$0x1DB80] =	vst v63  }
0x2f: {  	s9 =	simm.s32 $0x9F80;
	s11 =	rddreg [dreg:$0x14]  }
0x30: {  	[tilespmem:s9], [sflag:$0x8] =	stream.linear.gather [hbm4b:s25+s3], $0x68, $0x38;
	[tilespmem:$0x1DB80] =	vst v63  }
0x31: {  	s21 =	simm.s32 $0x9D00;
	s23 =	rddreg [dreg:$0x15]  }
0x32: {  	[tilespmem:s21], [sflag:$0x9] =	stream.linear.gather [hbm4b:s10+s3], $0x68, $0x38;
	[tilespmem:$0x1DB80] =	vst v63  }
0x33: {  	s24 =	rddreg [dreg:$0x16];
	s10 =	sshrl.u32 s23, $0x3  }
0x34: {  	s25 =	simm.s32 $0xA000;
	[dreg:$0x1e] =	wrdreg s10  }
0x35: {  	[tilespmem:s25], [sflag:$0x9] =	stream.linear.gather [hbm4b:s11+s3], $0x68, $0x38;
	[tilespmem:$0x1DB80] =	vst v63  }
0x36: {  	[spmem:s10], [sflag:s6] =	dma.local [hbm:s24], $0x2780  }
0x37: {  	_ =	swait.ge [sflag:s22], $0x2780  }
0x38: {  	p0 =	por $0x1, $0x1;
	[sflag:s22] =	ssyncset.done $0x0  }
0x39: {  	p0 =	por p0, p0;
	[sflag:s22] =	ssyncadd.s32 $0xFFFFD880  }
0x3a: {  	s22 =	simm.s32 @p0 $0x7;
	[bflag:$0x0] =	sbarrier.arrive $0xFFFF  }
0x3b: {  	_ =	swait.ge @p0 [sflag:s22], $0x68  }
0x3c: {  	[sflag:s22] =	ssyncset.done @p0 $0x0  }
0x3d: {  	[sflag:s22] =	ssyncadd.s32 @p0 $0xFFFFFF98  }
0x3e: {  	_ =	swait.ge @p0 [sflag:s22], $0x68  }
0x3f: {  	s28 =	simm.s32 @p0 $0x9C00;
	s23 =	simm.s32 @p0 $0x0;
	[sflag:s22] =	ssyncset.done @p0 $0x0  }
0x40: {  	s24 =	simm.s32 @!p0 $0x4;
	[sflag:s22] =	ssyncadd.s32 @p0 $0xFFFFFF98;
	s22 =	simm.s32 @p0 $0x68  }
0x41: {  	[tilespmem:s23], [sflag:$0x1] =	stream.indirect.gather @p0 [hbm4b:s4+s22], $0x80, s28, s22, $0xb8;
	[tilespmem:$0x1DB80] =	vst v63  }
0x42: {  	_ =	swait.ge @!p0 [sflag:s24], $0x3400  }
0x43: {  	[sflag:s24] =	ssyncset.done @!p0 $0x0  }
0x44: {  	s22 =	simm.s32 @!p0 $0x7;
	[sflag:s24] =	ssyncadd.s32 @!p0 $0xFFFFCC00  }
0x45: {  	_ =	swait.ge @!p0 [sflag:s22], $0x68  }
0x46: {  	[sflag:s22] =	ssyncset.done @!p0 $0x0  }
0x47: {  	[sflag:s22] =	ssyncadd.s32 @!p0 $0xFFFFFF98  }
0x48: {  	_ =	swait.ge @!p0 [sflag:s22], $0x68  }
0x49: {  	s23 =	simm.s32 @!p0 $0x0;
	s28 =	simm.s32 @!p0 $0x9C00;
	[sflag:s22] =	ssyncset.done @!p0 $0x0  }
0x4a: {  	s24 =	simm.s32 @!p0 $0x5;
	[sflag:s22] =	ssyncadd.s32 @!p0 $0xFFFFFF98;
	s22 =	simm.s32 @!p0 $0x68  }
0x4b: {  	[tilespmem:s23], [sflag:$0x1] =	stream.indirect.gather @!p0 [hbm4b:s4+s22], $0x80, s28, s22, $0xb8;
	[tilespmem:$0x1DB80] =	vst v63  }
0x4c: {  	_ =	swait.ge @!p0 [sflag:s24], $0x3400  }
0x4d: {  	[sflag:s24] =	ssyncset.done @!p0 $0x0  }
0x4e: {  	[sflag:s24] =	ssyncadd.s32 @!p0 $0xFFFFCC00  }
0x4f: {  	_ =	swait.ge [sflag:s29], $0x68  }
0x50: {  	[sflag:s29] =	ssyncset.done $0x0  }
0x51: {  	[sflag:s29] =	ssyncadd.s32 $0xFFFFFF98  }
0x52: {  	_ =	swait.ge [sflag:s29], $0x68  }
0x53: {  	[sflag:s29] =	ssyncset.done $0x0  }
0x54: {  	s22 =	simm.s32 @!p0 $0x6;
	[sflag:s29] =	ssyncadd.s32 $0xFFFFFF98  }
0x55: {  	[tilespmem:s31], [sflag:$0x2] =	stream.indirect.gather [hbm4b:s4+s30], $0x80, s8, s30, $0xb8;
	[tilespmem:$0x1DB80] =	vst v63  }
0x56: {  	_ =	swait.ge @!p0 [sflag:s22], $0x3400  }
0x57: {  	[sflag:s22] =	ssyncset.done @!p0 $0x0  }
0x58: {  	[sflag:s22] =	ssyncadd.s32 @!p0 $0xFFFFCC00  }
0x59: {  	_ =	swait.ge [sflag:s0], $0x68  }
0x5a: {  	[sflag:s0] =	ssyncset.done $0x0  }
0x5b: {  	[sflag:s0] =	ssyncadd.s32 $0xFFFFFF98  }
0x5c: {  	_ =	swait.ge [sflag:s0], $0x68  }
0x5d: {  	[sflag:s0] =	ssyncset.done $0x0  }
0x5e: {  	s10 =	rddreg [dreg:$0xc];
	[sflag:s0] =	ssyncadd.s32 $0xFFFFFF98  }
0x5f: {  	[tilespmem:s1], [sflag:$0x3] =	stream.indirect.gather [hbm4b:s4+s30], $0x80, s21, s30, $0xb8;
	[tilespmem:$0x1DB80] =	vst v63  }
0x60: {  	s5 =	simm.s32 $0x9D80;
	s11 =	rddreg [dreg:$0xb];
	s22 =	sadd.s32 $0x0, s10  }
0x61: {  	[tilespmem:s5], [sflag:$0xA] =	stream.linear.gather [hbm4b:s22+s3], $0x68, $0x38;
	[tilespmem:$0x1DB80] =	vst v63  }
0x62: {  	s8 =	simm.s32 $0xA080;
	s6 =	sadd.s32 $0x0, s11;
	s21 =	rddreg [dreg:$0xa]  }
0x63: {  	[tilespmem:s8], [sflag:$0xA] =	stream.linear.gather [hbm4b:s6+s3], $0x68, $0x38;
	[tilespmem:$0x1DB80] =	vst v63  }
0x64: {  	s10 =	rddreg [dreg:$0x9];
	s11 =	sadd.s32 $0x0, s21;
	s6 =	simm.s32 $0x9E00  }
0x65: {  	[tilespmem:s6], [sflag:$0xB] =	stream.linear.gather [hbm4b:s11+s3], $0x68, $0x38;
	[tilespmem:$0x1DB80] =	vst v63  }
0x66: {  	s21 =	rddreg [dreg:$0x8];
	s11 =	sadd.s32 $0x0, s10;
	s10 =	simm.s32 $0xA100  }
0x67: {  	[tilespmem:s10], [sflag:$0xB] =	stream.linear.gather [hbm4b:s11+s3], $0x68, $0x38;
	[tilespmem:$0x1DB80] =	vst v63  }
0x68: {  	s23 =	rddreg [dreg:$0x7];
	s21 =	sadd.s32 $0x0, s21;
	s11 =	simm.s32 $0x9E80  }
0x69: {  	[tilespmem:s11], [sflag:$0xC] =	stream.linear.gather [hbm4b:s21+s3], $0x68, $0x38;
	[tilespmem:$0x1DB80] =	vst v63  }
0x6a: {  	s24 =	sadd.s32 $0x0, s23  }
0x6b: {  	[tilespmem:s26], [sflag:$0xC] =	stream.linear.gather [hbm4b:s24+s3], $0x68, $0x38;
	[tilespmem:$0x1DB80] =	vst v63  }
0x6c: {  	_ =	swait.ge [sflag:s12], $0x3400  }
0x6d: {  	[sflag:s12] =	ssyncset.done $0x0  }
0x6e: {  	[sflag:s12] =	ssyncadd.s32 $0xFFFFCC00  }
0x6f: {  	[spmem:s2] =	stream.indirect.scatter.add.f32 [tilespmem:s3], [sflag:$0x4], $0x80, s7, s30, $0xb8;
	[tilespmem:$0x1DB80] =	vst v63  }
0x70: {  	_ =	swait.ge [sflag:s13], $0x3400  }
0x71: {  	[sflag:s13] =	ssyncset.done $0x0  }
0x72: {  	[sflag:s13] =	ssyncadd.s32 $0xFFFFCC00  }
0x73: {  	[spmem:s2] =	stream.indirect.scatter.add.f32 [tilespmem:s31], [sflag:$0x5], $0x80, s9, s30, $0xb8;
	[tilespmem:$0x1DB80] =	vst v63  }
0x74: {  	_ =	swait.ge [sflag:s14], $0x3400  }
0x75: {  	[sflag:s14] =	ssyncset.done $0x0  }
0x76: {  	[sflag:s14] =	ssyncadd.s32 $0xFFFFCC00  }
0x77: {  	[spmem:s2] =	stream.indirect.scatter.add.f32 [tilespmem:s1], [sflag:$0x6], $0x80, s25, s30, $0xb8;
	[tilespmem:$0x1DB80] =	vst v63  }
0x78: {  	_ =	swait.ge [sflag:s16], $0x3400  }
0x79: {  	[sflag:s16] =	ssyncset.done $0x0  }
0x7a: {  	[sflag:s16] =	ssyncadd.s32 $0xFFFFCC00  }
0x7b: {  	_ =	swait.ge [sflag:s17], $0x68  }
0x7c: {  	[sflag:s17] =	ssyncset.done $0x0  }
0x7d: {  	[sflag:s17] =	ssyncadd.s32 $0xFFFFFF98  }
0x7e: {  	_ =	swait.ge [sflag:s17], $0x68  }
0x7f: {  	[sflag:s17] =	ssyncset.done $0x0  }
0x80: {  	[sflag:s17] =	ssyncadd.s32 $0xFFFFFF98  }
0x81: {  	[tilespmem:s3], [sflag:$0x1] =	stream.indirect.gather [hbm4b:s4+s30], $0x80, s5, s30, $0xb8;
	[tilespmem:$0x1DB80] =	vst v63  }
0x82: {  	_ =	swait.ge [sflag:s18], $0x3400  }
0x83: {  	[sflag:s18] =	ssyncset.done $0x0  }
0x84: {  	[sflag:s18] =	ssyncadd.s32 $0xFFFFCC00  }
0x85: {  	_ =	swait.ge [sflag:s19], $0x68  }
0x86: {  	[sflag:s19] =	ssyncset.done $0x0  }
0x87: {  	[sflag:s19] =	ssyncadd.s32 $0xFFFFFF98  }
0x88: {  	_ =	swait.ge [sflag:s19], $0x68  }
0x89: {  	[sflag:s19] =	ssyncset.done $0x0  }
0x8a: {  	[sflag:s19] =	ssyncadd.s32 $0xFFFFFF98  }
0x8b: {  	[tilespmem:s31], [sflag:$0x2] =	stream.indirect.gather [hbm4b:s4+s30], $0x80, s6, s30, $0xb8;
	[tilespmem:$0x1DB80] =	vst v63  }
0x8c: {  	_ =	swait.ge [sflag:s15], $0x3400  }
0x8d: {  	[sflag:s15] =	ssyncset.done $0x0  }
0x8e: {  	[sflag:s15] =	ssyncadd.s32 $0xFFFFCC00  }
0x8f: {  	_ =	swait.ge [sflag:s20], $0x68  }
0x90: {  	[sflag:s20] =	ssyncset.done $0x0  }
0x91: {  	[sflag:s20] =	ssyncadd.s32 $0xFFFFFF98  }
0x92: {  	p0 =	por $0x0, $0x0;
	_ =	swait.ge [sflag:s20], $0x68  }
0x93: {  	s28 =	simm.s32 @!p0 $0x0;
	[sflag:s20] =	ssyncset.done $0x0;
	s6 =	rddreg [dreg:$0x1c]  }
0x94: {  	s5 =	rddreg [dreg:$0xd];
	[sflag:s20] =	ssyncadd.s32 $0xFFFFFF98;
	s22 =	sshrl.u32 @!p0 s6, $0x3  }
0x95: {  	[tilespmem:s1], [sflag:$0x3] =	stream.indirect.gather [hbm4b:s4+s30], $0x80, s11, s30, $0xb8;
	[tilespmem:$0x1DB80] =	vst v63  }
0x96: {  	s23 =	simm.s32 @!p0 $0x9C00;
	s24 =	sadd.s32 @!p0 s5, s22;
	s5 =	rddreg [dreg:$0xe]  }
0x97: {  	[tilespmem:s23], [sflag:$0x7] =	stream.linear.gather @!p0 [hbm4b:s24+s28], $0x68, $0x38;
	[tilespmem:$0x1DB80] =	vst v63  }
0x98: {  	s22 =	sadd.s32 @!p0 s5, s22;
	s23 =	rddreg [dreg:$0x6];
	s24 =	simm.s32 @!p0 $0x9F00  }
0x99: {  	[tilespmem:s24], [sflag:$0x7] =	stream.linear.gather @!p0 [hbm4b:s22+s28], $0x68, $0x38;
	[tilespmem:$0x1DB80] =	vst v63  }
0x9a: {  	s23 =	sadd.s32 @!p0 $0x0, s23;
	s22 =	rddreg [dreg:$0x5];
	s24 =	simm.s32 @!p0 $0x9C80  }
0x9b: {  	[tilespmem:s24], [sflag:$0x8] =	stream.linear.gather @!p0 [hbm4b:s23+s28], $0x68, $0x38;
	[tilespmem:$0x1DB80] =	vst v63  }
0x9c: {  	s22 =	sadd.s32 @!p0 $0x0, s22;
	s23 =	rddreg [dreg:$0x4];
	s24 =	simm.s32 @!p0 $0x9F80  }
0x9d: {  	[tilespmem:s24], [sflag:$0x8] =	stream.linear.gather @!p0 [hbm4b:s22+s28], $0x68, $0x38;
	[tilespmem:$0x1DB80] =	vst v63  }
0x9e: {  	s23 =	sadd.s32 @!p0 $0x0, s23;
	s22 =	rddreg [dreg:$0x3];
	s24 =	simm.s32 @!p0 $0x9D00  }
0x9f: {  	[tilespmem:s24], [sflag:$0x9] =	stream.linear.gather @!p0 [hbm4b:s23+s28], $0x68, $0x38;
	[tilespmem:$0x1DB80] =	vst v63  }
0xa0: {  	s22 =	sadd.s32 @!p0 $0x0, s22;
	s23 =	simm.s32 @!p0 $0xA000  }
0xa1: {  	[tilespmem:s23], [sflag:$0x9] =	stream.linear.gather @!p0 [hbm4b:s22+s28], $0x68, $0x38;
	[tilespmem:$0x1DB80] =	vst v63  }
0xa2: {  	_ =	swait.ge [sflag:s12], $0x3400  }
0xa3: {  	[sflag:s12] =	ssyncset.done $0x0  }
0xa4: {  	[sflag:s12] =	ssyncadd.s32 $0xFFFFCC00  }
0xa5: {  	[spmem:s2] =	stream.indirect.scatter.add.f32 [tilespmem:s3], [sflag:$0x4], $0x80, s8, s30, $0xb8;
	[tilespmem:$0x1DB80] =	vst v63  }
0xa6: {  	_ =	swait.ge [sflag:s13], $0x3400  }
0xa7: {  	[sflag:s13] =	ssyncset.done $0x0  }
0xa8: {  	p6 =	por $0x0, $0x0;
	[sflag:s13] =	ssyncadd.s32 $0xFFFFCC00  }
0xa9: {  	[spmem:s2] =	stream.indirect.scatter.add.f32 [tilespmem:s31], [sflag:$0x5], $0x80, s10, s30, $0xb8;
	[tilespmem:$0x1DB80] =	vst v63  }
0xaa: {  	s28 =	simm.s32 $0x4E;
	s23 =	simm.s32 $0x9C;
	_ =	swait.ge [sflag:s14], $0x3400  }
0xab: {  	p0 =	por p6, p6;
	s22 =	sadd.s32 $0x270, s6;
	[sflag:s14] =	ssyncset.done $0x0  }
.LBB2_2:
0xac: {  	s25 =	simm.s32 @p0 $0x7;
	[sflag:s14] =	ssyncadd.s32 $0xFFFFCC00;
	s21 =	simm.s32 $0xA180  }
0xad: {  	[spmem:s2] =	stream.indirect.scatter.add.f32 [tilespmem:s1], [sflag:$0x6], $0x80, s21, s30, $0xb8;
	[tilespmem:$0x1DB80] =	vst v63  }
0xae: {  	_ =	swait.ge @p0 [sflag:s25], $0x68  }
0xaf: {  	[sflag:s25] =	ssyncset.done @p0 $0x0  }
0xb0: {  	[sflag:s25] =	ssyncadd.s32 @p0 $0xFFFFFF98  }
0xb1: {  	_ =	swait.ge @p0 [sflag:s25], $0x68  }
0xb2: {  	s26 =	simm.s32 @p0 $0x0;
	s5 =	simm.s32 @!p0 $0x4;
	[sflag:s25] =	ssyncset.done @p0 $0x0  }
0xb3: {  	s6 =	simm.s32 @p0 $0x9C00;
	[sflag:s25] =	ssyncadd.s32 @p0 $0xFFFFFF98;
	s25 =	simm.s32 @p0 $0x68  }
0xb4: {  	[tilespmem:s26], [sflag:$0x1] =	stream.indirect.gather @p0 [hbm4b:s4+s25], $0x80, s6, s25, $0xb8;
	[tilespmem:$0x1DB80] =	vst v63  }
0xb5: {  	_ =	swait.ge @!p0 [sflag:s5], $0x3400  }
0xb6: {  	[sflag:s5] =	ssyncset.done @!p0 $0x0  }
0xb7: {  	[sflag:s5] =	ssyncadd.s32 @!p0 $0xFFFFCC00;
	s5 =	simm.s32 @!p0 $0x7  }
0xb8: {  	_ =	swait.ge @!p0 [sflag:s5], $0x68  }
0xb9: {  	[sflag:s5] =	ssyncset.done @!p0 $0x0  }
0xba: {  	[sflag:s5] =	ssyncadd.s32 @!p0 $0xFFFFFF98  }
0xbb: {  	_ =	swait.ge @!p0 [sflag:s5], $0x68  }
0xbc: {  	s6 =	simm.s32 @!p0 $0x0;
	s25 =	simm.s32 @!p0 $0x5;
	[sflag:s5] =	ssyncset.done @!p0 $0x0  }
0xbd: {  	s26 =	simm.s32 @!p0 $0x9C00;
	[sflag:s5] =	ssyncadd.s32 @!p0 $0xFFFFFF98;
	s5 =	simm.s32 @!p0 $0x68  }
0xbe: {  	[tilespmem:s6], [sflag:$0x1] =	stream.indirect.gather @!p0 [hbm4b:s4+s5], $0x80, s26, s5, $0xb8;
	[tilespmem:$0x1DB80] =	vst v63  }
0xbf: {  	_ =	swait.ge @!p0 [sflag:s25], $0x3400  }
0xc0: {  	[sflag:s25] =	ssyncset.done @!p0 $0x0  }
0xc1: {  	[sflag:s25] =	ssyncadd.s32 @!p0 $0xFFFFCC00  }
0xc2: {  	_ =	swait.ge [sflag:s29], $0x68  }
0xc3: {  	[sflag:s29] =	ssyncset.done $0x0  }
0xc4: {  	[sflag:s29] =	ssyncadd.s32 $0xFFFFFF98  }
0xc5: {  	_ =	swait.ge [sflag:s29], $0x68  }
0xc6: {  	[sflag:s29] =	ssyncset.done $0x0  }
0xc7: {  	s11 =	simm.s32 $0x9C80;
	s5 =	simm.s32 @!p0 $0x6;
	[sflag:s29] =	ssyncadd.s32 $0xFFFFFF98  }
0xc8: {  	[tilespmem:s31], [sflag:$0x2] =	stream.indirect.gather [hbm4b:s4+s30], $0x80, s11, s30, $0xb8;
	[tilespmem:$0x1DB80] =	vst v63  }
0xc9: {  	_ =	swait.ge @!p0 [sflag:s5], $0x3400  }
0xca: {  	[sflag:s5] =	ssyncset.done @!p0 $0x0  }
0xcb: {  	[sflag:s5] =	ssyncadd.s32 @!p0 $0xFFFFCC00  }
0xcc: {  	_ =	swait.ge [sflag:s0], $0x68  }
0xcd: {  	[sflag:s0] =	ssyncset.done $0x0  }
0xce: {  	[sflag:s0] =	ssyncadd.s32 $0xFFFFFF98  }
0xcf: {  	_ =	swait.ge [sflag:s0], $0x68  }
0xd0: {  	[sflag:s0] =	ssyncset.done $0x0  }
0xd1: {  	s7 =	simm.s32 $0x9D00;
	s25 =	rddreg [dreg:$0xc];
	[sflag:s0] =	ssyncadd.s32 $0xFFFFFF98  }
0xd2: {  	[tilespmem:s1], [sflag:$0x3] =	stream.indirect.gather [hbm4b:s4+s30], $0x80, s7, s30, $0xb8;
	[tilespmem:$0x1DB80] =	vst v63  }
0xd3: {  	s26 =	rddreg [dreg:$0xb];
	s5 =	sadd.s32 s28, s25;
	s7 =	simm.s32 $0x9D80  }
0xd4: {  	[tilespmem:s7], [sflag:$0xA] =	stream.linear.gather [hbm4b:s5+s3], $0x68, $0x38;
	[tilespmem:$0x1DB80] =	vst v63  }
0xd5: {  	s10 =	simm.s32 $0xA080;
	s8 =	rddreg [dreg:$0xa];
	s9 =	sadd.s32 s28, s26  }
0xd6: {  	[tilespmem:s10], [sflag:$0xA] =	stream.linear.gather [hbm4b:s9+s3], $0x68, $0x38;
	[tilespmem:$0x1DB80] =	vst v63  }
0xd7: {  	s11 =	rddreg [dreg:$0x9];
	s25 =	sadd.s32 s28, s8;
	s8 =	simm.s32 $0x9E00  }
0xd8: {  	[tilespmem:s8], [sflag:$0xB] =	stream.linear.gather [hbm4b:s25+s3], $0x68, $0x38;
	[tilespmem:$0x1DB80] =	vst v63  }
0xd9: {  	s26 =	rddreg [dreg:$0x8];
	s9 =	sadd.s32 s28, s11;
	s11 =	simm.s32 $0xA100  }
0xda: {  	[tilespmem:s11], [sflag:$0xB] =	stream.linear.gather [hbm4b:s9+s3], $0x68, $0x38;
	[tilespmem:$0x1DB80] =	vst v63  }
0xdb: {  	s6 =	rddreg [dreg:$0x7];
	s26 =	sadd.s32 s28, s26;
	s9 =	simm.s32 $0x9E80  }
0xdc: {  	[tilespmem:s9], [sflag:$0xC] =	stream.linear.gather [hbm4b:s26+s3], $0x68, $0x38;
	[tilespmem:$0x1DB80] =	vst v63  }
0xdd: {  	s6 =	sadd.s32 s28, s6  }
0xde: {  	[tilespmem:s21], [sflag:$0xC] =	stream.linear.gather [hbm4b:s6+s3], $0x68, $0x38;
	[tilespmem:$0x1DB80] =	vst v63  }
0xdf: {  	_ =	swait.ge [sflag:s12], $0x3400  }
0xe0: {  	[sflag:s12] =	ssyncset.done $0x0  }
0xe1: {  	s21 =	simm.s32 $0x9F00;
	[sflag:s12] =	ssyncadd.s32 $0xFFFFCC00  }
0xe2: {  	[spmem:s2] =	stream.indirect.scatter.add.f32 [tilespmem:s3], [sflag:$0x4], $0x80, s21, s30, $0xb8;
	[tilespmem:$0x1DB80] =	vst v63  }
0xe3: {  	_ =	swait.ge [sflag:s13], $0x3400  }
0xe4: {  	[sflag:s13] =	ssyncset.done $0x0  }
0xe5: {  	s25 =	simm.s32 $0x9F80;
	[sflag:s13] =	ssyncadd.s32 $0xFFFFCC00  }
0xe6: {  	[spmem:s2] =	stream.indirect.scatter.add.f32 [tilespmem:s31], [sflag:$0x5], $0x80, s25, s30, $0xb8;
	[tilespmem:$0x1DB80] =	vst v63  }
0xe7: {  	_ =	swait.ge [sflag:s14], $0x3400  }
0xe8: {  	[sflag:s14] =	ssyncset.done $0x0  }
0xe9: {  	s26 =	simm.s32 $0xA000;
	[sflag:s14] =	ssyncadd.s32 $0xFFFFCC00  }
0xea: {  	[spmem:s2] =	stream.indirect.scatter.add.f32 [tilespmem:s1], [sflag:$0x6], $0x80, s26, s30, $0xb8;
	[tilespmem:$0x1DB80] =	vst v63  }
0xeb: {  	_ =	swait.ge [sflag:s16], $0x3400  }
0xec: {  	[sflag:s16] =	ssyncset.done $0x0  }
0xed: {  	[sflag:s16] =	ssyncadd.s32 $0xFFFFCC00  }
0xee: {  	_ =	swait.ge [sflag:s17], $0x68  }
0xef: {  	[sflag:s17] =	ssyncset.done $0x0  }
0xf0: {  	[sflag:s17] =	ssyncadd.s32 $0xFFFFFF98  }
0xf1: {  	_ =	swait.ge [sflag:s17], $0x68  }
0xf2: {  	[sflag:s17] =	ssyncset.done $0x0  }
0xf3: {  	[sflag:s17] =	ssyncadd.s32 $0xFFFFFF98  }
0xf4: {  	[tilespmem:s3], [sflag:$0x1] =	stream.indirect.gather [hbm4b:s4+s30], $0x80, s7, s30, $0xb8;
	[tilespmem:$0x1DB80] =	vst v63  }
0xf5: {  	_ =	swait.ge [sflag:s18], $0x3400  }
0xf6: {  	[sflag:s18] =	ssyncset.done $0x0  }
0xf7: {  	[sflag:s18] =	ssyncadd.s32 $0xFFFFCC00  }
0xf8: {  	_ =	swait.ge [sflag:s19], $0x68  }
0xf9: {  	[sflag:s19] =	ssyncset.done $0x0  }
0xfa: {  	[sflag:s19] =	ssyncadd.s32 $0xFFFFFF98  }
0xfb: {  	_ =	swait.ge [sflag:s19], $0x68  }
0xfc: {  	[sflag:s19] =	ssyncset.done $0x0  }
0xfd: {  	[sflag:s19] =	ssyncadd.s32 $0xFFFFFF98  }
0xfe: {  	[tilespmem:s31], [sflag:$0x2] =	stream.indirect.gather [hbm4b:s4+s30], $0x80, s8, s30, $0xb8;
	[tilespmem:$0x1DB80] =	vst v63  }
0xff: {  	_ =	swait.ge [sflag:s15], $0x3400  }
0x100: {  	[sflag:s15] =	ssyncset.done $0x0  }
0x101: {  	[sflag:s15] =	ssyncadd.s32 $0xFFFFCC00  }
0x102: {  	_ =	swait.ge [sflag:s20], $0x68  }
0x103: {  	[sflag:s20] =	ssyncset.done $0x0  }
0x104: {  	p2 =	seq.s32 s23, $0x0;
	[sflag:s20] =	ssyncadd.s32 $0xFFFFFF98  }
0x105: {  	p0 =	por p2, p2;
	p2 =	seq.s32 s28, $0x492;
	_ =	swait.ge [sflag:s20], $0x68  }
0x106: {  	s25 =	sshrl.u32 @!p2 s22, $0x3;
	[sflag:s20] =	ssyncset.done $0x0  }
0x107: {  	s26 =	simm.s32 @!p2 $0x9C00;
	s7 =	rddreg [dreg:$0xd];
	[sflag:s20] =	ssyncadd.s32 $0xFFFFFF98  }
0x108: {  	[tilespmem:s1], [sflag:$0x3] =	stream.indirect.gather [hbm4b:s4+s30], $0x80, s9, s30, $0xb8;
	[tilespmem:$0x1DB80] =	vst v63  }
0x109: {  	s8 =	simm.s32 @!p2 $0x0;
	s7 =	sadd.s32 @!p2 s7, s25;
	s9 =	rddreg [dreg:$0xe]  }
0x10a: {  	[tilespmem:s26], [sflag:$0x7] =	stream.linear.gather @!p2 [hbm4b:s7+s8], $0x68, $0x38;
	[tilespmem:$0x1DB80] =	vst v63  }
0x10b: {  	s21 =	simm.s32 @!p2 $0x9F00;
	s6 =	rddreg [dreg:$0x6];
	s25 =	sadd.s32 @!p2 s9, s25  }
0x10c: {  	[tilespmem:s21], [sflag:$0x7] =	stream.linear.gather @!p2 [hbm4b:s25+s8], $0x68, $0x38;
	[tilespmem:$0x1DB80] =	vst v63  }
0x10d: {  	s5 =	rddreg [dreg:$0x5];
	s6 =	sadd.s32 @!p2 s28, s6;
	s7 =	simm.s32 @!p2 $0x9C80  }
0x10e: {  	[tilespmem:s7], [sflag:$0x8] =	stream.linear.gather @!p2 [hbm4b:s6+s8], $0x68, $0x38;
	[tilespmem:$0x1DB80] =	vst v63  }
0x10f: {  	s5 =	sadd.s32 @!p2 s28, s5;
	s26 =	rddreg [dreg:$0x4];
	s21 =	simm.s32 @!p2 $0x9F80  }
0x110: {  	[tilespmem:s21], [sflag:$0x8] =	stream.linear.gather @!p2 [hbm4b:s5+s8], $0x68, $0x38;
	[tilespmem:$0x1DB80] =	vst v63  }
0x111: {  	s25 =	rddreg [dreg:$0x3];
	s6 =	sadd.s32 @!p2 s28, s26;
	s7 =	simm.s32 @!p2 $0x9D00  }
0x112: {  	[tilespmem:s7], [sflag:$0x9] =	stream.linear.gather @!p2 [hbm4b:s6+s8], $0x68, $0x38;
	[tilespmem:$0x1DB80] =	vst v63  }
0x113: {  	s5 =	sadd.s32 @!p2 s28, s25;
	s21 =	simm.s32 @!p2 $0xA000  }
0x114: {  	[tilespmem:s21], [sflag:$0x9] =	stream.linear.gather @!p2 [hbm4b:s5+s8], $0x68, $0x38;
	[tilespmem:$0x1DB80] =	vst v63  }
0x115: {  	_ =	swait.ge [sflag:s12], $0x3400  }
0x116: {  	[sflag:s12] =	ssyncset.done $0x0  }
0x117: {  	s24 =	smov.u32 s23;
	s23 =	sadd.s32 $0x4E, s23;
	[sflag:s12] =	ssyncadd.s32 $0xFFFFCC00  }
0x118: {  	[spmem:s2] =	stream.indirect.scatter.add.f32 [tilespmem:s3], [sflag:$0x4], $0x80, s10, s30, $0xb8;
	[tilespmem:$0x1DB80] =	vst v63  }
0x119: {  	p1 =	sne.s32 s23, $0x4E0;
	_ =	swait.ge [sflag:s13], $0x3400  }
.Ltmp0:
0x11a: {  	[sflag:s13] =	ssyncset.done $0x0;
	(pc) =	sbr.rel @p1 .LBB2_2-.Ltmp0, $4  }
0x11b: {  	[sflag:s13] =	ssyncadd.s32 $0xFFFFCC00  }
0x11c: {  	[spmem:s2] =	stream.indirect.scatter.add.f32 [tilespmem:s31], [sflag:$0x5], $0x80, s11, s30, $0xb8;
	[tilespmem:$0x1DB80] =	vst v63  }
0x11d: {  	_ =	swait.ge [sflag:s14], $0x3400  }
0x11e: {  	s22 =	sadd.s32 $0x270, s22;
	s28 =	smov.u32 s24;
	[sflag:s14] =	ssyncset.done $0x0  }
0x11f: {  	s5 =	simm.s32 @p0 $0x7;
	[sflag:s14] =	ssyncadd.s32 $0xFFFFCC00;
	s21 =	simm.s32 $0xA180  }
0x120: {  	[spmem:s2] =	stream.indirect.scatter.add.f32 [tilespmem:s1], [sflag:$0x6], $0x80, s21, s30, $0xb8;
	[tilespmem:$0x1DB80] =	vst v63  }
0x121: {  	_ =	swait.ge @p0 [sflag:s5], $0x68  }
0x122: {  	[sflag:s5] =	ssyncset.done @p0 $0x0  }
0x123: {  	[sflag:s5] =	ssyncadd.s32 @p0 $0xFFFFFF98  }
0x124: {  	_ =	swait.ge @p0 [sflag:s5], $0x68  }
0x125: {  	s6 =	simm.s32 @p0 $0x0;
	[sflag:s5] =	ssyncset.done @p0 $0x0  }
0x126: {  	s7 =	simm.s32 @p0 $0x9C00;
	[sflag:s5] =	ssyncadd.s32 @p0 $0xFFFFFF98;
	s5 =	simm.s32 @p0 $0x68  }
0x127: {  	[tilespmem:s6], [sflag:$0x1] =	stream.indirect.gather @p0 [hbm4b:s4+s5], $0x80, s7, s5, $0xb8;
	[tilespmem:$0x1DB80] =	vst v63  }
0x128: {  	s5 =	simm.s32 @!p0 $0x4  }
0x129: {  	_ =	swait.ge @!p0 [sflag:s5], $0x3400  }
0x12a: {  	[sflag:s5] =	ssyncset.done @!p0 $0x0  }
0x12b: {  	[sflag:s5] =	ssyncadd.s32 @!p0 $0xFFFFCC00;
	s5 =	simm.s32 @!p0 $0x7  }
0x12c: {  	_ =	swait.ge @!p0 [sflag:s5], $0x68  }
0x12d: {  	[sflag:s5] =	ssyncset.done @!p0 $0x0  }
0x12e: {  	[sflag:s5] =	ssyncadd.s32 @!p0 $0xFFFFFF98  }
0x12f: {  	_ =	swait.ge @!p0 [sflag:s5], $0x68  }
0x130: {  	s6 =	simm.s32 @!p0 $0x0;
	[sflag:s5] =	ssyncset.done @!p0 $0x0  }
0x131: {  	s7 =	simm.s32 @!p0 $0x9C00;
	[sflag:s5] =	ssyncadd.s32 @!p0 $0xFFFFFF98;
	s5 =	simm.s32 @!p0 $0x68  }
0x132: {  	[tilespmem:s6], [sflag:$0x1] =	stream.indirect.gather @!p0 [hbm4b:s4+s5], $0x80, s7, s5, $0xb8;
	[tilespmem:$0x1DB80] =	vst v63  }
0x133: {  	s5 =	simm.s32 @!p0 $0x5  }
0x134: {  	_ =	swait.ge @!p0 [sflag:s5], $0x3400  }
0x135: {  	[sflag:s5] =	ssyncset.done @!p0 $0x0  }
0x136: {  	[sflag:s5] =	ssyncadd.s32 @!p0 $0xFFFFCC00  }
0x137: {  	_ =	swait.ge [sflag:s29], $0x68  }
0x138: {  	[sflag:s29] =	ssyncset.done $0x0  }
0x139: {  	[sflag:s29] =	ssyncadd.s32 $0xFFFFFF98  }
0x13a: {  	_ =	swait.ge [sflag:s29], $0x68  }
0x13b: {  	[sflag:s29] =	ssyncset.done $0x0  }
0x13c: {  	s11 =	simm.s32 $0x9C80;
	s5 =	simm.s32 @!p0 $0x6;
	[sflag:s29] =	ssyncadd.s32 $0xFFFFFF98  }
0x13d: {  	[tilespmem:s31], [sflag:$0x2] =	stream.indirect.gather [hbm4b:s4+s30], $0x80, s11, s30, $0xb8;
	[tilespmem:$0x1DB80] =	vst v63  }
0x13e: {  	_ =	swait.ge @!p0 [sflag:s5], $0x3400  }
0x13f: {  	[sflag:s5] =	ssyncset.done @!p0 $0x0  }
0x140: {  	[sflag:s5] =	ssyncadd.s32 @!p0 $0xFFFFCC00  }
0x141: {  	_ =	swait.ge [sflag:s0], $0x68  }
0x142: {  	[sflag:s0] =	ssyncset.done $0x0  }
0x143: {  	[sflag:s0] =	ssyncadd.s32 $0xFFFFFF98  }
0x144: {  	_ =	swait.ge [sflag:s0], $0x68  }
0x145: {  	[sflag:s0] =	ssyncset.done $0x0  }
0x146: {  	s25 =	simm.s32 $0x9D00;
	s23 =	rddreg [dreg:$0xc];
	[sflag:s0] =	ssyncadd.s32 $0xFFFFFF98  }
0x147: {  	[tilespmem:s1], [sflag:$0x3] =	stream.indirect.gather [hbm4b:s4+s30], $0x80, s25, s30, $0xb8;
	[tilespmem:$0x1DB80] =	vst v63  }
0x148: {  	s8 =	simm.s32 $0x9D80;
	s24 =	rddreg [dreg:$0xb];
	s5 =	sadd.s32 s28, s23  }
0x149: {  	[tilespmem:s8], [sflag:$0xA] =	stream.linear.gather [hbm4b:s5+s3], $0x68, $0x38;
	[tilespmem:$0x1DB80] =	vst v63  }
0x14a: {  	s10 =	simm.s32 $0xA080;
	s26 =	rddreg [dreg:$0xa];
	s9 =	sadd.s32 s28, s24  }
0x14b: {  	[tilespmem:s10], [sflag:$0xA] =	stream.linear.gather [hbm4b:s9+s3], $0x68, $0x38;
	[tilespmem:$0x1DB80] =	vst v63  }
0x14c: {  	s11 =	rddreg [dreg:$0x9];
	s23 =	sadd.s32 s28, s26;
	s9 =	simm.s32 $0x9E00  }
0x14d: {  	[tilespmem:s9], [sflag:$0xB] =	stream.linear.gather [hbm4b:s23+s3], $0x68, $0x38;
	[tilespmem:$0x1DB80] =	vst v63  }
0x14e: {  	s24 =	rddreg [dreg:$0x8];
	s25 =	sadd.s32 s28, s11;
	s11 =	simm.s32 $0xA100  }
0x14f: {  	[tilespmem:s11], [sflag:$0xB] =	stream.linear.gather [hbm4b:s25+s3], $0x68, $0x38;
	[tilespmem:$0x1DB80] =	vst v63  }
0x150: {  	s26 =	rddreg [dreg:$0x7];
	s7 =	sadd.s32 s28, s24;
	s23 =	simm.s32 $0x9E80  }
0x151: {  	[tilespmem:s23], [sflag:$0xC] =	stream.linear.gather [hbm4b:s7+s3], $0x68, $0x38;
	[tilespmem:$0x1DB80] =	vst v63  }
0x152: {  	s24 =	sadd.s32 s28, s26  }
0x153: {  	[tilespmem:s21], [sflag:$0xC] =	stream.linear.gather [hbm4b:s24+s3], $0x68, $0x38;
	[tilespmem:$0x1DB80] =	vst v63  }
0x154: {  	_ =	swait.ge [sflag:s12], $0x3400  }
0x155: {  	[sflag:s12] =	ssyncset.done $0x0  }
0x156: {  	s25 =	simm.s32 $0x9F00;
	[sflag:s12] =	ssyncadd.s32 $0xFFFFCC00  }
0x157: {  	[spmem:s2] =	stream.indirect.scatter.add.f32 [tilespmem:s3], [sflag:$0x4], $0x80, s25, s30, $0xb8;
	[tilespmem:$0x1DB80] =	vst v63  }
0x158: {  	_ =	swait.ge [sflag:s13], $0x3400  }
0x159: {  	[sflag:s13] =	ssyncset.done $0x0  }
0x15a: {  	s26 =	simm.s32 $0x9F80;
	[sflag:s13] =	ssyncadd.s32 $0xFFFFCC00  }
0x15b: {  	[spmem:s2] =	stream.indirect.scatter.add.f32 [tilespmem:s31], [sflag:$0x5], $0x80, s26, s30, $0xb8;
	[tilespmem:$0x1DB80] =	vst v63  }
0x15c: {  	_ =	swait.ge [sflag:s14], $0x3400  }
0x15d: {  	[sflag:s14] =	ssyncset.done $0x0  }
0x15e: {  	s6 =	simm.s32 $0xA000;
	[sflag:s14] =	ssyncadd.s32 $0xFFFFCC00  }
0x15f: {  	[spmem:s2] =	stream.indirect.scatter.add.f32 [tilespmem:s1], [sflag:$0x6], $0x80, s6, s30, $0xb8;
	[tilespmem:$0x1DB80] =	vst v63  }
0x160: {  	_ =	swait.ge [sflag:s16], $0x3400  }
0x161: {  	[sflag:s16] =	ssyncset.done $0x0  }
0x162: {  	[sflag:s16] =	ssyncadd.s32 $0xFFFFCC00  }
0x163: {  	_ =	swait.ge [sflag:s17], $0x68  }
0x164: {  	[sflag:s17] =	ssyncset.done $0x0  }
0x165: {  	[sflag:s17] =	ssyncadd.s32 $0xFFFFFF98  }
0x166: {  	_ =	swait.ge [sflag:s17], $0x68  }
0x167: {  	[sflag:s17] =	ssyncset.done $0x0  }
0x168: {  	[sflag:s17] =	ssyncadd.s32 $0xFFFFFF98  }
0x169: {  	[tilespmem:s3], [sflag:$0x1] =	stream.indirect.gather [hbm4b:s4+s30], $0x80, s8, s30, $0xb8;
	[tilespmem:$0x1DB80] =	vst v63  }
0x16a: {  	_ =	swait.ge [sflag:s18], $0x3400  }
0x16b: {  	[sflag:s18] =	ssyncset.done $0x0  }
0x16c: {  	[sflag:s18] =	ssyncadd.s32 $0xFFFFCC00  }
0x16d: {  	_ =	swait.ge [sflag:s19], $0x68  }
0x16e: {  	[sflag:s19] =	ssyncset.done $0x0  }
0x16f: {  	[sflag:s19] =	ssyncadd.s32 $0xFFFFFF98  }
0x170: {  	_ =	swait.ge [sflag:s19], $0x68  }
0x171: {  	[sflag:s19] =	ssyncset.done $0x0  }
0x172: {  	[sflag:s19] =	ssyncadd.s32 $0xFFFFFF98  }
0x173: {  	[tilespmem:s31], [sflag:$0x2] =	stream.indirect.gather [hbm4b:s4+s30], $0x80, s9, s30, $0xb8;
	[tilespmem:$0x1DB80] =	vst v63  }
0x174: {  	_ =	swait.ge [sflag:s15], $0x3400  }
0x175: {  	[sflag:s15] =	ssyncset.done $0x0  }
0x176: {  	[sflag:s15] =	ssyncadd.s32 $0xFFFFCC00  }
0x177: {  	_ =	swait.ge [sflag:s20], $0x68  }
0x178: {  	[sflag:s20] =	ssyncset.done $0x0  }
0x179: {  	[sflag:s20] =	ssyncadd.s32 $0xFFFFFF98  }
0x17a: {  	p0 =	seq.s32 s28, $0x492;
	_ =	swait.ge [sflag:s20], $0x68  }
0x17b: {  	s5 =	sshrl.u32 @!p0 s22, $0x3;
	[sflag:s20] =	ssyncset.done $0x0  }
0x17c: {  	s6 =	simm.s32 @!p0 $0x9C00;
	s7 =	rddreg [dreg:$0xd];
	[sflag:s20] =	ssyncadd.s32 $0xFFFFFF98  }
0x17d: {  	[tilespmem:s1], [sflag:$0x3] =	stream.indirect.gather [hbm4b:s4+s30], $0x80, s23, s30, $0xb8;
	[tilespmem:$0x1DB80] =	vst v63  }
0x17e: {  	s8 =	simm.s32 @!p0 $0x0;
	s9 =	rddreg [dreg:$0xe];
	s7 =	sadd.s32 @!p0 s7, s5  }
0x17f: {  	[tilespmem:s6], [sflag:$0x7] =	stream.linear.gather @!p0 [hbm4b:s7+s8], $0x68, $0x38;
	[tilespmem:$0x1DB80] =	vst v63  }
0x180: {  	s5 =	sadd.s32 @!p0 s9, s5;
	s6 =	rddreg [dreg:$0x6];
	s7 =	simm.s32 @!p0 $0x9F00  }
0x181: {  	[tilespmem:s7], [sflag:$0x7] =	stream.linear.gather @!p0 [hbm4b:s5+s8], $0x68, $0x38;
	[tilespmem:$0x1DB80] =	vst v63  }
0x182: {  	s6 =	sadd.s32 @!p0 s28, s6;
	s5 =	rddreg [dreg:$0x5];
	s7 =	simm.s32 @!p0 $0x9C80  }
0x183: {  	[tilespmem:s7], [sflag:$0x8] =	stream.linear.gather @!p0 [hbm4b:s6+s8], $0x68, $0x38;
	[tilespmem:$0x1DB80] =	vst v63  }
0x184: {  	s5 =	sadd.s32 @!p0 s28, s5;
	s6 =	rddreg [dreg:$0x4];
	s7 =	simm.s32 @!p0 $0x9F80  }
0x185: {  	[tilespmem:s7], [sflag:$0x8] =	stream.linear.gather @!p0 [hbm4b:s5+s8], $0x68, $0x38;
	[tilespmem:$0x1DB80] =	vst v63  }
0x186: {  	s6 =	sadd.s32 @!p0 s28, s6;
	s5 =	rddreg [dreg:$0x3];
	s7 =	simm.s32 @!p0 $0x9D00  }
0x187: {  	[tilespmem:s7], [sflag:$0x9] =	stream.linear.gather @!p0 [hbm4b:s6+s8], $0x68, $0x38;
	[tilespmem:$0x1DB80] =	vst v63  }
0x188: {  	s5 =	sadd.s32 @!p0 s28, s5;
	s6 =	simm.s32 @!p0 $0xA000  }
0x189: {  	[tilespmem:s6], [sflag:$0x9] =	stream.linear.gather @!p0 [hbm4b:s5+s8], $0x68, $0x38;
	[tilespmem:$0x1DB80] =	vst v63  }
0x18a: {  	_ =	swait.ge [sflag:s12], $0x3400  }
0x18b: {  	[sflag:s12] =	ssyncset.done $0x0  }
0x18c: {  	[sflag:s12] =	ssyncadd.s32 $0xFFFFCC00  }
0x18d: {  	[spmem:s2] =	stream.indirect.scatter.add.f32 [tilespmem:s3], [sflag:$0x4], $0x80, s10, s30, $0xb8;
	[tilespmem:$0x1DB80] =	vst v63  }
0x18e: {  	_ =	swait.ge [sflag:s13], $0x3400  }
0x18f: {  	[sflag:s13] =	ssyncset.done $0x0  }
0x190: {  	[sflag:s13] =	ssyncadd.s32 $0xFFFFCC00  }
0x191: {  	[spmem:s2] =	stream.indirect.scatter.add.f32 [tilespmem:s31], [sflag:$0x5], $0x80, s11, s30, $0xb8;
	[tilespmem:$0x1DB80] =	vst v63  }
0x192: {  	_ =	swait.ge [sflag:s14], $0x3400  }
0x193: {  	[sflag:s14] =	ssyncset.done $0x0  }
0x194: {  	[sflag:s14] =	ssyncadd.s32 $0xFFFFCC00  }
0x195: {  	[spmem:s2] =	stream.indirect.scatter.add.f32 [tilespmem:s1], [sflag:$0x6], $0x80, s21, s30, $0xb8;
	[tilespmem:$0x1DB80] =	vst v63  }
0x196: {  	_ =	swait.ge [sflag:s16], $0x3400  }
0x197: {  	[sflag:s16] =	ssyncset.done $0x0  }
0x198: {  	[sflag:s16] =	ssyncadd.s32 $0xFFFFCC00  }
0x199: {  	_ =	swait.ge [sflag:s18], $0x3400  }
0x19a: {  	[sflag:s18] =	ssyncset.done $0x0  }
0x19b: {  	[sflag:s18] =	ssyncadd.s32 $0xFFFFCC00  }
0x19c: {  	_ =	swait.ge [sflag:s15], $0x3400  }
0x19d: {  	s22 =	simm.s32 $0xD;
	[sflag:s15] =	ssyncset.done $0x0  }
0x19e: {  	s9 =	simm.s32 $0xA200;
	s8 =	rddreg [dreg:$0x18];
	[sflag:s15] =	ssyncadd.s32 $0xFFFFCC00  }
0x19f: {  	[tilespmem:s9], [sflag:$0xD] =	stream.linear.gather [hbm4b:s8+s3], $0x10, $0x38;
	[tilespmem:$0x1DB80] =	vst v63  }
0x1a0: {  	_ =	swait.ge [sflag:s22], $0x10  }
0x1a1: {  	[sflag:s22] =	ssyncset.done $0x0  }
0x1a2: {  	s11 =	simm.s32 $0xA280;
	s10 =	rddreg [dreg:$0x19];
	[sflag:s22] =	ssyncadd.s32 $0xFFFFFFF0  }
0x1a3: {  	[tilespmem:s11], [sflag:$0xD] =	stream.linear.gather [hbm4b:s10+s3], $0x10, $0x38;
	[tilespmem:$0x1DB80] =	vst v63  }
0x1a4: {  	_ =	swait.ge [sflag:s22], $0x10  }
0x1a5: {  	[sflag:s22] =	ssyncset.done $0x0  }
0x1a6: {  	s21 =	simm.s32 $0x10;
	[sflag:s22] =	ssyncadd.s32 $0xFFFFFFF0  }
0x1a7: {  	[tilespmem:s3], [sflag:$0x1] =	stream.indirect.gather [hbm4b:s4+s21], $0x80, s9, s21, $0xb8;
	[tilespmem:$0x1DB80] =	vst v63  }
0x1a8: {  	_ =	swait.ge [sflag:s12], $0x800  }
0x1a9: {  	[sflag:s12] =	ssyncset.done $0x0  }
0x1aa: {  	[sflag:s12] =	ssyncadd.s32 $0xFFFFF800  }
0x1ab: {  	[spmem:s2] =	stream.indirect.scatter.add.f32 [tilespmem:s3], [sflag:$0xD], $0x80, s11, s21, $0xb8;
	[tilespmem:$0x1DB80] =	vst v63  }
0x1ac: {  	_ =	swait.ge [sflag:s22], $0x800  }
0x1ad: {  	[sflag:s22] =	ssyncset.done $0x0  }
0x1ae: {  	[sflag:s22] =	ssyncadd.s32 $0xFFFFF800  }
0x1af: {  	[bflag:$0x0] =	sbarrier.arrive $0xFFFF  }
0x1b0: {  	s6 =	rddreg [dreg:$0x17]  }
0x1b1: {  	s23 =	rddreg [dreg:$0x1b]  }
0x1b2: {  	s24 =	rddreg [dreg:$0x1e]  }
0x1b3: {  	[hbm:s23], [sflag:s6] =	dma.local [spmem:s24], $0x2780  }
0x1b4: {  	_ =	swait.ge [sflag:s22], $0x2780  }
0x1b5: {  	s25 =	rddreg [dreg:$0x1d]  }
0x1b6: {  	s28 =	rddreg [dreg:$0x1a];
	s7 =	sadd.s32 $0x1, s25  }
0x1b7: {  	p0 =	sne.s32 s7, s28  }
.Ltmp1:
0x1b8: {  	_ = 	snop;
	(pc) =	sbr.rel @p0 .LBB2_1-.Ltmp1, $3  }
0x1b9: {  	_ =	sdelay $0x1  }
0x1ba: {  	[sflag:s22] =	ssyncset.done $0x0  }
0x1bb: {  	s26 =	simm.s32 $0xA180;
	[sflag:s22] =	ssyncadd.s32 $0xFFFFD880  }
0x1bc: {  	_ =	sfence.sel $0x180000  }
0x1bd: {  	[bflag:$0x0] =	sbarrier.arrive $0xFFFF  }
0x1be: {  	_ =	strace $0x9000004D  }
0x1bf: {  	s0 =	stileid.u32;
	[bflag:$0x2] =	sbarrier.arrive $0xFFFF  }
0x1c0: {  	p0 =	sne.s32 s0, $0x0;
	s0 =	rddreg [dreg:$0x2]  }
0x1c1: {  	s0 =	sadd.s32 @!p0 $0x100000, s0  }
0x1c2: {  	[sflag:s0] =	ssyncadd.tile.s32 @!p0 $0x1;
	_ =	shalt  }
.Lfunc_end2:
_tile_overlayer_lowered:
.L_overlay_start_2:
0x1c3: {  	(tag) =	ssettag $0x2  }
0x1c4: {  	s0 =	rddreg [dreg:$0x0];
	s2 =	stileid.u32  }
0x1c5: {  	s1 =	rddreg [dreg:$0x1];
	p0 =	sne.s32 s2, $0x0  }
0x1c6: {  	s3 =	rddreg [dreg:$0x2];
	[bflag:$0x3] =	sbarrier.arrive $0xFFFF;
	s2 =	simm.s32 @!p0 $0x1C0D  }
0x1c7: {  	[timem:s3], [sflag:s2] =	dma.local @!p0 [hbm:s0], s1  }
0x1c8: {  	s0 =	simm.s32 @!p0 $0xD  }
0x1c9: {  	_ =	swait.ge @!p0 [sflag:s0], s1  }
0x1ca: {  	s1 =	ssub.s32 @!p0 $0x0, s1;
	[sflag:s0] =	ssyncset.done @!p0 $0x0  }
0x1cb: {  	[sflag:s0] =	ssyncadd.s32 @!p0 s1  }
0x1cc: {  	[bflag:$0x3] =	sbarrier.arrive $0xFFFF  }
0x1cd: {  	_ =	shalt  }

// kernel: kernel.8.cloned.1.call-start
scs
__scs_entry_jumppad:
0x0: {  	(pc) =	sbr.rel $0x88, $3  }
0x1: {  	(tag) =	ssettag $0x0;
	lr =	simm.s32 $0x1  }
0x2: {  	[smem:$0x3F88] =	sst lr;
	_ =	strace $0xD0000000  }
0x3: {  	_ = 	snop  }
0x4: {  	_ = 	snop  }
0x5: {  	_ = 	snop  }
0x6: {  	_ = 	snop  }
0x7: {  	_ = 	snop  }
__scs_overlays_trampoline_lowered:
0x8: {  	[smem:$0x3F97] =	sst s0  }
0x9: {  	[smem:$0x3F98] =	sst s1  }
0xa: {  	[smem:$0x3F99] =	sst s2  }
0xb: {  	[smem:$0x3F9A] =	sst s3  }
0xc: {  	[smem:$0x3F9B] =	sst s4  }
0xd: {  	[smem:$0x3F9C] =	sst s5  }
0xe: {  	[smem:$0x3F9D] =	sst s6  }
0xf: {  	[smem:$0x3F9E] =	sst s7  }
0x10: {  	[smem:$0x3F9F] =	sst s8  }
0x11: {  	[smem:$0x3FA0] =	sst s9;
	s0 =	simm.s32 @!p0 $0x0  }
0x12: {  	s1 =	sld [smem:$0x3F86];
	s0 =	simm.s32 @p0 $0x1  }
0x13: {  	[smem:$0x3FA1] =	sst s0;
	s0 =	simm.s32 @!p1 $0x0  }
0x14: {  	s2 =	sld [smem:$0x3F85];
	s0 =	simm.s32 @p1 $0x1  }
0x15: {  	[smem:$0x3FA2] =	sst s0;
	s0 =	simm.s32 @!p2 $0x0  }
0x16: {  	s3 =	sld [smem:$0x3FDB];
	s0 =	simm.s32 @p2 $0x1  }
0x17: {  	s4 =	simm.s32 $0x1BF5;
	[smem:$0x3FA4] =	sst s0  }
0x18: {  	s0 =	sld [smem:$0x3F87];
	_ =	swait.ge [sflag:s4], $0x0  }
0x19: {  	s7 =	sld [smem:$0x3F88]  }
0x1a: {  	s8 =	sadd.s32 $0xFFFFE003, lr  }
0x1b: {  	s9 =	sadd.s32 $0xFFFFFEF7, lr;
	s5 =	simm.s32 $0xFFFFFFFF;
	p2 =	slt.u32 s8, $0xFFFFF086  }
0x1c: {  	p1 =	slt.u32 s9, $0xF7A;
	s5 =	simm.s32 @!p2 $0x0  }
0x1d: {  	s5 =	simm.s32 @p1 $0x1;
	p0 =	seq.s32 s7, s2  }
0x1e: {  	s7 =	smul.u32 @!p0 $0xF7A, s2;
	p2 =	seq.s32 @!p0 s5, $0x0  }
0x1f: {  	s9 =	smul.u32 $0xF7A, s1;
	s8 =	simm.s32 @!p0 $0x1BF5;
	p2 =	por !p2, p0  }
0x20: {  	[sflag:s8] =	ssyncset.s32 @!p0 $0xFFFFF086;
	s6 =	sadd.s32 @!p0 s3, s7;
	s7 =	simm.s32 @!p0 $0x108  }
0x21: {  	s3 =	sadd.s32 s3, s9;
	s6 =	sadd.s32 @!p0 $0x88, s6;
	s7 =	simm.s32 @p2 $0x1082  }
0x22: {  	[simem:s7], [sflag:s8] =	dma.local @!p0 [hbm:s6], $0xF7A  }
0x23: {  	s9 =	sor.u32 $0xD0000000, s2;
	s6 =	simm.s32 $0x108;
	_ =	swait.ge @!p0 [sflag:s8], $0x0  }
0x24: {  	s3 =	sadd.s32 $0x88, s3;
	s6 =	simm.s32 @!p1 $0x1082;
	[sflag:s4] =	ssyncset.s32 $0xFFFFF086  }
0x25: {  	[simem:s6], [sflag:s4] =	dma.local [hbm:s3], $0xF7A  }
0x26: {  	[smem:$0x3F88] =	sst s1;
	(tag) =	ssettag s2;
	_ =	strace s9  }
0x27: {  	s1 =	sld [smem:$0x3F98]  }
0x28: {  	s2 =	sld [smem:$0x3F99]  }
0x29: {  	s4 =	sld [smem:$0x3F9B]  }
0x2a: {  	p0 =	seq.s32 s5, $0x0;
	s5 =	sld [smem:$0x3F9C]  }
0x2b: {  	s6 =	sld [smem:$0x3F9D]  }
0x2c: {  	s7 =	sld [smem:$0x3F9E]  }
0x2d: {  	s3 =	simm.s32 $0x108;
	s8 =	sld [smem:$0x3F9F]  }
0x2e: {  	s3 =	simm.s32 @!p0 $0x1082;
	s9 =	sld [smem:$0x3FA0]  }
0x2f: {  	lr =	sadd.s32 s0, s3;
	s0 =	sld [smem:$0x3F97]  }
0x30: {  	s3 =	sld [smem:$0x3F9A]  }
0x31: {  	[smem:$0x3FA3] =	sst s10  }
0x32: {  	s10 =	sld [smem:$0x3FA1];
	_ =	sdelay $0x3  }
0x33: {  	p0 =	seq.s32 s10, $0x1;
	s10 =	sld [smem:$0x3FA3];
	_ =	sdelay $0x3  }
0x34: {  	[smem:$0x3FA3] =	sst s10  }
0x35: {  	s10 =	sld [smem:$0x3FA2];
	_ =	sdelay $0x3  }
0x36: {  	p1 =	seq.s32 s10, $0x1;
	s10 =	sld [smem:$0x3FA3];
	_ =	sdelay $0x3  }
0x37: {  	[smem:$0x3FA3] =	sst s10  }
0x38: {  	s10 =	sld [smem:$0x3FA4]  }
0x39: {  	_ = 	snop;
	(pc) =	sbr.ind lr, $3  }
0x3a: {  	_ = 	snop  }
0x3b: {  	_ = 	snop  }
0x3c: {  	p2 =	seq.s32 s10, $0x1;
	s10 =	sld [smem:$0x3FA3]  }
0x3d: {  	_ =	shalt  }
0x3e: {  	_ =	shalt  }
0x3f: {  	_ =	shalt  }
0x40: {  	_ =	shalt  }
0x41: {  	_ =	shalt  }
0x42: {  	_ =	shalt  }
0x43: {  	_ =	shalt  }
0x44: {  	_ =	shalt  }
0x45: {  	_ =	shalt  }
0x46: {  	_ =	shalt  }
0x47: {  	_ =	shalt  }
0x48: {  	_ =	shalt  }
0x49: {  	_ =	shalt  }
0x4a: {  	_ =	shalt  }
0x4b: {  	_ =	shalt  }
0x4c: {  	_ =	shalt  }
0x4d: {  	_ =	shalt  }
0x4e: {  	_ =	shalt  }
0x4f: {  	_ =	shalt  }
0x50: {  	_ =	shalt  }
0x51: {  	_ =	shalt  }
0x52: {  	_ =	shalt  }
0x53: {  	_ =	shalt  }
0x54: {  	_ =	shalt  }
0x55: {  	_ =	shalt  }
0x56: {  	_ =	shalt  }
0x57: {  	_ =	shalt  }
0x58: {  	_ =	shalt  }
0x59: {  	_ =	shalt  }
0x5a: {  	_ =	shalt  }
0x5b: {  	_ =	shalt  }
0x5c: {  	_ =	shalt  }
0x5d: {  	_ =	shalt  }
0x5e: {  	_ =	shalt  }
0x5f: {  	_ =	shalt  }
0x60: {  	_ =	shalt  }
0x61: {  	_ =	shalt  }
0x62: {  	_ =	shalt  }
0x63: {  	_ =	shalt  }
0x64: {  	_ =	shalt  }
0x65: {  	_ =	shalt  }
0x66: {  	_ =	shalt  }
0x67: {  	_ =	shalt  }
0x68: {  	_ =	shalt  }
0x69: {  	_ =	shalt  }
0x6a: {  	_ =	shalt  }
0x6b: {  	_ =	shalt  }
0x6c: {  	_ =	shalt  }
0x6d: {  	_ =	shalt  }
0x6e: {  	_ =	shalt  }
0x6f: {  	_ =	shalt  }
0x70: {  	_ =	shalt  }
0x71: {  	_ =	shalt  }
0x72: {  	_ =	shalt  }
0x73: {  	_ =	shalt  }
0x74: {  	_ =	shalt  }
0x75: {  	_ =	shalt  }
0x76: {  	_ =	shalt  }
0x77: {  	_ =	shalt  }
0x78: {  	_ =	shalt  }
0x79: {  	_ =	shalt  }
0x7a: {  	_ =	shalt  }
0x7b: {  	_ =	shalt  }
0x7c: {  	_ =	shalt  }
0x7d: {  	_ =	shalt  }
0x7e: {  	_ =	shalt  }
0x7f: {  	_ =	shalt  }
0x80: {  	_ =	shalt  }
0x81: {  	_ =	shalt  }
0x82: {  	_ =	shalt  }
0x83: {  	_ =	shalt  }
0x84: {  	_ =	shalt  }
0x85: {  	_ =	shalt  }
0x86: {  	_ =	shalt  }
0x87: {  	_ =	shalt  }
.Lfunc_end0:
.L_simem_size_0:
called_computation_lowered:
.L_overlay_start_0:
0x88: {  	s2 =	sld [smem:$0x3FD9]  }
0x89: {  	s3 =	sld [smem:$0x3FFE];
	_ =	sdelay $0x1  }
0x8a: {  	s1 =	srdreg.scid  }
0x8b: {  	s0 =	sand.u32 $0x1, s1  }
0x8c: {  	s17 =	sshll.u32 s0, $0xA;
	s2 =	sadd.s32 s3, s2  }
0x8d: {  	s2 =	sadd.s32 s2, s17  }
0x8e: {  	[smem:$0x3FAF] =	sst s2  }
0x8f: {  	_ = 	snop  }
0x90: {  	s2 =	sld [smem:$0x3FC9];
	(tm) =	ssettm $0x1  }
0x91: {  	s18 =	sld [smem:$0x3FFB];
	_ =	sdelay $0x3  }
0x92: {  	_ =	strace s18  }
0x93: {  	s3 =	sld [smem:$0x3FFC];
	_ =	sdelay $0x3  }
0x94: {  	_ =	strace s3  }
0x95: {  	s3 =	sld [smem:$0x3FFD];
	_ =	sdelay $0x3  }
0x96: {  	_ =	strace s3  }
0x97: {  	_ =	strace $0x8FFFFFFF  }
0x98: {  	s19 =	sld [smem:$0x3FDB];
	_ =	sdelay $0x1  }
0x99: {  	s4 =	simm.s32 $_scs_section_size  }
0x9a: {  	s5 =	simm.s32 $_size__tile_overlayer_lowered;
	s6 =	simm.s32 $_tile_overlayer_lowered  }
0x9b: {  	s22 =	simm.s32 $0x1BFF;
	s21 =	sshll.u32 s6, $0x1;
	s3 =	sadd.s32 s4, s19  }
0x9c: {  	s7 =	simm.s32 $0x0;
	s20 =	sshll.u32 s5, $0x1;
	s5 =	sadd.s32 s21, s3  }
0x9d: {  	[timem:s7], [sflag:s22] =	dma.local [hbm:s5], s20  }
0x9e: {  	_ =	swait.ge [sflag:s22], s20  }
0x9f: {  	s4 =	ssub.s32 $0x0, s20;
	[sflag:s22] =	ssyncset.done $0x0  }
0xa0: {  	[sflag:s22] =	ssyncadd.s32 s4;
	_ =	sdelay $0x1  }
0xa1: {  	s23 =	simm.s32 $0x1B8B  }
0xa2: {  	_ =	swait.ge [sflag:s23], $0x1  }
0xa3: {  	[sflag:s23] =	ssyncset.done $0x0  }
0xa4: {  	s25 =	simm.s32 $0x1B8E;
	s24 =	sld [smem:$0x3FFE];
	[sflag:s23] =	ssyncadd.s32 $0xFFFFFFFF  }
0xa5: {  	s26 =	simm.s32 $execute0_lowered;
	[smem:$0x3FD2] =	sst s25  }
0xa6: {  	s5 =	sshll.u32 s26, $0x1;
	_ =	strace $0x80000046;
	[dreg:$0x1] =	wrdreg $0xFFFFFFFF  }
0xa7: {  	s28 =	simm.s32 $_size_execute0_lowered;
	s3 =	sadd.s32 s3, s5;
	[dreg:$0x0] =	wrdreg $0x0  }
0xa8: {  	s5 =	sshll.u32 s28, $0x1;
	[dreg:$0x2] =	wrdreg s3  }
0xa9: {  	[dreg:$0x3] =	wrdreg s5  }
0xaa: {  	[dreg:$0x4] =	wrdreg $0xC0  }
0xab: {  	_ =	task [dreg:s7], $0x5FFFF  }
0xac: {  	[dreg:$0x1] =	wrdreg $0xFFFFFFFF  }
0xad: {  	[dreg:$0x0] =	wrdreg $0x60  }
0xae: {  	[dreg:$0x2] =	wrdreg s2  }
0xaf: {  	[dreg:$0x3] =	wrdreg s24  }
0xb0: {  	[dreg:$0x4] =	wrdreg $0xA3000  }
0xb1: {  	[dreg:$0x5] =	wrdreg $0x9  }
0xb2: {  	_ =	task.clear_ibuf [dreg:s7], $0x6FFFF;
	_ =	strace $0x90000046  }
0xb3: {  	s29 =	simm.s32 $0x9;
	_ =	strace $0x80000048  }
0xb4: {  	_ =	swait.ge [sflag:s29], $0x1  }
0xb5: {  	[sflag:s29] =	ssyncadd.s32 $0xFFFFFFFF  }
0xb6: {  	_ =	strace $0x90000048  }
0xb7: {  	_ =	sfence  }
0xb8: {  	s30 =	sld [smem:$0x0];
	_ =	sdelay $0x2  }
0xb9: {  	s31 =	sshll.u32 s1, $0xD;
	s1 =	sshrl.u32 s1, $0x2  }
0xba: {  	s3 =	sand.u32 $0x4000, s31;
	s1 =	sadd.s32 s1, s30  }
0xbb: {  	s0 =	sor.u32 s3, s0;
	s1 =	sshll.u32 s1, $0x11  }
0xbc: {  	s0 =	sor.u32 s1, s0  }
0xbd: {  	s0 =	sadd.s32 $0x8F2B, s0  }
0xbe: {  	[sflag:s0] =	ssyncadd.remote.s32 $0x1  }
0xbf: {  	_ =	sfence.sel $0xFFFF  }
0xc0: {  	[dreg:$0x0] =	wrdreg $0xFFFFFFFF;
	(pc) =	sbr.abs _section_cstart, $3  }
0xc1: {  	[dreg:$0x1] =	wrdreg $0xFFFFFFFF  }
0xc2: {  	_ =	task.clear_ibuf [dreg:s7], $0x2FFFF;
	_ =	strace $0x9FFFFFFF  }
0xc3: {  	(tm) =	ssettm $0x7FFFFFFF  }
tec
execute0_lowered:
.L_overlay_start_1:
0x0: {  	(tag) =	ssettag $0x1  }
0x1: {  	s2 =	rddreg [dreg:$0x0]  }
0x2: {  	s0 =	rddreg [dreg:$0x1]  }
0x3: {  	s3 =	rddreg [dreg:$0x2]  }
0x4: {  	s6 =	stileid.u32;
	s1 =	srdreg.scid;
	s4 =	simm.s32 $0x0  }
0x5: {  	s29 =	simm.s32 $0x8;
	s30 =	simm.s32 $0x68;
	s31 =	simm.s32 $0x3400  }
0x6: {  	s5 =	smul.u32 $0x278, s6;
	s1 =	sand.u32 $0x1, s1;
	[smem:$0x7FF] =	sst s4  }
0x7: {  	s9 =	smul.u32 $0x2710, s6;
	s13 =	sadd.s32 $0x4E00, s0;
	s19 =	sshll.u32 s6, $0x6  }
0x8: {  	s7 =	smul.u32 $0x27100, s1;
	_ =	strace $0x80000047;
	s24 =	ssub.s32 $0x2, s1  }
0x9: {  	s6 =	sor.u32 $0x1C0D, s19;
	[dreg:$0xf] =	wrdreg s13;
	s8 =	smin.u32 s5, $0x2498  }
0xa: {  	s5 =	sadd.s32 $0xEC00, s0;
	s25 =	sshrl.u32 s24, $0x1;
	[dreg:$0x18] =	wrdreg s6  }
0xb: {  	s10 =	sshll.u32 s8, $0x4;
	s7 =	sadd.s32 s9, s7;
	s8 =	sshll.u32 s8, $0x7  }
0xc: {  	s9 =	ssub.s32 s24, s25;
	[dreg:$0xe] =	wrdreg s5;
	s8 =	sadd.s32 s8, s3  }
0xd: {  	s11 =	sshrl.u32 s7, $0x3;
	s24 =	smax.u32 s9, $0x1;
	[dreg:$0x16] =	wrdreg s8  }
0xe: {  	s0 =	sadd.s32 s10, s0;
	s26 =	sadd.s32 s5, s11;
	[dreg:$0x1b] =	wrdreg s24  }
0xf: {  	s12 =	sadd.s32 $0x68, s7;
	s14 =	sadd.s32 s13, s11;
	[dreg:$0x10] =	wrdreg s26  }
0x10: {  	s28 =	sshrl.u32 s12, $0x3;
	s20 =	sadd.s32 $0x18A00, s0;
	[dreg:$0x11] =	wrdreg s14  }
0x11: {  	p0 =	seq.s32 s1, $0x1;
	s15 =	sadd.s32 s5, s28;
	[dreg:$0x17] =	wrdreg s20  }
0x12: {  	s16 =	sadd.s32 $0x1A, s11;
	s10 =	sadd.s32 s13, s28;
	[dreg:$0x12] =	wrdreg s15  }
0x13: {  	s23 =	sadd.s32 $0x340, s7;
	s17 =	sadd.s32 s5, s16;
	[dreg:$0x13] =	wrdreg s10  }
0x14: {  	s21 =	sadd.s32 $0x4E0, s11;
	s18 =	sadd.s32 s13, s16;
	[dreg:$0x14] =	wrdreg s17  }
0x15: {  	s25 =	sshrl.u32 s23, $0x3;
	s22 =	sadd.s32 s5, s21;
	[dreg:$0x15] =	wrdreg s18  }
0x16: {  	s8 =	sadd.s32 s13, s21;
	s26 =	sadd.s32 s25, s13;
	[dreg:$0x19] =	wrdreg s22  }
0x17: {  	s28 =	sadd.s32 $0x2D8, s7;
	s1 =	sadd.s32 s25, s5;
	[dreg:$0x1a] =	wrdreg s8  }
0x18: {  	s14 =	sadd.s32 $0x208, s7;
	s8 =	simm.s32 $0x66E00;
	[dreg:$0x4] =	wrdreg s26  }
0x19: {  	s11 =	sshrl.u32 s28, $0x3;
	[dreg:$0x5] =	wrdreg s1;
	s16 =	sshrl.u32 s14, $0x3  }
0x1a: {  	s18 =	sadd.s32 $0x1A0, s7;
	s22 =	sadd.s32 $0x138, s7;
	s28 =	sadd.s32 $0x270, s7  }
0x1b: {  	s1 =	simm.s32 $0x6800;
	s14 =	simm.s32 $0x3;
	s7 =	simm.s32 $0x0  }
0x1c: {  	s12 =	sadd.s32 s11, s13;
	s15 =	sadd.s32 s11, s5;
	[dreg:$0x1d] =	wrdreg s28  }
0x1d: {  	s17 =	sadd.s32 s16, s13;
	s19 =	sadd.s32 s16, s5;
	[dreg:$0x6] =	wrdreg s12  }
0x1e: {  	s20 =	sshrl.u32 s18, $0x3;
	s24 =	sshrl.u32 s22, $0x3;
	[dreg:$0x7] =	wrdreg s15  }
0x1f: {  	s8 =	simm.s32 @!p0 $0x3FC00;
	s22 =	simm.s32 $0xD;
	[dreg:$0x8] =	wrdreg s17  }
0x20: {  	s16 =	simm.s32 $0x4;
	s18 =	simm.s32 $0x5;
	[dreg:$0x9] =	wrdreg s19  }
0x21: {  	s21 =	sadd.s32 s20, s13;
	s23 =	sadd.s32 s20, s5;
	s25 =	sadd.s32 s24, s13  }
0x22: {  	s0 =	sadd.s32 s8, s0;
	s26 =	sadd.s32 s24, s5;
	[dreg:$0xa] =	wrdreg s21  }
0x23: {  	s12 =	simm.s32 $0x1;
	s13 =	simm.s32 $0x2;
	[dreg:$0xb] =	wrdreg s23  }
0x24: {  	s17 =	simm.s32 $0xA;
	s19 =	simm.s32 $0xB;
	[dreg:$0x1c] =	wrdreg s0  }
0x25: {  	s15 =	simm.s32 $0x6;
	s20 =	simm.s32 $0xC;
	[dreg:$0xc] =	wrdreg s25  }
0x26: {  	[dreg:$0xd] =	wrdreg s26;
	s0 =	simm.s32 $0x9;
	s26 =	simm.s32 $0xA180  }
.LBB2_1:
0x27: {  	[dreg:$0x1e] =	wrdreg s7  }
0x28: {  	s5 =	rddreg [dreg:$0x10]  }
0x29: {  	s23 =	rddreg [dreg:$0x11]  }
0x2a: {  	s21 =	simm.s32 $0x9C00;
	s24 =	rddreg [dreg:$0x12]  }
0x2b: {  	[tilespmem:s21], [sflag:$0x7] =	stream.linear.gather [hbm4b:s5+s4], $0x68, $0x38;
	[tilespmem:$0x1DB80] =	vst v63  }
0x2c: {  	s7 =	simm.s32 $0x9F00;
	s25 =	rddreg [dreg:$0x13]  }
0x2d: {  	[tilespmem:s7], [sflag:$0x7] =	stream.linear.gather [hbm4b:s23+s4], $0x68, $0x38;
	[tilespmem:$0x1DB80] =	vst v63  }
0x2e: {  	s8 =	simm.s32 $0x9C80;
	s10 =	rddreg [dreg:$0x14]  }
0x2f: {  	[tilespmem:s8], [sflag:$0x8] =	stream.linear.gather [hbm4b:s24+s4], $0x68, $0x38;
	[tilespmem:$0x1DB80] =	vst v63  }
0x30: {  	s9 =	simm.s32 $0x9F80;
	s11 =	rddreg [dreg:$0x15]  }
0x31: {  	[tilespmem:s9], [sflag:$0x8] =	stream.linear.gather [hbm4b:s25+s4], $0x68, $0x38;
	[tilespmem:$0x1DB80] =	vst v63  }
0x32: {  	s21 =	simm.s32 $0x9D00;
	s23 =	rddreg [dreg:$0x16]  }
0x33: {  	[tilespmem:s21], [sflag:$0x9] =	stream.linear.gather [hbm4b:s10+s4], $0x68, $0x38;
	[tilespmem:$0x1DB80] =	vst v63  }
0x34: {  	s24 =	rddreg [dreg:$0x17];
	s10 =	sshrl.u32 s23, $0x3  }
0x35: {  	s25 =	simm.s32 $0xA000;
	[dreg:$0x1f] =	wrdreg s10  }
0x36: {  	[tilespmem:s25], [sflag:$0x9] =	stream.linear.gather [hbm4b:s11+s4], $0x68, $0x38;
	[tilespmem:$0x1DB80] =	vst v63  }
0x37: {  	[spmem:s10], [sflag:s6] =	dma.local [hbm:s24], $0x2780  }
0x38: {  	_ =	swait.ge [sflag:s22], $0x2780  }
0x39: {  	p0 =	por $0x1, $0x1;
	[sflag:s22] =	ssyncset.done $0x0  }
0x3a: {  	p0 =	por p0, p0;
	[sflag:s22] =	ssyncadd.s32 $0xFFFFD880  }
0x3b: {  	s22 =	simm.s32 @p0 $0x7;
	[bflag:$0x0] =	sbarrier.arrive $0xFFFF  }
0x3c: {  	_ =	swait.ge @p0 [sflag:s22], $0x68  }
0x3d: {  	[sflag:s22] =	ssyncset.done @p0 $0x0  }
0x3e: {  	[sflag:s22] =	ssyncadd.s32 @p0 $0xFFFFFF98  }
0x3f: {  	_ =	swait.ge @p0 [sflag:s22], $0x68  }
0x40: {  	s28 =	simm.s32 @p0 $0x9C00;
	s23 =	simm.s32 @p0 $0x0;
	[sflag:s22] =	ssyncset.done @p0 $0x0  }
0x41: {  	s24 =	simm.s32 @!p0 $0x4;
	[sflag:s22] =	ssyncadd.s32 @p0 $0xFFFFFF98;
	s22 =	simm.s32 @p0 $0x68  }
0x42: {  	[tilespmem:s23], [sflag:$0x1] =	stream.indirect.gather @p0 [hbm4b:s2+s22], $0x80, s28, s22, $0xb8;
	[tilespmem:$0x1DB80] =	vst v63  }
0x43: {  	_ =	swait.ge @!p0 [sflag:s24], $0x3400  }
0x44: {  	[sflag:s24] =	ssyncset.done @!p0 $0x0  }
0x45: {  	s22 =	simm.s32 @!p0 $0x7;
	[sflag:s24] =	ssyncadd.s32 @!p0 $0xFFFFCC00  }
0x46: {  	_ =	swait.ge @!p0 [sflag:s22], $0x68  }
0x47: {  	[sflag:s22] =	ssyncset.done @!p0 $0x0  }
0x48: {  	[sflag:s22] =	ssyncadd.s32 @!p0 $0xFFFFFF98  }
0x49: {  	_ =	swait.ge @!p0 [sflag:s22], $0x68  }
0x4a: {  	s23 =	simm.s32 @!p0 $0x0;
	s28 =	simm.s32 @!p0 $0x9C00;
	[sflag:s22] =	ssyncset.done @!p0 $0x0  }
0x4b: {  	s24 =	simm.s32 @!p0 $0x5;
	[sflag:s22] =	ssyncadd.s32 @!p0 $0xFFFFFF98;
	s22 =	simm.s32 @!p0 $0x68  }
0x4c: {  	[tilespmem:s23], [sflag:$0x1] =	stream.indirect.gather @!p0 [hbm4b:s2+s22], $0x80, s28, s22, $0xb8;
	[tilespmem:$0x1DB80] =	vst v63  }
0x4d: {  	_ =	swait.ge @!p0 [sflag:s24], $0x3400  }
0x4e: {  	[sflag:s24] =	ssyncset.done @!p0 $0x0  }
0x4f: {  	[sflag:s24] =	ssyncadd.s32 @!p0 $0xFFFFCC00  }
0x50: {  	_ =	swait.ge [sflag:s29], $0x68  }
0x51: {  	[sflag:s29] =	ssyncset.done $0x0  }
0x52: {  	[sflag:s29] =	ssyncadd.s32 $0xFFFFFF98  }
0x53: {  	_ =	swait.ge [sflag:s29], $0x68  }
0x54: {  	[sflag:s29] =	ssyncset.done $0x0  }
0x55: {  	s22 =	simm.s32 @!p0 $0x6;
	[sflag:s29] =	ssyncadd.s32 $0xFFFFFF98  }
0x56: {  	[tilespmem:s31], [sflag:$0x2] =	stream.indirect.gather [hbm4b:s2+s30], $0x80, s8, s30, $0xb8;
	[tilespmem:$0x1DB80] =	vst v63  }
0x57: {  	_ =	swait.ge @!p0 [sflag:s22], $0x3400  }
0x58: {  	[sflag:s22] =	ssyncset.done @!p0 $0x0  }
0x59: {  	[sflag:s22] =	ssyncadd.s32 @!p0 $0xFFFFCC00  }
0x5a: {  	_ =	swait.ge [sflag:s0], $0x68  }
0x5b: {  	[sflag:s0] =	ssyncset.done $0x0  }
0x5c: {  	[sflag:s0] =	ssyncadd.s32 $0xFFFFFF98  }
0x5d: {  	_ =	swait.ge [sflag:s0], $0x68  }
0x5e: {  	[sflag:s0] =	ssyncset.done $0x0  }
0x5f: {  	s10 =	rddreg [dreg:$0xd];
	[sflag:s0] =	ssyncadd.s32 $0xFFFFFF98  }
0x60: {  	[tilespmem:s1], [sflag:$0x3] =	stream.indirect.gather [hbm4b:s2+s30], $0x80, s21, s30, $0xb8;
	[tilespmem:$0x1DB80] =	vst v63  }
0x61: {  	s5 =	simm.s32 $0x9D80;
	s11 =	rddreg [dreg:$0xc];
	s22 =	sadd.s32 $0x0, s10  }
0x62: {  	[tilespmem:s5], [sflag:$0xA] =	stream.linear.gather [hbm4b:s22+s4], $0x68, $0x38;
	[tilespmem:$0x1DB80] =	vst v63  }
0x63: {  	s8 =	simm.s32 $0xA080;
	s6 =	sadd.s32 $0x0, s11;
	s21 =	rddreg [dreg:$0xb]  }
0x64: {  	[tilespmem:s8], [sflag:$0xA] =	stream.linear.gather [hbm4b:s6+s4], $0x68, $0x38;
	[tilespmem:$0x1DB80] =	vst v63  }
0x65: {  	s10 =	rddreg [dreg:$0xa];
	s11 =	sadd.s32 $0x0, s21;
	s6 =	simm.s32 $0x9E00  }
0x66: {  	[tilespmem:s6], [sflag:$0xB] =	stream.linear.gather [hbm4b:s11+s4], $0x68, $0x38;
	[tilespmem:$0x1DB80] =	vst v63  }
0x67: {  	s21 =	rddreg [dreg:$0x9];
	s11 =	sadd.s32 $0x0, s10;
	s10 =	simm.s32 $0xA100  }
0x68: {  	[tilespmem:s10], [sflag:$0xB] =	stream.linear.gather [hbm4b:s11+s4], $0x68, $0x38;
	[tilespmem:$0x1DB80] =	vst v63  }
0x69: {  	s23 =	rddreg [dreg:$0x8];
	s21 =	sadd.s32 $0x0, s21;
	s11 =	simm.s32 $0x9E80  }
0x6a: {  	[tilespmem:s11], [sflag:$0xC] =	stream.linear.gather [hbm4b:s21+s4], $0x68, $0x38;
	[tilespmem:$0x1DB80] =	vst v63  }
0x6b: {  	s24 =	sadd.s32 $0x0, s23  }
0x6c: {  	[tilespmem:s26], [sflag:$0xC] =	stream.linear.gather [hbm4b:s24+s4], $0x68, $0x38;
	[tilespmem:$0x1DB80] =	vst v63  }
0x6d: {  	_ =	swait.ge [sflag:s12], $0x3400  }
0x6e: {  	[sflag:s12] =	ssyncset.done $0x0  }
0x6f: {  	[sflag:s12] =	ssyncadd.s32 $0xFFFFCC00  }
0x70: {  	[spmem:s3] =	stream.indirect.scatter.add.f32 [tilespmem:s4], [sflag:$0x4], $0x80, s7, s30, $0xb8;
	[tilespmem:$0x1DB80] =	vst v63  }
0x71: {  	_ =	swait.ge [sflag:s13], $0x3400  }
0x72: {  	[sflag:s13] =	ssyncset.done $0x0  }
0x73: {  	[sflag:s13] =	ssyncadd.s32 $0xFFFFCC00  }
0x74: {  	[spmem:s3] =	stream.indirect.scatter.add.f32 [tilespmem:s31], [sflag:$0x5], $0x80, s9, s30, $0xb8;
	[tilespmem:$0x1DB80] =	vst v63  }
0x75: {  	_ =	swait.ge [sflag:s14], $0x3400  }
0x76: {  	[sflag:s14] =	ssyncset.done $0x0  }
0x77: {  	[sflag:s14] =	ssyncadd.s32 $0xFFFFCC00  }
0x78: {  	[spmem:s3] =	stream.indirect.scatter.add.f32 [tilespmem:s1], [sflag:$0x6], $0x80, s25, s30, $0xb8;
	[tilespmem:$0x1DB80] =	vst v63  }
0x79: {  	_ =	swait.ge [sflag:s16], $0x3400  }
0x7a: {  	[sflag:s16] =	ssyncset.done $0x0  }
0x7b: {  	[sflag:s16] =	ssyncadd.s32 $0xFFFFCC00  }
0x7c: {  	_ =	swait.ge [sflag:s17], $0x68  }
0x7d: {  	[sflag:s17] =	ssyncset.done $0x0  }
0x7e: {  	[sflag:s17] =	ssyncadd.s32 $0xFFFFFF98  }
0x7f: {  	_ =	swait.ge [sflag:s17], $0x68  }
0x80: {  	[sflag:s17] =	ssyncset.done $0x0  }
0x81: {  	[sflag:s17] =	ssyncadd.s32 $0xFFFFFF98  }
0x82: {  	[tilespmem:s4], [sflag:$0x1] =	stream.indirect.gather [hbm4b:s2+s30], $0x80, s5, s30, $0xb8;
	[tilespmem:$0x1DB80] =	vst v63  }
0x83: {  	_ =	swait.ge [sflag:s18], $0x3400  }
0x84: {  	[sflag:s18] =	ssyncset.done $0x0  }
0x85: {  	[sflag:s18] =	ssyncadd.s32 $0xFFFFCC00  }
0x86: {  	_ =	swait.ge [sflag:s19], $0x68  }
0x87: {  	[sflag:s19] =	ssyncset.done $0x0  }
0x88: {  	[sflag:s19] =	ssyncadd.s32 $0xFFFFFF98  }
0x89: {  	_ =	swait.ge [sflag:s19], $0x68  }
0x8a: {  	[sflag:s19] =	ssyncset.done $0x0  }
0x8b: {  	[sflag:s19] =	ssyncadd.s32 $0xFFFFFF98  }
0x8c: {  	[tilespmem:s31], [sflag:$0x2] =	stream.indirect.gather [hbm4b:s2+s30], $0x80, s6, s30, $0xb8;
	[tilespmem:$0x1DB80] =	vst v63  }
0x8d: {  	_ =	swait.ge [sflag:s15], $0x3400  }
0x8e: {  	[sflag:s15] =	ssyncset.done $0x0  }
0x8f: {  	[sflag:s15] =	ssyncadd.s32 $0xFFFFCC00  }
0x90: {  	_ =	swait.ge [sflag:s20], $0x68  }
0x91: {  	[sflag:s20] =	ssyncset.done $0x0  }
0x92: {  	[sflag:s20] =	ssyncadd.s32 $0xFFFFFF98  }
0x93: {  	p0 =	por $0x0, $0x0;
	_ =	swait.ge [sflag:s20], $0x68  }
0x94: {  	s28 =	simm.s32 @!p0 $0x0;
	[sflag:s20] =	ssyncset.done $0x0;
	s6 =	rddreg [dreg:$0x1d]  }
0x95: {  	s5 =	rddreg [dreg:$0xe];
	[sflag:s20] =	ssyncadd.s32 $0xFFFFFF98;
	s22 =	sshrl.u32 @!p0 s6, $0x3  }
0x96: {  	[tilespmem:s1], [sflag:$0x3] =	stream.indirect.gather [hbm4b:s2+s30], $0x80, s11, s30, $0xb8;
	[tilespmem:$0x1DB80] =	vst v63  }
0x97: {  	s23 =	simm.s32 @!p0 $0x9C00;
	s24 =	sadd.s32 @!p0 s5, s22;
	s5 =	rddreg [dreg:$0xf]  }
0x98: {  	[tilespmem:s23], [sflag:$0x7] =	stream.linear.gather @!p0 [hbm4b:s24+s28], $0x68, $0x38;
	[tilespmem:$0x1DB80] =	vst v63  }
0x99: {  	s22 =	sadd.s32 @!p0 s5, s22;
	s23 =	rddreg [dreg:$0x7];
	s24 =	simm.s32 @!p0 $0x9F00  }
0x9a: {  	[tilespmem:s24], [sflag:$0x7] =	stream.linear.gather @!p0 [hbm4b:s22+s28], $0x68, $0x38;
	[tilespmem:$0x1DB80] =	vst v63  }
0x9b: {  	s23 =	sadd.s32 @!p0 $0x0, s23;
	s22 =	rddreg [dreg:$0x6];
	s24 =	simm.s32 @!p0 $0x9C80  }
0x9c: {  	[tilespmem:s24], [sflag:$0x8] =	stream.linear.gather @!p0 [hbm4b:s23+s28], $0x68, $0x38;
	[tilespmem:$0x1DB80] =	vst v63  }
0x9d: {  	s22 =	sadd.s32 @!p0 $0x0, s22;
	s23 =	rddreg [dreg:$0x5];
	s24 =	simm.s32 @!p0 $0x9F80  }
0x9e: {  	[tilespmem:s24], [sflag:$0x8] =	stream.linear.gather @!p0 [hbm4b:s22+s28], $0x68, $0x38;
	[tilespmem:$0x1DB80] =	vst v63  }
0x9f: {  	s23 =	sadd.s32 @!p0 $0x0, s23;
	s22 =	rddreg [dreg:$0x4];
	s24 =	simm.s32 @!p0 $0x9D00  }
0xa0: {  	[tilespmem:s24], [sflag:$0x9] =	stream.linear.gather @!p0 [hbm4b:s23+s28], $0x68, $0x38;
	[tilespmem:$0x1DB80] =	vst v63  }
0xa1: {  	s22 =	sadd.s32 @!p0 $0x0, s22;
	s23 =	simm.s32 @!p0 $0xA000  }
0xa2: {  	[tilespmem:s23], [sflag:$0x9] =	stream.linear.gather @!p0 [hbm4b:s22+s28], $0x68, $0x38;
	[tilespmem:$0x1DB80] =	vst v63  }
0xa3: {  	_ =	swait.ge [sflag:s12], $0x3400  }
0xa4: {  	[sflag:s12] =	ssyncset.done $0x0  }
0xa5: {  	[sflag:s12] =	ssyncadd.s32 $0xFFFFCC00  }
0xa6: {  	[spmem:s3] =	stream.indirect.scatter.add.f32 [tilespmem:s4], [sflag:$0x4], $0x80, s8, s30, $0xb8;
	[tilespmem:$0x1DB80] =	vst v63  }
0xa7: {  	_ =	swait.ge [sflag:s13], $0x3400  }
0xa8: {  	[sflag:s13] =	ssyncset.done $0x0  }
0xa9: {  	p6 =	por $0x0, $0x0;
	[sflag:s13] =	ssyncadd.s32 $0xFFFFCC00  }
0xaa: {  	[spmem:s3] =	stream.indirect.scatter.add.f32 [tilespmem:s31], [sflag:$0x5], $0x80, s10, s30, $0xb8;
	[tilespmem:$0x1DB80] =	vst v63  }
0xab: {  	s28 =	simm.s32 $0x4E;
	s23 =	simm.s32 $0x9C;
	_ =	swait.ge [sflag:s14], $0x3400  }
0xac: {  	p0 =	por p6, p6;
	s22 =	sadd.s32 $0x270, s6;
	[sflag:s14] =	ssyncset.done $0x0  }
.LBB2_2:
0xad: {  	s25 =	simm.s32 @p0 $0x7;
	[sflag:s14] =	ssyncadd.s32 $0xFFFFCC00;
	s21 =	simm.s32 $0xA180  }
0xae: {  	[spmem:s3] =	stream.indirect.scatter.add.f32 [tilespmem:s1], [sflag:$0x6], $0x80, s21, s30, $0xb8;
	[tilespmem:$0x1DB80] =	vst v63  }
0xaf: {  	_ =	swait.ge @p0 [sflag:s25], $0x68  }
0xb0: {  	[sflag:s25] =	ssyncset.done @p0 $0x0  }
0xb1: {  	[sflag:s25] =	ssyncadd.s32 @p0 $0xFFFFFF98  }
0xb2: {  	_ =	swait.ge @p0 [sflag:s25], $0x68  }
0xb3: {  	s26 =	simm.s32 @p0 $0x0;
	s5 =	simm.s32 @!p0 $0x4;
	[sflag:s25] =	ssyncset.done @p0 $0x0  }
0xb4: {  	s6 =	simm.s32 @p0 $0x9C00;
	[sflag:s25] =	ssyncadd.s32 @p0 $0xFFFFFF98;
	s25 =	simm.s32 @p0 $0x68  }
0xb5: {  	[tilespmem:s26], [sflag:$0x1] =	stream.indirect.gather @p0 [hbm4b:s2+s25], $0x80, s6, s25, $0xb8;
	[tilespmem:$0x1DB80] =	vst v63  }
0xb6: {  	_ =	swait.ge @!p0 [sflag:s5], $0x3400  }
0xb7: {  	[sflag:s5] =	ssyncset.done @!p0 $0x0  }
0xb8: {  	[sflag:s5] =	ssyncadd.s32 @!p0 $0xFFFFCC00;
	s5 =	simm.s32 @!p0 $0x7  }
0xb9: {  	_ =	swait.ge @!p0 [sflag:s5], $0x68  }
0xba: {  	[sflag:s5] =	ssyncset.done @!p0 $0x0  }
0xbb: {  	[sflag:s5] =	ssyncadd.s32 @!p0 $0xFFFFFF98  }
0xbc: {  	_ =	swait.ge @!p0 [sflag:s5], $0x68  }
0xbd: {  	s6 =	simm.s32 @!p0 $0x0;
	s25 =	simm.s32 @!p0 $0x5;
	[sflag:s5] =	ssyncset.done @!p0 $0x0  }
0xbe: {  	s26 =	simm.s32 @!p0 $0x9C00;
	[sflag:s5] =	ssyncadd.s32 @!p0 $0xFFFFFF98;
	s5 =	simm.s32 @!p0 $0x68  }
0xbf: {  	[tilespmem:s6], [sflag:$0x1] =	stream.indirect.gather @!p0 [hbm4b:s2+s5], $0x80, s26, s5, $0xb8;
	[tilespmem:$0x1DB80] =	vst v63  }
0xc0: {  	_ =	swait.ge @!p0 [sflag:s25], $0x3400  }
0xc1: {  	[sflag:s25] =	ssyncset.done @!p0 $0x0  }
0xc2: {  	[sflag:s25] =	ssyncadd.s32 @!p0 $0xFFFFCC00  }
0xc3: {  	_ =	swait.ge [sflag:s29], $0x68  }
0xc4: {  	[sflag:s29] =	ssyncset.done $0x0  }
0xc5: {  	[sflag:s29] =	ssyncadd.s32 $0xFFFFFF98  }
0xc6: {  	_ =	swait.ge [sflag:s29], $0x68  }
0xc7: {  	[sflag:s29] =	ssyncset.done $0x0  }
0xc8: {  	s11 =	simm.s32 $0x9C80;
	s5 =	simm.s32 @!p0 $0x6;
	[sflag:s29] =	ssyncadd.s32 $0xFFFFFF98  }
0xc9: {  	[tilespmem:s31], [sflag:$0x2] =	stream.indirect.gather [hbm4b:s2+s30], $0x80, s11, s30, $0xb8;
	[tilespmem:$0x1DB80] =	vst v63  }
0xca: {  	_ =	swait.ge @!p0 [sflag:s5], $0x3400  }
0xcb: {  	[sflag:s5] =	ssyncset.done @!p0 $0x0  }
0xcc: {  	[sflag:s5] =	ssyncadd.s32 @!p0 $0xFFFFCC00  }
0xcd: {  	_ =	swait.ge [sflag:s0], $0x68  }
0xce: {  	[sflag:s0] =	ssyncset.done $0x0  }
0xcf: {  	[sflag:s0] =	ssyncadd.s32 $0xFFFFFF98  }
0xd0: {  	_ =	swait.ge [sflag:s0], $0x68  }
0xd1: {  	[sflag:s0] =	ssyncset.done $0x0  }
0xd2: {  	s7 =	simm.s32 $0x9D00;
	s25 =	rddreg [dreg:$0xd];
	[sflag:s0] =	ssyncadd.s32 $0xFFFFFF98  }
0xd3: {  	[tilespmem:s1], [sflag:$0x3] =	stream.indirect.gather [hbm4b:s2+s30], $0x80, s7, s30, $0xb8;
	[tilespmem:$0x1DB80] =	vst v63  }
0xd4: {  	s26 =	rddreg [dreg:$0xc];
	s5 =	sadd.s32 s28, s25;
	s7 =	simm.s32 $0x9D80  }
0xd5: {  	[tilespmem:s7], [sflag:$0xA] =	stream.linear.gather [hbm4b:s5+s4], $0x68, $0x38;
	[tilespmem:$0x1DB80] =	vst v63  }
0xd6: {  	s10 =	simm.s32 $0xA080;
	s8 =	rddreg [dreg:$0xb];
	s9 =	sadd.s32 s28, s26  }
0xd7: {  	[tilespmem:s10], [sflag:$0xA] =	stream.linear.gather [hbm4b:s9+s4], $0x68, $0x38;
	[tilespmem:$0x1DB80] =	vst v63  }
0xd8: {  	s11 =	rddreg [dreg:$0xa];
	s25 =	sadd.s32 s28, s8;
	s8 =	simm.s32 $0x9E00  }
0xd9: {  	[tilespmem:s8], [sflag:$0xB] =	stream.linear.gather [hbm4b:s25+s4], $0x68, $0x38;
	[tilespmem:$0x1DB80] =	vst v63  }
0xda: {  	s26 =	rddreg [dreg:$0x9];
	s9 =	sadd.s32 s28, s11;
	s11 =	simm.s32 $0xA100  }
0xdb: {  	[tilespmem:s11], [sflag:$0xB] =	stream.linear.gather [hbm4b:s9+s4], $0x68, $0x38;
	[tilespmem:$0x1DB80] =	vst v63  }
0xdc: {  	s6 =	rddreg [dreg:$0x8];
	s26 =	sadd.s32 s28, s26;
	s9 =	simm.s32 $0x9E80  }
0xdd: {  	[tilespmem:s9], [sflag:$0xC] =	stream.linear.gather [hbm4b:s26+s4], $0x68, $0x38;
	[tilespmem:$0x1DB80] =	vst v63  }
0xde: {  	s6 =	sadd.s32 s28, s6  }
0xdf: {  	[tilespmem:s21], [sflag:$0xC] =	stream.linear.gather [hbm4b:s6+s4], $0x68, $0x38;
	[tilespmem:$0x1DB80] =	vst v63  }
0xe0: {  	_ =	swait.ge [sflag:s12], $0x3400  }
0xe1: {  	[sflag:s12] =	ssyncset.done $0x0  }
0xe2: {  	s21 =	simm.s32 $0x9F00;
	[sflag:s12] =	ssyncadd.s32 $0xFFFFCC00  }
0xe3: {  	[spmem:s3] =	stream.indirect.scatter.add.f32 [tilespmem:s4], [sflag:$0x4], $0x80, s21, s30, $0xb8;
	[tilespmem:$0x1DB80] =	vst v63  }
0xe4: {  	_ =	swait.ge [sflag:s13], $0x3400  }
0xe5: {  	[sflag:s13] =	ssyncset.done $0x0  }
0xe6: {  	s25 =	simm.s32 $0x9F80;
	[sflag:s13] =	ssyncadd.s32 $0xFFFFCC00  }
0xe7: {  	[spmem:s3] =	stream.indirect.scatter.add.f32 [tilespmem:s31], [sflag:$0x5], $0x80, s25, s30, $0xb8;
	[tilespmem:$0x1DB80] =	vst v63  }
0xe8: {  	_ =	swait.ge [sflag:s14], $0x3400  }
0xe9: {  	[sflag:s14] =	ssyncset.done $0x0  }
0xea: {  	s26 =	simm.s32 $0xA000;
	[sflag:s14] =	ssyncadd.s32 $0xFFFFCC00  }
0xeb: {  	[spmem:s3] =	stream.indirect.scatter.add.f32 [tilespmem:s1], [sflag:$0x6], $0x80, s26, s30, $0xb8;
	[tilespmem:$0x1DB80] =	vst v63  }
0xec: {  	_ =	swait.ge [sflag:s16], $0x3400  }
0xed: {  	[sflag:s16] =	ssyncset.done $0x0  }
0xee: {  	[sflag:s16] =	ssyncadd.s32 $0xFFFFCC00  }
0xef: {  	_ =	swait.ge [sflag:s17], $0x68  }
0xf0: {  	[sflag:s17] =	ssyncset.done $0x0  }
0xf1: {  	[sflag:s17] =	ssyncadd.s32 $0xFFFFFF98  }
0xf2: {  	_ =	swait.ge [sflag:s17], $0x68  }
0xf3: {  	[sflag:s17] =	ssyncset.done $0x0  }
0xf4: {  	[sflag:s17] =	ssyncadd.s32 $0xFFFFFF98  }
0xf5: {  	[tilespmem:s4], [sflag:$0x1] =	stream.indirect.gather [hbm4b:s2+s30], $0x80, s7, s30, $0xb8;
	[tilespmem:$0x1DB80] =	vst v63  }
0xf6: {  	_ =	swait.ge [sflag:s18], $0x3400  }
0xf7: {  	[sflag:s18] =	ssyncset.done $0x0  }
0xf8: {  	[sflag:s18] =	ssyncadd.s32 $0xFFFFCC00  }
0xf9: {  	_ =	swait.ge [sflag:s19], $0x68  }
0xfa: {  	[sflag:s19] =	ssyncset.done $0x0  }
0xfb: {  	[sflag:s19] =	ssyncadd.s32 $0xFFFFFF98  }
0xfc: {  	_ =	swait.ge [sflag:s19], $0x68  }
0xfd: {  	[sflag:s19] =	ssyncset.done $0x0  }
0xfe: {  	[sflag:s19] =	ssyncadd.s32 $0xFFFFFF98  }
0xff: {  	[tilespmem:s31], [sflag:$0x2] =	stream.indirect.gather [hbm4b:s2+s30], $0x80, s8, s30, $0xb8;
	[tilespmem:$0x1DB80] =	vst v63  }
0x100: {  	_ =	swait.ge [sflag:s15], $0x3400  }
0x101: {  	[sflag:s15] =	ssyncset.done $0x0  }
0x102: {  	[sflag:s15] =	ssyncadd.s32 $0xFFFFCC00  }
0x103: {  	_ =	swait.ge [sflag:s20], $0x68  }
0x104: {  	[sflag:s20] =	ssyncset.done $0x0  }
0x105: {  	p2 =	seq.s32 s23, $0x0;
	[sflag:s20] =	ssyncadd.s32 $0xFFFFFF98  }
0x106: {  	p0 =	por p2, p2;
	p2 =	seq.s32 s28, $0x492;
	_ =	swait.ge [sflag:s20], $0x68  }
0x107: {  	s25 =	sshrl.u32 @!p2 s22, $0x3;
	[sflag:s20] =	ssyncset.done $0x0  }
0x108: {  	s26 =	simm.s32 @!p2 $0x9C00;
	s7 =	rddreg [dreg:$0xe];
	[sflag:s20] =	ssyncadd.s32 $0xFFFFFF98  }
0x109: {  	[tilespmem:s1], [sflag:$0x3] =	stream.indirect.gather [hbm4b:s2+s30], $0x80, s9, s30, $0xb8;
	[tilespmem:$0x1DB80] =	vst v63  }
0x10a: {  	s8 =	simm.s32 @!p2 $0x0;
	s7 =	sadd.s32 @!p2 s7, s25;
	s9 =	rddreg [dreg:$0xf]  }
0x10b: {  	[tilespmem:s26], [sflag:$0x7] =	stream.linear.gather @!p2 [hbm4b:s7+s8], $0x68, $0x38;
	[tilespmem:$0x1DB80] =	vst v63  }
0x10c: {  	s21 =	simm.s32 @!p2 $0x9F00;
	s6 =	rddreg [dreg:$0x7];
	s25 =	sadd.s32 @!p2 s9, s25  }
0x10d: {  	[tilespmem:s21], [sflag:$0x7] =	stream.linear.gather @!p2 [hbm4b:s25+s8], $0x68, $0x38;
	[tilespmem:$0x1DB80] =	vst v63  }
0x10e: {  	s5 =	rddreg [dreg:$0x6];
	s6 =	sadd.s32 @!p2 s28, s6;
	s7 =	simm.s32 @!p2 $0x9C80  }
0x10f: {  	[tilespmem:s7], [sflag:$0x8] =	stream.linear.gather @!p2 [hbm4b:s6+s8], $0x68, $0x38;
	[tilespmem:$0x1DB80] =	vst v63  }
0x110: {  	s5 =	sadd.s32 @!p2 s28, s5;
	s26 =	rddreg [dreg:$0x5];
	s21 =	simm.s32 @!p2 $0x9F80  }
0x111: {  	[tilespmem:s21], [sflag:$0x8] =	stream.linear.gather @!p2 [hbm4b:s5+s8], $0x68, $0x38;
	[tilespmem:$0x1DB80] =	vst v63  }
0x112: {  	s25 =	rddreg [dreg:$0x4];
	s6 =	sadd.s32 @!p2 s28, s26;
	s7 =	simm.s32 @!p2 $0x9D00  }
0x113: {  	[tilespmem:s7], [sflag:$0x9] =	stream.linear.gather @!p2 [hbm4b:s6+s8], $0x68, $0x38;
	[tilespmem:$0x1DB80] =	vst v63  }
0x114: {  	s5 =	sadd.s32 @!p2 s28, s25;
	s21 =	simm.s32 @!p2 $0xA000  }
0x115: {  	[tilespmem:s21], [sflag:$0x9] =	stream.linear.gather @!p2 [hbm4b:s5+s8], $0x68, $0x38;
	[tilespmem:$0x1DB80] =	vst v63  }
0x116: {  	_ =	swait.ge [sflag:s12], $0x3400  }
0x117: {  	[sflag:s12] =	ssyncset.done $0x0  }
0x118: {  	s24 =	smov.u32 s23;
	s23 =	sadd.s32 $0x4E, s23;
	[sflag:s12] =	ssyncadd.s32 $0xFFFFCC00  }
0x119: {  	[spmem:s3] =	stream.indirect.scatter.add.f32 [tilespmem:s4], [sflag:$0x4], $0x80, s10, s30, $0xb8;
	[tilespmem:$0x1DB80] =	vst v63  }
0x11a: {  	p1 =	sne.s32 s23, $0x4E0;
	_ =	swait.ge [sflag:s13], $0x3400  }
.Ltmp0:
0x11b: {  	[sflag:s13] =	ssyncset.done $0x0;
	(pc) =	sbr.rel @p1 .LBB2_2-.Ltmp0, $4  }
0x11c: {  	[sflag:s13] =	ssyncadd.s32 $0xFFFFCC00  }
0x11d: {  	[spmem:s3] =	stream.indirect.scatter.add.f32 [tilespmem:s31], [sflag:$0x5], $0x80, s11, s30, $0xb8;
	[tilespmem:$0x1DB80] =	vst v63  }
0x11e: {  	_ =	swait.ge [sflag:s14], $0x3400  }
0x11f: {  	s22 =	sadd.s32 $0x270, s22;
	s28 =	smov.u32 s24;
	[sflag:s14] =	ssyncset.done $0x0  }
0x120: {  	s5 =	simm.s32 @p0 $0x7;
	[sflag:s14] =	ssyncadd.s32 $0xFFFFCC00;
	s21 =	simm.s32 $0xA180  }
0x121: {  	[spmem:s3] =	stream.indirect.scatter.add.f32 [tilespmem:s1], [sflag:$0x6], $0x80, s21, s30, $0xb8;
	[tilespmem:$0x1DB80] =	vst v63  }
0x122: {  	_ =	swait.ge @p0 [sflag:s5], $0x68  }
0x123: {  	[sflag:s5] =	ssyncset.done @p0 $0x0  }
0x124: {  	[sflag:s5] =	ssyncadd.s32 @p0 $0xFFFFFF98  }
0x125: {  	_ =	swait.ge @p0 [sflag:s5], $0x68  }
0x126: {  	s6 =	simm.s32 @p0 $0x0;
	[sflag:s5] =	ssyncset.done @p0 $0x0  }
0x127: {  	s7 =	simm.s32 @p0 $0x9C00;
	[sflag:s5] =	ssyncadd.s32 @p0 $0xFFFFFF98;
	s5 =	simm.s32 @p0 $0x68  }
0x128: {  	[tilespmem:s6], [sflag:$0x1] =	stream.indirect.gather @p0 [hbm4b:s2+s5], $0x80, s7, s5, $0xb8;
	[tilespmem:$0x1DB80] =	vst v63  }
0x129: {  	s5 =	simm.s32 @!p0 $0x4  }
0x12a: {  	_ =	swait.ge @!p0 [sflag:s5], $0x3400  }
0x12b: {  	[sflag:s5] =	ssyncset.done @!p0 $0x0  }
0x12c: {  	[sflag:s5] =	ssyncadd.s32 @!p0 $0xFFFFCC00;
	s5 =	simm.s32 @!p0 $0x7  }
0x12d: {  	_ =	swait.ge @!p0 [sflag:s5], $0x68  }
0x12e: {  	[sflag:s5] =	ssyncset.done @!p0 $0x0  }
0x12f: {  	[sflag:s5] =	ssyncadd.s32 @!p0 $0xFFFFFF98  }
0x130: {  	_ =	swait.ge @!p0 [sflag:s5], $0x68  }
0x131: {  	s6 =	simm.s32 @!p0 $0x0;
	[sflag:s5] =	ssyncset.done @!p0 $0x0  }
0x132: {  	s7 =	simm.s32 @!p0 $0x9C00;
	[sflag:s5] =	ssyncadd.s32 @!p0 $0xFFFFFF98;
	s5 =	simm.s32 @!p0 $0x68  }
0x133: {  	[tilespmem:s6], [sflag:$0x1] =	stream.indirect.gather @!p0 [hbm4b:s2+s5], $0x80, s7, s5, $0xb8;
	[tilespmem:$0x1DB80] =	vst v63  }
0x134: {  	s5 =	simm.s32 @!p0 $0x5  }
0x135: {  	_ =	swait.ge @!p0 [sflag:s5], $0x3400  }
0x136: {  	[sflag:s5] =	ssyncset.done @!p0 $0x0  }
0x137: {  	[sflag:s5] =	ssyncadd.s32 @!p0 $0xFFFFCC00  }
0x138: {  	_ =	swait.ge [sflag:s29], $0x68  }
0x139: {  	[sflag:s29] =	ssyncset.done $0x0  }
0x13a: {  	[sflag:s29] =	ssyncadd.s32 $0xFFFFFF98  }
0x13b: {  	_ =	swait.ge [sflag:s29], $0x68  }
0x13c: {  	[sflag:s29] =	ssyncset.done $0x0  }
0x13d: {  	s11 =	simm.s32 $0x9C80;
	s5 =	simm.s32 @!p0 $0x6;
	[sflag:s29] =	ssyncadd.s32 $0xFFFFFF98  }
0x13e: {  	[tilespmem:s31], [sflag:$0x2] =	stream.indirect.gather [hbm4b:s2+s30], $0x80, s11, s30, $0xb8;
	[tilespmem:$0x1DB80] =	vst v63  }
0x13f: {  	_ =	swait.ge @!p0 [sflag:s5], $0x3400  }
0x140: {  	[sflag:s5] =	ssyncset.done @!p0 $0x0  }
0x141: {  	[sflag:s5] =	ssyncadd.s32 @!p0 $0xFFFFCC00  }
0x142: {  	_ =	swait.ge [sflag:s0], $0x68  }
0x143: {  	[sflag:s0] =	ssyncset.done $0x0  }
0x144: {  	[sflag:s0] =	ssyncadd.s32 $0xFFFFFF98  }
0x145: {  	_ =	swait.ge [sflag:s0], $0x68  }
0x146: {  	[sflag:s0] =	ssyncset.done $0x0  }
0x147: {  	s25 =	simm.s32 $0x9D00;
	s23 =	rddreg [dreg:$0xd];
	[sflag:s0] =	ssyncadd.s32 $0xFFFFFF98  }
0x148: {  	[tilespmem:s1], [sflag:$0x3] =	stream.indirect.gather [hbm4b:s2+s30], $0x80, s25, s30, $0xb8;
	[tilespmem:$0x1DB80] =	vst v63  }
0x149: {  	s8 =	simm.s32 $0x9D80;
	s24 =	rddreg [dreg:$0xc];
	s5 =	sadd.s32 s28, s23  }
0x14a: {  	[tilespmem:s8], [sflag:$0xA] =	stream.linear.gather [hbm4b:s5+s4], $0x68, $0x38;
	[tilespmem:$0x1DB80] =	vst v63  }
0x14b: {  	s10 =	simm.s32 $0xA080;
	s26 =	rddreg [dreg:$0xb];
	s9 =	sadd.s32 s28, s24  }
0x14c: {  	[tilespmem:s10], [sflag:$0xA] =	stream.linear.gather [hbm4b:s9+s4], $0x68, $0x38;
	[tilespmem:$0x1DB80] =	vst v63  }
0x14d: {  	s11 =	rddreg [dreg:$0xa];
	s23 =	sadd.s32 s28, s26;
	s9 =	simm.s32 $0x9E00  }
0x14e: {  	[tilespmem:s9], [sflag:$0xB] =	stream.linear.gather [hbm4b:s23+s4], $0x68, $0x38;
	[tilespmem:$0x1DB80] =	vst v63  }
0x14f: {  	s24 =	rddreg [dreg:$0x9];
	s25 =	sadd.s32 s28, s11;
	s11 =	simm.s32 $0xA100  }
0x150: {  	[tilespmem:s11], [sflag:$0xB] =	stream.linear.gather [hbm4b:s25+s4], $0x68, $0x38;
	[tilespmem:$0x1DB80] =	vst v63  }
0x151: {  	s26 =	rddreg [dreg:$0x8];
	s7 =	sadd.s32 s28, s24;
	s23 =	simm.s32 $0x9E80  }
0x152: {  	[tilespmem:s23], [sflag:$0xC] =	stream.linear.gather [hbm4b:s7+s4], $0x68, $0x38;
	[tilespmem:$0x1DB80] =	vst v63  }
0x153: {  	s24 =	sadd.s32 s28, s26  }
0x154: {  	[tilespmem:s21], [sflag:$0xC] =	stream.linear.gather [hbm4b:s24+s4], $0x68, $0x38;
	[tilespmem:$0x1DB80] =	vst v63  }
0x155: {  	_ =	swait.ge [sflag:s12], $0x3400  }
0x156: {  	[sflag:s12] =	ssyncset.done $0x0  }
0x157: {  	s25 =	simm.s32 $0x9F00;
	[sflag:s12] =	ssyncadd.s32 $0xFFFFCC00  }
0x158: {  	[spmem:s3] =	stream.indirect.scatter.add.f32 [tilespmem:s4], [sflag:$0x4], $0x80, s25, s30, $0xb8;
	[tilespmem:$0x1DB80] =	vst v63  }
0x159: {  	_ =	swait.ge [sflag:s13], $0x3400  }
0x15a: {  	[sflag:s13] =	ssyncset.done $0x0  }
0x15b: {  	s26 =	simm.s32 $0x9F80;
	[sflag:s13] =	ssyncadd.s32 $0xFFFFCC00  }
0x15c: {  	[spmem:s3] =	stream.indirect.scatter.add.f32 [tilespmem:s31], [sflag:$0x5], $0x80, s26, s30, $0xb8;
	[tilespmem:$0x1DB80] =	vst v63  }
0x15d: {  	_ =	swait.ge [sflag:s14], $0x3400  }
0x15e: {  	[sflag:s14] =	ssyncset.done $0x0  }
0x15f: {  	s6 =	simm.s32 $0xA000;
	[sflag:s14] =	ssyncadd.s32 $0xFFFFCC00  }
0x160: {  	[spmem:s3] =	stream.indirect.scatter.add.f32 [tilespmem:s1], [sflag:$0x6], $0x80, s6, s30, $0xb8;
	[tilespmem:$0x1DB80] =	vst v63  }
0x161: {  	_ =	swait.ge [sflag:s16], $0x3400  }
0x162: {  	[sflag:s16] =	ssyncset.done $0x0  }
0x163: {  	[sflag:s16] =	ssyncadd.s32 $0xFFFFCC00  }
0x164: {  	_ =	swait.ge [sflag:s17], $0x68  }
0x165: {  	[sflag:s17] =	ssyncset.done $0x0  }
0x166: {  	[sflag:s17] =	ssyncadd.s32 $0xFFFFFF98  }
0x167: {  	_ =	swait.ge [sflag:s17], $0x68  }
0x168: {  	[sflag:s17] =	ssyncset.done $0x0  }
0x169: {  	[sflag:s17] =	ssyncadd.s32 $0xFFFFFF98  }
0x16a: {  	[tilespmem:s4], [sflag:$0x1] =	stream.indirect.gather [hbm4b:s2+s30], $0x80, s8, s30, $0xb8;
	[tilespmem:$0x1DB80] =	vst v63  }
0x16b: {  	_ =	swait.ge [sflag:s18], $0x3400  }
0x16c: {  	[sflag:s18] =	ssyncset.done $0x0  }
0x16d: {  	[sflag:s18] =	ssyncadd.s32 $0xFFFFCC00  }
0x16e: {  	_ =	swait.ge [sflag:s19], $0x68  }
0x16f: {  	[sflag:s19] =	ssyncset.done $0x0  }
0x170: {  	[sflag:s19] =	ssyncadd.s32 $0xFFFFFF98  }
0x171: {  	_ =	swait.ge [sflag:s19], $0x68  }
0x172: {  	[sflag:s19] =	ssyncset.done $0x0  }
0x173: {  	[sflag:s19] =	ssyncadd.s32 $0xFFFFFF98  }
0x174: {  	[tilespmem:s31], [sflag:$0x2] =	stream.indirect.gather [hbm4b:s2+s30], $0x80, s9, s30, $0xb8;
	[tilespmem:$0x1DB80] =	vst v63  }
0x175: {  	_ =	swait.ge [sflag:s15], $0x3400  }
0x176: {  	[sflag:s15] =	ssyncset.done $0x0  }
0x177: {  	[sflag:s15] =	ssyncadd.s32 $0xFFFFCC00  }
0x178: {  	_ =	swait.ge [sflag:s20], $0x68  }
0x179: {  	[sflag:s20] =	ssyncset.done $0x0  }
0x17a: {  	[sflag:s20] =	ssyncadd.s32 $0xFFFFFF98  }
0x17b: {  	p0 =	seq.s32 s28, $0x492;
	_ =	swait.ge [sflag:s20], $0x68  }
0x17c: {  	s5 =	sshrl.u32 @!p0 s22, $0x3;
	[sflag:s20] =	ssyncset.done $0x0  }
0x17d: {  	s6 =	simm.s32 @!p0 $0x9C00;
	s7 =	rddreg [dreg:$0xe];
	[sflag:s20] =	ssyncadd.s32 $0xFFFFFF98  }
0x17e: {  	[tilespmem:s1], [sflag:$0x3] =	stream.indirect.gather [hbm4b:s2+s30], $0x80, s23, s30, $0xb8;
	[tilespmem:$0x1DB80] =	vst v63  }
0x17f: {  	s8 =	simm.s32 @!p0 $0x0;
	s9 =	rddreg [dreg:$0xf];
	s7 =	sadd.s32 @!p0 s7, s5  }
0x180: {  	[tilespmem:s6], [sflag:$0x7] =	stream.linear.gather @!p0 [hbm4b:s7+s8], $0x68, $0x38;
	[tilespmem:$0x1DB80] =	vst v63  }
0x181: {  	s5 =	sadd.s32 @!p0 s9, s5;
	s6 =	rddreg [dreg:$0x7];
	s7 =	simm.s32 @!p0 $0x9F00  }
0x182: {  	[tilespmem:s7], [sflag:$0x7] =	stream.linear.gather @!p0 [hbm4b:s5+s8], $0x68, $0x38;
	[tilespmem:$0x1DB80] =	vst v63  }
0x183: {  	s6 =	sadd.s32 @!p0 s28, s6;
	s5 =	rddreg [dreg:$0x6];
	s7 =	simm.s32 @!p0 $0x9C80  }
0x184: {  	[tilespmem:s7], [sflag:$0x8] =	stream.linear.gather @!p0 [hbm4b:s6+s8], $0x68, $0x38;
	[tilespmem:$0x1DB80] =	vst v63  }
0x185: {  	s5 =	sadd.s32 @!p0 s28, s5;
	s6 =	rddreg [dreg:$0x5];
	s7 =	simm.s32 @!p0 $0x9F80  }
0x186: {  	[tilespmem:s7], [sflag:$0x8] =	stream.linear.gather @!p0 [hbm4b:s5+s8], $0x68, $0x38;
	[tilespmem:$0x1DB80] =	vst v63  }
0x187: {  	s6 =	sadd.s32 @!p0 s28, s6;
	s5 =	rddreg [dreg:$0x4];
	s7 =	simm.s32 @!p0 $0x9D00  }
0x188: {  	[tilespmem:s7], [sflag:$0x9] =	stream.linear.gather @!p0 [hbm4b:s6+s8], $0x68, $0x38;
	[tilespmem:$0x1DB80] =	vst v63  }
0x189: {  	s5 =	sadd.s32 @!p0 s28, s5;
	s6 =	simm.s32 @!p0 $0xA000  }
0x18a: {  	[tilespmem:s6], [sflag:$0x9] =	stream.linear.gather @!p0 [hbm4b:s5+s8], $0x68, $0x38;
	[tilespmem:$0x1DB80] =	vst v63  }
0x18b: {  	_ =	swait.ge [sflag:s12], $0x3400  }
0x18c: {  	[sflag:s12] =	ssyncset.done $0x0  }
0x18d: {  	[sflag:s12] =	ssyncadd.s32 $0xFFFFCC00  }
0x18e: {  	[spmem:s3] =	stream.indirect.scatter.add.f32 [tilespmem:s4], [sflag:$0x4], $0x80, s10, s30, $0xb8;
	[tilespmem:$0x1DB80] =	vst v63  }
0x18f: {  	_ =	swait.ge [sflag:s13], $0x3400  }
0x190: {  	[sflag:s13] =	ssyncset.done $0x0  }
0x191: {  	[sflag:s13] =	ssyncadd.s32 $0xFFFFCC00  }
0x192: {  	[spmem:s3] =	stream.indirect.scatter.add.f32 [tilespmem:s31], [sflag:$0x5], $0x80, s11, s30, $0xb8;
	[tilespmem:$0x1DB80] =	vst v63  }
0x193: {  	_ =	swait.ge [sflag:s14], $0x3400  }
0x194: {  	[sflag:s14] =	ssyncset.done $0x0  }
0x195: {  	[sflag:s14] =	ssyncadd.s32 $0xFFFFCC00  }
0x196: {  	[spmem:s3] =	stream.indirect.scatter.add.f32 [tilespmem:s1], [sflag:$0x6], $0x80, s21, s30, $0xb8;
	[tilespmem:$0x1DB80] =	vst v63  }
0x197: {  	_ =	swait.ge [sflag:s16], $0x3400  }
0x198: {  	[sflag:s16] =	ssyncset.done $0x0  }
0x199: {  	[sflag:s16] =	ssyncadd.s32 $0xFFFFCC00  }
0x19a: {  	_ =	swait.ge [sflag:s18], $0x3400  }
0x19b: {  	[sflag:s18] =	ssyncset.done $0x0  }
0x19c: {  	[sflag:s18] =	ssyncadd.s32 $0xFFFFCC00  }
0x19d: {  	_ =	swait.ge [sflag:s15], $0x3400  }
0x19e: {  	s22 =	simm.s32 $0xD;
	[sflag:s15] =	ssyncset.done $0x0  }
0x19f: {  	s9 =	simm.s32 $0xA200;
	s8 =	rddreg [dreg:$0x19];
	[sflag:s15] =	ssyncadd.s32 $0xFFFFCC00  }
0x1a0: {  	[tilespmem:s9], [sflag:$0xD] =	stream.linear.gather [hbm4b:s8+s4], $0x10, $0x38;
	[tilespmem:$0x1DB80] =	vst v63  }
0x1a1: {  	_ =	swait.ge [sflag:s22], $0x10  }
0x1a2: {  	[sflag:s22] =	ssyncset.done $0x0  }
0x1a3: {  	s11 =	simm.s32 $0xA280;
	s10 =	rddreg [dreg:$0x1a];
	[sflag:s22] =	ssyncadd.s32 $0xFFFFFFF0  }
0x1a4: {  	[tilespmem:s11], [sflag:$0xD] =	stream.linear.gather [hbm4b:s10+s4], $0x10, $0x38;
	[tilespmem:$0x1DB80] =	vst v63  }
0x1a5: {  	_ =	swait.ge [sflag:s22], $0x10  }
0x1a6: {  	[sflag:s22] =	ssyncset.done $0x0  }
0x1a7: {  	s21 =	simm.s32 $0x10;
	[sflag:s22] =	ssyncadd.s32 $0xFFFFFFF0  }
0x1a8: {  	[tilespmem:s4], [sflag:$0x1] =	stream.indirect.gather [hbm4b:s2+s21], $0x80, s9, s21, $0xb8;
	[tilespmem:$0x1DB80] =	vst v63  }
0x1a9: {  	_ =	swait.ge [sflag:s12], $0x800  }
0x1aa: {  	[sflag:s12] =	ssyncset.done $0x0  }
0x1ab: {  	[sflag:s12] =	ssyncadd.s32 $0xFFFFF800  }
0x1ac: {  	[spmem:s3] =	stream.indirect.scatter.add.f32 [tilespmem:s4], [sflag:$0xD], $0x80, s11, s21, $0xb8;
	[tilespmem:$0x1DB80] =	vst v63  }
0x1ad: {  	_ =	swait.ge [sflag:s22], $0x800  }
0x1ae: {  	[sflag:s22] =	ssyncset.done $0x0  }
0x1af: {  	[sflag:s22] =	ssyncadd.s32 $0xFFFFF800  }
0x1b0: {  	[bflag:$0x0] =	sbarrier.arrive $0xFFFF  }
0x1b1: {  	s6 =	rddreg [dreg:$0x18]  }
0x1b2: {  	s23 =	rddreg [dreg:$0x1c]  }
0x1b3: {  	s24 =	rddreg [dreg:$0x1f]  }
0x1b4: {  	[hbm:s23], [sflag:s6] =	dma.local [spmem:s24], $0x2780  }
0x1b5: {  	_ =	swait.ge [sflag:s22], $0x2780  }
0x1b6: {  	s25 =	rddreg [dreg:$0x1e]  }
0x1b7: {  	s28 =	rddreg [dreg:$0x1b];
	s7 =	sadd.s32 $0x1, s25  }
0x1b8: {  	p0 =	sne.s32 s7, s28  }
.Ltmp1:
0x1b9: {  	_ = 	snop;
	(pc) =	sbr.rel @p0 .LBB2_1-.Ltmp1, $3  }
0x1ba: {  	_ =	sdelay $0x1  }
0x1bb: {  	[sflag:s22] =	ssyncset.done $0x0  }
0x1bc: {  	s26 =	simm.s32 $0xA180;
	[sflag:s22] =	ssyncadd.s32 $0xFFFFD880  }
0x1bd: {  	_ =	sfence.sel $0x180000  }
0x1be: {  	[bflag:$0x0] =	sbarrier.arrive $0xFFFF  }
0x1bf: {  	_ =	strace $0x90000047  }
0x1c0: {  	s0 =	stileid.u32;
	[bflag:$0x2] =	sbarrier.arrive $0xFFFF  }
0x1c1: {  	p0 =	sne.s32 s0, $0x0;
	s0 =	rddreg [dreg:$0x3]  }
0x1c2: {  	s0 =	sadd.s32 @!p0 $0x100000, s0  }
0x1c3: {  	[sflag:s0] =	ssyncadd.tile.s32 @!p0 $0x1;
	_ =	shalt  }
.Lfunc_end2:
_tile_overlayer_lowered:
.L_overlay_start_2:
0x1c4: {  	(tag) =	ssettag $0x2  }
0x1c5: {  	s0 =	rddreg [dreg:$0x0];
	s2 =	stileid.u32  }
0x1c6: {  	s1 =	rddreg [dreg:$0x1];
	p0 =	sne.s32 s2, $0x0  }
0x1c7: {  	s3 =	rddreg [dreg:$0x2];
	[bflag:$0x3] =	sbarrier.arrive $0xFFFF;
	s2 =	simm.s32 @!p0 $0x1C0D  }
0x1c8: {  	[timem:s3], [sflag:s2] =	dma.local @!p0 [hbm:s0], s1  }
0x1c9: {  	s0 =	simm.s32 @!p0 $0xD  }
0x1ca: {  	_ =	swait.ge @!p0 [sflag:s0], s1  }
0x1cb: {  	s1 =	ssub.s32 @!p0 $0x0, s1;
	[sflag:s0] =	ssyncset.done @!p0 $0x0  }
0x1cc: {  	[sflag:s0] =	ssyncadd.s32 @!p0 s1  }
0x1cd: {  	[bflag:$0x3] =	sbarrier.arrive $0xFFFF  }
0x1ce: {  	_ =	shalt  }

</sc_bundles>
